<compile_context>
chip_gen: v7x
topology: tpu7x:2x2x1
jax: 0.10.2.dev20260603
libtpu: 0.0.44.dev20260713+nightly
codegen_flags: <defaults>
</compile_context>

<pallas_src>
import functools

import jax
import jax.numpy as jnp
from jax import lax
from jax.experimental import pallas as pl
from jax.experimental.pallas import tpu as pltpu
from jax.experimental.pallas import tpu_sc as plsc

_ROWS = 1000000
_BATCH = 16384
_FIELDS = 26
_DIM = 64

_NC = 2
_NS = 16
_NW = _NC * _NS
_BPW = _BATCH // _NW
_CHUNK = 128
_CPF = _BPW // _CHUNK
_NCH = _FIELDS * _CPF
_NBUF = 4
_UNROLL = 4


def _embed_body(tbl_hbm, idx_hbm, out_hbm, idx_v, rows_v, gsem, osem):
    wid = lax.axis_index("s") * _NC + lax.axis_index("c")
    base = wid * _BPW

    pltpu.sync_copy(idx_hbm.at[:, pl.ds(base, _BPW)], idx_v)

    def issue_chunk(k, slot):
        f = k // _CPF
        jbase = lax.rem(k, _CPF) * _CHUNK

        def issue(j0):
            iv = idx_v[f, pl.ds(jbase + j0, 16)]
            for u in range(16):
                pltpu.make_async_copy(
                    tbl_hbm.at[iv[u]], rows_v.at[slot, j0 + u], gsem.at[slot]
                ).start()

        pl.loop(0, _CHUNK, step=16)(issue)

    def drain_chunk(slot):
        pltpu.make_async_copy(
            tbl_hbm.at[pl.ds(0, _CHUNK)], rows_v.at[slot], gsem.at[slot]
        ).wait()

    def out_copy(k, slot):
        f = k // _CPF
        c = lax.rem(k, _CPF)
        return pltpu.make_async_copy(
            rows_v.at[slot],
            out_hbm.at[pl.ds(base + c * _CHUNK, _CHUNK), f],
            osem.at[slot],
        )

    for b in range(_NBUF):
        issue_chunk(b, b)

    def outer(k0):
        for b in range(_NBUF):
            k = k0 + b
            drain_chunk(b)
            out_copy(k, b).start()

            @pl.when(k + _NBUF < _NCH)
            def _():
                out_copy(k, b).wait()
                issue_chunk(k + _NBUF, b)

            @pl.when(k + _NBUF >= _NCH)
            def _():
                out_copy(k, b).wait()

    pl.loop(0, _NCH, step=_NBUF)(outer)


@functools.partial(
    pl.kernel,
    mesh=plsc.VectorSubcoreMesh(core_axis_name="c", subcore_axis_name="s"),
    out_type=jax.ShapeDtypeStruct((_BATCH, _FIELDS, _DIM), jnp.float32),
    scratch_types=[
        pltpu.VMEM((_FIELDS, _BPW), jnp.int32),
        pltpu.VMEM((_NBUF, _CHUNK, _DIM), jnp.float32),
        pltpu.SemaphoreType.DMA((_NBUF,)),
        pltpu.SemaphoreType.DMA((_NBUF,)),
    ],
    compiler_params=pltpu.CompilerParams(use_tc_tiling_on_sc=True),
)
def _embed_call(tbl_hbm, idx_hbm, out_hbm, idx_v, rows_v, gsem, osem):
    _embed_body(tbl_hbm, idx_hbm, out_hbm, idx_v, rows_v, gsem, osem)


def kernel(input, weight):
    wt = jax.lax.optimization_barrier(weight.T)
    idx_t = input.astype(jnp.int32).T
    out = _embed_call(wt.T, idx_t)
    out_b = jax.lax.optimization_barrier(jnp.transpose(out, (1, 2, 0)))
    return jnp.transpose(out_b, (2, 0, 1))

# --- scband reference (transcript-rebuilt; emitter-appended) ---
"""Pipeline reference for scband-embedding-25924422598978 (READ-ONLY COPY).

The authoritative reference and input builder live on the scoring server;
editing this copy changes nothing except your own understanding.
"""

import jax, jax.numpy as jnp
import numpy as np

NUM_EMBEDDINGS = 1000000
EMBEDDING_DIM = 64
BATCH = 16384
FIELDS = 26

def setup_inputs(seed: int = 0) -> dict:
    key = jax.random.key(seed)
    k_idx, k_w = jax.random.split(key)
    input = jax.random.randint(k_idx, (BATCH, FIELDS), 0, NUM_EMBEDDINGS, dtype=jnp.int64 if jax.config.jax_enable_x64 else jnp.int32)
    weight = jax.random.normal(k_w, (NUM_EMBEDDINGS, EMBEDDING_DIM), dtype=jnp.float32)
    return {"input": input, "weight": weight}

def reference(input, weight):
    # gather rows of the embedding table: equivalent to torch's F.embedding / gather
    return jnp.take(weight, input, axis=0)

if __name__ == "__main__":
    import jax
    _d = setup_inputs()
    print(jax.jit(kernel)(*tuple(_d.values())))

</pallas_src>

<mosaic_0001>
#map = affine_map<(d0, d1) -> (0, 0)>
#map1 = affine_map<(d0, d1) -> (0, 0, 0)>
module attributes {stable_mosaic.version = 14 : i64} {
  func.func @_embed_call(%arg0: i32, %arg1: i32, %arg2: memref<1000000x64xf32, #tpu.memory_space<hbm>>, %arg3: memref<26x16384xi32, #tpu.memory_space<hbm>>, %arg4: memref<16384x26x64xf32, #tpu.memory_space<hbm>>, %arg5: memref<26x512xi32, #tpu.memory_space<vmem>>, %arg6: memref<4x128x64xf32, #tpu.memory_space<vmem>>, %arg7: memref<4x!tpu.dma_semaphore, #tpu.memory_space<semaphore_mem>>, %arg8: memref<4x!tpu.dma_semaphore, #tpu.memory_space<semaphore_mem>>) attributes {dimension_semantics = [#tpu.dimension_semantics<core_parallel>, #tpu.dimension_semantics<subcore_parallel>], iteration_bounds = array<i64: 2, 16>, scalar_prefetch = 0 : i64, scratch_operands = 4 : i64, tpu.core_type = #tpu.core_type<sc_vector_subcore>, window_params = [{transform_indices = #map}, {transform_indices = #map}, {transform_indices = #map1}]} {
    %mul3A = arith.constant 2 : i32
    %mul3A_0 = arith.muli %arg1, %mul3A : i32
    %add3A = arith.addi %mul3A_0, %arg0 : i32
    %mul3A_1 = arith.constant 512 : i32
    %mul3A_2 = arith.muli %add3A, %mul3A_1 : i32
    "tpu.region"() ({
      %run_scoped3A = tpu.sem_alloc : memref<!tpu.dma_semaphore, #tpu.memory_space<semaphore_mem>>
      %dma_start3A = arith.constant 0 : i32
      %dma_start3A_46 = tpu.memref_slice %arg3[%dma_start3A, %mul3A_2] : memref<26x16384xi32, #tpu.memory_space<hbm>> -> memref<26x512xi32, #tpu.memory_space<hbm>>
      %dma_start3A_47 = arith.constant 0 : i32
      %dma_start3A_48 = tpu.memref_slice %arg3[%dma_start3A_47, %mul3A_2] : memref<26x16384xi32, #tpu.memory_space<hbm>> -> memref<26x512xi32, #tpu.memory_space<hbm>>
      tpu.enqueue_dma source(%dma_start3A_48 : memref<26x512xi32, #tpu.memory_space<hbm>>) target(%arg5 : memref<26x512xi32, #tpu.memory_space<vmem>>) target_semaphore(%run_scoped3A : memref<!tpu.dma_semaphore, #tpu.memory_space<semaphore_mem>>)
      %dma_wait3A = arith.constant 0 : i32
      %dma_wait3A_49 = tpu.memref_slice %arg3[%dma_wait3A, %mul3A_2] : memref<26x16384xi32, #tpu.memory_space<hbm>> -> memref<26x512xi32, #tpu.memory_space<hbm>>
      %dma_wait3A_50 = arith.constant 0 : i32
      %dma_wait3A_51 = tpu.memref_slice %arg3[%dma_wait3A_50, %mul3A_2] : memref<26x16384xi32, #tpu.memory_space<hbm>> -> memref<26x512xi32, #tpu.memory_space<hbm>>
      tpu.wait_dma2 semaphore(%run_scoped3A : memref<!tpu.dma_semaphore, #tpu.memory_space<semaphore_mem>>) src(%dma_wait3A_51 : memref<26x512xi32, #tpu.memory_space<hbm>>) dst(%arg5 : memref<26x512xi32, #tpu.memory_space<vmem>>)
      tpu.yield
    }) : () -> ()
    %rem3A = arith.constant 0 : i32
    %rem3A_3 = arith.constant 4 : i32
    %rem3A_4 = arith.remsi %rem3A, %rem3A_3 : i32
    %mul3A_5 = arith.constant 128 : i32
    %mul3A_6 = arith.muli %rem3A_4, %mul3A_5 : i32
    %scan3A = arith.constant 0 : i32
    %scan3A_7 = arith.constant 8 : i32
    %scan3A_8 = arith.addi %scan3A, %scan3A_7 : i32
    %scan3A_9 = arith.constant 1 : i32
    scf.for %scan3A_46 = %scan3A to %scan3A_8 step %scan3A_9  : i32 {
      %mul3A_47 = arith.constant 16 : i32
      %mul3A_48 = arith.muli %scan3A_46, %mul3A_47 : i32
      %add3A_49 = arith.constant 0 : i32
      %add3A_50 = arith.addi %add3A_49, %mul3A_48 : i32
      %add3A_51 = arith.addi %mul3A_6, %add3A_50 : i32
      %get3A = arith.constant 0 : i32
      %get3A_52 = arith.index_cast %get3A : i32 to index
      %get3A_53 = arith.index_cast %add3A_51 : i32 to index
      %get3A_54 = tpu.vector_load %arg5[%get3A_52, %get3A_53] {strides = array<i32>} : memref<26x512xi32, #tpu.memory_space<vmem>>, vector<1x16xi32>,
      %get3A_55 = vector.shape_cast %get3A_54 : vector<1x16xi32> to vector<16xi32>
      %slice3A = vector.extract_strided_slice %get3A_55 {offsets = [0], sizes = [1], strides = [1]} : vector<16xi32> to vector<1xi32>
      %squeeze3A = vector.extract %slice3A[0] : i32 from vector<1xi32>
      %add3A_56 = arith.constant 0 : i32
      %add3A_57 = arith.addi %add3A_50, %add3A_56 : i32
      %dma_start3A = arith.constant 0 : i32
      %dma_start3A_58 = arith.constant 0 : i32
      %dma_start3A_59 = arith.constant 0 : i32
      %dma_start3A_60 = tpu.memref_slice %arg6[%dma_start3A, %add3A_57, %dma_start3A_59] : memref<4x128x64xf32, #tpu.memory_space<vmem>> -> memref<1x1x64xf32, #tpu.memory_space<vmem>>
      %dma_start3A_61 = tpu.memref_squeeze %dma_start3A_60 : memref<1x1x64xf32, #tpu.memory_space<vmem>> -> memref<64xf32, #tpu.memory_space<vmem>>
      %dma_start3A_62 = arith.constant 0 : i32
      %dma_start3A_63 = tpu.memref_slice %arg2[%squeeze3A, %dma_start3A_62] : memref<1000000x64xf32, #tpu.memory_space<hbm>> -> memref<1x64xf32, #tpu.memory_space<hbm>>
      %dma_start3A_64 = tpu.memref_squeeze %dma_start3A_63 : memref<1x64xf32, #tpu.memory_space<hbm>> -> memref<64xf32, #tpu.memory_space<hbm>>
      %dma_start3A_65 = tpu.memref_slice %arg7[%dma_start3A_58] : memref<4x!tpu.dma_semaphore, #tpu.memory_space<semaphore_mem>> -> memref<1x!tpu.dma_semaphore, #tpu.memory_space<semaphore_mem>>
      %dma_start3A_66 = tpu.memref_squeeze %dma_start3A_65 : memref<1x!tpu.dma_semaphore, #tpu.memory_space<semaphore_mem>> -> memref<!tpu.dma_semaphore, #tpu.memory_space<semaphore_mem>>
      %dma_start3A_67 = arith.constant 0 : i32
      %dma_start3A_68 = tpu.memref_slice %arg6[%dma_start3A, %add3A_57, %dma_start3A_67] : memref<4x128x64xf32, #tpu.memory_space<vmem>> -> memref<1x1x64xf32, #tpu.memory_space<vmem>>
      %dma_start3A_69 = tpu.memref_squeeze %dma_start3A_68 : memref<1x1x64xf32, #tpu.memory_space<vmem>> -> memref<64xf32, #tpu.memory_space<vmem>>
      %dma_start3A_70 = arith.constant 0 : i32
      %dma_start3A_71 = tpu.memref_slice %arg2[%squeeze3A, %dma_start3A_70] : memref<1000000x64xf32, #tpu.memory_space<hbm>> -> memref<1x64xf32, #tpu.memory_space<hbm>>
      %dma_start3A_72 = tpu.memref_squeeze %dma_start3A_71 : memref<1x64xf32, #tpu.memory_space<hbm>> -> memref<64xf32, #tpu.memory_space<hbm>>
      tpu.enqueue_dma source(%dma_start3A_72 : memref<64xf32, #tpu.memory_space<hbm>>) target(%dma_start3A_69 : memref<64xf32, #tpu.memory_space<vmem>>) target_semaphore(%dma_start3A_66 : memref<!tpu.dma_semaphore, #tpu.memory_space<semaphore_mem>>)
      %slice3A_73 = vector.extract_strided_slice %get3A_55 {offsets = [1], sizes = [1], strides = [1]} : vector<16xi32> to vector<1xi32>
      %squeeze3A_74 = vector.extract %slice3A_73[0] : i32 from vector<1xi32>
      %add3A_75 = arith.constant 1 : i32
      %add3A_76 = arith.addi %add3A_50, %add3A_75 : i32
      %dma_start3A_77 = arith.constant 0 : i32
      %dma_start3A_78 = arith.constant 0 : i32
      %dma_start3A_79 = arith.constant 0 : i32
      %dma_start3A_80 = tpu.memref_slice %arg6[%dma_start3A_77, %add3A_76, %dma_start3A_79] : memref<4x128x64xf32, #tpu.memory_space<vmem>> -> memref<1x1x64xf32, #tpu.memory_space<vmem>>
      %dma_start3A_81 = tpu.memref_squeeze %dma_start3A_80 : memref<1x1x64xf32, #tpu.memory_space<vmem>> -> memref<64xf32, #tpu.memory_space<vmem>>
      %dma_start3A_82 = arith.constant 0 : i32
      %dma_start3A_83 = tpu.memref_slice %arg2[%squeeze3A_74, %dma_start3A_82] : memref<1000000x64xf32, #tpu.memory_space<hbm>> -> memref<1x64xf32, #tpu.memory_space<hbm>>
      %dma_start3A_84 = tpu.memref_squeeze %dma_start3A_83 : memref<1x64xf32, #tpu.memory_space<hbm>> -> memref<64xf32, #tpu.memory_space<hbm>>
      %dma_start3A_85 = tpu.memref_slice %arg7[%dma_start3A_78] : memref<4x!tpu.dma_semaphore, #tpu.memory_space<semaphore_mem>> -> memref<1x!tpu.dma_semaphore, #tpu.memory_space<semaphore_mem>>
      %dma_start3A_86 = tpu.memref_squeeze %dma_start3A_85 : memref<1x!tpu.dma_semaphore, #tpu.memory_space<semaphore_mem>> -> memref<!tpu.dma_semaphore, #tpu.memory_space<semaphore_mem>>
      %dma_start3A_87 = arith.constant 0 : i32
      %dma_start3A_88 = tpu.memref_slice %arg6[%dma_start3A_77, %add3A_76, %dma_start3A_87] : memref<4x128x64xf32, #tpu.memory_space<vmem>> -> memref<1x1x64xf32, #tpu.memory_space<vmem>>
      %dma_start3A_89 = tpu.memref_squeeze %dma_start3A_88 : memref<1x1x64xf32, #tpu.memory_space<vmem>> -> memref<64xf32, #tpu.memory_space<vmem>>
      %dma_start3A_90 = arith.constant 0 : i32
      %dma_start3A_91 = tpu.memref_slice %arg2[%squeeze3A_74, %dma_start3A_90] : memref<1000000x64xf32, #tpu.memory_space<hbm>> -> memref<1x64xf32, #tpu.memory_space<hbm>>
      %dma_start3A_92 = tpu.memref_squeeze %dma_start3A_91 : memref<1x64xf32, #tpu.memory_space<hbm>> -> memref<64xf32, #tpu.memory_space<hbm>>
      tpu.enqueue_dma source(%dma_start3A_92 : memref<64xf32, #tpu.memory_space<hbm>>) target(%dma_start3A_89 : memref<64xf32, #tpu.memory_space<vmem>>) target_semaphore(%dma_start3A_86 : memref<!tpu.dma_semaphore, #tpu.memory_space<semaphore_mem>>)
      %slice3A_93 = vector.extract_strided_slice %get3A_55 {offsets = [2], sizes = [1], strides = [1]} : vector<16xi32> to vector<1xi32>
      %squeeze3A_94 = vector.extract %slice3A_93[0] : i32 from vector<1xi32>
      %add3A_95 = arith.constant 2 : i32
      %add3A_96 = arith.addi %add3A_50, %add3A_95 : i32
      %dma_start3A_97 = arith.constant 0 : i32
      %dma_start3A_98 = arith.constant 0 : i32
      %dma_start3A_99 = arith.constant 0 : i32
      %dma_start3A_100 = tpu.memref_slice %arg6[%dma_start3A_97, %add3A_96, %dma_start3A_99] : memref<4x128x64xf32, #tpu.memory_space<vmem>> -> memref<1x1x64xf32, #tpu.memory_space<vmem>>
      %dma_start3A_101 = tpu.memref_squeeze %dma_start3A_100 : memref<1x1x64xf32, #tpu.memory_space<vmem>> -> memref<64xf32, #tpu.memory_space<vmem>>
      %dma_start3A_102 = arith.constant 0 : i32
      %dma_start3A_103 = tpu.memref_slice %arg2[%squeeze3A_94, %dma_start3A_102] : memref<1000000x64xf32, #tpu.memory_space<hbm>> -> memref<1x64xf32, #tpu.memory_space<hbm>>
      %dma_start3A_104 = tpu.memref_squeeze %dma_start3A_103 : memref<1x64xf32, #tpu.memory_space<hbm>> -> memref<64xf32, #tpu.memory_space<hbm>>
      %dma_start3A_105 = tpu.memref_slice %arg7[%dma_start3A_98] : memref<4x!tpu.dma_semaphore, #tpu.memory_space<semaphore_mem>> -> memref<1x!tpu.dma_semaphore, #tpu.memory_space<semaphore_mem>>
      %dma_start3A_106 = tpu.memref_squeeze %dma_start3A_105 : memref<1x!tpu.dma_semaphore, #tpu.memory_space<semaphore_mem>> -> memref<!tpu.dma_semaphore, #tpu.memory_space<semaphore_mem>>
      %dma_start3A_107 = arith.constant 0 : i32
      %dma_start3A_108 = tpu.memref_slice %arg6[%dma_start3A_97, %add3A_96, %dma_start3A_107] : memref<4x128x64xf32, #tpu.memory_space<vmem>> -> memref<1x1x64xf32, #tpu.memory_space<vmem>>
      %dma_start3A_109 = tpu.memref_squeeze %dma_start3A_108 : memref<1x1x64xf32, #tpu.memory_space<vmem>> -> memref<64xf32, #tpu.memory_space<vmem>>
      %dma_start3A_110 = arith.constant 0 : i32
      %dma_start3A_111 = tpu.memref_slice %arg2[%squeeze3A_94, %dma_start3A_110] : memref<1000000x64xf32, #tpu.memory_space<hbm>> -> memref<1x64xf32, #tpu.memory_space<hbm>>
      %dma_start3A_112 = tpu.memref_squeeze %dma_start3A_111 : memref<1x64xf32, #tpu.memory_space<hbm>> -> memref<64xf32, #tpu.memory_space<hbm>>
      tpu.enqueue_dma source(%dma_start3A_112 : memref<64xf32, #tpu.memory_space<hbm>>) target(%dma_start3A_109 : memref<64xf32, #tpu.memory_space<vmem>>) target_semaphore(%dma_start3A_106 : memref<!tpu.dma_semaphore, #tpu.memory_space<semaphore_mem>>)
      %slice3A_113 = vector.extract_strided_slice %get3A_55 {offsets = [3], sizes = [1], strides = [1]} : vector<16xi32> to vector<1xi32>
      %squeeze3A_114 = vector.extract %slice3A_113[0] : i32 from vector<1xi32>
      %add3A_115 = arith.constant 3 : i32
      %add3A_116 = arith.addi %add3A_50, %add3A_115 : i32
      %dma_start3A_117 = arith.constant 0 : i32
      %dma_start3A_118 = arith.constant 0 : i32
      %dma_start3A_119 = arith.constant 0 : i32
      %dma_start3A_120 = tpu.memref_slice %arg6[%dma_start3A_117, %add3A_116, %dma_start3A_119] : memref<4x128x64xf32, #tpu.memory_space<vmem>> -> memref<1x1x64xf32, #tpu.memory_space<vmem>>
      %dma_start3A_121 = tpu.memref_squeeze %dma_start3A_120 : memref<1x1x64xf32, #tpu.memory_space<vmem>> -> memref<64xf32, #tpu.memory_space<vmem>>
      %dma_start3A_122 = arith.constant 0 : i32
      %dma_start3A_123 = tpu.memref_slice %arg2[%squeeze3A_114, %dma_start3A_122] : memref<1000000x64xf32, #tpu.memory_space<hbm>> -> memref<1x64xf32, #tpu.memory_space<hbm>>
      %dma_start3A_124 = tpu.memref_squeeze %dma_start3A_123 : memref<1x64xf32, #tpu.memory_space<hbm>> -> memref<64xf32, #tpu.memory_space<hbm>>
      %dma_start3A_125 = tpu.memref_slice %arg7[%dma_start3A_118] : memref<4x!tpu.dma_semaphore, #tpu.memory_space<semaphore_mem>> -> memref<1x!tpu.dma_semaphore, #tpu.memory_space<semaphore_mem>>
      %dma_start3A_126 = tpu.memref_squeeze %dma_start3A_125 : memref<1x!tpu.dma_semaphore, #tpu.memory_space<semaphore_mem>> -> memref<!tpu.dma_semaphore, #tpu.memory_space<semaphore_mem>>
      %dma_start3A_127 = arith.constant 0 : i32
      %dma_start3A_128 = tpu.memref_slice %arg6[%dma_start3A_117, %add3A_116, %dma_start3A_127] : memref<4x128x64xf32, #tpu.memory_space<vmem>> -> memref<1x1x64xf32, #tpu.memory_space<vmem>>
      %dma_start3A_129 = tpu.memref_squeeze %dma_start3A_128 : memref<1x1x64xf32, #tpu.memory_space<vmem>> -> memref<64xf32, #tpu.memory_space<vmem>>
      %dma_start3A_130 = arith.constant 0 : i32
      %dma_start3A_131 = tpu.memref_slice %arg2[%squeeze3A_114, %dma_start3A_130] : memref<1000000x64xf32, #tpu.memory_space<hbm>> -> memref<1x64xf32, #tpu.memory_space<hbm>>
      %dma_start3A_132 = tpu.memref_squeeze %dma_start3A_131 : memref<1x64xf32, #tpu.memory_space<hbm>> -> memref<64xf32, #tpu.memory_space<hbm>>
      tpu.enqueue_dma source(%dma_start3A_132 : memref<64xf32, #tpu.memory_space<hbm>>) target(%dma_start3A_129 : memref<64xf32, #tpu.memory_space<vmem>>) target_semaphore(%dma_start3A_126 : memref<!tpu.dma_semaphore, #tpu.memory_space<semaphore_mem>>)
      %slice3A_133 = vector.extract_strided_slice %get3A_55 {offsets = [4], sizes = [1], strides = [1]} : vector<16xi32> to vector<1xi32>
      %squeeze3A_134 = vector.extract %slice3A_133[0] : i32 from vector<1xi32>
      %add3A_135 = arith.constant 4 : i32
      %add3A_136 = arith.addi %add3A_50, %add3A_135 : i32
      %dma_start3A_137 = arith.constant 0 : i32
      %dma_start3A_138 = arith.constant 0 : i32
      %dma_start3A_139 = arith.constant 0 : i32
      %dma_start3A_140 = tpu.memref_slice %arg6[%dma_start3A_137, %add3A_136, %dma_start3A_139] : memref<4x128x64xf32, #tpu.memory_space<vmem>> -> memref<1x1x64xf32, #tpu.memory_space<vmem>>
      %dma_start3A_141 = tpu.memref_squeeze %dma_start3A_140 : memref<1x1x64xf32, #tpu.memory_space<vmem>> -> memref<64xf32, #tpu.memory_space<vmem>>
      %dma_start3A_142 = arith.constant 0 : i32
      %dma_start3A_143 = tpu.memref_slice %arg2[%squeeze3A_134, %dma_start3A_142] : memref<1000000x64xf32, #tpu.memory_space<hbm>> -> memref<1x64xf32, #tpu.memory_space<hbm>>
      %dma_start3A_144 = tpu.memref_squeeze %dma_start3A_143 : memref<1x64xf32, #tpu.memory_space<hbm>> -> memref<64xf32, #tpu.memory_space<hbm>>
      %dma_start3A_145 = tpu.memref_slice %arg7[%dma_start3A_138] : memref<4x!tpu.dma_semaphore, #tpu.memory_space<semaphore_mem>> -> memref<1x!tpu.dma_semaphore, #tpu.memory_space<semaphore_mem>>
      %dma_start3A_146 = tpu.memref_squeeze %dma_start3A_145 : memref<1x!tpu.dma_semaphore, #tpu.memory_space<semaphore_mem>> -> memref<!tpu.dma_semaphore, #tpu.memory_space<semaphore_mem>>
      %dma_start3A_147 = arith.constant 0 : i32
      %dma_start3A_148 = tpu.memref_slice %arg6[%dma_start3A_137, %add3A_136, %dma_start3A_147] : memref<4x128x64xf32, #tpu.memory_space<vmem>> -> memref<1x1x64xf32, #tpu.memory_space<vmem>>
      %dma_start3A_149 = tpu.memref_squeeze %dma_start3A_148 : memref<1x1x64xf32, #tpu.memory_space<vmem>> -> memref<64xf32, #tpu.memory_space<vmem>>
      %dma_start3A_150 = arith.constant 0 : i32
      %dma_start3A_151 = tpu.memref_slice %arg2[%squeeze3A_134, %dma_start3A_150] : memref<1000000x64xf32, #tpu.memory_space<hbm>> -> memref<1x64xf32, #tpu.memory_space<hbm>>
      %dma_start3A_152 = tpu.memref_squeeze %dma_start3A_151 : memref<1x64xf32, #tpu.memory_space<hbm>> -> memref<64xf32, #tpu.memory_space<hbm>>
      tpu.enqueue_dma source(%dma_start3A_152 : memref<64xf32, #tpu.memory_space<hbm>>) target(%dma_start3A_149 : memref<64xf32, #tpu.memory_space<vmem>>) target_semaphore(%dma_start3A_146 : memref<!tpu.dma_semaphore, #tpu.memory_space<semaphore_mem>>)
      %slice3A_153 = vector.extract_strided_slice %get3A_55 {offsets = [5], sizes = [1], strides = [1]} : vector<16xi32> to vector<1xi32>
      %squeeze3A_154 = vector.extract %slice3A_153[0] : i32 from vector<1xi32>
      %add3A_155 = arith.constant 5 : i32
      %add3A_156 = arith.addi %add3A_50, %add3A_155 : i32
      %dma_start3A_157 = arith.constant 0 : i32
      %dma_start3A_158 = arith.constant 0 : i32
      %dma_start3A_159 = arith.constant 0 : i32
      %dma_start3A_160 = tpu.memref_slice %arg6[%dma_start3A_157, %add3A_156, %dma_start3A_159] : memref<4x128x64xf32, #tpu.memory_space<vmem>> -> memref<1x1x64xf32, #tpu.memory_space<vmem>>
      %dma_start3A_161 = tpu.memref_squeeze %dma_start3A_160 : memref<1x1x64xf32, #tpu.memory_space<vmem>> -> memref<64xf32, #tpu.memory_space<vmem>>
      %dma_start3A_162 = arith.constant 0 : i32
      %dma_start3A_163 = tpu.memref_slice %arg2[%squeeze3A_154, %dma_start3A_162] : memref<1000000x64xf32, #tpu.memory_space<hbm>> -> memref<1x64xf32, #tpu.memory_space<hbm>>
      %dma_start3A_164 = tpu.memref_squeeze %dma_start3A_163 : memref<1x64xf32, #tpu.memory_space<hbm>> -> memref<64xf32, #tpu.memory_space<hbm>>
      %dma_start3A_165 = tpu.memref_slice %arg7[%dma_start3A_158] : memref<4x!tpu.dma_semaphore, #tpu.memory_space<semaphore_mem>> -> memref<1x!tpu.dma_semaphore, #tpu.memory_space<semaphore_mem>>
      %dma_start3A_166 = tpu.memref_squeeze %dma_start3A_165 : memref<1x!tpu.dma_semaphore, #tpu.memory_space<semaphore_mem>> -> memref<!tpu.dma_semaphore, #tpu.memory_space<semaphore_mem>>
      %dma_start3A_167 = arith.constant 0 : i32
      %dma_start3A_168 = tpu.memref_slice %arg6[%dma_start3A_157, %add3A_156, %dma_start3A_167] : memref<4x128x64xf32, #tpu.memory_space<vmem>> -> memref<1x1x64xf32, #tpu.memory_space<vmem>>
      %dma_start3A_169 = tpu.memref_squeeze %dma_start3A_168 : memref<1x1x64xf32, #tpu.memory_space<vmem>> -> memref<64xf32, #tpu.memory_space<vmem>>
      %dma_start3A_170 = arith.constant 0 : i32
      %dma_start3A_171 = tpu.memref_slice %arg2[%squeeze3A_154, %dma_start3A_170] : memref<1000000x64xf32, #tpu.memory_space<hbm>> -> memref<1x64xf32, #tpu.memory_space<hbm>>
      %dma_start3A_172 = tpu.memref_squeeze %dma_start3A_171 : memref<1x64xf32, #tpu.memory_space<hbm>> -> memref<64xf32, #tpu.memory_space<hbm>>
      tpu.enqueue_dma source(%dma_start3A_172 : memref<64xf32, #tpu.memory_space<hbm>>) target(%dma_start3A_169 : memref<64xf32, #tpu.memory_space<vmem>>) target_semaphore(%dma_start3A_166 : memref<!tpu.dma_semaphore, #tpu.memory_space<semaphore_mem>>)
      %slice3A_173 = vector.extract_strided_slice %get3A_55 {offsets = [6], sizes = [1], strides = [1]} : vector<16xi32> to vector<1xi32>
      %squeeze3A_174 = vector.extract %slice3A_173[0] : i32 from vector<1xi32>
      %add3A_175 = arith.constant 6 : i32
      %add3A_176 = arith.addi %add3A_50, %add3A_175 : i32
      %dma_start3A_177 = arith.constant 0 : i32
      %dma_start3A_178 = arith.constant 0 : i32
      %dma_start3A_179 = arith.constant 0 : i32
      %dma_start3A_180 = tpu.memref_slice %arg6[%dma_start3A_177, %add3A_176, %dma_start3A_179] : memref<4x128x64xf32, #tpu.memory_space<vmem>> -> memref<1x1x64xf32, #tpu.memory_space<vmem>>
      %dma_start3A_181 = tpu.memref_squeeze %dma_start3A_180 : memref<1x1x64xf32, #tpu.memory_space<vmem>> -> memref<64xf32, #tpu.memory_space<vmem>>
      %dma_start3A_182 = arith.constant 0 : i32
      %dma_start3A_183 = tpu.memref_slice %arg2[%squeeze3A_174, %dma_start3A_182] : memref<1000000x64xf32, #tpu.memory_space<hbm>> -> memref<1x64xf32, #tpu.memory_space<hbm>>
      %dma_start3A_184 = tpu.memref_squeeze %dma_start3A_183 : memref<1x64xf32, #tpu.memory_space<hbm>> -> memref<64xf32, #tpu.memory_space<hbm>>
      %dma_start3A_185 = tpu.memref_slice %arg7[%dma_start3A_178] : memref<4x!tpu.dma_semaphore, #tpu.memory_space<semaphore_mem>> -> memref<1x!tpu.dma_semaphore, #tpu.memory_space<semaphore_mem>>
      %dma_start3A_186 = tpu.memref_squeeze %dma_start3A_185 : memref<1x!tpu.dma_semaphore, #tpu.memory_space<semaphore_mem>> -> memref<!tpu.dma_semaphore, #tpu.memory_space<semaphore_mem>>
      %dma_start3A_187 = arith.constant 0 : i32
      %dma_start3A_188 = tpu.memref_slice %arg6[%dma_start3A_177, %add3A_176, %dma_start3A_187] : memref<4x128x64xf32, #tpu.memory_space<vmem>> -> memref<1x1x64xf32, #tpu.memory_space<vmem>>
      %dma_start3A_189 = tpu.memref_squeeze %dma_start3A_188 : memref<1x1x64xf32, #tpu.memory_space<vmem>> -> memref<64xf32, #tpu.memory_space<vmem>>
      %dma_start3A_190 = arith.constant 0 : i32
      %dma_start3A_191 = tpu.memref_slice %arg2[%squeeze3A_174, %dma_start3A_190] : memref<1000000x64xf32, #tpu.memory_space<hbm>> -> memref<1x64xf32, #tpu.memory_space<hbm>>
      %dma_start3A_192 = tpu.memref_squeeze %dma_start3A_191 : memref<1x64xf32, #tpu.memory_space<hbm>> -> memref<64xf32, #tpu.memory_space<hbm>>
      tpu.enqueue_dma source(%dma_start3A_192 : memref<64xf32, #tpu.memory_space<hbm>>) target(%dma_start3A_189 : memref<64xf32, #tpu.memory_space<vmem>>) target_semaphore(%dma_start3A_186 : memref<!tpu.dma_semaphore, #tpu.memory_space<semaphore_mem>>)
      %slice3A_193 = vector.extract_strided_slice %get3A_55 {offsets = [7], sizes = [1], strides = [1]} : vector<16xi32> to vector<1xi32>
      %squeeze3A_194 = vector.extract %slice3A_193[0] : i32 from vector<1xi32>
      %add3A_195 = arith.constant 7 : i32
      %add3A_196 = arith.addi %add3A_50, %add3A_195 : i32
      %dma_start3A_197 = arith.constant 0 : i32
      %dma_start3A_198 = arith.constant 0 : i32
      %dma_start3A_199 = arith.constant 0 : i32
      %dma_start3A_200 = tpu.memref_slice %arg6[%dma_start3A_197, %add3A_196, %dma_start3A_199] : memref<4x128x64xf32, #tpu.memory_space<vmem>> -> memref<1x1x64xf32, #tpu.memory_space<vmem>>
      %dma_start3A_201 = tpu.memref_squeeze %dma_start3A_200 : memref<1x1x64xf32, #tpu.memory_space<vmem>> -> memref<64xf32, #tpu.memory_space<vmem>>
      %dma_start3A_202 = arith.constant 0 : i32
      %dma_start3A_203 = tpu.memref_slice %arg2[%squeeze3A_194, %dma_start3A_202] : memref<1000000x64xf32, #tpu.memory_space<hbm>> -> memref<1x64xf32, #tpu.memory_space<hbm>>
      %dma_start3A_204 = tpu.memref_squeeze %dma_start3A_203 : memref<1x64xf32, #tpu.memory_space<hbm>> -> memref<64xf32, #tpu.memory_space<hbm>>
      %dma_start3A_205 = tpu.memref_slice %arg7[%dma_start3A_198] : memref<4x!tpu.dma_semaphore, #tpu.memory_space<semaphore_mem>> -> memref<1x!tpu.dma_semaphore, #tpu.memory_space<semaphore_mem>>
      %dma_start3A_206 = tpu.memref_squeeze %dma_start3A_205 : memref<1x!tpu.dma_semaphore, #tpu.memory_space<semaphore_mem>> -> memref<!tpu.dma_semaphore, #tpu.memory_space<semaphore_mem>>
      %dma_start3A_207 = arith.constant 0 : i32
      %dma_start3A_208 = tpu.memref_slice %arg6[%dma_start3A_197, %add3A_196, %dma_start3A_207] : memref<4x128x64xf32, #tpu.memory_space<vmem>> -> memref<1x1x64xf32, #tpu.memory_space<vmem>>
      %dma_start3A_209 = tpu.memref_squeeze %dma_start3A_208 : memref<1x1x64xf32, #tpu.memory_space<vmem>> -> memref<64xf32, #tpu.memory_space<vmem>>
      %dma_start3A_210 = arith.constant 0 : i32
      %dma_start3A_211 = tpu.memref_slice %arg2[%squeeze3A_194, %dma_start3A_210] : memref<1000000x64xf32, #tpu.memory_space<hbm>> -> memref<1x64xf32, #tpu.memory_space<hbm>>
      %dma_start3A_212 = tpu.memref_squeeze %dma_start3A_211 : memref<1x64xf32, #tpu.memory_space<hbm>> -> memref<64xf32, #tpu.memory_space<hbm>>
      tpu.enqueue_dma source(%dma_start3A_212 : memref<64xf32, #tpu.memory_space<hbm>>) target(%dma_start3A_209 : memref<64xf32, #tpu.memory_space<vmem>>) target_semaphore(%dma_start3A_206 : memref<!tpu.dma_semaphore, #tpu.memory_space<semaphore_mem>>)
      %slice3A_213 = vector.extract_strided_slice %get3A_55 {offsets = [8], sizes = [1], strides = [1]} : vector<16xi32> to vector<1xi32>
      %squeeze3A_214 = vector.extract %slice3A_213[0] : i32 from vector<1xi32>
      %add3A_215 = arith.constant 8 : i32
      %add3A_216 = arith.addi %add3A_50, %add3A_215 : i32
      %dma_start3A_217 = arith.constant 0 : i32
      %dma_start3A_218 = arith.constant 0 : i32
      %dma_start3A_219 = arith.constant 0 : i32
      %dma_start3A_220 = tpu.memref_slice %arg6[%dma_start3A_217, %add3A_216, %dma_start3A_219] : memref<4x128x64xf32, #tpu.memory_space<vmem>> -> memref<1x1x64xf32, #tpu.memory_space<vmem>>
      %dma_start3A_221 = tpu.memref_squeeze %dma_start3A_220 : memref<1x1x64xf32, #tpu.memory_space<vmem>> -> memref<64xf32, #tpu.memory_space<vmem>>
      %dma_start3A_222 = arith.constant 0 : i32
      %dma_start3A_223 = tpu.memref_slice %arg2[%squeeze3A_214, %dma_start3A_222] : memref<1000000x64xf32, #tpu.memory_space<hbm>> -> memref<1x64xf32, #tpu.memory_space<hbm>>
      %dma_start3A_224 = tpu.memref_squeeze %dma_start3A_223 : memref<1x64xf32, #tpu.memory_space<hbm>> -> memref<64xf32, #tpu.memory_space<hbm>>
      %dma_start3A_225 = tpu.memref_slice %arg7[%dma_start3A_218] : memref<4x!tpu.dma_semaphore, #tpu.memory_space<semaphore_mem>> -> memref<1x!tpu.dma_semaphore, #tpu.memory_space<semaphore_mem>>
      %dma_start3A_226 = tpu.memref_squeeze %dma_start3A_225 : memref<1x!tpu.dma_semaphore, #tpu.memory_space<semaphore_mem>> -> memref<!tpu.dma_semaphore, #tpu.memory_space<semaphore_mem>>
      %dma_start3A_227 = arith.constant 0 : i32
      %dma_start3A_228 = tpu.memref_slice %arg6[%dma_start3A_217, %add3A_216, %dma_start3A_227] : memref<4x128x64xf32, #tpu.memory_space<vmem>> -> memref<1x1x64xf32, #tpu.memory_space<vmem>>
      %dma_start3A_229 = tpu.memref_squeeze %dma_start3A_228 : memref<1x1x64xf32, #tpu.memory_space<vmem>> -> memref<64xf32, #tpu.memory_space<vmem>>
      %dma_start3A_230 = arith.constant 0 : i32
      %dma_start3A_231 = tpu.memref_slice %arg2[%squeeze3A_214, %dma_start3A_230] : memref<1000000x64xf32, #tpu.memory_space<hbm>> -> memref<1x64xf32, #tpu.memory_space<hbm>>
      %dma_start3A_232 = tpu.memref_squeeze %dma_start3A_231 : memref<1x64xf32, #tpu.memory_space<hbm>> -> memref<64xf32, #tpu.memory_space<hbm>>
      tpu.enqueue_dma source(%dma_start3A_232 : memref<64xf32, #tpu.memory_space<hbm>>) target(%dma_start3A_229 : memref<64xf32, #tpu.memory_space<vmem>>) target_semaphore(%dma_start3A_226 : memref<!tpu.dma_semaphore, #tpu.memory_space<semaphore_mem>>)
      %slice3A_233 = vector.extract_strided_slice %get3A_55 {offsets = [9], sizes = [1], strides = [1]} : vector<16xi32> to vector<1xi32>
      %squeeze3A_234 = vector.extract %slice3A_233[0] : i32 from vector<1xi32>
      %add3A_235 = arith.constant 9 : i32
      %add3A_236 = arith.addi %add3A_50, %add3A_235 : i32
      %dma_start3A_237 = arith.constant 0 : i32
      %dma_start3A_238 = arith.constant 0 : i32
      %dma_start3A_239 = arith.constant 0 : i32
      %dma_start3A_240 = tpu.memref_slice %arg6[%dma_start3A_237, %add3A_236, %dma_start3A_239] : memref<4x128x64xf32, #tpu.memory_space<vmem>> -> memref<1x1x64xf32, #tpu.memory_space<vmem>>
      %dma_start3A_241 = tpu.memref_squeeze %dma_start3A_240 : memref<1x1x64xf32, #tpu.memory_space<vmem>> -> memref<64xf32, #tpu.memory_space<vmem>>
      %dma_start3A_242 = arith.constant 0 : i32
      %dma_start3A_243 = tpu.memref_slice %arg2[%squeeze3A_234, %dma_start3A_242] : memref<1000000x64xf32, #tpu.memory_space<hbm>> -> memref<1x64xf32, #tpu.memory_space<hbm>>
      %dma_start3A_244 = tpu.memref_squeeze %dma_start3A_243 : memref<1x64xf32, #tpu.memory_space<hbm>> -> memref<64xf32, #tpu.memory_space<hbm>>
      %dma_start3A_245 = tpu.memref_slice %arg7[%dma_start3A_238] : memref<4x!tpu.dma_semaphore, #tpu.memory_space<semaphore_mem>> -> memref<1x!tpu.dma_semaphore, #tpu.memory_space<semaphore_mem>>
      %dma_start3A_246 = tpu.memref_squeeze %dma_start3A_245 : memref<1x!tpu.dma_semaphore, #tpu.memory_space<semaphore_mem>> -> memref<!tpu.dma_semaphore, #tpu.memory_space<semaphore_mem>>
      %dma_start3A_247 = arith.constant 0 : i32
      %dma_start3A_248 = tpu.memref_slice %arg6[%dma_start3A_237, %add3A_236, %dma_start3A_247] : memref<4x128x64xf32, #tpu.memory_space<vmem>> -> memref<1x1x64xf32, #tpu.memory_space<vmem>>
      %dma_start3A_249 = tpu.memref_squeeze %dma_start3A_248 : memref<1x1x64xf32, #tpu.memory_space<vmem>> -> memref<64xf32, #tpu.memory_space<vmem>>
      %dma_start3A_250 = arith.constant 0 : i32
      %dma_start3A_251 = tpu.memref_slice %arg2[%squeeze3A_234, %dma_start3A_250] : memref<1000000x64xf32, #tpu.memory_space<hbm>> -> memref<1x64xf32, #tpu.memory_space<hbm>>
      %dma_start3A_252 = tpu.memref_squeeze %dma_start3A_251 : memref<1x64xf32, #tpu.memory_space<hbm>> -> memref<64xf32, #tpu.memory_space<hbm>>
      tpu.enqueue_dma source(%dma_start3A_252 : memref<64xf32, #tpu.memory_space<hbm>>) target(%dma_start3A_249 : memref<64xf32, #tpu.memory_space<vmem>>) target_semaphore(%dma_start3A_246 : memref<!tpu.dma_semaphore, #tpu.memory_space<semaphore_mem>>)
      %slice3A_253 = vector.extract_strided_slice %get3A_55 {offsets = [10], sizes = [1], strides = [1]} : vector<16xi32> to vector<1xi32>
      %squeeze3A_254 = vector.extract %slice3A_253[0] : i32 from vector<1xi32>
      %add3A_255 = arith.constant 10 : i32
      %add3A_256 = arith.addi %add3A_50, %add3A_255 : i32
      %dma_start3A_257 = arith.constant 0 : i32
      %dma_start3A_258 = arith.constant 0 : i32
      %dma_start3A_259 = arith.constant 0 : i32
      %dma_start3A_260 = tpu.memref_slice %arg6[%dma_start3A_257, %add3A_256, %dma_start3A_259] : memref<4x128x64xf32, #tpu.memory_space<vmem>> -> memref<1x1x64xf32, #tpu.memory_space<vmem>>
      %dma_start3A_261 = tpu.memref_squeeze %dma_start3A_260 : memref<1x1x64xf32, #tpu.memory_space<vmem>> -> memref<64xf32, #tpu.memory_space<vmem>>
      %dma_start3A_262 = arith.constant 0 : i32
      %dma_start3A_263 = tpu.memref_slice %arg2[%squeeze3A_254, %dma_start3A_262] : memref<1000000x64xf32, #tpu.memory_space<hbm>> -> memref<1x64xf32, #tpu.memory_space<hbm>>
      %dma_start3A_264 = tpu.memref_squeeze %dma_start3A_263 : memref<1x64xf32, #tpu.memory_space<hbm>> -> memref<64xf32, #tpu.memory_space<hbm>>
      %dma_start3A_265 = tpu.memref_slice %arg7[%dma_start3A_258] : memref<4x!tpu.dma_semaphore, #tpu.memory_space<semaphore_mem>> -> memref<1x!tpu.dma_semaphore, #tpu.memory_space<semaphore_mem>>
      %dma_start3A_266 = tpu.memref_squeeze %dma_start3A_265 : memref<1x!tpu.dma_semaphore, #tpu.memory_space<semaphore_mem>> -> memref<!tpu.dma_semaphore, #tpu.memory_space<semaphore_mem>>
      %dma_start3A_267 = arith.constant 0 : i32
      %dma_start3A_268 = tpu.memref_slice %arg6[%dma_start3A_257, %add3A_256, %dma_start3A_267] : memref<4x128x64xf32, #tpu.memory_space<vmem>> -> memref<1x1x64xf32, #tpu.memory_space<vmem>>
      %dma_start3A_269 = tpu.memref_squeeze %dma_start3A_268 : memref<1x1x64xf32, #tpu.memory_space<vmem>> -> memref<64xf32, #tpu.memory_space<vmem>>
      %dma_start3A_270 = arith.constant 0 : i32
      %dma_start3A_271 = tpu.memref_slice %arg2[%squeeze3A_254, %dma_start3A_270] : memref<1000000x64xf32, #tpu.memory_space<hbm>> -> memref<1x64xf32, #tpu.memory_space<hbm>>
      %dma_start3A_272 = tpu.memref_squeeze %dma_start3A_271 : memref<1x64xf32, #tpu.memory_space<hbm>> -> memref<64xf32, #tpu.memory_space<hbm>>
      tpu.enqueue_dma source(%dma_start3A_272 : memref<64xf32, #tpu.memory_space<hbm>>) target(%dma_start3A_269 : memref<64xf32, #tpu.memory_space<vmem>>) target_semaphore(%dma_start3A_266 : memref<!tpu.dma_semaphore, #tpu.memory_space<semaphore_mem>>)
      %slice3A_273 = vector.extract_strided_slice %get3A_55 {offsets = [11], sizes = [1], strides = [1]} : vector<16xi32> to vector<1xi32>
      %squeeze3A_274 = vector.extract %slice3A_273[0] : i32 from vector<1xi32>
      %add3A_275 = arith.constant 11 : i32
      %add3A_276 = arith.addi %add3A_50, %add3A_275 : i32
      %dma_start3A_277 = arith.constant 0 : i32
      %dma_start3A_278 = arith.constant 0 : i32
      %dma_start3A_279 = arith.constant 0 : i32
      %dma_start3A_280 = tpu.memref_slice %arg6[%dma_start3A_277, %add3A_276, %dma_start3A_279] : memref<4x128x64xf32, #tpu.memory_space<vmem>> -> memref<1x1x64xf32, #tpu.memory_space<vmem>>
      %dma_start3A_281 = tpu.memref_squeeze %dma_start3A_280 : memref<1x1x64xf32, #tpu.memory_space<vmem>> -> memref<64xf32, #tpu.memory_space<vmem>>
      %dma_start3A_282 = arith.constant 0 : i32
      %dma_start3A_283 = tpu.memref_slice %arg2[%squeeze3A_274, %dma_start3A_282] : memref<1000000x64xf32, #tpu.memory_space<hbm>> -> memref<1x64xf32, #tpu.memory_space<hbm>>
      %dma_start3A_284 = tpu.memref_squeeze %dma_start3A_283 : memref<1x64xf32, #tpu.memory_space<hbm>> -> memref<64xf32, #tpu.memory_space<hbm>>
      %dma_start3A_285 = tpu.memref_slice %arg7[%dma_start3A_278] : memref<4x!tpu.dma_semaphore, #tpu.memory_space<semaphore_mem>> -> memref<1x!tpu.dma_semaphore, #tpu.memory_space<semaphore_mem>>
      %dma_start3A_286 = tpu.memref_squeeze %dma_start3A_285 : memref<1x!tpu.dma_semaphore, #tpu.memory_space<semaphore_mem>> -> memref<!tpu.dma_semaphore, #tpu.memory_space<semaphore_mem>>
      %dma_start3A_287 = arith.constant 0 : i32
      %dma_start3A_288 = tpu.memref_slice %arg6[%dma_start3A_277, %add3A_276, %dma_start3A_287] : memref<4x128x64xf32, #tpu.memory_space<vmem>> -> memref<1x1x64xf32, #tpu.memory_space<vmem>>
      %dma_start3A_289 = tpu.memref_squeeze %dma_start3A_288 : memref<1x1x64xf32, #tpu.memory_space<vmem>> -> memref<64xf32, #tpu.memory_space<vmem>>
      %dma_start3A_290 = arith.constant 0 : i32
      %dma_start3A_291 = tpu.memref_slice %arg2[%squeeze3A_274, %dma_start3A_290] : memref<1000000x64xf32, #tpu.memory_space<hbm>> -> memref<1x64xf32, #tpu.memory_space<hbm>>
      %dma_start3A_292 = tpu.memref_squeeze %dma_start3A_291 : memref<1x64xf32, #tpu.memory_space<hbm>> -> memref<64xf32, #tpu.memory_space<hbm>>
      tpu.enqueue_dma source(%dma_start3A_292 : memref<64xf32, #tpu.memory_space<hbm>>) target(%dma_start3A_289 : memref<64xf32, #tpu.memory_space<vmem>>) target_semaphore(%dma_start3A_286 : memref<!tpu.dma_semaphore, #tpu.memory_space<semaphore_mem>>)
      %slice3A_293 = vector.extract_strided_slice %get3A_55 {offsets = [12], sizes = [1], strides = [1]} : vector<16xi32> to vector<1xi32>
      %squeeze3A_294 = vector.extract %slice3A_293[0] : i32 from vector<1xi32>
      %add3A_295 = arith.constant 12 : i32
      %add3A_296 = arith.addi %add3A_50, %add3A_295 : i32
      %dma_start3A_297 = arith.constant 0 : i32
      %dma_start3A_298 = arith.constant 0 : i32
      %dma_start3A_299 = arith.constant 0 : i32
      %dma_start3A_300 = tpu.memref_slice %arg6[%dma_start3A_297, %add3A_296, %dma_start3A_299] : memref<4x128x64xf32, #tpu.memory_space<vmem>> -> memref<1x1x64xf32, #tpu.memory_space<vmem>>
      %dma_start3A_301 = tpu.memref_squeeze %dma_start3A_300 : memref<1x1x64xf32, #tpu.memory_space<vmem>> -> memref<64xf32, #tpu.memory_space<vmem>>
      %dma_start3A_302 = arith.constant 0 : i32
      %dma_start3A_303 = tpu.memref_slice %arg2[%squeeze3A_294, %dma_start3A_302] : memref<1000000x64xf32, #tpu.memory_space<hbm>> -> memref<1x64xf32, #tpu.memory_space<hbm>>
      %dma_start3A_304 = tpu.memref_squeeze %dma_start3A_303 : memref<1x64xf32, #tpu.memory_space<hbm>> -> memref<64xf32, #tpu.memory_space<hbm>>
      %dma_start3A_305 = tpu.memref_slice %arg7[%dma_start3A_298] : memref<4x!tpu.dma_semaphore, #tpu.memory_space<semaphore_mem>> -> memref<1x!tpu.dma_semaphore, #tpu.memory_space<semaphore_mem>>
      %dma_start3A_306 = tpu.memref_squeeze %dma_start3A_305 : memref<1x!tpu.dma_semaphore, #tpu.memory_space<semaphore_mem>> -> memref<!tpu.dma_semaphore, #tpu.memory_space<semaphore_mem>>
      %dma_start3A_307 = arith.constant 0 : i32
      %dma_start3A_308 = tpu.memref_slice %arg6[%dma_start3A_297, %add3A_296, %dma_start3A_307] : memref<4x128x64xf32, #tpu.memory_space<vmem>> -> memref<1x1x64xf32, #tpu.memory_space<vmem>>
      %dma_start3A_309 = tpu.memref_squeeze %dma_start3A_308 : memref<1x1x64xf32, #tpu.memory_space<vmem>> -> memref<64xf32, #tpu.memory_space<vmem>>
      %dma_start3A_310 = arith.constant 0 : i32
      %dma_start3A_311 = tpu.memref_slice %arg2[%squeeze3A_294, %dma_start3A_310] : memref<1000000x64xf32, #tpu.memory_space<hbm>> -> memref<1x64xf32, #tpu.memory_space<hbm>>
      %dma_start3A_312 = tpu.memref_squeeze %dma_start3A_311 : memref<1x64xf32, #tpu.memory_space<hbm>> -> memref<64xf32, #tpu.memory_space<hbm>>
      tpu.enqueue_dma source(%dma_start3A_312 : memref<64xf32, #tpu.memory_space<hbm>>) target(%dma_start3A_309 : memref<64xf32, #tpu.memory_space<vmem>>) target_semaphore(%dma_start3A_306 : memref<!tpu.dma_semaphore, #tpu.memory_space<semaphore_mem>>)
      %slice3A_313 = vector.extract_strided_slice %get3A_55 {offsets = [13], sizes = [1], strides = [1]} : vector<16xi32> to vector<1xi32>
      %squeeze3A_314 = vector.extract %slice3A_313[0] : i32 from vector<1xi32>
      %add3A_315 = arith.constant 13 : i32
      %add3A_316 = arith.addi %add3A_50, %add3A_315 : i32
      %dma_start3A_317 = arith.constant 0 : i32
      %dma_start3A_318 = arith.constant 0 : i32
      %dma_start3A_319 = arith.constant 0 : i32
      %dma_start3A_320 = tpu.memref_slice %arg6[%dma_start3A_317, %add3A_316, %dma_start3A_319] : memref<4x128x64xf32, #tpu.memory_space<vmem>> -> memref<1x1x64xf32, #tpu.memory_space<vmem>>
      %dma_start3A_321 = tpu.memref_squeeze %dma_start3A_320 : memref<1x1x64xf32, #tpu.memory_space<vmem>> -> memref<64xf32, #tpu.memory_space<vmem>>
      %dma_start3A_322 = arith.constant 0 : i32
      %dma_start3A_323 = tpu.memref_slice %arg2[%squeeze3A_314, %dma_start3A_322] : memref<1000000x64xf32, #tpu.memory_space<hbm>> -> memref<1x64xf32, #tpu.memory_space<hbm>>
      %dma_start3A_324 = tpu.memref_squeeze %dma_start3A_323 : memref<1x64xf32, #tpu.memory_space<hbm>> -> memref<64xf32, #tpu.memory_space<hbm>>
      %dma_start3A_325 = tpu.memref_slice %arg7[%dma_start3A_318] : memref<4x!tpu.dma_semaphore, #tpu.memory_space<semaphore_mem>> -> memref<1x!tpu.dma_semaphore, #tpu.memory_space<semaphore_mem>>
      %dma_start3A_326 = tpu.memref_squeeze %dma_start3A_325 : memref<1x!tpu.dma_semaphore, #tpu.memory_space<semaphore_mem>> -> memref<!tpu.dma_semaphore, #tpu.memory_space<semaphore_mem>>
      %dma_start3A_327 = arith.constant 0 : i32
      %dma_start3A_328 = tpu.memref_slice %arg6[%dma_start3A_317, %add3A_316, %dma_start3A_327] : memref<4x128x64xf32, #tpu.memory_space<vmem>> -> memref<1x1x64xf32, #tpu.memory_space<vmem>>
      %dma_start3A_329 = tpu.memref_squeeze %dma_start3A_328 : memref<1x1x64xf32, #tpu.memory_space<vmem>> -> memref<64xf32, #tpu.memory_space<vmem>>
      %dma_start3A_330 = arith.constant 0 : i32
      %dma_start3A_331 = tpu.memref_slice %arg2[%squeeze3A_314, %dma_start3A_330] : memref<1000000x64xf32, #tpu.memory_space<hbm>> -> memref<1x64xf32, #tpu.memory_space<hbm>>
      %dma_start3A_332 = tpu.memref_squeeze %dma_start3A_331 : memref<1x64xf32, #tpu.memory_space<hbm>> -> memref<64xf32, #tpu.memory_space<hbm>>
      tpu.enqueue_dma source(%dma_start3A_332 : memref<64xf32, #tpu.memory_space<hbm>>) target(%dma_start3A_329 : memref<64xf32, #tpu.memory_space<vmem>>) target_semaphore(%dma_start3A_326 : memref<!tpu.dma_semaphore, #tpu.memory_space<semaphore_mem>>)
      %slice3A_333 = vector.extract_strided_slice %get3A_55 {offsets = [14], sizes = [1], strides = [1]} : vector<16xi32> to vector<1xi32>
      %squeeze3A_334 = vector.extract %slice3A_333[0] : i32 from vector<1xi32>
      %add3A_335 = arith.constant 14 : i32
      %add3A_336 = arith.addi %add3A_50, %add3A_335 : i32
      %dma_start3A_337 = arith.constant 0 : i32
      %dma_start3A_338 = arith.constant 0 : i32
      %dma_start3A_339 = arith.constant 0 : i32
      %dma_start3A_340 = tpu.memref_slice %arg6[%dma_start3A_337, %add3A_336, %dma_start3A_339] : memref<4x128x64xf32, #tpu.memory_space<vmem>> -> memref<1x1x64xf32, #tpu.memory_space<vmem>>
      %dma_start3A_341 = tpu.memref_squeeze %dma_start3A_340 : memref<1x1x64xf32, #tpu.memory_space<vmem>> -> memref<64xf32, #tpu.memory_space<vmem>>
      %dma_start3A_342 = arith.constant 0 : i32
      %dma_start3A_343 = tpu.memref_slice %arg2[%squeeze3A_334, %dma_start3A_342] : memref<1000000x64xf32, #tpu.memory_space<hbm>> -> memref<1x64xf32, #tpu.memory_space<hbm>>
      %dma_start3A_344 = tpu.memref_squeeze %dma_start3A_343 : memref<1x64xf32, #tpu.memory_space<hbm>> -> memref<64xf32, #tpu.memory_space<hbm>>
      %dma_start3A_345 = tpu.memref_slice %arg7[%dma_start3A_338] : memref<4x!tpu.dma_semaphore, #tpu.memory_space<semaphore_mem>> -> memref<1x!tpu.dma_semaphore, #tpu.memory_space<semaphore_mem>>
      %dma_start3A_346 = tpu.memref_squeeze %dma_start3A_345 : memref<1x!tpu.dma_semaphore, #tpu.memory_space<semaphore_mem>> -> memref<!tpu.dma_semaphore, #tpu.memory_space<semaphore_mem>>
      %dma_start3A_347 = arith.constant 0 : i32
      %dma_start3A_348 = tpu.memref_slice %arg6[%dma_start3A_337, %add3A_336, %dma_start3A_347] : memref<4x128x64xf32, #tpu.memory_space<vmem>> -> memref<1x1x64xf32, #tpu.memory_space<vmem>>
      %dma_start3A_349 = tpu.memref_squeeze %dma_start3A_348 : memref<1x1x64xf32, #tpu.memory_space<vmem>> -> memref<64xf32, #tpu.memory_space<vmem>>
      %dma_start3A_350 = arith.constant 0 : i32
      %dma_start3A_351 = tpu.memref_slice %arg2[%squeeze3A_334, %dma_start3A_350] : memref<1000000x64xf32, #tpu.memory_space<hbm>> -> memref<1x64xf32, #tpu.memory_space<hbm>>
      %dma_start3A_352 = tpu.memref_squeeze %dma_start3A_351 : memref<1x64xf32, #tpu.memory_space<hbm>> -> memref<64xf32, #tpu.memory_space<hbm>>
      tpu.enqueue_dma source(%dma_start3A_352 : memref<64xf32, #tpu.memory_space<hbm>>) target(%dma_start3A_349 : memref<64xf32, #tpu.memory_space<vmem>>) target_semaphore(%dma_start3A_346 : memref<!tpu.dma_semaphore, #tpu.memory_space<semaphore_mem>>)
      %slice3A_353 = vector.extract_strided_slice %get3A_55 {offsets = [15], sizes = [1], strides = [1]} : vector<16xi32> to vector<1xi32>
      %squeeze3A_354 = vector.extract %slice3A_353[0] : i32 from vector<1xi32>
      %add3A_355 = arith.constant 15 : i32
      %add3A_356 = arith.addi %add3A_50, %add3A_355 : i32
      %dma_start3A_357 = arith.constant 0 : i32
      %dma_start3A_358 = arith.constant 0 : i32
      %dma_start3A_359 = arith.constant 0 : i32
      %dma_start3A_360 = tpu.memref_slice %arg6[%dma_start3A_357, %add3A_356, %dma_start3A_359] : memref<4x128x64xf32, #tpu.memory_space<vmem>> -> memref<1x1x64xf32, #tpu.memory_space<vmem>>
      %dma_start3A_361 = tpu.memref_squeeze %dma_start3A_360 : memref<1x1x64xf32, #tpu.memory_space<vmem>> -> memref<64xf32, #tpu.memory_space<vmem>>
      %dma_start3A_362 = arith.constant 0 : i32
      %dma_start3A_363 = tpu.memref_slice %arg2[%squeeze3A_354, %dma_start3A_362] : memref<1000000x64xf32, #tpu.memory_space<hbm>> -> memref<1x64xf32, #tpu.memory_space<hbm>>
      %dma_start3A_364 = tpu.memref_squeeze %dma_start3A_363 : memref<1x64xf32, #tpu.memory_space<hbm>> -> memref<64xf32, #tpu.memory_space<hbm>>
      %dma_start3A_365 = tpu.memref_slice %arg7[%dma_start3A_358] : memref<4x!tpu.dma_semaphore, #tpu.memory_space<semaphore_mem>> -> memref<1x!tpu.dma_semaphore, #tpu.memory_space<semaphore_mem>>
      %dma_start3A_366 = tpu.memref_squeeze %dma_start3A_365 : memref<1x!tpu.dma_semaphore, #tpu.memory_space<semaphore_mem>> -> memref<!tpu.dma_semaphore, #tpu.memory_space<semaphore_mem>>
      %dma_start3A_367 = arith.constant 0 : i32
      %dma_start3A_368 = tpu.memref_slice %arg6[%dma_start3A_357, %add3A_356, %dma_start3A_367] : memref<4x128x64xf32, #tpu.memory_space<vmem>> -> memref<1x1x64xf32, #tpu.memory_space<vmem>>
      %dma_start3A_369 = tpu.memref_squeeze %dma_start3A_368 : memref<1x1x64xf32, #tpu.memory_space<vmem>> -> memref<64xf32, #tpu.memory_space<vmem>>
      %dma_start3A_370 = arith.constant 0 : i32
      %dma_start3A_371 = tpu.memref_slice %arg2[%squeeze3A_354, %dma_start3A_370] : memref<1000000x64xf32, #tpu.memory_space<hbm>> -> memref<1x64xf32, #tpu.memory_space<hbm>>
      %dma_start3A_372 = tpu.memref_squeeze %dma_start3A_371 : memref<1x64xf32, #tpu.memory_space<hbm>> -> memref<64xf32, #tpu.memory_space<hbm>>
      tpu.enqueue_dma source(%dma_start3A_372 : memref<64xf32, #tpu.memory_space<hbm>>) target(%dma_start3A_369 : memref<64xf32, #tpu.memory_space<vmem>>) target_semaphore(%dma_start3A_366 : memref<!tpu.dma_semaphore, #tpu.memory_space<semaphore_mem>>)
    }
    %scan3A_10 = arith.constant 8 : i32
    %rem3A_11 = arith.constant 1 : i32
    %rem3A_12 = arith.constant 4 : i32
    %rem3A_13 = arith.remsi %rem3A_11, %rem3A_12 : i32
    %mul3A_14 = arith.constant 128 : i32
    %mul3A_15 = arith.muli %rem3A_13, %mul3A_14 : i32
    %scan3A_16 = arith.constant 0 : i32
    %scan3A_17 = arith.constant 8 : i32
    %scan3A_18 = arith.addi %scan3A_16, %scan3A_17 : i32
    %scan3A_19 = arith.constant 1 : i32
    scf.for %scan3A_46 = %scan3A_16 to %scan3A_18 step %scan3A_19  : i32 {
      %mul3A_47 = arith.constant 16 : i32
      %mul3A_48 = arith.muli %scan3A_46, %mul3A_47 : i32
      %add3A_49 = arith.constant 0 : i32
      %add3A_50 = arith.addi %add3A_49, %mul3A_48 : i32
      %add3A_51 = arith.addi %mul3A_15, %add3A_50 : i32
      %get3A = arith.constant 0 : i32
      %get3A_52 = arith.index_cast %get3A : i32 to index
      %get3A_53 = arith.index_cast %add3A_51 : i32 to index
      %get3A_54 = tpu.vector_load %arg5[%get3A_52, %get3A_53] {strides = array<i32>} : memref<26x512xi32, #tpu.memory_space<vmem>>, vector<1x16xi32>,
      %get3A_55 = vector.shape_cast %get3A_54 : vector<1x16xi32> to vector<16xi32>
      %slice3A = vector.extract_strided_slice %get3A_55 {offsets = [0], sizes = [1], strides = [1]} : vector<16xi32> to vector<1xi32>
      %squeeze3A = vector.extract %slice3A[0] : i32 from vector<1xi32>
      %add3A_56 = arith.constant 0 : i32
      %add3A_57 = arith.addi %add3A_50, %add3A_56 : i32
      %dma_start3A = arith.constant 1 : i32
      %dma_start3A_58 = arith.constant 1 : i32
      %dma_start3A_59 = arith.constant 0 : i32
      %dma_start3A_60 = tpu.memref_slice %arg6[%dma_start3A, %add3A_57, %dma_start3A_59] : memref<4x128x64xf32, #tpu.memory_space<vmem>> -> memref<1x1x64xf32, #tpu.memory_space<vmem>>
      %dma_start3A_61 = tpu.memref_squeeze %dma_start3A_60 : memref<1x1x64xf32, #tpu.memory_space<vmem>> -> memref<64xf32, #tpu.memory_space<vmem>>
      %dma_start3A_62 = arith.constant 0 : i32
      %dma_start3A_63 = tpu.memref_slice %arg2[%squeeze3A, %dma_start3A_62] : memref<1000000x64xf32, #tpu.memory_space<hbm>> -> memref<1x64xf32, #tpu.memory_space<hbm>>
      %dma_start3A_64 = tpu.memref_squeeze %dma_start3A_63 : memref<1x64xf32, #tpu.memory_space<hbm>> -> memref<64xf32, #tpu.memory_space<hbm>>
      %dma_start3A_65 = tpu.memref_slice %arg7[%dma_start3A_58] : memref<4x!tpu.dma_semaphore, #tpu.memory_space<semaphore_mem>> -> memref<1x!tpu.dma_semaphore, #tpu.memory_space<semaphore_mem>>
      %dma_start3A_66 = tpu.memref_squeeze %dma_start3A_65 : memref<1x!tpu.dma_semaphore, #tpu.memory_space<semaphore_mem>> -> memref<!tpu.dma_semaphore, #tpu.memory_space<semaphore_mem>>
      %dma_start3A_67 = arith.constant 0 : i32
      %dma_start3A_68 = tpu.memref_slice %arg6[%dma_start3A, %add3A_57, %dma_start3A_67] : memref<4x128x64xf32, #tpu.memory_space<vmem>> -> memref<1x1x64xf32, #tpu.memory_space<vmem>>
      %dma_start3A_69 = tpu.memref_squeeze %dma_start3A_68 : memref<1x1x64xf32, #tpu.memory_space<vmem>> -> memref<64xf32, #tpu.memory_space<vmem>>
      %dma_start3A_70 = arith.constant 0 : i32
      %dma_start3A_71 = tpu.memref_slice %arg2[%squeeze3A, %dma_start3A_70] : memref<1000000x64xf32, #tpu.memory_space<hbm>> -> memref<1x64xf32, #tpu.memory_space<hbm>>
      %dma_start3A_72 = tpu.memref_squeeze %dma_start3A_71 : memref<1x64xf32, #tpu.memory_space<hbm>> -> memref<64xf32, #tpu.memory_space<hbm>>
      tpu.enqueue_dma source(%dma_start3A_72 : memref<64xf32, #tpu.memory_space<hbm>>) target(%dma_start3A_69 : memref<64xf32, #tpu.memory_space<vmem>>) target_semaphore(%dma_start3A_66 : memref<!tpu.dma_semaphore, #tpu.memory_space<semaphore_mem>>)
      %slice3A_73 = vector.extract_strided_slice %get3A_55 {offsets = [1], sizes = [1], strides = [1]} : vector<16xi32> to vector<1xi32>
      %squeeze3A_74 = vector.extract %slice3A_73[0] : i32 from vector<1xi32>
      %add3A_75 = arith.constant 1 : i32
      %add3A_76 = arith.addi %add3A_50, %add3A_75 : i32
      %dma_start3A_77 = arith.constant 1 : i32
      %dma_start3A_78 = arith.constant 1 : i32
      %dma_start3A_79 = arith.constant 0 : i32
      %dma_start3A_80 = tpu.memref_slice %arg6[%dma_start3A_77, %add3A_76, %dma_start3A_79] : memref<4x128x64xf32, #tpu.memory_space<vmem>> -> memref<1x1x64xf32, #tpu.memory_space<vmem>>
      %dma_start3A_81 = tpu.memref_squeeze %dma_start3A_80 : memref<1x1x64xf32, #tpu.memory_space<vmem>> -> memref<64xf32, #tpu.memory_space<vmem>>
      %dma_start3A_82 = arith.constant 0 : i32
      %dma_start3A_83 = tpu.memref_slice %arg2[%squeeze3A_74, %dma_start3A_82] : memref<1000000x64xf32, #tpu.memory_space<hbm>> -> memref<1x64xf32, #tpu.memory_space<hbm>>
      %dma_start3A_84 = tpu.memref_squeeze %dma_start3A_83 : memref<1x64xf32, #tpu.memory_space<hbm>> -> memref<64xf32, #tpu.memory_space<hbm>>
      %dma_start3A_85 = tpu.memref_slice %arg7[%dma_start3A_78] : memref<4x!tpu.dma_semaphore, #tpu.memory_space<semaphore_mem>> -> memref<1x!tpu.dma_semaphore, #tpu.memory_space<semaphore_mem>>
      %dma_start3A_86 = tpu.memref_squeeze %dma_start3A_85 : memref<1x!tpu.dma_semaphore, #tpu.memory_space<semaphore_mem>> -> memref<!tpu.dma_semaphore, #tpu.memory_space<semaphore_mem>>
      %dma_start3A_87 = arith.constant 0 : i32
      %dma_start3A_88 = tpu.memref_slice %arg6[%dma_start3A_77, %add3A_76, %dma_start3A_87] : memref<4x128x64xf32, #tpu.memory_space<vmem>> -> memref<1x1x64xf32, #tpu.memory_space<vmem>>
      %dma_start3A_89 = tpu.memref_squeeze %dma_start3A_88 : memref<1x1x64xf32, #tpu.memory_space<vmem>> -> memref<64xf32, #tpu.memory_space<vmem>>
      %dma_start3A_90 = arith.constant 0 : i32
      %dma_start3A_91 = tpu.memref_slice %arg2[%squeeze3A_74, %dma_start3A_90] : memref<1000000x64xf32, #tpu.memory_space<hbm>> -> memref<1x64xf32, #tpu.memory_space<hbm>>
      %dma_start3A_92 = tpu.memref_squeeze %dma_start3A_91 : memref<1x64xf32, #tpu.memory_space<hbm>> -> memref<64xf32, #tpu.memory_space<hbm>>
      tpu.enqueue_dma source(%dma_start3A_92 : memref<64xf32, #tpu.memory_space<hbm>>) target(%dma_start3A_89 : memref<64xf32, #tpu.memory_space<vmem>>) target_semaphore(%dma_start3A_86 : memref<!tpu.dma_semaphore, #tpu.memory_space<semaphore_mem>>)
      %slice3A_93 = vector.extract_strided_slice %get3A_55 {offsets = [2], sizes = [1], strides = [1]} : vector<16xi32> to vector<1xi32>
      %squeeze3A_94 = vector.extract %slice3A_93[0] : i32 from vector<1xi32>
      %add3A_95 = arith.constant 2 : i32
      %add3A_96 = arith.addi %add3A_50, %add3A_95 : i32
      %dma_start3A_97 = arith.constant 1 : i32
      %dma_start3A_98 = arith.constant 1 : i32
      %dma_start3A_99 = arith.constant 0 : i32
      %dma_start3A_100 = tpu.memref_slice %arg6[%dma_start3A_97, %add3A_96, %dma_start3A_99] : memref<4x128x64xf32, #tpu.memory_space<vmem>> -> memref<1x1x64xf32, #tpu.memory_space<vmem>>
      %dma_start3A_101 = tpu.memref_squeeze %dma_start3A_100 : memref<1x1x64xf32, #tpu.memory_space<vmem>> -> memref<64xf32, #tpu.memory_space<vmem>>
      %dma_start3A_102 = arith.constant 0 : i32
      %dma_start3A_103 = tpu.memref_slice %arg2[%squeeze3A_94, %dma_start3A_102] : memref<1000000x64xf32, #tpu.memory_space<hbm>> -> memref<1x64xf32, #tpu.memory_space<hbm>>
      %dma_start3A_104 = tpu.memref_squeeze %dma_start3A_103 : memref<1x64xf32, #tpu.memory_space<hbm>> -> memref<64xf32, #tpu.memory_space<hbm>>
      %dma_start3A_105 = tpu.memref_slice %arg7[%dma_start3A_98] : memref<4x!tpu.dma_semaphore, #tpu.memory_space<semaphore_mem>> -> memref<1x!tpu.dma_semaphore, #tpu.memory_space<semaphore_mem>>
      %dma_start3A_106 = tpu.memref_squeeze %dma_start3A_105 : memref<1x!tpu.dma_semaphore, #tpu.memory_space<semaphore_mem>> -> memref<!tpu.dma_semaphore, #tpu.memory_space<semaphore_mem>>
      %dma_start3A_107 = arith.constant 0 : i32
      %dma_start3A_108 = tpu.memref_slice %arg6[%dma_start3A_97, %add3A_96, %dma_start3A_107] : memref<4x128x64xf32, #tpu.memory_space<vmem>> -> memref<1x1x64xf32, #tpu.memory_space<vmem>>
      %dma_start3A_109 = tpu.memref_squeeze %dma_start3A_108 : memref<1x1x64xf32, #tpu.memory_space<vmem>> -> memref<64xf32, #tpu.memory_space<vmem>>
      %dma_start3A_110 = arith.constant 0 : i32
      %dma_start3A_111 = tpu.memref_slice %arg2[%squeeze3A_94, %dma_start3A_110] : memref<1000000x64xf32, #tpu.memory_space<hbm>> -> memref<1x64xf32, #tpu.memory_space<hbm>>
      %dma_start3A_112 = tpu.memref_squeeze %dma_start3A_111 : memref<1x64xf32, #tpu.memory_space<hbm>> -> memref<64xf32, #tpu.memory_space<hbm>>
      tpu.enqueue_dma source(%dma_start3A_112 : memref<64xf32, #tpu.memory_space<hbm>>) target(%dma_start3A_109 : memref<64xf32, #tpu.memory_space<vmem>>) target_semaphore(%dma_start3A_106 : memref<!tpu.dma_semaphore, #tpu.memory_space<semaphore_mem>>)
      %slice3A_113 = vector.extract_strided_slice %get3A_55 {offsets = [3], sizes = [1], strides = [1]} : vector<16xi32> to vector<1xi32>
      %squeeze3A_114 = vector.extract %slice3A_113[0] : i32 from vector<1xi32>
      %add3A_115 = arith.constant 3 : i32
      %add3A_116 = arith.addi %add3A_50, %add3A_115 : i32
      %dma_start3A_117 = arith.constant 1 : i32
      %dma_start3A_118 = arith.constant 1 : i32
      %dma_start3A_119 = arith.constant 0 : i32
      %dma_start3A_120 = tpu.memref_slice %arg6[%dma_start3A_117, %add3A_116, %dma_start3A_119] : memref<4x128x64xf32, #tpu.memory_space<vmem>> -> memref<1x1x64xf32, #tpu.memory_space<vmem>>
      %dma_start3A_121 = tpu.memref_squeeze %dma_start3A_120 : memref<1x1x64xf32, #tpu.memory_space<vmem>> -> memref<64xf32, #tpu.memory_space<vmem>>
      %dma_start3A_122 = arith.constant 0 : i32
      %dma_start3A_123 = tpu.memref_slice %arg2[%squeeze3A_114, %dma_start3A_122] : memref<1000000x64xf32, #tpu.memory_space<hbm>> -> memref<1x64xf32, #tpu.memory_space<hbm>>
      %dma_start3A_124 = tpu.memref_squeeze %dma_start3A_123 : memref<1x64xf32, #tpu.memory_space<hbm>> -> memref<64xf32, #tpu.memory_space<hbm>>
      %dma_start3A_125 = tpu.memref_slice %arg7[%dma_start3A_118] : memref<4x!tpu.dma_semaphore, #tpu.memory_space<semaphore_mem>> -> memref<1x!tpu.dma_semaphore, #tpu.memory_space<semaphore_mem>>
      %dma_start3A_126 = tpu.memref_squeeze %dma_start3A_125 : memref<1x!tpu.dma_semaphore, #tpu.memory_space<semaphore_mem>> -> memref<!tpu.dma_semaphore, #tpu.memory_space<semaphore_mem>>
      %dma_start3A_127 = arith.constant 0 : i32
      %dma_start3A_128 = tpu.memref_slice %arg6[%dma_start3A_117, %add3A_116, %dma_start3A_127] : memref<4x128x64xf32, #tpu.memory_space<vmem>> -> memref<1x1x64xf32, #tpu.memory_space<vmem>>
      %dma_start3A_129 = tpu.memref_squeeze %dma_start3A_128 : memref<1x1x64xf32, #tpu.memory_space<vmem>> -> memref<64xf32, #tpu.memory_space<vmem>>
      %dma_start3A_130 = arith.constant 0 : i32
      %dma_start3A_131 = tpu.memref_slice %arg2[%squeeze3A_114, %dma_start3A_130] : memref<1000000x64xf32, #tpu.memory_space<hbm>> -> memref<1x64xf32, #tpu.memory_space<hbm>>
      %dma_start3A_132 = tpu.memref_squeeze %dma_start3A_131 : memref<1x64xf32, #tpu.memory_space<hbm>> -> memref<64xf32, #tpu.memory_space<hbm>>
      tpu.enqueue_dma source(%dma_start3A_132 : memref<64xf32, #tpu.memory_space<hbm>>) target(%dma_start3A_129 : memref<64xf32, #tpu.memory_space<vmem>>) target_semaphore(%dma_start3A_126 : memref<!tpu.dma_semaphore, #tpu.memory_space<semaphore_mem>>)
      %slice3A_133 = vector.extract_strided_slice %get3A_55 {offsets = [4], sizes = [1], strides = [1]} : vector<16xi32> to vector<1xi32>
      %squeeze3A_134 = vector.extract %slice3A_133[0] : i32 from vector<1xi32>
      %add3A_135 = arith.constant 4 : i32
      %add3A_136 = arith.addi %add3A_50, %add3A_135 : i32
      %dma_start3A_137 = arith.constant 1 : i32
      %dma_start3A_138 = arith.constant 1 : i32
      %dma_start3A_139 = arith.constant 0 : i32
      %dma_start3A_140 = tpu.memref_slice %arg6[%dma_start3A_137, %add3A_136, %dma_start3A_139] : memref<4x128x64xf32, #tpu.memory_space<vmem>> -> memref<1x1x64xf32, #tpu.memory_space<vmem>>
      %dma_start3A_141 = tpu.memref_squeeze %dma_start3A_140 : memref<1x1x64xf32, #tpu.memory_space<vmem>> -> memref<64xf32, #tpu.memory_space<vmem>>
      %dma_start3A_142 = arith.constant 0 : i32
      %dma_start3A_143 = tpu.memref_slice %arg2[%squeeze3A_134, %dma_start3A_142] : memref<1000000x64xf32, #tpu.memory_space<hbm>> -> memref<1x64xf32, #tpu.memory_space<hbm>>
      %dma_start3A_144 = tpu.memref_squeeze %dma_start3A_143 : memref<1x64xf32, #tpu.memory_space<hbm>> -> memref<64xf32, #tpu.memory_space<hbm>>
      %dma_start3A_145 = tpu.memref_slice %arg7[%dma_start3A_138] : memref<4x!tpu.dma_semaphore, #tpu.memory_space<semaphore_mem>> -> memref<1x!tpu.dma_semaphore, #tpu.memory_space<semaphore_mem>>
      %dma_start3A_146 = tpu.memref_squeeze %dma_start3A_145 : memref<1x!tpu.dma_semaphore, #tpu.memory_space<semaphore_mem>> -> memref<!tpu.dma_semaphore, #tpu.memory_space<semaphore_mem>>
      %dma_start3A_147 = arith.constant 0 : i32
      %dma_start3A_148 = tpu.memref_slice %arg6[%dma_start3A_137, %add3A_136, %dma_start3A_147] : memref<4x128x64xf32, #tpu.memory_space<vmem>> -> memref<1x1x64xf32, #tpu.memory_space<vmem>>
      %dma_start3A_149 = tpu.memref_squeeze %dma_start3A_148 : memref<1x1x64xf32, #tpu.memory_space<vmem>> -> memref<64xf32, #tpu.memory_space<vmem>>
      %dma_start3A_150 = arith.constant 0 : i32
      %dma_start3A_151 = tpu.memref_slice %arg2[%squeeze3A_134, %dma_start3A_150] : memref<1000000x64xf32, #tpu.memory_space<hbm>> -> memref<1x64xf32, #tpu.memory_space<hbm>>
      %dma_start3A_152 = tpu.memref_squeeze %dma_start3A_151 : memref<1x64xf32, #tpu.memory_space<hbm>> -> memref<64xf32, #tpu.memory_space<hbm>>
      tpu.enqueue_dma source(%dma_start3A_152 : memref<64xf32, #tpu.memory_space<hbm>>) target(%dma_start3A_149 : memref<64xf32, #tpu.memory_space<vmem>>) target_semaphore(%dma_start3A_146 : memref<!tpu.dma_semaphore, #tpu.memory_space<semaphore_mem>>)
      %slice3A_153 = vector.extract_strided_slice %get3A_55 {offsets = [5], sizes = [1], strides = [1]} : vector<16xi32> to vector<1xi32>
      %squeeze3A_154 = vector.extract %slice3A_153[0] : i32 from vector<1xi32>
      %add3A_155 = arith.constant 5 : i32
      %add3A_156 = arith.addi %add3A_50, %add3A_155 : i32
      %dma_start3A_157 = arith.constant 1 : i32
      %dma_start3A_158 = arith.constant 1 : i32
      %dma_start3A_159 = arith.constant 0 : i32
      %dma_start3A_160 = tpu.memref_slice %arg6[%dma_start3A_157, %add3A_156, %dma_start3A_159] : memref<4x128x64xf32, #tpu.memory_space<vmem>> -> memref<1x1x64xf32, #tpu.memory_space<vmem>>
      %dma_start3A_161 = tpu.memref_squeeze %dma_start3A_160 : memref<1x1x64xf32, #tpu.memory_space<vmem>> -> memref<64xf32, #tpu.memory_space<vmem>>
      %dma_start3A_162 = arith.constant 0 : i32
      %dma_start3A_163 = tpu.memref_slice %arg2[%squeeze3A_154, %dma_start3A_162] : memref<1000000x64xf32, #tpu.memory_space<hbm>> -> memref<1x64xf32, #tpu.memory_space<hbm>>
      %dma_start3A_164 = tpu.memref_squeeze %dma_start3A_163 : memref<1x64xf32, #tpu.memory_space<hbm>> -> memref<64xf32, #tpu.memory_space<hbm>>
      %dma_start3A_165 = tpu.memref_slice %arg7[%dma_start3A_158] : memref<4x!tpu.dma_semaphore, #tpu.memory_space<semaphore_mem>> -> memref<1x!tpu.dma_semaphore, #tpu.memory_space<semaphore_mem>>
      %dma_start3A_166 = tpu.memref_squeeze %dma_start3A_165 : memref<1x!tpu.dma_semaphore, #tpu.memory_space<semaphore_mem>> -> memref<!tpu.dma_semaphore, #tpu.memory_space<semaphore_mem>>
      %dma_start3A_167 = arith.constant 0 : i32
      %dma_start3A_168 = tpu.memref_slice %arg6[%dma_start3A_157, %add3A_156, %dma_start3A_167] : memref<4x128x64xf32, #tpu.memory_space<vmem>> -> memref<1x1x64xf32, #tpu.memory_space<vmem>>
      %dma_start3A_169 = tpu.memref_squeeze %dma_start3A_168 : memref<1x1x64xf32, #tpu.memory_space<vmem>> -> memref<64xf32, #tpu.memory_space<vmem>>
      %dma_start3A_170 = arith.constant 0 : i32
      %dma_start3A_171 = tpu.memref_slice %arg2[%squeeze3A_154, %dma_start3A_170] : memref<1000000x64xf32, #tpu.memory_space<hbm>> -> memref<1x64xf32, #tpu.memory_space<hbm>>
      %dma_start3A_172 = tpu.memref_squeeze %dma_start3A_171 : memref<1x64xf32, #tpu.memory_space<hbm>> -> memref<64xf32, #tpu.memory_space<hbm>>
      tpu.enqueue_dma source(%dma_start3A_172 : memref<64xf32, #tpu.memory_space<hbm>>) target(%dma_start3A_169 : memref<64xf32, #tpu.memory_space<vmem>>) target_semaphore(%dma_start3A_166 : memref<!tpu.dma_semaphore, #tpu.memory_space<semaphore_mem>>)
      %slice3A_173 = vector.extract_strided_slice %get3A_55 {offsets = [6], sizes = [1], strides = [1]} : vector<16xi32> to vector<1xi32>
      %squeeze3A_174 = vector.extract %slice3A_173[0] : i32 from vector<1xi32>
      %add3A_175 = arith.constant 6 : i32
      %add3A_176 = arith.addi %add3A_50, %add3A_175 : i32
      %dma_start3A_177 = arith.constant 1 : i32
      %dma_start3A_178 = arith.constant 1 : i32
      %dma_start3A_179 = arith.constant 0 : i32
      %dma_start3A_180 = tpu.memref_slice %arg6[%dma_start3A_177, %add3A_176, %dma_start3A_179] : memref<4x128x64xf32, #tpu.memory_space<vmem>> -> memref<1x1x64xf32, #tpu.memory_space<vmem>>
      %dma_start3A_181 = tpu.memref_squeeze %dma_start3A_180 : memref<1x1x64xf32, #tpu.memory_space<vmem>> -> memref<64xf32, #tpu.memory_space<vmem>>
      %dma_start3A_182 = arith.constant 0 : i32
      %dma_start3A_183 = tpu.memref_slice %arg2[%squeeze3A_174, %dma_start3A_182] : memref<1000000x64xf32, #tpu.memory_space<hbm>> -> memref<1x64xf32, #tpu.memory_space<hbm>>
      %dma_start3A_184 = tpu.memref_squeeze %dma_start3A_183 : memref<1x64xf32, #tpu.memory_space<hbm>> -> memref<64xf32, #tpu.memory_space<hbm>>
      %dma_start3A_185 = tpu.memref_slice %arg7[%dma_start3A_178] : memref<4x!tpu.dma_semaphore, #tpu.memory_space<semaphore_mem>> -> memref<1x!tpu.dma_semaphore, #tpu.memory_space<semaphore_mem>>
      %dma_start3A_186 = tpu.memref_squeeze %dma_start3A_185 : memref<1x!tpu.dma_semaphore, #tpu.memory_space<semaphore_mem>> -> memref<!tpu.dma_semaphore, #tpu.memory_space<semaphore_mem>>
      %dma_start3A_187 = arith.constant 0 : i32
      %dma_start3A_188 = tpu.memref_slice %arg6[%dma_start3A_177, %add3A_176, %dma_start3A_187] : memref<4x128x64xf32, #tpu.memory_space<vmem>> -> memref<1x1x64xf32, #tpu.memory_space<vmem>>
      %dma_start3A_189 = tpu.memref_squeeze %dma_start3A_188 : memref<1x1x64xf32, #tpu.memory_space<vmem>> -> memref<64xf32, #tpu.memory_space<vmem>>
      %dma_start3A_190 = arith.constant 0 : i32
      %dma_start3A_191 = tpu.memref_slice %arg2[%squeeze3A_174, %dma_start3A_190] : memref<1000000x64xf32, #tpu.memory_space<hbm>> -> memref<1x64xf32, #tpu.memory_space<hbm>>
      %dma_start3A_192 = tpu.memref_squeeze %dma_start3A_191 : memref<1x64xf32, #tpu.memory_space<hbm>> -> memref<64xf32, #tpu.memory_space<hbm>>
      tpu.enqueue_dma source(%dma_start3A_192 : memref<64xf32, #tpu.memory_space<hbm>>) target(%dma_start3A_189 : memref<64xf32, #tpu.memory_space<vmem>>) target_semaphore(%dma_start3A_186 : memref<!tpu.dma_semaphore, #tpu.memory_space<semaphore_mem>>)
      %slice3A_193 = vector.extract_strided_slice %get3A_55 {offsets = [7], sizes = [1], strides = [1]} : vector<16xi32> to vector<1xi32>
      %squeeze3A_194 = vector.extract %slice3A_193[0] : i32 from vector<1xi32>
      %add3A_195 = arith.constant 7 : i32
      %add3A_196 = arith.addi %add3A_50, %add3A_195 : i32
      %dma_start3A_197 = arith.constant 1 : i32
      %dma_start3A_198 = arith.constant 1 : i32
      %dma_start3A_199 = arith.constant 0 : i32
      %dma_start3A_200 = tpu.memref_slice %arg6[%dma_start3A_197, %add3A_196, %dma_start3A_199] : memref<4x128x64xf32, #tpu.memory_space<vmem>> -> memref<1x1x64xf32, #tpu.memory_space<vmem>>
      %dma_start3A_201 = tpu.memref_squeeze %dma_start3A_200 : memref<1x1x64xf32, #tpu.memory_space<vmem>> -> memref<64xf32, #tpu.memory_space<vmem>>
      %dma_start3A_202 = arith.constant 0 : i32
      %dma_start3A_203 = tpu.memref_slice %arg2[%squeeze3A_194, %dma_start3A_202] : memref<1000000x64xf32, #tpu.memory_space<hbm>> -> memref<1x64xf32, #tpu.memory_space<hbm>>
      %dma_start3A_204 = tpu.memref_squeeze %dma_start3A_203 : memref<1x64xf32, #tpu.memory_space<hbm>> -> memref<64xf32, #tpu.memory_space<hbm>>
      %dma_start3A_205 = tpu.memref_slice %arg7[%dma_start3A_198] : memref<4x!tpu.dma_semaphore, #tpu.memory_space<semaphore_mem>> -> memref<1x!tpu.dma_semaphore, #tpu.memory_space<semaphore_mem>>
      %dma_start3A_206 = tpu.memref_squeeze %dma_start3A_205 : memref<1x!tpu.dma_semaphore, #tpu.memory_space<semaphore_mem>> -> memref<!tpu.dma_semaphore, #tpu.memory_space<semaphore_mem>>
      %dma_start3A_207 = arith.constant 0 : i32
      %dma_start3A_208 = tpu.memref_slice %arg6[%dma_start3A_197, %add3A_196, %dma_start3A_207] : memref<4x128x64xf32, #tpu.memory_space<vmem>> -> memref<1x1x64xf32, #tpu.memory_space<vmem>>
      %dma_start3A_209 = tpu.memref_squeeze %dma_start3A_208 : memref<1x1x64xf32, #tpu.memory_space<vmem>> -> memref<64xf32, #tpu.memory_space<vmem>>
      %dma_start3A_210 = arith.constant 0 : i32
      %dma_start3A_211 = tpu.memref_slice %arg2[%squeeze3A_194, %dma_start3A_210] : memref<1000000x64xf32, #tpu.memory_space<hbm>> -> memref<1x64xf32, #tpu.memory_space<hbm>>
      %dma_start3A_212 = tpu.memref_squeeze %dma_start3A_211 : memref<1x64xf32, #tpu.memory_space<hbm>> -> memref<64xf32, #tpu.memory_space<hbm>>
      tpu.enqueue_dma source(%dma_start3A_212 : memref<64xf32, #tpu.memory_space<hbm>>) target(%dma_start3A_209 : memref<64xf32, #tpu.memory_space<vmem>>) target_semaphore(%dma_start3A_206 : memref<!tpu.dma_semaphore, #tpu.memory_space<semaphore_mem>>)
      %slice3A_213 = vector.extract_strided_slice %get3A_55 {offsets = [8], sizes = [1], strides = [1]} : vector<16xi32> to vector<1xi32>
      %squeeze3A_214 = vector.extract %slice3A_213[0] : i32 from vector<1xi32>
      %add3A_215 = arith.constant 8 : i32
      %add3A_216 = arith.addi %add3A_50, %add3A_215 : i32
      %dma_start3A_217 = arith.constant 1 : i32
      %dma_start3A_218 = arith.constant 1 : i32
      %dma_start3A_219 = arith.constant 0 : i32
      %dma_start3A_220 = tpu.memref_slice %arg6[%dma_start3A_217, %add3A_216, %dma_start3A_219] : memref<4x128x64xf32, #tpu.memory_space<vmem>> -> memref<1x1x64xf32, #tpu.memory_space<vmem>>
      %dma_start3A_221 = tpu.memref_squeeze %dma_start3A_220 : memref<1x1x64xf32, #tpu.memory_space<vmem>> -> memref<64xf32, #tpu.memory_space<vmem>>
      %dma_start3A_222 = arith.constant 0 : i32
      %dma_start3A_223 = tpu.memref_slice %arg2[%squeeze3A_214, %dma_start3A_222] : memref<1000000x64xf32, #tpu.memory_space<hbm>> -> memref<1x64xf32, #tpu.memory_space<hbm>>
      %dma_start3A_224 = tpu.memref_squeeze %dma_start3A_223 : memref<1x64xf32, #tpu.memory_space<hbm>> -> memref<64xf32, #tpu.memory_space<hbm>>
      %dma_start3A_225 = tpu.memref_slice %arg7[%dma_start3A_218] : memref<4x!tpu.dma_semaphore, #tpu.memory_space<semaphore_mem>> -> memref<1x!tpu.dma_semaphore, #tpu.memory_space<semaphore_mem>>
      %dma_start3A_226 = tpu.memref_squeeze %dma_start3A_225 : memref<1x!tpu.dma_semaphore, #tpu.memory_space<semaphore_mem>> -> memref<!tpu.dma_semaphore, #tpu.memory_space<semaphore_mem>>
      %dma_start3A_227 = arith.constant 0 : i32
      %dma_start3A_228 = tpu.memref_slice %arg6[%dma_start3A_217, %add3A_216, %dma_start3A_227] : memref<4x128x64xf32, #tpu.memory_space<vmem>> -> memref<1x1x64xf32, #tpu.memory_space<vmem>>
      %dma_start3A_229 = tpu.memref_squeeze %dma_start3A_228 : memref<1x1x64xf32, #tpu.memory_space<vmem>> -> memref<64xf32, #tpu.memory_space<vmem>>
      %dma_start3A_230 = arith.constant 0 : i32
      %dma_start3A_231 = tpu.memref_slice %arg2[%squeeze3A_214, %dma_start3A_230] : memref<1000000x64xf32, #tpu.memory_space<hbm>> -> memref<1x64xf32, #tpu.memory_space<hbm>>
      %dma_start3A_232 = tpu.memref_squeeze %dma_start3A_231 : memref<1x64xf32, #tpu.memory_space<hbm>> -> memref<64xf32, #tpu.memory_space<hbm>>
      tpu.enqueue_dma source(%dma_start3A_232 : memref<64xf32, #tpu.memory_space<hbm>>) target(%dma_start3A_229 : memref<64xf32, #tpu.memory_space<vmem>>) target_semaphore(%dma_start3A_226 : memref<!tpu.dma_semaphore, #tpu.memory_space<semaphore_mem>>)
      %slice3A_233 = vector.extract_strided_slice %get3A_55 {offsets = [9], sizes = [1], strides = [1]} : vector<16xi32> to vector<1xi32>
      %squeeze3A_234 = vector.extract %slice3A_233[0] : i32 from vector<1xi32>
      %add3A_235 = arith.constant 9 : i32
      %add3A_236 = arith.addi %add3A_50, %add3A_235 : i32
      %dma_start3A_237 = arith.constant 1 : i32
      %dma_start3A_238 = arith.constant 1 : i32
      %dma_start3A_239 = arith.constant 0 : i32
      %dma_start3A_240 = tpu.memref_slice %arg6[%dma_start3A_237, %add3A_236, %dma_start3A_239] : memref<4x128x64xf32, #tpu.memory_space<vmem>> -> memref<1x1x64xf32, #tpu.memory_space<vmem>>
      %dma_start3A_241 = tpu.memref_squeeze %dma_start3A_240 : memref<1x1x64xf32, #tpu.memory_space<vmem>> -> memref<64xf32, #tpu.memory_space<vmem>>
      %dma_start3A_242 = arith.constant 0 : i32
      %dma_start3A_243 = tpu.memref_slice %arg2[%squeeze3A_234, %dma_start3A_242] : memref<1000000x64xf32, #tpu.memory_space<hbm>> -> memref<1x64xf32, #tpu.memory_space<hbm>>
      %dma_start3A_244 = tpu.memref_squeeze %dma_start3A_243 : memref<1x64xf32, #tpu.memory_space<hbm>> -> memref<64xf32, #tpu.memory_space<hbm>>
      %dma_start3A_245 = tpu.memref_slice %arg7[%dma_start3A_238] : memref<4x!tpu.dma_semaphore, #tpu.memory_space<semaphore_mem>> -> memref<1x!tpu.dma_semaphore, #tpu.memory_space<semaphore_mem>>
      %dma_start3A_246 = tpu.memref_squeeze %dma_start3A_245 : memref<1x!tpu.dma_semaphore, #tpu.memory_space<semaphore_mem>> -> memref<!tpu.dma_semaphore, #tpu.memory_space<semaphore_mem>>
      %dma_start3A_247 = arith.constant 0 : i32
      %dma_start3A_248 = tpu.memref_slice %arg6[%dma_start3A_237, %add3A_236, %dma_start3A_247] : memref<4x128x64xf32, #tpu.memory_space<vmem>> -> memref<1x1x64xf32, #tpu.memory_space<vmem>>
      %dma_start3A_249 = tpu.memref_squeeze %dma_start3A_248 : memref<1x1x64xf32, #tpu.memory_space<vmem>> -> memref<64xf32, #tpu.memory_space<vmem>>
      %dma_start3A_250 = arith.constant 0 : i32
      %dma_start3A_251 = tpu.memref_slice %arg2[%squeeze3A_234, %dma_start3A_250] : memref<1000000x64xf32, #tpu.memory_space<hbm>> -> memref<1x64xf32, #tpu.memory_space<hbm>>
      %dma_start3A_252 = tpu.memref_squeeze %dma_start3A_251 : memref<1x64xf32, #tpu.memory_space<hbm>> -> memref<64xf32, #tpu.memory_space<hbm>>
      tpu.enqueue_dma source(%dma_start3A_252 : memref<64xf32, #tpu.memory_space<hbm>>) target(%dma_start3A_249 : memref<64xf32, #tpu.memory_space<vmem>>) target_semaphore(%dma_start3A_246 : memref<!tpu.dma_semaphore, #tpu.memory_space<semaphore_mem>>)
      %slice3A_253 = vector.extract_strided_slice %get3A_55 {offsets = [10], sizes = [1], strides = [1]} : vector<16xi32> to vector<1xi32>
      %squeeze3A_254 = vector.extract %slice3A_253[0] : i32 from vector<1xi32>
      %add3A_255 = arith.constant 10 : i32
      %add3A_256 = arith.addi %add3A_50, %add3A_255 : i32
      %dma_start3A_257 = arith.constant 1 : i32
      %dma_start3A_258 = arith.constant 1 : i32
      %dma_start3A_259 = arith.constant 0 : i32
      %dma_start3A_260 = tpu.memref_slice %arg6[%dma_start3A_257, %add3A_256, %dma_start3A_259] : memref<4x128x64xf32, #tpu.memory_space<vmem>> -> memref<1x1x64xf32, #tpu.memory_space<vmem>>
      %dma_start3A_261 = tpu.memref_squeeze %dma_start3A_260 : memref<1x1x64xf32, #tpu.memory_space<vmem>> -> memref<64xf32, #tpu.memory_space<vmem>>
      %dma_start3A_262 = arith.constant 0 : i32
      %dma_start3A_263 = tpu.memref_slice %arg2[%squeeze3A_254, %dma_start3A_262] : memref<1000000x64xf32, #tpu.memory_space<hbm>> -> memref<1x64xf32, #tpu.memory_space<hbm>>
      %dma_start3A_264 = tpu.memref_squeeze %dma_start3A_263 : memref<1x64xf32, #tpu.memory_space<hbm>> -> memref<64xf32, #tpu.memory_space<hbm>>
      %dma_start3A_265 = tpu.memref_slice %arg7[%dma_start3A_258] : memref<4x!tpu.dma_semaphore, #tpu.memory_space<semaphore_mem>> -> memref<1x!tpu.dma_semaphore, #tpu.memory_space<semaphore_mem>>
      %dma_start3A_266 = tpu.memref_squeeze %dma_start3A_265 : memref<1x!tpu.dma_semaphore, #tpu.memory_space<semaphore_mem>> -> memref<!tpu.dma_semaphore, #tpu.memory_space<semaphore_mem>>
      %dma_start3A_267 = arith.constant 0 : i32
      %dma_start3A_268 = tpu.memref_slice %arg6[%dma_start3A_257, %add3A_256, %dma_start3A_267] : memref<4x128x64xf32, #tpu.memory_space<vmem>> -> memref<1x1x64xf32, #tpu.memory_space<vmem>>
      %dma_start3A_269 = tpu.memref_squeeze %dma_start3A_268 : memref<1x1x64xf32, #tpu.memory_space<vmem>> -> memref<64xf32, #tpu.memory_space<vmem>>
      %dma_start3A_270 = arith.constant 0 : i32
      %dma_start3A_271 = tpu.memref_slice %arg2[%squeeze3A_254, %dma_start3A_270] : memref<1000000x64xf32, #tpu.memory_space<hbm>> -> memref<1x64xf32, #tpu.memory_space<hbm>>
      %dma_start3A_272 = tpu.memref_squeeze %dma_start3A_271 : memref<1x64xf32, #tpu.memory_space<hbm>> -> memref<64xf32, #tpu.memory_space<hbm>>
      tpu.enqueue_dma source(%dma_start3A_272 : memref<64xf32, #tpu.memory_space<hbm>>) target(%dma_start3A_269 : memref<64xf32, #tpu.memory_space<vmem>>) target_semaphore(%dma_start3A_266 : memref<!tpu.dma_semaphore, #tpu.memory_space<semaphore_mem>>)
      %slice3A_273 = vector.extract_strided_slice %get3A_55 {offsets = [11], sizes = [1], strides = [1]} : vector<16xi32> to vector<1xi32>
      %squeeze3A_274 = vector.extract %slice3A_273[0] : i32 from vector<1xi32>
      %add3A_275 = arith.constant 11 : i32
      %add3A_276 = arith.addi %add3A_50, %add3A_275 : i32
      %dma_start3A_277 = arith.constant 1 : i32
      %dma_start3A_278 = arith.constant 1 : i32
      %dma_start3A_279 = arith.constant 0 : i32
      %dma_start3A_280 = tpu.memref_slice %arg6[%dma_start3A_277, %add3A_276, %dma_start3A_279] : memref<4x128x64xf32, #tpu.memory_space<vmem>> -> memref<1x1x64xf32, #tpu.memory_space<vmem>>
      %dma_start3A_281 = tpu.memref_squeeze %dma_start3A_280 : memref<1x1x64xf32, #tpu.memory_space<vmem>> -> memref<64xf32, #tpu.memory_space<vmem>>
      %dma_start3A_282 = arith.constant 0 : i32
      %dma_start3A_283 = tpu.memref_slice %arg2[%squeeze3A_274, %dma_start3A_282] : memref<1000000x64xf32, #tpu.memory_space<hbm>> -> memref<1x64xf32, #tpu.memory_space<hbm>>
      %dma_start3A_284 = tpu.memref_squeeze %dma_start3A_283 : memref<1x64xf32, #tpu.memory_space<hbm>> -> memref<64xf32, #tpu.memory_space<hbm>>
      %dma_start3A_285 = tpu.memref_slice %arg7[%dma_start3A_278] : memref<4x!tpu.dma_semaphore, #tpu.memory_space<semaphore_mem>> -> memref<1x!tpu.dma_semaphore, #tpu.memory_space<semaphore_mem>>
      %dma_start3A_286 = tpu.memref_squeeze %dma_start3A_285 : memref<1x!tpu.dma_semaphore, #tpu.memory_space<semaphore_mem>> -> memref<!tpu.dma_semaphore, #tpu.memory_space<semaphore_mem>>
      %dma_start3A_287 = arith.constant 0 : i32
      %dma_start3A_288 = tpu.memref_slice %arg6[%dma_start3A_277, %add3A_276, %dma_start3A_287] : memref<4x128x64xf32, #tpu.memory_space<vmem>> -> memref<1x1x64xf32, #tpu.memory_space<vmem>>
      %dma_start3A_289 = tpu.memref_squeeze %dma_start3A_288 : memref<1x1x64xf32, #tpu.memory_space<vmem>> -> memref<64xf32, #tpu.memory_space<vmem>>
      %dma_start3A_290 = arith.constant 0 : i32
      %dma_start3A_291 = tpu.memref_slice %arg2[%squeeze3A_274, %dma_start3A_290] : memref<1000000x64xf32, #tpu.memory_space<hbm>> -> memref<1x64xf32, #tpu.memory_space<hbm>>
      %dma_start3A_292 = tpu.memref_squeeze %dma_start3A_291 : memref<1x64xf32, #tpu.memory_space<hbm>> -> memref<64xf32, #tpu.memory_space<hbm>>
      tpu.enqueue_dma source(%dma_start3A_292 : memref<64xf32, #tpu.memory_space<hbm>>) target(%dma_start3A_289 : memref<64xf32, #tpu.memory_space<vmem>>) target_semaphore(%dma_start3A_286 : memref<!tpu.dma_semaphore, #tpu.memory_space<semaphore_mem>>)
      %slice3A_293 = vector.extract_strided_slice %get3A_55 {offsets = [12], sizes = [1], strides = [1]} : vector<16xi32> to vector<1xi32>
      %squeeze3A_294 = vector.extract %slice3A_293[0] : i32 from vector<1xi32>
      %add3A_295 = arith.constant 12 : i32
      %add3A_296 = arith.addi %add3A_50, %add3A_295 : i32
      %dma_start3A_297 = arith.constant 1 : i32
      %dma_start3A_298 = arith.constant 1 : i32
      %dma_start3A_299 = arith.constant 0 : i32
      %dma_start3A_300 = tpu.memref_slice %arg6[%dma_start3A_297, %add3A_296, %dma_start3A_299] : memref<4x128x64xf32, #tpu.memory_space<vmem>> -> memref<1x1x64xf32, #tpu.memory_space<vmem>>
      %dma_start3A_301 = tpu.memref_squeeze %dma_start3A_300 : memref<1x1x64xf32, #tpu.memory_space<vmem>> -> memref<64xf32, #tpu.memory_space<vmem>>
      %dma_start3A_302 = arith.constant 0 : i32
      %dma_start3A_303 = tpu.memref_slice %arg2[%squeeze3A_294, %dma_start3A_302] : memref<1000000x64xf32, #tpu.memory_space<hbm>> -> memref<1x64xf32, #tpu.memory_space<hbm>>
      %dma_start3A_304 = tpu.memref_squeeze %dma_start3A_303 : memref<1x64xf32, #tpu.memory_space<hbm>> -> memref<64xf32, #tpu.memory_space<hbm>>
      %dma_start3A_305 = tpu.memref_slice %arg7[%dma_start3A_298] : memref<4x!tpu.dma_semaphore, #tpu.memory_space<semaphore_mem>> -> memref<1x!tpu.dma_semaphore, #tpu.memory_space<semaphore_mem>>
      %dma_start3A_306 = tpu.memref_squeeze %dma_start3A_305 : memref<1x!tpu.dma_semaphore, #tpu.memory_space<semaphore_mem>> -> memref<!tpu.dma_semaphore, #tpu.memory_space<semaphore_mem>>
      %dma_start3A_307 = arith.constant 0 : i32
      %dma_start3A_308 = tpu.memref_slice %arg6[%dma_start3A_297, %add3A_296, %dma_start3A_307] : memref<4x128x64xf32, #tpu.memory_space<vmem>> -> memref<1x1x64xf32, #tpu.memory_space<vmem>>
      %dma_start3A_309 = tpu.memref_squeeze %dma_start3A_308 : memref<1x1x64xf32, #tpu.memory_space<vmem>> -> memref<64xf32, #tpu.memory_space<vmem>>
      %dma_start3A_310 = arith.constant 0 : i32
      %dma_start3A_311 = tpu.memref_slice %arg2[%squeeze3A_294, %dma_start3A_310] : memref<1000000x64xf32, #tpu.memory_space<hbm>> -> memref<1x64xf32, #tpu.memory_space<hbm>>
      %dma_start3A_312 = tpu.memref_squeeze %dma_start3A_311 : memref<1x64xf32, #tpu.memory_space<hbm>> -> memref<64xf32, #tpu.memory_space<hbm>>
      tpu.enqueue_dma source(%dma_start3A_312 : memref<64xf32, #tpu.memory_space<hbm>>) target(%dma_start3A_309 : memref<64xf32, #tpu.memory_space<vmem>>) target_semaphore(%dma_start3A_306 : memref<!tpu.dma_semaphore, #tpu.memory_space<semaphore_mem>>)
      %slice3A_313 = vector.extract_strided_slice %get3A_55 {offsets = [13], sizes = [1], strides = [1]} : vector<16xi32> to vector<1xi32>
      %squeeze3A_314 = vector.extract %slice3A_313[0] : i32 from vector<1xi32>
      %add3A_315 = arith.constant 13 : i32
      %add3A_316 = arith.addi %add3A_50, %add3A_315 : i32
      %dma_start3A_317 = arith.constant 1 : i32
      %dma_start3A_318 = arith.constant 1 : i32
      %dma_start3A_319 = arith.constant 0 : i32
      %dma_start3A_320 = tpu.memref_slice %arg6[%dma_start3A_317, %add3A_316, %dma_start3A_319] : memref<4x128x64xf32, #tpu.memory_space<vmem>> -> memref<1x1x64xf32, #tpu.memory_space<vmem>>
      %dma_start3A_321 = tpu.memref_squeeze %dma_start3A_320 : memref<1x1x64xf32, #tpu.memory_space<vmem>> -> memref<64xf32, #tpu.memory_space<vmem>>
      %dma_start3A_322 = arith.constant 0 : i32
      %dma_start3A_323 = tpu.memref_slice %arg2[%squeeze3A_314, %dma_start3A_322] : memref<1000000x64xf32, #tpu.memory_space<hbm>> -> memref<1x64xf32, #tpu.memory_space<hbm>>
      %dma_start3A_324 = tpu.memref_squeeze %dma_start3A_323 : memref<1x64xf32, #tpu.memory_space<hbm>> -> memref<64xf32, #tpu.memory_space<hbm>>
      %dma_start3A_325 = tpu.memref_slice %arg7[%dma_start3A_318] : memref<4x!tpu.dma_semaphore, #tpu.memory_space<semaphore_mem>> -> memref<1x!tpu.dma_semaphore, #tpu.memory_space<semaphore_mem>>
      %dma_start3A_326 = tpu.memref_squeeze %dma_start3A_325 : memref<1x!tpu.dma_semaphore, #tpu.memory_space<semaphore_mem>> -> memref<!tpu.dma_semaphore, #tpu.memory_space<semaphore_mem>>
      %dma_start3A_327 = arith.constant 0 : i32
      %dma_start3A_328 = tpu.memref_slice %arg6[%dma_start3A_317, %add3A_316, %dma_start3A_327] : memref<4x128x64xf32, #tpu.memory_space<vmem>> -> memref<1x1x64xf32, #tpu.memory_space<vmem>>
      %dma_start3A_329 = tpu.memref_squeeze %dma_start3A_328 : memref<1x1x64xf32, #tpu.memory_space<vmem>> -> memref<64xf32, #tpu.memory_space<vmem>>
      %dma_start3A_330 = arith.constant 0 : i32
      %dma_start3A_331 = tpu.memref_slice %arg2[%squeeze3A_314, %dma_start3A_330] : memref<1000000x64xf32, #tpu.memory_space<hbm>> -> memref<1x64xf32, #tpu.memory_space<hbm>>
      %dma_start3A_332 = tpu.memref_squeeze %dma_start3A_331 : memref<1x64xf32, #tpu.memory_space<hbm>> -> memref<64xf32, #tpu.memory_space<hbm>>
      tpu.enqueue_dma source(%dma_start3A_332 : memref<64xf32, #tpu.memory_space<hbm>>) target(%dma_start3A_329 : memref<64xf32, #tpu.memory_space<vmem>>) target_semaphore(%dma_start3A_326 : memref<!tpu.dma_semaphore, #tpu.memory_space<semaphore_mem>>)
      %slice3A_333 = vector.extract_strided_slice %get3A_55 {offsets = [14], sizes = [1], strides = [1]} : vector<16xi32> to vector<1xi32>
      %squeeze3A_334 = vector.extract %slice3A_333[0] : i32 from vector<1xi32>
      %add3A_335 = arith.constant 14 : i32
      %add3A_336 = arith.addi %add3A_50, %add3A_335 : i32
      %dma_start3A_337 = arith.constant 1 : i32
      %dma_start3A_338 = arith.constant 1 : i32
      %dma_start3A_339 = arith.constant 0 : i32
      %dma_start3A_340 = tpu.memref_slice %arg6[%dma_start3A_337, %add3A_336, %dma_start3A_339] : memref<4x128x64xf32, #tpu.memory_space<vmem>> -> memref<1x1x64xf32, #tpu.memory_space<vmem>>
      %dma_start3A_341 = tpu.memref_squeeze %dma_start3A_340 : memref<1x1x64xf32, #tpu.memory_space<vmem>> -> memref<64xf32, #tpu.memory_space<vmem>>
      %dma_start3A_342 = arith.constant 0 : i32
      %dma_start3A_343 = tpu.memref_slice %arg2[%squeeze3A_334, %dma_start3A_342] : memref<1000000x64xf32, #tpu.memory_space<hbm>> -> memref<1x64xf32, #tpu.memory_space<hbm>>
      %dma_start3A_344 = tpu.memref_squeeze %dma_start3A_343 : memref<1x64xf32, #tpu.memory_space<hbm>> -> memref<64xf32, #tpu.memory_space<hbm>>
      %dma_start3A_345 = tpu.memref_slice %arg7[%dma_start3A_338] : memref<4x!tpu.dma_semaphore, #tpu.memory_space<semaphore_mem>> -> memref<1x!tpu.dma_semaphore, #tpu.memory_space<semaphore_mem>>
      %dma_start3A_346 = tpu.memref_squeeze %dma_start3A_345 : memref<1x!tpu.dma_semaphore, #tpu.memory_space<semaphore_mem>> -> memref<!tpu.dma_semaphore, #tpu.memory_space<semaphore_mem>>
      %dma_start3A_347 = arith.constant 0 : i32
      %dma_start3A_348 = tpu.memref_slice %arg6[%dma_start3A_337, %add3A_336, %dma_start3A_347] : memref<4x128x64xf32, #tpu.memory_space<vmem>> -> memref<1x1x64xf32, #tpu.memory_space<vmem>>
      %dma_start3A_349 = tpu.memref_squeeze %dma_start3A_348 : memref<1x1x64xf32, #tpu.memory_space<vmem>> -> memref<64xf32, #tpu.memory_space<vmem>>
      %dma_start3A_350 = arith.constant 0 : i32
      %dma_start3A_351 = tpu.memref_slice %arg2[%squeeze3A_334, %dma_start3A_350] : memref<1000000x64xf32, #tpu.memory_space<hbm>> -> memref<1x64xf32, #tpu.memory_space<hbm>>
      %dma_start3A_352 = tpu.memref_squeeze %dma_start3A_351 : memref<1x64xf32, #tpu.memory_space<hbm>> -> memref<64xf32, #tpu.memory_space<hbm>>
      tpu.enqueue_dma source(%dma_start3A_352 : memref<64xf32, #tpu.memory_space<hbm>>) target(%dma_start3A_349 : memref<64xf32, #tpu.memory_space<vmem>>) target_semaphore(%dma_start3A_346 : memref<!tpu.dma_semaphore, #tpu.memory_space<semaphore_mem>>)
      %slice3A_353 = vector.extract_strided_slice %get3A_55 {offsets = [15], sizes = [1], strides = [1]} : vector<16xi32> to vector<1xi32>
      %squeeze3A_354 = vector.extract %slice3A_353[0] : i32 from vector<1xi32>
      %add3A_355 = arith.constant 15 : i32
      %add3A_356 = arith.addi %add3A_50, %add3A_355 : i32
      %dma_start3A_357 = arith.constant 1 : i32
      %dma_start3A_358 = arith.constant 1 : i32
      %dma_start3A_359 = arith.constant 0 : i32
      %dma_start3A_360 = tpu.memref_slice %arg6[%dma_start3A_357, %add3A_356, %dma_start3A_359] : memref<4x128x64xf32, #tpu.memory_space<vmem>> -> memref<1x1x64xf32, #tpu.memory_space<vmem>>
      %dma_start3A_361 = tpu.memref_squeeze %dma_start3A_360 : memref<1x1x64xf32, #tpu.memory_space<vmem>> -> memref<64xf32, #tpu.memory_space<vmem>>
      %dma_start3A_362 = arith.constant 0 : i32
      %dma_start3A_363 = tpu.memref_slice %arg2[%squeeze3A_354, %dma_start3A_362] : memref<1000000x64xf32, #tpu.memory_space<hbm>> -> memref<1x64xf32, #tpu.memory_space<hbm>>
      %dma_start3A_364 = tpu.memref_squeeze %dma_start3A_363 : memref<1x64xf32, #tpu.memory_space<hbm>> -> memref<64xf32, #tpu.memory_space<hbm>>
      %dma_start3A_365 = tpu.memref_slice %arg7[%dma_start3A_358] : memref<4x!tpu.dma_semaphore, #tpu.memory_space<semaphore_mem>> -> memref<1x!tpu.dma_semaphore, #tpu.memory_space<semaphore_mem>>
      %dma_start3A_366 = tpu.memref_squeeze %dma_start3A_365 : memref<1x!tpu.dma_semaphore, #tpu.memory_space<semaphore_mem>> -> memref<!tpu.dma_semaphore, #tpu.memory_space<semaphore_mem>>
      %dma_start3A_367 = arith.constant 0 : i32
      %dma_start3A_368 = tpu.memref_slice %arg6[%dma_start3A_357, %add3A_356, %dma_start3A_367] : memref<4x128x64xf32, #tpu.memory_space<vmem>> -> memref<1x1x64xf32, #tpu.memory_space<vmem>>
      %dma_start3A_369 = tpu.memref_squeeze %dma_start3A_368 : memref<1x1x64xf32, #tpu.memory_space<vmem>> -> memref<64xf32, #tpu.memory_space<vmem>>
      %dma_start3A_370 = arith.constant 0 : i32
      %dma_start3A_371 = tpu.memref_slice %arg2[%squeeze3A_354, %dma_start3A_370] : memref<1000000x64xf32, #tpu.memory_space<hbm>> -> memref<1x64xf32, #tpu.memory_space<hbm>>
      %dma_start3A_372 = tpu.memref_squeeze %dma_start3A_371 : memref<1x64xf32, #tpu.memory_space<hbm>> -> memref<64xf32, #tpu.memory_space<hbm>>
      tpu.enqueue_dma source(%dma_start3A_372 : memref<64xf32, #tpu.memory_space<hbm>>) target(%dma_start3A_369 : memref<64xf32, #tpu.memory_space<vmem>>) target_semaphore(%dma_start3A_366 : memref<!tpu.dma_semaphore, #tpu.memory_space<semaphore_mem>>)
    }
    %scan3A_20 = arith.constant 8 : i32
    %rem3A_21 = arith.constant 2 : i32
    %rem3A_22 = arith.constant 4 : i32
    %rem3A_23 = arith.remsi %rem3A_21, %rem3A_22 : i32
    %mul3A_24 = arith.constant 128 : i32
    %mul3A_25 = arith.muli %rem3A_23, %mul3A_24 : i32
    %scan3A_26 = arith.constant 0 : i32
    %scan3A_27 = arith.constant 8 : i32
    %scan3A_28 = arith.addi %scan3A_26, %scan3A_27 : i32
    %scan3A_29 = arith.constant 1 : i32
    scf.for %scan3A_46 = %scan3A_26 to %scan3A_28 step %scan3A_29  : i32 {
      %mul3A_47 = arith.constant 16 : i32
      %mul3A_48 = arith.muli %scan3A_46, %mul3A_47 : i32
      %add3A_49 = arith.constant 0 : i32
      %add3A_50 = arith.addi %add3A_49, %mul3A_48 : i32
      %add3A_51 = arith.addi %mul3A_25, %add3A_50 : i32
      %get3A = arith.constant 0 : i32
      %get3A_52 = arith.index_cast %get3A : i32 to index
      %get3A_53 = arith.index_cast %add3A_51 : i32 to index
      %get3A_54 = tpu.vector_load %arg5[%get3A_52, %get3A_53] {strides = array<i32>} : memref<26x512xi32, #tpu.memory_space<vmem>>, vector<1x16xi32>,
      %get3A_55 = vector.shape_cast %get3A_54 : vector<1x16xi32> to vector<16xi32>
      %slice3A = vector.extract_strided_slice %get3A_55 {offsets = [0], sizes = [1], strides = [1]} : vector<16xi32> to vector<1xi32>
      %squeeze3A = vector.extract %slice3A[0] : i32 from vector<1xi32>
      %add3A_56 = arith.constant 0 : i32
      %add3A_57 = arith.addi %add3A_50, %add3A_56 : i32
      %dma_start3A = arith.constant 2 : i32
      %dma_start3A_58 = arith.constant 2 : i32
      %dma_start3A_59 = arith.constant 0 : i32
      %dma_start3A_60 = tpu.memref_slice %arg6[%dma_start3A, %add3A_57, %dma_start3A_59] : memref<4x128x64xf32, #tpu.memory_space<vmem>> -> memref<1x1x64xf32, #tpu.memory_space<vmem>>
      %dma_start3A_61 = tpu.memref_squeeze %dma_start3A_60 : memref<1x1x64xf32, #tpu.memory_space<vmem>> -> memref<64xf32, #tpu.memory_space<vmem>>
      %dma_start3A_62 = arith.constant 0 : i32
      %dma_start3A_63 = tpu.memref_slice %arg2[%squeeze3A, %dma_start3A_62] : memref<1000000x64xf32, #tpu.memory_space<hbm>> -> memref<1x64xf32, #tpu.memory_space<hbm>>
      %dma_start3A_64 = tpu.memref_squeeze %dma_start3A_63 : memref<1x64xf32, #tpu.memory_space<hbm>> -> memref<64xf32, #tpu.memory_space<hbm>>
      %dma_start3A_65 = tpu.memref_slice %arg7[%dma_start3A_58] : memref<4x!tpu.dma_semaphore, #tpu.memory_space<semaphore_mem>> -> memref<1x!tpu.dma_semaphore, #tpu.memory_space<semaphore_mem>>
      %dma_start3A_66 = tpu.memref_squeeze %dma_start3A_65 : memref<1x!tpu.dma_semaphore, #tpu.memory_space<semaphore_mem>> -> memref<!tpu.dma_semaphore, #tpu.memory_space<semaphore_mem>>
      %dma_start3A_67 = arith.constant 0 : i32
      %dma_start3A_68 = tpu.memref_slice %arg6[%dma_start3A, %add3A_57, %dma_start3A_67] : memref<4x128x64xf32, #tpu.memory_space<vmem>> -> memref<1x1x64xf32, #tpu.memory_space<vmem>>
      %dma_start3A_69 = tpu.memref_squeeze %dma_start3A_68 : memref<1x1x64xf32, #tpu.memory_space<vmem>> -> memref<64xf32, #tpu.memory_space<vmem>>
      %dma_start3A_70 = arith.constant 0 : i32
      %dma_start3A_71 = tpu.memref_slice %arg2[%squeeze3A, %dma_start3A_70] : memref<1000000x64xf32, #tpu.memory_space<hbm>> -> memref<1x64xf32, #tpu.memory_space<hbm>>
      %dma_start3A_72 = tpu.memref_squeeze %dma_start3A_71 : memref<1x64xf32, #tpu.memory_space<hbm>> -> memref<64xf32, #tpu.memory_space<hbm>>
      tpu.enqueue_dma source(%dma_start3A_72 : memref<64xf32, #tpu.memory_space<hbm>>) target(%dma_start3A_69 : memref<64xf32, #tpu.memory_space<vmem>>) target_semaphore(%dma_start3A_66 : memref<!tpu.dma_semaphore, #tpu.memory_space<semaphore_mem>>)
      %slice3A_73 = vector.extract_strided_slice %get3A_55 {offsets = [1], sizes = [1], strides = [1]} : vector<16xi32> to vector<1xi32>
      %squeeze3A_74 = vector.extract %slice3A_73[0] : i32 from vector<1xi32>
      %add3A_75 = arith.constant 1 : i32
      %add3A_76 = arith.addi %add3A_50, %add3A_75 : i32
      %dma_start3A_77 = arith.constant 2 : i32
      %dma_start3A_78 = arith.constant 2 : i32
      %dma_start3A_79 = arith.constant 0 : i32
      %dma_start3A_80 = tpu.memref_slice %arg6[%dma_start3A_77, %add3A_76, %dma_start3A_79] : memref<4x128x64xf32, #tpu.memory_space<vmem>> -> memref<1x1x64xf32, #tpu.memory_space<vmem>>
      %dma_start3A_81 = tpu.memref_squeeze %dma_start3A_80 : memref<1x1x64xf32, #tpu.memory_space<vmem>> -> memref<64xf32, #tpu.memory_space<vmem>>
      %dma_start3A_82 = arith.constant 0 : i32
      %dma_start3A_83 = tpu.memref_slice %arg2[%squeeze3A_74, %dma_start3A_82] : memref<1000000x64xf32, #tpu.memory_space<hbm>> -> memref<1x64xf32, #tpu.memory_space<hbm>>
      %dma_start3A_84 = tpu.memref_squeeze %dma_start3A_83 : memref<1x64xf32, #tpu.memory_space<hbm>> -> memref<64xf32, #tpu.memory_space<hbm>>
      %dma_start3A_85 = tpu.memref_slice %arg7[%dma_start3A_78] : memref<4x!tpu.dma_semaphore, #tpu.memory_space<semaphore_mem>> -> memref<1x!tpu.dma_semaphore, #tpu.memory_space<semaphore_mem>>
      %dma_start3A_86 = tpu.memref_squeeze %dma_start3A_85 : memref<1x!tpu.dma_semaphore, #tpu.memory_space<semaphore_mem>> -> memref<!tpu.dma_semaphore, #tpu.memory_space<semaphore_mem>>
      %dma_start3A_87 = arith.constant 0 : i32
      %dma_start3A_88 = tpu.memref_slice %arg6[%dma_start3A_77, %add3A_76, %dma_start3A_87] : memref<4x128x64xf32, #tpu.memory_space<vmem>> -> memref<1x1x64xf32, #tpu.memory_space<vmem>>
      %dma_start3A_89 = tpu.memref_squeeze %dma_start3A_88 : memref<1x1x64xf32, #tpu.memory_space<vmem>> -> memref<64xf32, #tpu.memory_space<vmem>>
      %dma_start3A_90 = arith.constant 0 : i32
      %dma_start3A_91 = tpu.memref_slice %arg2[%squeeze3A_74, %dma_start3A_90] : memref<1000000x64xf32, #tpu.memory_space<hbm>> -> memref<1x64xf32, #tpu.memory_space<hbm>>
      %dma_start3A_92 = tpu.memref_squeeze %dma_start3A_91 : memref<1x64xf32, #tpu.memory_space<hbm>> -> memref<64xf32, #tpu.memory_space<hbm>>
      tpu.enqueue_dma source(%dma_start3A_92 : memref<64xf32, #tpu.memory_space<hbm>>) target(%dma_start3A_89 : memref<64xf32, #tpu.memory_space<vmem>>) target_semaphore(%dma_start3A_86 : memref<!tpu.dma_semaphore, #tpu.memory_space<semaphore_mem>>)
      %slice3A_93 = vector.extract_strided_slice %get3A_55 {offsets = [2], sizes = [1], strides = [1]} : vector<16xi32> to vector<1xi32>
      %squeeze3A_94 = vector.extract %slice3A_93[0] : i32 from vector<1xi32>
      %add3A_95 = arith.constant 2 : i32
      %add3A_96 = arith.addi %add3A_50, %add3A_95 : i32
      %dma_start3A_97 = arith.constant 2 : i32
      %dma_start3A_98 = arith.constant 2 : i32
      %dma_start3A_99 = arith.constant 0 : i32
      %dma_start3A_100 = tpu.memref_slice %arg6[%dma_start3A_97, %add3A_96, %dma_start3A_99] : memref<4x128x64xf32, #tpu.memory_space<vmem>> -> memref<1x1x64xf32, #tpu.memory_space<vmem>>
      %dma_start3A_101 = tpu.memref_squeeze %dma_start3A_100 : memref<1x1x64xf32, #tpu.memory_space<vmem>> -> memref<64xf32, #tpu.memory_space<vmem>>
      %dma_start3A_102 = arith.constant 0 : i32
      %dma_start3A_103 = tpu.memref_slice %arg2[%squeeze3A_94, %dma_start3A_102] : memref<1000000x64xf32, #tpu.memory_space<hbm>> -> memref<1x64xf32, #tpu.memory_space<hbm>>
      %dma_start3A_104 = tpu.memref_squeeze %dma_start3A_103 : memref<1x64xf32, #tpu.memory_space<hbm>> -> memref<64xf32, #tpu.memory_space<hbm>>
      %dma_start3A_105 = tpu.memref_slice %arg7[%dma_start3A_98] : memref<4x!tpu.dma_semaphore, #tpu.memory_space<semaphore_mem>> -> memref<1x!tpu.dma_semaphore, #tpu.memory_space<semaphore_mem>>
      %dma_start3A_106 = tpu.memref_squeeze %dma_start3A_105 : memref<1x!tpu.dma_semaphore, #tpu.memory_space<semaphore_mem>> -> memref<!tpu.dma_semaphore, #tpu.memory_space<semaphore_mem>>
      %dma_start3A_107 = arith.constant 0 : i32
      %dma_start3A_108 = tpu.memref_slice %arg6[%dma_start3A_97, %add3A_96, %dma_start3A_107] : memref<4x128x64xf32, #tpu.memory_space<vmem>> -> memref<1x1x64xf32, #tpu.memory_space<vmem>>
      %dma_start3A_109 = tpu.memref_squeeze %dma_start3A_108 : memref<1x1x64xf32, #tpu.memory_space<vmem>> -> memref<64xf32, #tpu.memory_space<vmem>>
      %dma_start3A_110 = arith.constant 0 : i32
      %dma_start3A_111 = tpu.memref_slice %arg2[%squeeze3A_94, %dma_start3A_110] : memref<1000000x64xf32, #tpu.memory_space<hbm>> -> memref<1x64xf32, #tpu.memory_space<hbm>>
      %dma_start3A_112 = tpu.memref_squeeze %dma_start3A_111 : memref<1x64xf32, #tpu.memory_space<hbm>> -> memref<64xf32, #tpu.memory_space<hbm>>
      tpu.enqueue_dma source(%dma_start3A_112 : memref<64xf32, #tpu.memory_space<hbm>>) target(%dma_start3A_109 : memref<64xf32, #tpu.memory_space<vmem>>) target_semaphore(%dma_start3A_106 : memref<!tpu.dma_semaphore, #tpu.memory_space<semaphore_mem>>)
      %slice3A_113 = vector.extract_strided_slice %get3A_55 {offsets = [3], sizes = [1], strides = [1]} : vector<16xi32> to vector<1xi32>
      %squeeze3A_114 = vector.extract %slice3A_113[0] : i32 from vector<1xi32>
      %add3A_115 = arith.constant 3 : i32
      %add3A_116 = arith.addi %add3A_50, %add3A_115 : i32
      %dma_start3A_117 = arith.constant 2 : i32
      %dma_start3A_118 = arith.constant 2 : i32
      %dma_start3A_119 = arith.constant 0 : i32
      %dma_start3A_120 = tpu.memref_slice %arg6[%dma_start3A_117, %add3A_116, %dma_start3A_119] : memref<4x128x64xf32, #tpu.memory_space<vmem>> -> memref<1x1x64xf32, #tpu.memory_space<vmem>>
      %dma_start3A_121 = tpu.memref_squeeze %dma_start3A_120 : memref<1x1x64xf32, #tpu.memory_space<vmem>> -> memref<64xf32, #tpu.memory_space<vmem>>
      %dma_start3A_122 = arith.constant 0 : i32
      %dma_start3A_123 = tpu.memref_slice %arg2[%squeeze3A_114, %dma_start3A_122] : memref<1000000x64xf32, #tpu.memory_space<hbm>> -> memref<1x64xf32, #tpu.memory_space<hbm>>
      %dma_start3A_124 = tpu.memref_squeeze %dma_start3A_123 : memref<1x64xf32, #tpu.memory_space<hbm>> -> memref<64xf32, #tpu.memory_space<hbm>>
      %dma_start3A_125 = tpu.memref_slice %arg7[%dma_start3A_118] : memref<4x!tpu.dma_semaphore, #tpu.memory_space<semaphore_mem>> -> memref<1x!tpu.dma_semaphore, #tpu.memory_space<semaphore_mem>>
      %dma_start3A_126 = tpu.memref_squeeze %dma_start3A_125 : memref<1x!tpu.dma_semaphore, #tpu.memory_space<semaphore_mem>> -> memref<!tpu.dma_semaphore, #tpu.memory_space<semaphore_mem>>
      %dma_start3A_127 = arith.constant 0 : i32
      %dma_start3A_128 = tpu.memref_slice %arg6[%dma_start3A_117, %add3A_116, %dma_start3A_127] : memref<4x128x64xf32, #tpu.memory_space<vmem>> -> memref<1x1x64xf32, #tpu.memory_space<vmem>>
      %dma_start3A_129 = tpu.memref_squeeze %dma_start3A_128 : memref<1x1x64xf32, #tpu.memory_space<vmem>> -> memref<64xf32, #tpu.memory_space<vmem>>
      %dma_start3A_130 = arith.constant 0 : i32
      %dma_start3A_131 = tpu.memref_slice %arg2[%squeeze3A_114, %dma_start3A_130] : memref<1000000x64xf32, #tpu.memory_space<hbm>> -> memref<1x64xf32, #tpu.memory_space<hbm>>
      %dma_start3A_132 = tpu.memref_squeeze %dma_start3A_131 : memref<1x64xf32, #tpu.memory_space<hbm>> -> memref<64xf32, #tpu.memory_space<hbm>>
      tpu.enqueue_dma source(%dma_start3A_132 : memref<64xf32, #tpu.memory_space<hbm>>) target(%dma_start3A_129 : memref<64xf32, #tpu.memory_space<vmem>>) target_semaphore(%dma_start3A_126 : memref<!tpu.dma_semaphore, #tpu.memory_space<semaphore_mem>>)
      %slice3A_133 = vector.extract_strided_slice %get3A_55 {offsets = [4], sizes = [1], strides = [1]} : vector<16xi32> to vector<1xi32>
      %squeeze3A_134 = vector.extract %slice3A_133[0] : i32 from vector<1xi32>
      %add3A_135 = arith.constant 4 : i32
      %add3A_136 = arith.addi %add3A_50, %add3A_135 : i32
      %dma_start3A_137 = arith.constant 2 : i32
      %dma_start3A_138 = arith.constant 2 : i32
      %dma_start3A_139 = arith.constant 0 : i32
      %dma_start3A_140 = tpu.memref_slice %arg6[%dma_start3A_137, %add3A_136, %dma_start3A_139] : memref<4x128x64xf32, #tpu.memory_space<vmem>> -> memref<1x1x64xf32, #tpu.memory_space<vmem>>
      %dma_start3A_141 = tpu.memref_squeeze %dma_start3A_140 : memref<1x1x64xf32, #tpu.memory_space<vmem>> -> memref<64xf32, #tpu.memory_space<vmem>>
      %dma_start3A_142 = arith.constant 0 : i32
      %dma_start3A_143 = tpu.memref_slice %arg2[%squeeze3A_134, %dma_start3A_142] : memref<1000000x64xf32, #tpu.memory_space<hbm>> -> memref<1x64xf32, #tpu.memory_space<hbm>>
      %dma_start3A_144 = tpu.memref_squeeze %dma_start3A_143 : memref<1x64xf32, #tpu.memory_space<hbm>> -> memref<64xf32, #tpu.memory_space<hbm>>
      %dma_start3A_145 = tpu.memref_slice %arg7[%dma_start3A_138] : memref<4x!tpu.dma_semaphore, #tpu.memory_space<semaphore_mem>> -> memref<1x!tpu.dma_semaphore, #tpu.memory_space<semaphore_mem>>
      %dma_start3A_146 = tpu.memref_squeeze %dma_start3A_145 : memref<1x!tpu.dma_semaphore, #tpu.memory_space<semaphore_mem>> -> memref<!tpu.dma_semaphore, #tpu.memory_space<semaphore_mem>>
      %dma_start3A_147 = arith.constant 0 : i32
      %dma_start3A_148 = tpu.memref_slice %arg6[%dma_start3A_137, %add3A_136, %dma_start3A_147] : memref<4x128x64xf32, #tpu.memory_space<vmem>> -> memref<1x1x64xf32, #tpu.memory_space<vmem>>
      %dma_start3A_149 = tpu.memref_squeeze %dma_start3A_148 : memref<1x1x64xf32, #tpu.memory_space<vmem>> -> memref<64xf32, #tpu.memory_space<vmem>>
      %dma_start3A_150 = arith.constant 0 : i32
      %dma_start3A_151 = tpu.memref_slice %arg2[%squeeze3A_134, %dma_start3A_150] : memref<1000000x64xf32, #tpu.memory_space<hbm>> -> memref<1x64xf32, #tpu.memory_space<hbm>>
      %dma_start3A_152 = tpu.memref_squeeze %dma_start3A_151 : memref<1x64xf32, #tpu.memory_space<hbm>> -> memref<64xf32, #tpu.memory_space<hbm>>
      tpu.enqueue_dma source(%dma_start3A_152 : memref<64xf32, #tpu.memory_space<hbm>>) target(%dma_start3A_149 : memref<64xf32, #tpu.memory_space<vmem>>) target_semaphore(%dma_start3A_146 : memref<!tpu.dma_semaphore, #tpu.memory_space<semaphore_mem>>)
      %slice3A_153 = vector.extract_strided_slice %get3A_55 {offsets = [5], sizes = [1], strides = [1]} : vector<16xi32> to vector<1xi32>
      %squeeze3A_154 = vector.extract %slice3A_153[0] : i32 from vector<1xi32>
      %add3A_155 = arith.constant 5 : i32
      %add3A_156 = arith.addi %add3A_50, %add3A_155 : i32
      %dma_start3A_157 = arith.constant 2 : i32
      %dma_start3A_158 = arith.constant 2 : i32
      %dma_start3A_159 = arith.constant 0 : i32
      %dma_start3A_160 = tpu.memref_slice %arg6[%dma_start3A_157, %add3A_156, %dma_start3A_159] : memref<4x128x64xf32, #tpu.memory_space<vmem>> -> memref<1x1x64xf32, #tpu.memory_space<vmem>>
      %dma_start3A_161 = tpu.memref_squeeze %dma_start3A_160 : memref<1x1x64xf32, #tpu.memory_space<vmem>> -> memref<64xf32, #tpu.memory_space<vmem>>
      %dma_start3A_162 = arith.constant 0 : i32
      %dma_start3A_163 = tpu.memref_slice %arg2[%squeeze3A_154, %dma_start3A_162] : memref<1000000x64xf32, #tpu.memory_space<hbm>> -> memref<1x64xf32, #tpu.memory_space<hbm>>
      %dma_start3A_164 = tpu.memref_squeeze %dma_start3A_163 : memref<1x64xf32, #tpu.memory_space<hbm>> -> memref<64xf32, #tpu.memory_space<hbm>>
      %dma_start3A_165 = tpu.memref_slice %arg7[%dma_start3A_158] : memref<4x!tpu.dma_semaphore, #tpu.memory_space<semaphore_mem>> -> memref<1x!tpu.dma_semaphore, #tpu.memory_space<semaphore_mem>>
      %dma_start3A_166 = tpu.memref_squeeze %dma_start3A_165 : memref<1x!tpu.dma_semaphore, #tpu.memory_space<semaphore_mem>> -> memref<!tpu.dma_semaphore, #tpu.memory_space<semaphore_mem>>
      %dma_start3A_167 = arith.constant 0 : i32
      %dma_start3A_168 = tpu.memref_slice %arg6[%dma_start3A_157, %add3A_156, %dma_start3A_167] : memref<4x128x64xf32, #tpu.memory_space<vmem>> -> memref<1x1x64xf32, #tpu.memory_space<vmem>>
      %dma_start3A_169 = tpu.memref_squeeze %dma_start3A_168 : memref<1x1x64xf32, #tpu.memory_space<vmem>> -> memref<64xf32, #tpu.memory_space<vmem>>
      %dma_start3A_170 = arith.constant 0 : i32
      %dma_start3A_171 = tpu.memref_slice %arg2[%squeeze3A_154, %dma_start3A_170] : memref<1000000x64xf32, #tpu.memory_space<hbm>> -> memref<1x64xf32, #tpu.memory_space<hbm>>
      %dma_start3A_172 = tpu.memref_squeeze %dma_start3A_171 : memref<1x64xf32, #tpu.memory_space<hbm>> -> memref<64xf32, #tpu.memory_space<hbm>>
      tpu.enqueue_dma source(%dma_start3A_172 : memref<64xf32, #tpu.memory_space<hbm>>) target(%dma_start3A_169 : memref<64xf32, #tpu.memory_space<vmem>>) target_semaphore(%dma_start3A_166 : memref<!tpu.dma_semaphore, #tpu.memory_space<semaphore_mem>>)
      %slice3A_173 = vector.extract_strided_slice %get3A_55 {offsets = [6], sizes = [1], strides = [1]} : vector<16xi32> to vector<1xi32>
      %squeeze3A_174 = vector.extract %slice3A_173[0] : i32 from vector<1xi32>
      %add3A_175 = arith.constant 6 : i32
      %add3A_176 = arith.addi %add3A_50, %add3A_175 : i32
      %dma_start3A_177 = arith.constant 2 : i32
      %dma_start3A_178 = arith.constant 2 : i32
      %dma_start3A_179 = arith.constant 0 : i32
      %dma_start3A_180 = tpu.memref_slice %arg6[%dma_start3A_177, %add3A_176, %dma_start3A_179] : memref<4x128x64xf32, #tpu.memory_space<vmem>> -> memref<1x1x64xf32, #tpu.memory_space<vmem>>
      %dma_start3A_181 = tpu.memref_squeeze %dma_start3A_180 : memref<1x1x64xf32, #tpu.memory_space<vmem>> -> memref<64xf32, #tpu.memory_space<vmem>>
      %dma_start3A_182 = arith.constant 0 : i32
      %dma_start3A_183 = tpu.memref_slice %arg2[%squeeze3A_174, %dma_start3A_182] : memref<1000000x64xf32, #tpu.memory_space<hbm>> -> memref<1x64xf32, #tpu.memory_space<hbm>>
      %dma_start3A_184 = tpu.memref_squeeze %dma_start3A_183 : memref<1x64xf32, #tpu.memory_space<hbm>> -> memref<64xf32, #tpu.memory_space<hbm>>
      %dma_start3A_185 = tpu.memref_slice %arg7[%dma_start3A_178] : memref<4x!tpu.dma_semaphore, #tpu.memory_space<semaphore_mem>> -> memref<1x!tpu.dma_semaphore, #tpu.memory_space<semaphore_mem>>
      %dma_start3A_186 = tpu.memref_squeeze %dma_start3A_185 : memref<1x!tpu.dma_semaphore, #tpu.memory_space<semaphore_mem>> -> memref<!tpu.dma_semaphore, #tpu.memory_space<semaphore_mem>>
      %dma_start3A_187 = arith.constant 0 : i32
      %dma_start3A_188 = tpu.memref_slice %arg6[%dma_start3A_177, %add3A_176, %dma_start3A_187] : memref<4x128x64xf32, #tpu.memory_space<vmem>> -> memref<1x1x64xf32, #tpu.memory_space<vmem>>
      %dma_start3A_189 = tpu.memref_squeeze %dma_start3A_188 : memref<1x1x64xf32, #tpu.memory_space<vmem>> -> memref<64xf32, #tpu.memory_space<vmem>>
      %dma_start3A_190 = arith.constant 0 : i32
      %dma_start3A_191 = tpu.memref_slice %arg2[%squeeze3A_174, %dma_start3A_190] : memref<1000000x64xf32, #tpu.memory_space<hbm>> -> memref<1x64xf32, #tpu.memory_space<hbm>>
      %dma_start3A_192 = tpu.memref_squeeze %dma_start3A_191 : memref<1x64xf32, #tpu.memory_space<hbm>> -> memref<64xf32, #tpu.memory_space<hbm>>
      tpu.enqueue_dma source(%dma_start3A_192 : memref<64xf32, #tpu.memory_space<hbm>>) target(%dma_start3A_189 : memref<64xf32, #tpu.memory_space<vmem>>) target_semaphore(%dma_start3A_186 : memref<!tpu.dma_semaphore, #tpu.memory_space<semaphore_mem>>)
      %slice3A_193 = vector.extract_strided_slice %get3A_55 {offsets = [7], sizes = [1], strides = [1]} : vector<16xi32> to vector<1xi32>
      %squeeze3A_194 = vector.extract %slice3A_193[0] : i32 from vector<1xi32>
      %add3A_195 = arith.constant 7 : i32
      %add3A_196 = arith.addi %add3A_50, %add3A_195 : i32
      %dma_start3A_197 = arith.constant 2 : i32
      %dma_start3A_198 = arith.constant 2 : i32
      %dma_start3A_199 = arith.constant 0 : i32
      %dma_start3A_200 = tpu.memref_slice %arg6[%dma_start3A_197, %add3A_196, %dma_start3A_199] : memref<4x128x64xf32, #tpu.memory_space<vmem>> -> memref<1x1x64xf32, #tpu.memory_space<vmem>>
      %dma_start3A_201 = tpu.memref_squeeze %dma_start3A_200 : memref<1x1x64xf32, #tpu.memory_space<vmem>> -> memref<64xf32, #tpu.memory_space<vmem>>
      %dma_start3A_202 = arith.constant 0 : i32
      %dma_start3A_203 = tpu.memref_slice %arg2[%squeeze3A_194, %dma_start3A_202] : memref<1000000x64xf32, #tpu.memory_space<hbm>> -> memref<1x64xf32, #tpu.memory_space<hbm>>
      %dma_start3A_204 = tpu.memref_squeeze %dma_start3A_203 : memref<1x64xf32, #tpu.memory_space<hbm>> -> memref<64xf32, #tpu.memory_space<hbm>>
      %dma_start3A_205 = tpu.memref_slice %arg7[%dma_start3A_198] : memref<4x!tpu.dma_semaphore, #tpu.memory_space<semaphore_mem>> -> memref<1x!tpu.dma_semaphore, #tpu.memory_space<semaphore_mem>>
      %dma_start3A_206 = tpu.memref_squeeze %dma_start3A_205 : memref<1x!tpu.dma_semaphore, #tpu.memory_space<semaphore_mem>> -> memref<!tpu.dma_semaphore, #tpu.memory_space<semaphore_mem>>
      %dma_start3A_207 = arith.constant 0 : i32
      %dma_start3A_208 = tpu.memref_slice %arg6[%dma_start3A_197, %add3A_196, %dma_start3A_207] : memref<4x128x64xf32, #tpu.memory_space<vmem>> -> memref<1x1x64xf32, #tpu.memory_space<vmem>>
      %dma_start3A_209 = tpu.memref_squeeze %dma_start3A_208 : memref<1x1x64xf32, #tpu.memory_space<vmem>> -> memref<64xf32, #tpu.memory_space<vmem>>
      %dma_start3A_210 = arith.constant 0 : i32
      %dma_start3A_211 = tpu.memref_slice %arg2[%squeeze3A_194, %dma_start3A_210] : memref<1000000x64xf32, #tpu.memory_space<hbm>> -> memref<1x64xf32, #tpu.memory_space<hbm>>
      %dma_start3A_212 = tpu.memref_squeeze %dma_start3A_211 : memref<1x64xf32, #tpu.memory_space<hbm>> -> memref<64xf32, #tpu.memory_space<hbm>>
      tpu.enqueue_dma source(%dma_start3A_212 : memref<64xf32, #tpu.memory_space<hbm>>) target(%dma_start3A_209 : memref<64xf32, #tpu.memory_space<vmem>>) target_semaphore(%dma_start3A_206 : memref<!tpu.dma_semaphore, #tpu.memory_space<semaphore_mem>>)
      %slice3A_213 = vector.extract_strided_slice %get3A_55 {offsets = [8], sizes = [1], strides = [1]} : vector<16xi32> to vector<1xi32>
      %squeeze3A_214 = vector.extract %slice3A_213[0] : i32 from vector<1xi32>
      %add3A_215 = arith.constant 8 : i32
      %add3A_216 = arith.addi %add3A_50, %add3A_215 : i32
      %dma_start3A_217 = arith.constant 2 : i32
      %dma_start3A_218 = arith.constant 2 : i32
      %dma_start3A_219 = arith.constant 0 : i32
      %dma_start3A_220 = tpu.memref_slice %arg6[%dma_start3A_217, %add3A_216, %dma_start3A_219] : memref<4x128x64xf32, #tpu.memory_space<vmem>> -> memref<1x1x64xf32, #tpu.memory_space<vmem>>
      %dma_start3A_221 = tpu.memref_squeeze %dma_start3A_220 : memref<1x1x64xf32, #tpu.memory_space<vmem>> -> memref<64xf32, #tpu.memory_space<vmem>>
      %dma_start3A_222 = arith.constant 0 : i32
      %dma_start3A_223 = tpu.memref_slice %arg2[%squeeze3A_214, %dma_start3A_222] : memref<1000000x64xf32, #tpu.memory_space<hbm>> -> memref<1x64xf32, #tpu.memory_space<hbm>>
      %dma_start3A_224 = tpu.memref_squeeze %dma_start3A_223 : memref<1x64xf32, #tpu.memory_space<hbm>> -> memref<64xf32, #tpu.memory_space<hbm>>
      %dma_start3A_225 = tpu.memref_slice %arg7[%dma_start3A_218] : memref<4x!tpu.dma_semaphore, #tpu.memory_space<semaphore_mem>> -> memref<1x!tpu.dma_semaphore, #tpu.memory_space<semaphore_mem>>
      %dma_start3A_226 = tpu.memref_squeeze %dma_start3A_225 : memref<1x!tpu.dma_semaphore, #tpu.memory_space<semaphore_mem>> -> memref<!tpu.dma_semaphore, #tpu.memory_space<semaphore_mem>>
      %dma_start3A_227 = arith.constant 0 : i32
      %dma_start3A_228 = tpu.memref_slice %arg6[%dma_start3A_217, %add3A_216, %dma_start3A_227] : memref<4x128x64xf32, #tpu.memory_space<vmem>> -> memref<1x1x64xf32, #tpu.memory_space<vmem>>
      %dma_start3A_229 = tpu.memref_squeeze %dma_start3A_228 : memref<1x1x64xf32, #tpu.memory_space<vmem>> -> memref<64xf32, #tpu.memory_space<vmem>>
      %dma_start3A_230 = arith.constant 0 : i32
      %dma_start3A_231 = tpu.memref_slice %arg2[%squeeze3A_214, %dma_start3A_230] : memref<1000000x64xf32, #tpu.memory_space<hbm>> -> memref<1x64xf32, #tpu.memory_space<hbm>>
      %dma_start3A_232 = tpu.memref_squeeze %dma_start3A_231 : memref<1x64xf32, #tpu.memory_space<hbm>> -> memref<64xf32, #tpu.memory_space<hbm>>
      tpu.enqueue_dma source(%dma_start3A_232 : memref<64xf32, #tpu.memory_space<hbm>>) target(%dma_start3A_229 : memref<64xf32, #tpu.memory_space<vmem>>) target_semaphore(%dma_start3A_226 : memref<!tpu.dma_semaphore, #tpu.memory_space<semaphore_mem>>)
      %slice3A_233 = vector.extract_strided_slice %get3A_55 {offsets = [9], sizes = [1], strides = [1]} : vector<16xi32> to vector<1xi32>
      %squeeze3A_234 = vector.extract %slice3A_233[0] : i32 from vector<1xi32>
      %add3A_235 = arith.constant 9 : i32
      %add3A_236 = arith.addi %add3A_50, %add3A_235 : i32
      %dma_start3A_237 = arith.constant 2 : i32
      %dma_start3A_238 = arith.constant 2 : i32
      %dma_start3A_239 = arith.constant 0 : i32
      %dma_start3A_240 = tpu.memref_slice %arg6[%dma_start3A_237, %add3A_236, %dma_start3A_239] : memref<4x128x64xf32, #tpu.memory_space<vmem>> -> memref<1x1x64xf32, #tpu.memory_space<vmem>>
      %dma_start3A_241 = tpu.memref_squeeze %dma_start3A_240 : memref<1x1x64xf32, #tpu.memory_space<vmem>> -> memref<64xf32, #tpu.memory_space<vmem>>
      %dma_start3A_242 = arith.constant 0 : i32
      %dma_start3A_243 = tpu.memref_slice %arg2[%squeeze3A_234, %dma_start3A_242] : memref<1000000x64xf32, #tpu.memory_space<hbm>> -> memref<1x64xf32, #tpu.memory_space<hbm>>
      %dma_start3A_244 = tpu.memref_squeeze %dma_start3A_243 : memref<1x64xf32, #tpu.memory_space<hbm>> -> memref<64xf32, #tpu.memory_space<hbm>>
      %dma_start3A_245 = tpu.memref_slice %arg7[%dma_start3A_238] : memref<4x!tpu.dma_semaphore, #tpu.memory_space<semaphore_mem>> -> memref<1x!tpu.dma_semaphore, #tpu.memory_space<semaphore_mem>>
      %dma_start3A_246 = tpu.memref_squeeze %dma_start3A_245 : memref<1x!tpu.dma_semaphore, #tpu.memory_space<semaphore_mem>> -> memref<!tpu.dma_semaphore, #tpu.memory_space<semaphore_mem>>
      %dma_start3A_247 = arith.constant 0 : i32
      %dma_start3A_248 = tpu.memref_slice %arg6[%dma_start3A_237, %add3A_236, %dma_start3A_247] : memref<4x128x64xf32, #tpu.memory_space<vmem>> -> memref<1x1x64xf32, #tpu.memory_space<vmem>>
      %dma_start3A_249 = tpu.memref_squeeze %dma_start3A_248 : memref<1x1x64xf32, #tpu.memory_space<vmem>> -> memref<64xf32, #tpu.memory_space<vmem>>
      %dma_start3A_250 = arith.constant 0 : i32
      %dma_start3A_251 = tpu.memref_slice %arg2[%squeeze3A_234, %dma_start3A_250] : memref<1000000x64xf32, #tpu.memory_space<hbm>> -> memref<1x64xf32, #tpu.memory_space<hbm>>
      %dma_start3A_252 = tpu.memref_squeeze %dma_start3A_251 : memref<1x64xf32, #tpu.memory_space<hbm>> -> memref<64xf32, #tpu.memory_space<hbm>>
      tpu.enqueue_dma source(%dma_start3A_252 : memref<64xf32, #tpu.memory_space<hbm>>) target(%dma_start3A_249 : memref<64xf32, #tpu.memory_space<vmem>>) target_semaphore(%dma_start3A_246 : memref<!tpu.dma_semaphore, #tpu.memory_space<semaphore_mem>>)
      %slice3A_253 = vector.extract_strided_slice %get3A_55 {offsets = [10], sizes = [1], strides = [1]} : vector<16xi32> to vector<1xi32>
      %squeeze3A_254 = vector.extract %slice3A_253[0] : i32 from vector<1xi32>
      %add3A_255 = arith.constant 10 : i32
      %add3A_256 = arith.addi %add3A_50, %add3A_255 : i32
      %dma_start3A_257 = arith.constant 2 : i32
      %dma_start3A_258 = arith.constant 2 : i32
      %dma_start3A_259 = arith.constant 0 : i32
      %dma_start3A_260 = tpu.memref_slice %arg6[%dma_start3A_257, %add3A_256, %dma_start3A_259] : memref<4x128x64xf32, #tpu.memory_space<vmem>> -> memref<1x1x64xf32, #tpu.memory_space<vmem>>
      %dma_start3A_261 = tpu.memref_squeeze %dma_start3A_260 : memref<1x1x64xf32, #tpu.memory_space<vmem>> -> memref<64xf32, #tpu.memory_space<vmem>>
      %dma_start3A_262 = arith.constant 0 : i32
      %dma_start3A_263 = tpu.memref_slice %arg2[%squeeze3A_254, %dma_start3A_262] : memref<1000000x64xf32, #tpu.memory_space<hbm>> -> memref<1x64xf32, #tpu.memory_space<hbm>>
      %dma_start3A_264 = tpu.memref_squeeze %dma_start3A_263 : memref<1x64xf32, #tpu.memory_space<hbm>> -> memref<64xf32, #tpu.memory_space<hbm>>
      %dma_start3A_265 = tpu.memref_slice %arg7[%dma_start3A_258] : memref<4x!tpu.dma_semaphore, #tpu.memory_space<semaphore_mem>> -> memref<1x!tpu.dma_semaphore, #tpu.memory_space<semaphore_mem>>
      %dma_start3A_266 = tpu.memref_squeeze %dma_start3A_265 : memref<1x!tpu.dma_semaphore, #tpu.memory_space<semaphore_mem>> -> memref<!tpu.dma_semaphore, #tpu.memory_space<semaphore_mem>>
      %dma_start3A_267 = arith.constant 0 : i32
      %dma_start3A_268 = tpu.memref_slice %arg6[%dma_start3A_257, %add3A_256, %dma_start3A_267] : memref<4x128x64xf32, #tpu.memory_space<vmem>> -> memref<1x1x64xf32, #tpu.memory_space<vmem>>
      %dma_start3A_269 = tpu.memref_squeeze %dma_start3A_268 : memref<1x1x64xf32, #tpu.memory_space<vmem>> -> memref<64xf32, #tpu.memory_space<vmem>>
      %dma_start3A_270 = arith.constant 0 : i32
      %dma_start3A_271 = tpu.memref_slice %arg2[%squeeze3A_254, %dma_start3A_270] : memref<1000000x64xf32, #tpu.memory_space<hbm>> -> memref<1x64xf32, #tpu.memory_space<hbm>>
      %dma_start3A_272 = tpu.memref_squeeze %dma_start3A_271 : memref<1x64xf32, #tpu.memory_space<hbm>> -> memref<64xf32, #tpu.memory_space<hbm>>
      tpu.enqueue_dma source(%dma_start3A_272 : memref<64xf32, #tpu.memory_space<hbm>>) target(%dma_start3A_269 : memref<64xf32, #tpu.memory_space<vmem>>) target_semaphore(%dma_start3A_266 : memref<!tpu.dma_semaphore, #tpu.memory_space<semaphore_mem>>)
      %slice3A_273 = vector.extract_strided_slice %get3A_55 {offsets = [11], sizes = [1], strides = [1]} : vector<16xi32> to vector<1xi32>
      %squeeze3A_274 = vector.extract %slice3A_273[0] : i32 from vector<1xi32>
      %add3A_275 = arith.constant 11 : i32
      %add3A_276 = arith.addi %add3A_50, %add3A_275 : i32
      %dma_start3A_277 = arith.constant 2 : i32
      %dma_start3A_278 = arith.constant 2 : i32
      %dma_start3A_279 = arith.constant 0 : i32
      %dma_start3A_280 = tpu.memref_slice %arg6[%dma_start3A_277, %add3A_276, %dma_start3A_279] : memref<4x128x64xf32, #tpu.memory_space<vmem>> -> memref<1x1x64xf32, #tpu.memory_space<vmem>>
      %dma_start3A_281 = tpu.memref_squeeze %dma_start3A_280 : memref<1x1x64xf32, #tpu.memory_space<vmem>> -> memref<64xf32, #tpu.memory_space<vmem>>
      %dma_start3A_282 = arith.constant 0 : i32
      %dma_start3A_283 = tpu.memref_slice %arg2[%squeeze3A_274, %dma_start3A_282] : memref<1000000x64xf32, #tpu.memory_space<hbm>> -> memref<1x64xf32, #tpu.memory_space<hbm>>
      %dma_start3A_284 = tpu.memref_squeeze %dma_start3A_283 : memref<1x64xf32, #tpu.memory_space<hbm>> -> memref<64xf32, #tpu.memory_space<hbm>>
      %dma_start3A_285 = tpu.memref_slice %arg7[%dma_start3A_278] : memref<4x!tpu.dma_semaphore, #tpu.memory_space<semaphore_mem>> -> memref<1x!tpu.dma_semaphore, #tpu.memory_space<semaphore_mem>>
      %dma_start3A_286 = tpu.memref_squeeze %dma_start3A_285 : memref<1x!tpu.dma_semaphore, #tpu.memory_space<semaphore_mem>> -> memref<!tpu.dma_semaphore, #tpu.memory_space<semaphore_mem>>
      %dma_start3A_287 = arith.constant 0 : i32
      %dma_start3A_288 = tpu.memref_slice %arg6[%dma_start3A_277, %add3A_276, %dma_start3A_287] : memref<4x128x64xf32, #tpu.memory_space<vmem>> -> memref<1x1x64xf32, #tpu.memory_space<vmem>>
      %dma_start3A_289 = tpu.memref_squeeze %dma_start3A_288 : memref<1x1x64xf32, #tpu.memory_space<vmem>> -> memref<64xf32, #tpu.memory_space<vmem>>
      %dma_start3A_290 = arith.constant 0 : i32
      %dma_start3A_291 = tpu.memref_slice %arg2[%squeeze3A_274, %dma_start3A_290] : memref<1000000x64xf32, #tpu.memory_space<hbm>> -> memref<1x64xf32, #tpu.memory_space<hbm>>
      %dma_start3A_292 = tpu.memref_squeeze %dma_start3A_291 : memref<1x64xf32, #tpu.memory_space<hbm>> -> memref<64xf32, #tpu.memory_space<hbm>>
      tpu.enqueue_dma source(%dma_start3A_292 : memref<64xf32, #tpu.memory_space<hbm>>) target(%dma_start3A_289 : memref<64xf32, #tpu.memory_space<vmem>>) target_semaphore(%dma_start3A_286 : memref<!tpu.dma_semaphore, #tpu.memory_space<semaphore_mem>>)
      %slice3A_293 = vector.extract_strided_slice %get3A_55 {offsets = [12], sizes = [1], strides = [1]} : vector<16xi32> to vector<1xi32>
      %squeeze3A_294 = vector.extract %slice3A_293[0] : i32 from vector<1xi32>
      %add3A_295 = arith.constant 12 : i32
      %add3A_296 = arith.addi %add3A_50, %add3A_295 : i32
      %dma_start3A_297 = arith.constant 2 : i32
      %dma_start3A_298 = arith.constant 2 : i32
      %dma_start3A_299 = arith.constant 0 : i32
      %dma_start3A_300 = tpu.memref_slice %arg6[%dma_start3A_297, %add3A_296, %dma_start3A_299] : memref<4x128x64xf32, #tpu.memory_space<vmem>> -> memref<1x1x64xf32, #tpu.memory_space<vmem>>
      %dma_start3A_301 = tpu.memref_squeeze %dma_start3A_300 : memref<1x1x64xf32, #tpu.memory_space<vmem>> -> memref<64xf32, #tpu.memory_space<vmem>>
      %dma_start3A_302 = arith.constant 0 : i32
      %dma_start3A_303 = tpu.memref_slice %arg2[%squeeze3A_294, %dma_start3A_302] : memref<1000000x64xf32, #tpu.memory_space<hbm>> -> memref<1x64xf32, #tpu.memory_space<hbm>>
      %dma_start3A_304 = tpu.memref_squeeze %dma_start3A_303 : memref<1x64xf32, #tpu.memory_space<hbm>> -> memref<64xf32, #tpu.memory_space<hbm>>
      %dma_start3A_305 = tpu.memref_slice %arg7[%dma_start3A_298] : memref<4x!tpu.dma_semaphore, #tpu.memory_space<semaphore_mem>> -> memref<1x!tpu.dma_semaphore, #tpu.memory_space<semaphore_mem>>
      %dma_start3A_306 = tpu.memref_squeeze %dma_start3A_305 : memref<1x!tpu.dma_semaphore, #tpu.memory_space<semaphore_mem>> -> memref<!tpu.dma_semaphore, #tpu.memory_space<semaphore_mem>>
      %dma_start3A_307 = arith.constant 0 : i32
      %dma_start3A_308 = tpu.memref_slice %arg6[%dma_start3A_297, %add3A_296, %dma_start3A_307] : memref<4x128x64xf32, #tpu.memory_space<vmem>> -> memref<1x1x64xf32, #tpu.memory_space<vmem>>
      %dma_start3A_309 = tpu.memref_squeeze %dma_start3A_308 : memref<1x1x64xf32, #tpu.memory_space<vmem>> -> memref<64xf32, #tpu.memory_space<vmem>>
      %dma_start3A_310 = arith.constant 0 : i32
      %dma_start3A_311 = tpu.memref_slice %arg2[%squeeze3A_294, %dma_start3A_310] : memref<1000000x64xf32, #tpu.memory_space<hbm>> -> memref<1x64xf32, #tpu.memory_space<hbm>>
      %dma_start3A_312 = tpu.memref_squeeze %dma_start3A_311 : memref<1x64xf32, #tpu.memory_space<hbm>> -> memref<64xf32, #tpu.memory_space<hbm>>
      tpu.enqueue_dma source(%dma_start3A_312 : memref<64xf32, #tpu.memory_space<hbm>>) target(%dma_start3A_309 : memref<64xf32, #tpu.memory_space<vmem>>) target_semaphore(%dma_start3A_306 : memref<!tpu.dma_semaphore, #tpu.memory_space<semaphore_mem>>)
      %slice3A_313 = vector.extract_strided_slice %get3A_55 {offsets = [13], sizes = [1], strides = [1]} : vector<16xi32> to vector<1xi32>
      %squeeze3A_314 = vector.extract %slice3A_313[0] : i32 from vector<1xi32>
      %add3A_315 = arith.constant 13 : i32
      %add3A_316 = arith.addi %add3A_50, %add3A_315 : i32
      %dma_start3A_317 = arith.constant 2 : i32
      %dma_start3A_318 = arith.constant 2 : i32
      %dma_start3A_319 = arith.constant 0 : i32
      %dma_start3A_320 = tpu.memref_slice %arg6[%dma_start3A_317, %add3A_316, %dma_start3A_319] : memref<4x128x64xf32, #tpu.memory_space<vmem>> -> memref<1x1x64xf32, #tpu.memory_space<vmem>>
      %dma_start3A_321 = tpu.memref_squeeze %dma_start3A_320 : memref<1x1x64xf32, #tpu.memory_space<vmem>> -> memref<64xf32, #tpu.memory_space<vmem>>
      %dma_start3A_322 = arith.constant 0 : i32
      %dma_start3A_323 = tpu.memref_slice %arg2[%squeeze3A_314, %dma_start3A_322] : memref<1000000x64xf32, #tpu.memory_space<hbm>> -> memref<1x64xf32, #tpu.memory_space<hbm>>
      %dma_start3A_324 = tpu.memref_squeeze %dma_start3A_323 : memref<1x64xf32, #tpu.memory_space<hbm>> -> memref<64xf32, #tpu.memory_space<hbm>>
      %dma_start3A_325 = tpu.memref_slice %arg7[%dma_start3A_318] : memref<4x!tpu.dma_semaphore, #tpu.memory_space<semaphore_mem>> -> memref<1x!tpu.dma_semaphore, #tpu.memory_space<semaphore_mem>>
      %dma_start3A_326 = tpu.memref_squeeze %dma_start3A_325 : memref<1x!tpu.dma_semaphore, #tpu.memory_space<semaphore_mem>> -> memref<!tpu.dma_semaphore, #tpu.memory_space<semaphore_mem>>
      %dma_start3A_327 = arith.constant 0 : i32
      %dma_start3A_328 = tpu.memref_slice %arg6[%dma_start3A_317, %add3A_316, %dma_start3A_327] : memref<4x128x64xf32, #tpu.memory_space<vmem>> -> memref<1x1x64xf32, #tpu.memory_space<vmem>>
      %dma_start3A_329 = tpu.memref_squeeze %dma_start3A_328 : memref<1x1x64xf32, #tpu.memory_space<vmem>> -> memref<64xf32, #tpu.memory_space<vmem>>
      %dma_start3A_330 = arith.constant 0 : i32
      %dma_start3A_331 = tpu.memref_slice %arg2[%squeeze3A_314, %dma_start3A_330] : memref<1000000x64xf32, #tpu.memory_space<hbm>> -> memref<1x64xf32, #tpu.memory_space<hbm>>
      %dma_start3A_332 = tpu.memref_squeeze %dma_start3A_331 : memref<1x64xf32, #tpu.memory_space<hbm>> -> memref<64xf32, #tpu.memory_space<hbm>>
      tpu.enqueue_dma source(%dma_start3A_332 : memref<64xf32, #tpu.memory_space<hbm>>) target(%dma_start3A_329 : memref<64xf32, #tpu.memory_space<vmem>>) target_semaphore(%dma_start3A_326 : memref<!tpu.dma_semaphore, #tpu.memory_space<semaphore_mem>>)
      %slice3A_333 = vector.extract_strided_slice %get3A_55 {offsets = [14], sizes = [1], strides = [1]} : vector<16xi32> to vector<1xi32>
      %squeeze3A_334 = vector.extract %slice3A_333[0] : i32 from vector<1xi32>
      %add3A_335 = arith.constant 14 : i32
      %add3A_336 = arith.addi %add3A_50, %add3A_335 : i32
      %dma_start3A_337 = arith.constant 2 : i32
      %dma_start3A_338 = arith.constant 2 : i32
      %dma_start3A_339 = arith.constant 0 : i32
      %dma_start3A_340 = tpu.memref_slice %arg6[%dma_start3A_337, %add3A_336, %dma_start3A_339] : memref<4x128x64xf32, #tpu.memory_space<vmem>> -> memref<1x1x64xf32, #tpu.memory_space<vmem>>
      %dma_start3A_341 = tpu.memref_squeeze %dma_start3A_340 : memref<1x1x64xf32, #tpu.memory_space<vmem>> -> memref<64xf32, #tpu.memory_space<vmem>>
      %dma_start3A_342 = arith.constant 0 : i32
      %dma_start3A_343 = tpu.memref_slice %arg2[%squeeze3A_334, %dma_start3A_342] : memref<1000000x64xf32, #tpu.memory_space<hbm>> -> memref<1x64xf32, #tpu.memory_space<hbm>>
      %dma_start3A_344 = tpu.memref_squeeze %dma_start3A_343 : memref<1x64xf32, #tpu.memory_space<hbm>> -> memref<64xf32, #tpu.memory_space<hbm>>
      %dma_start3A_345 = tpu.memref_slice %arg7[%dma_start3A_338] : memref<4x!tpu.dma_semaphore, #tpu.memory_space<semaphore_mem>> -> memref<1x!tpu.dma_semaphore, #tpu.memory_space<semaphore_mem>>
      %dma_start3A_346 = tpu.memref_squeeze %dma_start3A_345 : memref<1x!tpu.dma_semaphore, #tpu.memory_space<semaphore_mem>> -> memref<!tpu.dma_semaphore, #tpu.memory_space<semaphore_mem>>
      %dma_start3A_347 = arith.constant 0 : i32
      %dma_start3A_348 = tpu.memref_slice %arg6[%dma_start3A_337, %add3A_336, %dma_start3A_347] : memref<4x128x64xf32, #tpu.memory_space<vmem>> -> memref<1x1x64xf32, #tpu.memory_space<vmem>>
      %dma_start3A_349 = tpu.memref_squeeze %dma_start3A_348 : memref<1x1x64xf32, #tpu.memory_space<vmem>> -> memref<64xf32, #tpu.memory_space<vmem>>
      %dma_start3A_350 = arith.constant 0 : i32
      %dma_start3A_351 = tpu.memref_slice %arg2[%squeeze3A_334, %dma_start3A_350] : memref<1000000x64xf32, #tpu.memory_space<hbm>> -> memref<1x64xf32, #tpu.memory_space<hbm>>
      %dma_start3A_352 = tpu.memref_squeeze %dma_start3A_351 : memref<1x64xf32, #tpu.memory_space<hbm>> -> memref<64xf32, #tpu.memory_space<hbm>>
      tpu.enqueue_dma source(%dma_start3A_352 : memref<64xf32, #tpu.memory_space<hbm>>) target(%dma_start3A_349 : memref<64xf32, #tpu.memory_space<vmem>>) target_semaphore(%dma_start3A_346 : memref<!tpu.dma_semaphore, #tpu.memory_space<semaphore_mem>>)
      %slice3A_353 = vector.extract_strided_slice %get3A_55 {offsets = [15], sizes = [1], strides = [1]} : vector<16xi32> to vector<1xi32>
      %squeeze3A_354 = vector.extract %slice3A_353[0] : i32 from vector<1xi32>
      %add3A_355 = arith.constant 15 : i32
      %add3A_356 = arith.addi %add3A_50, %add3A_355 : i32
      %dma_start3A_357 = arith.constant 2 : i32
      %dma_start3A_358 = arith.constant 2 : i32
      %dma_start3A_359 = arith.constant 0 : i32
      %dma_start3A_360 = tpu.memref_slice %arg6[%dma_start3A_357, %add3A_356, %dma_start3A_359] : memref<4x128x64xf32, #tpu.memory_space<vmem>> -> memref<1x1x64xf32, #tpu.memory_space<vmem>>
      %dma_start3A_361 = tpu.memref_squeeze %dma_start3A_360 : memref<1x1x64xf32, #tpu.memory_space<vmem>> -> memref<64xf32, #tpu.memory_space<vmem>>
      %dma_start3A_362 = arith.constant 0 : i32
      %dma_start3A_363 = tpu.memref_slice %arg2[%squeeze3A_354, %dma_start3A_362] : memref<1000000x64xf32, #tpu.memory_space<hbm>> -> memref<1x64xf32, #tpu.memory_space<hbm>>
      %dma_start3A_364 = tpu.memref_squeeze %dma_start3A_363 : memref<1x64xf32, #tpu.memory_space<hbm>> -> memref<64xf32, #tpu.memory_space<hbm>>
      %dma_start3A_365 = tpu.memref_slice %arg7[%dma_start3A_358] : memref<4x!tpu.dma_semaphore, #tpu.memory_space<semaphore_mem>> -> memref<1x!tpu.dma_semaphore, #tpu.memory_space<semaphore_mem>>
      %dma_start3A_366 = tpu.memref_squeeze %dma_start3A_365 : memref<1x!tpu.dma_semaphore, #tpu.memory_space<semaphore_mem>> -> memref<!tpu.dma_semaphore, #tpu.memory_space<semaphore_mem>>
      %dma_start3A_367 = arith.constant 0 : i32
      %dma_start3A_368 = tpu.memref_slice %arg6[%dma_start3A_357, %add3A_356, %dma_start3A_367] : memref<4x128x64xf32, #tpu.memory_space<vmem>> -> memref<1x1x64xf32, #tpu.memory_space<vmem>>
      %dma_start3A_369 = tpu.memref_squeeze %dma_start3A_368 : memref<1x1x64xf32, #tpu.memory_space<vmem>> -> memref<64xf32, #tpu.memory_space<vmem>>
      %dma_start3A_370 = arith.constant 0 : i32
      %dma_start3A_371 = tpu.memref_slice %arg2[%squeeze3A_354, %dma_start3A_370] : memref<1000000x64xf32, #tpu.memory_space<hbm>> -> memref<1x64xf32, #tpu.memory_space<hbm>>
      %dma_start3A_372 = tpu.memref_squeeze %dma_start3A_371 : memref<1x64xf32, #tpu.memory_space<hbm>> -> memref<64xf32, #tpu.memory_space<hbm>>
      tpu.enqueue_dma source(%dma_start3A_372 : memref<64xf32, #tpu.memory_space<hbm>>) target(%dma_start3A_369 : memref<64xf32, #tpu.memory_space<vmem>>) target_semaphore(%dma_start3A_366 : memref<!tpu.dma_semaphore, #tpu.memory_space<semaphore_mem>>)
    }
    %scan3A_30 = arith.constant 8 : i32
    %rem3A_31 = arith.constant 3 : i32
    %rem3A_32 = arith.constant 4 : i32
    %rem3A_33 = arith.remsi %rem3A_31, %rem3A_32 : i32
    %mul3A_34 = arith.constant 128 : i32
    %mul3A_35 = arith.muli %rem3A_33, %mul3A_34 : i32
    %scan3A_36 = arith.constant 0 : i32
    %scan3A_37 = arith.constant 8 : i32
    %scan3A_38 = arith.addi %scan3A_36, %scan3A_37 : i32
    %scan3A_39 = arith.constant 1 : i32
    scf.for %scan3A_46 = %scan3A_36 to %scan3A_38 step %scan3A_39  : i32 {
      %mul3A_47 = arith.constant 16 : i32
      %mul3A_48 = arith.muli %scan3A_46, %mul3A_47 : i32
      %add3A_49 = arith.constant 0 : i32
      %add3A_50 = arith.addi %add3A_49, %mul3A_48 : i32
      %add3A_51 = arith.addi %mul3A_35, %add3A_50 : i32
      %get3A = arith.constant 0 : i32
      %get3A_52 = arith.index_cast %get3A : i32 to index
      %get3A_53 = arith.index_cast %add3A_51 : i32 to index
      %get3A_54 = tpu.vector_load %arg5[%get3A_52, %get3A_53] {strides = array<i32>} : memref<26x512xi32, #tpu.memory_space<vmem>>, vector<1x16xi32>,
      %get3A_55 = vector.shape_cast %get3A_54 : vector<1x16xi32> to vector<16xi32>
      %slice3A = vector.extract_strided_slice %get3A_55 {offsets = [0], sizes = [1], strides = [1]} : vector<16xi32> to vector<1xi32>
      %squeeze3A = vector.extract %slice3A[0] : i32 from vector<1xi32>
      %add3A_56 = arith.constant 0 : i32
      %add3A_57 = arith.addi %add3A_50, %add3A_56 : i32
      %dma_start3A = arith.constant 3 : i32
      %dma_start3A_58 = arith.constant 3 : i32
      %dma_start3A_59 = arith.constant 0 : i32
      %dma_start3A_60 = tpu.memref_slice %arg6[%dma_start3A, %add3A_57, %dma_start3A_59] : memref<4x128x64xf32, #tpu.memory_space<vmem>> -> memref<1x1x64xf32, #tpu.memory_space<vmem>>
      %dma_start3A_61 = tpu.memref_squeeze %dma_start3A_60 : memref<1x1x64xf32, #tpu.memory_space<vmem>> -> memref<64xf32, #tpu.memory_space<vmem>>
      %dma_start3A_62 = arith.constant 0 : i32
      %dma_start3A_63 = tpu.memref_slice %arg2[%squeeze3A, %dma_start3A_62] : memref<1000000x64xf32, #tpu.memory_space<hbm>> -> memref<1x64xf32, #tpu.memory_space<hbm>>
      %dma_start3A_64 = tpu.memref_squeeze %dma_start3A_63 : memref<1x64xf32, #tpu.memory_space<hbm>> -> memref<64xf32, #tpu.memory_space<hbm>>
      %dma_start3A_65 = tpu.memref_slice %arg7[%dma_start3A_58] : memref<4x!tpu.dma_semaphore, #tpu.memory_space<semaphore_mem>> -> memref<1x!tpu.dma_semaphore, #tpu.memory_space<semaphore_mem>>
      %dma_start3A_66 = tpu.memref_squeeze %dma_start3A_65 : memref<1x!tpu.dma_semaphore, #tpu.memory_space<semaphore_mem>> -> memref<!tpu.dma_semaphore, #tpu.memory_space<semaphore_mem>>
      %dma_start3A_67 = arith.constant 0 : i32
      %dma_start3A_68 = tpu.memref_slice %arg6[%dma_start3A, %add3A_57, %dma_start3A_67] : memref<4x128x64xf32, #tpu.memory_space<vmem>> -> memref<1x1x64xf32, #tpu.memory_space<vmem>>
      %dma_start3A_69 = tpu.memref_squeeze %dma_start3A_68 : memref<1x1x64xf32, #tpu.memory_space<vmem>> -> memref<64xf32, #tpu.memory_space<vmem>>
      %dma_start3A_70 = arith.constant 0 : i32
      %dma_start3A_71 = tpu.memref_slice %arg2[%squeeze3A, %dma_start3A_70] : memref<1000000x64xf32, #tpu.memory_space<hbm>> -> memref<1x64xf32, #tpu.memory_space<hbm>>
      %dma_start3A_72 = tpu.memref_squeeze %dma_start3A_71 : memref<1x64xf32, #tpu.memory_space<hbm>> -> memref<64xf32, #tpu.memory_space<hbm>>
      tpu.enqueue_dma source(%dma_start3A_72 : memref<64xf32, #tpu.memory_space<hbm>>) target(%dma_start3A_69 : memref<64xf32, #tpu.memory_space<vmem>>) target_semaphore(%dma_start3A_66 : memref<!tpu.dma_semaphore, #tpu.memory_space<semaphore_mem>>)
      %slice3A_73 = vector.extract_strided_slice %get3A_55 {offsets = [1], sizes = [1], strides = [1]} : vector<16xi32> to vector<1xi32>
      %squeeze3A_74 = vector.extract %slice3A_73[0] : i32 from vector<1xi32>
      %add3A_75 = arith.constant 1 : i32
      %add3A_76 = arith.addi %add3A_50, %add3A_75 : i32
      %dma_start3A_77 = arith.constant 3 : i32
      %dma_start3A_78 = arith.constant 3 : i32
      %dma_start3A_79 = arith.constant 0 : i32
      %dma_start3A_80 = tpu.memref_slice %arg6[%dma_start3A_77, %add3A_76, %dma_start3A_79] : memref<4x128x64xf32, #tpu.memory_space<vmem>> -> memref<1x1x64xf32, #tpu.memory_space<vmem>>
      %dma_start3A_81 = tpu.memref_squeeze %dma_start3A_80 : memref<1x1x64xf32, #tpu.memory_space<vmem>> -> memref<64xf32, #tpu.memory_space<vmem>>
      %dma_start3A_82 = arith.constant 0 : i32
      %dma_start3A_83 = tpu.memref_slice %arg2[%squeeze3A_74, %dma_start3A_82] : memref<1000000x64xf32, #tpu.memory_space<hbm>> -> memref<1x64xf32, #tpu.memory_space<hbm>>
      %dma_start3A_84 = tpu.memref_squeeze %dma_start3A_83 : memref<1x64xf32, #tpu.memory_space<hbm>> -> memref<64xf32, #tpu.memory_space<hbm>>
      %dma_start3A_85 = tpu.memref_slice %arg7[%dma_start3A_78] : memref<4x!tpu.dma_semaphore, #tpu.memory_space<semaphore_mem>> -> memref<1x!tpu.dma_semaphore, #tpu.memory_space<semaphore_mem>>
      %dma_start3A_86 = tpu.memref_squeeze %dma_start3A_85 : memref<1x!tpu.dma_semaphore, #tpu.memory_space<semaphore_mem>> -> memref<!tpu.dma_semaphore, #tpu.memory_space<semaphore_mem>>
      %dma_start3A_87 = arith.constant 0 : i32
      %dma_start3A_88 = tpu.memref_slice %arg6[%dma_start3A_77, %add3A_76, %dma_start3A_87] : memref<4x128x64xf32, #tpu.memory_space<vmem>> -> memref<1x1x64xf32, #tpu.memory_space<vmem>>
      %dma_start3A_89 = tpu.memref_squeeze %dma_start3A_88 : memref<1x1x64xf32, #tpu.memory_space<vmem>> -> memref<64xf32, #tpu.memory_space<vmem>>
      %dma_start3A_90 = arith.constant 0 : i32
      %dma_start3A_91 = tpu.memref_slice %arg2[%squeeze3A_74, %dma_start3A_90] : memref<1000000x64xf32, #tpu.memory_space<hbm>> -> memref<1x64xf32, #tpu.memory_space<hbm>>
      %dma_start3A_92 = tpu.memref_squeeze %dma_start3A_91 : memref<1x64xf32, #tpu.memory_space<hbm>> -> memref<64xf32, #tpu.memory_space<hbm>>
      tpu.enqueue_dma source(%dma_start3A_92 : memref<64xf32, #tpu.memory_space<hbm>>) target(%dma_start3A_89 : memref<64xf32, #tpu.memory_space<vmem>>) target_semaphore(%dma_start3A_86 : memref<!tpu.dma_semaphore, #tpu.memory_space<semaphore_mem>>)
      %slice3A_93 = vector.extract_strided_slice %get3A_55 {offsets = [2], sizes = [1], strides = [1]} : vector<16xi32> to vector<1xi32>
      %squeeze3A_94 = vector.extract %slice3A_93[0] : i32 from vector<1xi32>
      %add3A_95 = arith.constant 2 : i32
      %add3A_96 = arith.addi %add3A_50, %add3A_95 : i32
      %dma_start3A_97 = arith.constant 3 : i32
      %dma_start3A_98 = arith.constant 3 : i32
      %dma_start3A_99 = arith.constant 0 : i32
      %dma_start3A_100 = tpu.memref_slice %arg6[%dma_start3A_97, %add3A_96, %dma_start3A_99] : memref<4x128x64xf32, #tpu.memory_space<vmem>> -> memref<1x1x64xf32, #tpu.memory_space<vmem>>
      %dma_start3A_101 = tpu.memref_squeeze %dma_start3A_100 : memref<1x1x64xf32, #tpu.memory_space<vmem>> -> memref<64xf32, #tpu.memory_space<vmem>>
      %dma_start3A_102 = arith.constant 0 : i32
      %dma_start3A_103 = tpu.memref_slice %arg2[%squeeze3A_94, %dma_start3A_102] : memref<1000000x64xf32, #tpu.memory_space<hbm>> -> memref<1x64xf32, #tpu.memory_space<hbm>>
      %dma_start3A_104 = tpu.memref_squeeze %dma_start3A_103 : memref<1x64xf32, #tpu.memory_space<hbm>> -> memref<64xf32, #tpu.memory_space<hbm>>
      %dma_start3A_105 = tpu.memref_slice %arg7[%dma_start3A_98] : memref<4x!tpu.dma_semaphore, #tpu.memory_space<semaphore_mem>> -> memref<1x!tpu.dma_semaphore, #tpu.memory_space<semaphore_mem>>
      %dma_start3A_106 = tpu.memref_squeeze %dma_start3A_105 : memref<1x!tpu.dma_semaphore, #tpu.memory_space<semaphore_mem>> -> memref<!tpu.dma_semaphore, #tpu.memory_space<semaphore_mem>>
      %dma_start3A_107 = arith.constant 0 : i32
      %dma_start3A_108 = tpu.memref_slice %arg6[%dma_start3A_97, %add3A_96, %dma_start3A_107] : memref<4x128x64xf32, #tpu.memory_space<vmem>> -> memref<1x1x64xf32, #tpu.memory_space<vmem>>
      %dma_start3A_109 = tpu.memref_squeeze %dma_start3A_108 : memref<1x1x64xf32, #tpu.memory_space<vmem>> -> memref<64xf32, #tpu.memory_space<vmem>>
      %dma_start3A_110 = arith.constant 0 : i32
      %dma_start3A_111 = tpu.memref_slice %arg2[%squeeze3A_94, %dma_start3A_110] : memref<1000000x64xf32, #tpu.memory_space<hbm>> -> memref<1x64xf32, #tpu.memory_space<hbm>>
      %dma_start3A_112 = tpu.memref_squeeze %dma_start3A_111 : memref<1x64xf32, #tpu.memory_space<hbm>> -> memref<64xf32, #tpu.memory_space<hbm>>
      tpu.enqueue_dma source(%dma_start3A_112 : memref<64xf32, #tpu.memory_space<hbm>>) target(%dma_start3A_109 : memref<64xf32, #tpu.memory_space<vmem>>) target_semaphore(%dma_start3A_106 : memref<!tpu.dma_semaphore, #tpu.memory_space<semaphore_mem>>)
      %slice3A_113 = vector.extract_strided_slice %get3A_55 {offsets = [3], sizes = [1], strides = [1]} : vector<16xi32> to vector<1xi32>
      %squeeze3A_114 = vector.extract %slice3A_113[0] : i32 from vector<1xi32>
      %add3A_115 = arith.constant 3 : i32
      %add3A_116 = arith.addi %add3A_50, %add3A_115 : i32
      %dma_start3A_117 = arith.constant 3 : i32
      %dma_start3A_118 = arith.constant 3 : i32
      %dma_start3A_119 = arith.constant 0 : i32
      %dma_start3A_120 = tpu.memref_slice %arg6[%dma_start3A_117, %add3A_116, %dma_start3A_119] : memref<4x128x64xf32, #tpu.memory_space<vmem>> -> memref<1x1x64xf32, #tpu.memory_space<vmem>>
      %dma_start3A_121 = tpu.memref_squeeze %dma_start3A_120 : memref<1x1x64xf32, #tpu.memory_space<vmem>> -> memref<64xf32, #tpu.memory_space<vmem>>
      %dma_start3A_122 = arith.constant 0 : i32
      %dma_start3A_123 = tpu.memref_slice %arg2[%squeeze3A_114, %dma_start3A_122] : memref<1000000x64xf32, #tpu.memory_space<hbm>> -> memref<1x64xf32, #tpu.memory_space<hbm>>
      %dma_start3A_124 = tpu.memref_squeeze %dma_start3A_123 : memref<1x64xf32, #tpu.memory_space<hbm>> -> memref<64xf32, #tpu.memory_space<hbm>>
      %dma_start3A_125 = tpu.memref_slice %arg7[%dma_start3A_118] : memref<4x!tpu.dma_semaphore, #tpu.memory_space<semaphore_mem>> -> memref<1x!tpu.dma_semaphore, #tpu.memory_space<semaphore_mem>>
      %dma_start3A_126 = tpu.memref_squeeze %dma_start3A_125 : memref<1x!tpu.dma_semaphore, #tpu.memory_space<semaphore_mem>> -> memref<!tpu.dma_semaphore, #tpu.memory_space<semaphore_mem>>
      %dma_start3A_127 = arith.constant 0 : i32
      %dma_start3A_128 = tpu.memref_slice %arg6[%dma_start3A_117, %add3A_116, %dma_start3A_127] : memref<4x128x64xf32, #tpu.memory_space<vmem>> -> memref<1x1x64xf32, #tpu.memory_space<vmem>>
      %dma_start3A_129 = tpu.memref_squeeze %dma_start3A_128 : memref<1x1x64xf32, #tpu.memory_space<vmem>> -> memref<64xf32, #tpu.memory_space<vmem>>
      %dma_start3A_130 = arith.constant 0 : i32
      %dma_start3A_131 = tpu.memref_slice %arg2[%squeeze3A_114, %dma_start3A_130] : memref<1000000x64xf32, #tpu.memory_space<hbm>> -> memref<1x64xf32, #tpu.memory_space<hbm>>
      %dma_start3A_132 = tpu.memref_squeeze %dma_start3A_131 : memref<1x64xf32, #tpu.memory_space<hbm>> -> memref<64xf32, #tpu.memory_space<hbm>>
      tpu.enqueue_dma source(%dma_start3A_132 : memref<64xf32, #tpu.memory_space<hbm>>) target(%dma_start3A_129 : memref<64xf32, #tpu.memory_space<vmem>>) target_semaphore(%dma_start3A_126 : memref<!tpu.dma_semaphore, #tpu.memory_space<semaphore_mem>>)
      %slice3A_133 = vector.extract_strided_slice %get3A_55 {offsets = [4], sizes = [1], strides = [1]} : vector<16xi32> to vector<1xi32>
      %squeeze3A_134 = vector.extract %slice3A_133[0] : i32 from vector<1xi32>
      %add3A_135 = arith.constant 4 : i32
      %add3A_136 = arith.addi %add3A_50, %add3A_135 : i32
      %dma_start3A_137 = arith.constant 3 : i32
      %dma_start3A_138 = arith.constant 3 : i32
      %dma_start3A_139 = arith.constant 0 : i32
      %dma_start3A_140 = tpu.memref_slice %arg6[%dma_start3A_137, %add3A_136, %dma_start3A_139] : memref<4x128x64xf32, #tpu.memory_space<vmem>> -> memref<1x1x64xf32, #tpu.memory_space<vmem>>
      %dma_start3A_141 = tpu.memref_squeeze %dma_start3A_140 : memref<1x1x64xf32, #tpu.memory_space<vmem>> -> memref<64xf32, #tpu.memory_space<vmem>>
      %dma_start3A_142 = arith.constant 0 : i32
      %dma_start3A_143 = tpu.memref_slice %arg2[%squeeze3A_134, %dma_start3A_142] : memref<1000000x64xf32, #tpu.memory_space<hbm>> -> memref<1x64xf32, #tpu.memory_space<hbm>>
      %dma_start3A_144 = tpu.memref_squeeze %dma_start3A_143 : memref<1x64xf32, #tpu.memory_space<hbm>> -> memref<64xf32, #tpu.memory_space<hbm>>
      %dma_start3A_145 = tpu.memref_slice %arg7[%dma_start3A_138] : memref<4x!tpu.dma_semaphore, #tpu.memory_space<semaphore_mem>> -> memref<1x!tpu.dma_semaphore, #tpu.memory_space<semaphore_mem>>
      %dma_start3A_146 = tpu.memref_squeeze %dma_start3A_145 : memref<1x!tpu.dma_semaphore, #tpu.memory_space<semaphore_mem>> -> memref<!tpu.dma_semaphore, #tpu.memory_space<semaphore_mem>>
      %dma_start3A_147 = arith.constant 0 : i32
      %dma_start3A_148 = tpu.memref_slice %arg6[%dma_start3A_137, %add3A_136, %dma_start3A_147] : memref<4x128x64xf32, #tpu.memory_space<vmem>> -> memref<1x1x64xf32, #tpu.memory_space<vmem>>
      %dma_start3A_149 = tpu.memref_squeeze %dma_start3A_148 : memref<1x1x64xf32, #tpu.memory_space<vmem>> -> memref<64xf32, #tpu.memory_space<vmem>>
      %dma_start3A_150 = arith.constant 0 : i32
      %dma_start3A_151 = tpu.memref_slice %arg2[%squeeze3A_134, %dma_start3A_150] : memref<1000000x64xf32, #tpu.memory_space<hbm>> -> memref<1x64xf32, #tpu.memory_space<hbm>>
      %dma_start3A_152 = tpu.memref_squeeze %dma_start3A_151 : memref<1x64xf32, #tpu.memory_space<hbm>> -> memref<64xf32, #tpu.memory_space<hbm>>
      tpu.enqueue_dma source(%dma_start3A_152 : memref<64xf32, #tpu.memory_space<hbm>>) target(%dma_start3A_149 : memref<64xf32, #tpu.memory_space<vmem>>) target_semaphore(%dma_start3A_146 : memref<!tpu.dma_semaphore, #tpu.memory_space<semaphore_mem>>)
      %slice3A_153 = vector.extract_strided_slice %get3A_55 {offsets = [5], sizes = [1], strides = [1]} : vector<16xi32> to vector<1xi32>
      %squeeze3A_154 = vector.extract %slice3A_153[0] : i32 from vector<1xi32>
      %add3A_155 = arith.constant 5 : i32
      %add3A_156 = arith.addi %add3A_50, %add3A_155 : i32
      %dma_start3A_157 = arith.constant 3 : i32
      %dma_start3A_158 = arith.constant 3 : i32
      %dma_start3A_159 = arith.constant 0 : i32
      %dma_start3A_160 = tpu.memref_slice %arg6[%dma_start3A_157, %add3A_156, %dma_start3A_159] : memref<4x128x64xf32, #tpu.memory_space<vmem>> -> memref<1x1x64xf32, #tpu.memory_space<vmem>>
      %dma_start3A_161 = tpu.memref_squeeze %dma_start3A_160 : memref<1x1x64xf32, #tpu.memory_space<vmem>> -> memref<64xf32, #tpu.memory_space<vmem>>
      %dma_start3A_162 = arith.constant 0 : i32
      %dma_start3A_163 = tpu.memref_slice %arg2[%squeeze3A_154, %dma_start3A_162] : memref<1000000x64xf32, #tpu.memory_space<hbm>> -> memref<1x64xf32, #tpu.memory_space<hbm>>
      %dma_start3A_164 = tpu.memref_squeeze %dma_start3A_163 : memref<1x64xf32, #tpu.memory_space<hbm>> -> memref<64xf32, #tpu.memory_space<hbm>>
      %dma_start3A_165 = tpu.memref_slice %arg7[%dma_start3A_158] : memref<4x!tpu.dma_semaphore, #tpu.memory_space<semaphore_mem>> -> memref<1x!tpu.dma_semaphore, #tpu.memory_space<semaphore_mem>>
      %dma_start3A_166 = tpu.memref_squeeze %dma_start3A_165 : memref<1x!tpu.dma_semaphore, #tpu.memory_space<semaphore_mem>> -> memref<!tpu.dma_semaphore, #tpu.memory_space<semaphore_mem>>
      %dma_start3A_167 = arith.constant 0 : i32
      %dma_start3A_168 = tpu.memref_slice %arg6[%dma_start3A_157, %add3A_156, %dma_start3A_167] : memref<4x128x64xf32, #tpu.memory_space<vmem>> -> memref<1x1x64xf32, #tpu.memory_space<vmem>>
      %dma_start3A_169 = tpu.memref_squeeze %dma_start3A_168 : memref<1x1x64xf32, #tpu.memory_space<vmem>> -> memref<64xf32, #tpu.memory_space<vmem>>
      %dma_start3A_170 = arith.constant 0 : i32
      %dma_start3A_171 = tpu.memref_slice %arg2[%squeeze3A_154, %dma_start3A_170] : memref<1000000x64xf32, #tpu.memory_space<hbm>> -> memref<1x64xf32, #tpu.memory_space<hbm>>
      %dma_start3A_172 = tpu.memref_squeeze %dma_start3A_171 : memref<1x64xf32, #tpu.memory_space<hbm>> -> memref<64xf32, #tpu.memory_space<hbm>>
      tpu.enqueue_dma source(%dma_start3A_172 : memref<64xf32, #tpu.memory_space<hbm>>) target(%dma_start3A_169 : memref<64xf32, #tpu.memory_space<vmem>>) target_semaphore(%dma_start3A_166 : memref<!tpu.dma_semaphore, #tpu.memory_space<semaphore_mem>>)
      %slice3A_173 = vector.extract_strided_slice %get3A_55 {offsets = [6], sizes = [1], strides = [1]} : vector<16xi32> to vector<1xi32>
      %squeeze3A_174 = vector.extract %slice3A_173[0] : i32 from vector<1xi32>
      %add3A_175 = arith.constant 6 : i32
      %add3A_176 = arith.addi %add3A_50, %add3A_175 : i32
      %dma_start3A_177 = arith.constant 3 : i32
      %dma_start3A_178 = arith.constant 3 : i32
      %dma_start3A_179 = arith.constant 0 : i32
      %dma_start3A_180 = tpu.memref_slice %arg6[%dma_start3A_177, %add3A_176, %dma_start3A_179] : memref<4x128x64xf32, #tpu.memory_space<vmem>> -> memref<1x1x64xf32, #tpu.memory_space<vmem>>
      %dma_start3A_181 = tpu.memref_squeeze %dma_start3A_180 : memref<1x1x64xf32, #tpu.memory_space<vmem>> -> memref<64xf32, #tpu.memory_space<vmem>>
      %dma_start3A_182 = arith.constant 0 : i32
      %dma_start3A_183 = tpu.memref_slice %arg2[%squeeze3A_174, %dma_start3A_182] : memref<1000000x64xf32, #tpu.memory_space<hbm>> -> memref<1x64xf32, #tpu.memory_space<hbm>>
      %dma_start3A_184 = tpu.memref_squeeze %dma_start3A_183 : memref<1x64xf32, #tpu.memory_space<hbm>> -> memref<64xf32, #tpu.memory_space<hbm>>
      %dma_start3A_185 = tpu.memref_slice %arg7[%dma_start3A_178] : memref<4x!tpu.dma_semaphore, #tpu.memory_space<semaphore_mem>> -> memref<1x!tpu.dma_semaphore, #tpu.memory_space<semaphore_mem>>
      %dma_start3A_186 = tpu.memref_squeeze %dma_start3A_185 : memref<1x!tpu.dma_semaphore, #tpu.memory_space<semaphore_mem>> -> memref<!tpu.dma_semaphore, #tpu.memory_space<semaphore_mem>>
      %dma_start3A_187 = arith.constant 0 : i32
      %dma_start3A_188 = tpu.memref_slice %arg6[%dma_start3A_177, %add3A_176, %dma_start3A_187] : memref<4x128x64xf32, #tpu.memory_space<vmem>> -> memref<1x1x64xf32, #tpu.memory_space<vmem>>
      %dma_start3A_189 = tpu.memref_squeeze %dma_start3A_188 : memref<1x1x64xf32, #tpu.memory_space<vmem>> -> memref<64xf32, #tpu.memory_space<vmem>>
      %dma_start3A_190 = arith.constant 0 : i32
      %dma_start3A_191 = tpu.memref_slice %arg2[%squeeze3A_174, %dma_start3A_190] : memref<1000000x64xf32, #tpu.memory_space<hbm>> -> memref<1x64xf32, #tpu.memory_space<hbm>>
      %dma_start3A_192 = tpu.memref_squeeze %dma_start3A_191 : memref<1x64xf32, #tpu.memory_space<hbm>> -> memref<64xf32, #tpu.memory_space<hbm>>
      tpu.enqueue_dma source(%dma_start3A_192 : memref<64xf32, #tpu.memory_space<hbm>>) target(%dma_start3A_189 : memref<64xf32, #tpu.memory_space<vmem>>) target_semaphore(%dma_start3A_186 : memref<!tpu.dma_semaphore, #tpu.memory_space<semaphore_mem>>)
      %slice3A_193 = vector.extract_strided_slice %get3A_55 {offsets = [7], sizes = [1], strides = [1]} : vector<16xi32> to vector<1xi32>
      %squeeze3A_194 = vector.extract %slice3A_193[0] : i32 from vector<1xi32>
      %add3A_195 = arith.constant 7 : i32
      %add3A_196 = arith.addi %add3A_50, %add3A_195 : i32
      %dma_start3A_197 = arith.constant 3 : i32
      %dma_start3A_198 = arith.constant 3 : i32
      %dma_start3A_199 = arith.constant 0 : i32
      %dma_start3A_200 = tpu.memref_slice %arg6[%dma_start3A_197, %add3A_196, %dma_start3A_199] : memref<4x128x64xf32, #tpu.memory_space<vmem>> -> memref<1x1x64xf32, #tpu.memory_space<vmem>>
      %dma_start3A_201 = tpu.memref_squeeze %dma_start3A_200 : memref<1x1x64xf32, #tpu.memory_space<vmem>> -> memref<64xf32, #tpu.memory_space<vmem>>
      %dma_start3A_202 = arith.constant 0 : i32
      %dma_start3A_203 = tpu.memref_slice %arg2[%squeeze3A_194, %dma_start3A_202] : memref<1000000x64xf32, #tpu.memory_space<hbm>> -> memref<1x64xf32, #tpu.memory_space<hbm>>
      %dma_start3A_204 = tpu.memref_squeeze %dma_start3A_203 : memref<1x64xf32, #tpu.memory_space<hbm>> -> memref<64xf32, #tpu.memory_space<hbm>>
      %dma_start3A_205 = tpu.memref_slice %arg7[%dma_start3A_198] : memref<4x!tpu.dma_semaphore, #tpu.memory_space<semaphore_mem>> -> memref<1x!tpu.dma_semaphore, #tpu.memory_space<semaphore_mem>>
      %dma_start3A_206 = tpu.memref_squeeze %dma_start3A_205 : memref<1x!tpu.dma_semaphore, #tpu.memory_space<semaphore_mem>> -> memref<!tpu.dma_semaphore, #tpu.memory_space<semaphore_mem>>
      %dma_start3A_207 = arith.constant 0 : i32
      %dma_start3A_208 = tpu.memref_slice %arg6[%dma_start3A_197, %add3A_196, %dma_start3A_207] : memref<4x128x64xf32, #tpu.memory_space<vmem>> -> memref<1x1x64xf32, #tpu.memory_space<vmem>>
      %dma_start3A_209 = tpu.memref_squeeze %dma_start3A_208 : memref<1x1x64xf32, #tpu.memory_space<vmem>> -> memref<64xf32, #tpu.memory_space<vmem>>
      %dma_start3A_210 = arith.constant 0 : i32
      %dma_start3A_211 = tpu.memref_slice %arg2[%squeeze3A_194, %dma_start3A_210] : memref<1000000x64xf32, #tpu.memory_space<hbm>> -> memref<1x64xf32, #tpu.memory_space<hbm>>
      %dma_start3A_212 = tpu.memref_squeeze %dma_start3A_211 : memref<1x64xf32, #tpu.memory_space<hbm>> -> memref<64xf32, #tpu.memory_space<hbm>>
      tpu.enqueue_dma source(%dma_start3A_212 : memref<64xf32, #tpu.memory_space<hbm>>) target(%dma_start3A_209 : memref<64xf32, #tpu.memory_space<vmem>>) target_semaphore(%dma_start3A_206 : memref<!tpu.dma_semaphore, #tpu.memory_space<semaphore_mem>>)
      %slice3A_213 = vector.extract_strided_slice %get3A_55 {offsets = [8], sizes = [1], strides = [1]} : vector<16xi32> to vector<1xi32>
      %squeeze3A_214 = vector.extract %slice3A_213[0] : i32 from vector<1xi32>
      %add3A_215 = arith.constant 8 : i32
      %add3A_216 = arith.addi %add3A_50, %add3A_215 : i32
      %dma_start3A_217 = arith.constant 3 : i32
      %dma_start3A_218 = arith.constant 3 : i32
      %dma_start3A_219 = arith.constant 0 : i32
      %dma_start3A_220 = tpu.memref_slice %arg6[%dma_start3A_217, %add3A_216, %dma_start3A_219] : memref<4x128x64xf32, #tpu.memory_space<vmem>> -> memref<1x1x64xf32, #tpu.memory_space<vmem>>
      %dma_start3A_221 = tpu.memref_squeeze %dma_start3A_220 : memref<1x1x64xf32, #tpu.memory_space<vmem>> -> memref<64xf32, #tpu.memory_space<vmem>>
      %dma_start3A_222 = arith.constant 0 : i32
      %dma_start3A_223 = tpu.memref_slice %arg2[%squeeze3A_214, %dma_start3A_222] : memref<1000000x64xf32, #tpu.memory_space<hbm>> -> memref<1x64xf32, #tpu.memory_space<hbm>>
      %dma_start3A_224 = tpu.memref_squeeze %dma_start3A_223 : memref<1x64xf32, #tpu.memory_space<hbm>> -> memref<64xf32, #tpu.memory_space<hbm>>
      %dma_start3A_225 = tpu.memref_slice %arg7[%dma_start3A_218] : memref<4x!tpu.dma_semaphore, #tpu.memory_space<semaphore_mem>> -> memref<1x!tpu.dma_semaphore, #tpu.memory_space<semaphore_mem>>
      %dma_start3A_226 = tpu.memref_squeeze %dma_start3A_225 : memref<1x!tpu.dma_semaphore, #tpu.memory_space<semaphore_mem>> -> memref<!tpu.dma_semaphore, #tpu.memory_space<semaphore_mem>>
      %dma_start3A_227 = arith.constant 0 : i32
      %dma_start3A_228 = tpu.memref_slice %arg6[%dma_start3A_217, %add3A_216, %dma_start3A_227] : memref<4x128x64xf32, #tpu.memory_space<vmem>> -> memref<1x1x64xf32, #tpu.memory_space<vmem>>
      %dma_start3A_229 = tpu.memref_squeeze %dma_start3A_228 : memref<1x1x64xf32, #tpu.memory_space<vmem>> -> memref<64xf32, #tpu.memory_space<vmem>>
      %dma_start3A_230 = arith.constant 0 : i32
      %dma_start3A_231 = tpu.memref_slice %arg2[%squeeze3A_214, %dma_start3A_230] : memref<1000000x64xf32, #tpu.memory_space<hbm>> -> memref<1x64xf32, #tpu.memory_space<hbm>>
      %dma_start3A_232 = tpu.memref_squeeze %dma_start3A_231 : memref<1x64xf32, #tpu.memory_space<hbm>> -> memref<64xf32, #tpu.memory_space<hbm>>
      tpu.enqueue_dma source(%dma_start3A_232 : memref<64xf32, #tpu.memory_space<hbm>>) target(%dma_start3A_229 : memref<64xf32, #tpu.memory_space<vmem>>) target_semaphore(%dma_start3A_226 : memref<!tpu.dma_semaphore, #tpu.memory_space<semaphore_mem>>)
      %slice3A_233 = vector.extract_strided_slice %get3A_55 {offsets = [9], sizes = [1], strides = [1]} : vector<16xi32> to vector<1xi32>
      %squeeze3A_234 = vector.extract %slice3A_233[0] : i32 from vector<1xi32>
      %add3A_235 = arith.constant 9 : i32
      %add3A_236 = arith.addi %add3A_50, %add3A_235 : i32
      %dma_start3A_237 = arith.constant 3 : i32
      %dma_start3A_238 = arith.constant 3 : i32
      %dma_start3A_239 = arith.constant 0 : i32
      %dma_start3A_240 = tpu.memref_slice %arg6[%dma_start3A_237, %add3A_236, %dma_start3A_239] : memref<4x128x64xf32, #tpu.memory_space<vmem>> -> memref<1x1x64xf32, #tpu.memory_space<vmem>>
      %dma_start3A_241 = tpu.memref_squeeze %dma_start3A_240 : memref<1x1x64xf32, #tpu.memory_space<vmem>> -> memref<64xf32, #tpu.memory_space<vmem>>
      %dma_start3A_242 = arith.constant 0 : i32
      %dma_start3A_243 = tpu.memref_slice %arg2[%squeeze3A_234, %dma_start3A_242] : memref<1000000x64xf32, #tpu.memory_space<hbm>> -> memref<1x64xf32, #tpu.memory_space<hbm>>
      %dma_start3A_244 = tpu.memref_squeeze %dma_start3A_243 : memref<1x64xf32, #tpu.memory_space<hbm>> -> memref<64xf32, #tpu.memory_space<hbm>>
      %dma_start3A_245 = tpu.memref_slice %arg7[%dma_start3A_238] : memref<4x!tpu.dma_semaphore, #tpu.memory_space<semaphore_mem>> -> memref<1x!tpu.dma_semaphore, #tpu.memory_space<semaphore_mem>>
      %dma_start3A_246 = tpu.memref_squeeze %dma_start3A_245 : memref<1x!tpu.dma_semaphore, #tpu.memory_space<semaphore_mem>> -> memref<!tpu.dma_semaphore, #tpu.memory_space<semaphore_mem>>
      %dma_start3A_247 = arith.constant 0 : i32
      %dma_start3A_248 = tpu.memref_slice %arg6[%dma_start3A_237, %add3A_236, %dma_start3A_247] : memref<4x128x64xf32, #tpu.memory_space<vmem>> -> memref<1x1x64xf32, #tpu.memory_space<vmem>>
      %dma_start3A_249 = tpu.memref_squeeze %dma_start3A_248 : memref<1x1x64xf32, #tpu.memory_space<vmem>> -> memref<64xf32, #tpu.memory_space<vmem>>
      %dma_start3A_250 = arith.constant 0 : i32
      %dma_start3A_251 = tpu.memref_slice %arg2[%squeeze3A_234, %dma_start3A_250] : memref<1000000x64xf32, #tpu.memory_space<hbm>> -> memref<1x64xf32, #tpu.memory_space<hbm>>
      %dma_start3A_252 = tpu.memref_squeeze %dma_start3A_251 : memref<1x64xf32, #tpu.memory_space<hbm>> -> memref<64xf32, #tpu.memory_space<hbm>>
      tpu.enqueue_dma source(%dma_start3A_252 : memref<64xf32, #tpu.memory_space<hbm>>) target(%dma_start3A_249 : memref<64xf32, #tpu.memory_space<vmem>>) target_semaphore(%dma_start3A_246 : memref<!tpu.dma_semaphore, #tpu.memory_space<semaphore_mem>>)
      %slice3A_253 = vector.extract_strided_slice %get3A_55 {offsets = [10], sizes = [1], strides = [1]} : vector<16xi32> to vector<1xi32>
      %squeeze3A_254 = vector.extract %slice3A_253[0] : i32 from vector<1xi32>
      %add3A_255 = arith.constant 10 : i32
      %add3A_256 = arith.addi %add3A_50, %add3A_255 : i32
      %dma_start3A_257 = arith.constant 3 : i32
      %dma_start3A_258 = arith.constant 3 : i32
      %dma_start3A_259 = arith.constant 0 : i32
      %dma_start3A_260 = tpu.memref_slice %arg6[%dma_start3A_257, %add3A_256, %dma_start3A_259] : memref<4x128x64xf32, #tpu.memory_space<vmem>> -> memref<1x1x64xf32, #tpu.memory_space<vmem>>
      %dma_start3A_261 = tpu.memref_squeeze %dma_start3A_260 : memref<1x1x64xf32, #tpu.memory_space<vmem>> -> memref<64xf32, #tpu.memory_space<vmem>>
      %dma_start3A_262 = arith.constant 0 : i32
      %dma_start3A_263 = tpu.memref_slice %arg2[%squeeze3A_254, %dma_start3A_262] : memref<1000000x64xf32, #tpu.memory_space<hbm>> -> memref<1x64xf32, #tpu.memory_space<hbm>>
      %dma_start3A_264 = tpu.memref_squeeze %dma_start3A_263 : memref<1x64xf32, #tpu.memory_space<hbm>> -> memref<64xf32, #tpu.memory_space<hbm>>
      %dma_start3A_265 = tpu.memref_slice %arg7[%dma_start3A_258] : memref<4x!tpu.dma_semaphore, #tpu.memory_space<semaphore_mem>> -> memref<1x!tpu.dma_semaphore, #tpu.memory_space<semaphore_mem>>
      %dma_start3A_266 = tpu.memref_squeeze %dma_start3A_265 : memref<1x!tpu.dma_semaphore, #tpu.memory_space<semaphore_mem>> -> memref<!tpu.dma_semaphore, #tpu.memory_space<semaphore_mem>>
      %dma_start3A_267 = arith.constant 0 : i32
      %dma_start3A_268 = tpu.memref_slice %arg6[%dma_start3A_257, %add3A_256, %dma_start3A_267] : memref<4x128x64xf32, #tpu.memory_space<vmem>> -> memref<1x1x64xf32, #tpu.memory_space<vmem>>
      %dma_start3A_269 = tpu.memref_squeeze %dma_start3A_268 : memref<1x1x64xf32, #tpu.memory_space<vmem>> -> memref<64xf32, #tpu.memory_space<vmem>>
      %dma_start3A_270 = arith.constant 0 : i32
      %dma_start3A_271 = tpu.memref_slice %arg2[%squeeze3A_254, %dma_start3A_270] : memref<1000000x64xf32, #tpu.memory_space<hbm>> -> memref<1x64xf32, #tpu.memory_space<hbm>>
      %dma_start3A_272 = tpu.memref_squeeze %dma_start3A_271 : memref<1x64xf32, #tpu.memory_space<hbm>> -> memref<64xf32, #tpu.memory_space<hbm>>
      tpu.enqueue_dma source(%dma_start3A_272 : memref<64xf32, #tpu.memory_space<hbm>>) target(%dma_start3A_269 : memref<64xf32, #tpu.memory_space<vmem>>) target_semaphore(%dma_start3A_266 : memref<!tpu.dma_semaphore, #tpu.memory_space<semaphore_mem>>)
      %slice3A_273 = vector.extract_strided_slice %get3A_55 {offsets = [11], sizes = [1], strides = [1]} : vector<16xi32> to vector<1xi32>
      %squeeze3A_274 = vector.extract %slice3A_273[0] : i32 from vector<1xi32>
      %add3A_275 = arith.constant 11 : i32
      %add3A_276 = arith.addi %add3A_50, %add3A_275 : i32
      %dma_start3A_277 = arith.constant 3 : i32
      %dma_start3A_278 = arith.constant 3 : i32
      %dma_start3A_279 = arith.constant 0 : i32
      %dma_start3A_280 = tpu.memref_slice %arg6[%dma_start3A_277, %add3A_276, %dma_start3A_279] : memref<4x128x64xf32, #tpu.memory_space<vmem>> -> memref<1x1x64xf32, #tpu.memory_space<vmem>>
      %dma_start3A_281 = tpu.memref_squeeze %dma_start3A_280 : memref<1x1x64xf32, #tpu.memory_space<vmem>> -> memref<64xf32, #tpu.memory_space<vmem>>
      %dma_start3A_282 = arith.constant 0 : i32
      %dma_start3A_283 = tpu.memref_slice %arg2[%squeeze3A_274, %dma_start3A_282] : memref<1000000x64xf32, #tpu.memory_space<hbm>> -> memref<1x64xf32, #tpu.memory_space<hbm>>
      %dma_start3A_284 = tpu.memref_squeeze %dma_start3A_283 : memref<1x64xf32, #tpu.memory_space<hbm>> -> memref<64xf32, #tpu.memory_space<hbm>>
      %dma_start3A_285 = tpu.memref_slice %arg7[%dma_start3A_278] : memref<4x!tpu.dma_semaphore, #tpu.memory_space<semaphore_mem>> -> memref<1x!tpu.dma_semaphore, #tpu.memory_space<semaphore_mem>>
      %dma_start3A_286 = tpu.memref_squeeze %dma_start3A_285 : memref<1x!tpu.dma_semaphore, #tpu.memory_space<semaphore_mem>> -> memref<!tpu.dma_semaphore, #tpu.memory_space<semaphore_mem>>
      %dma_start3A_287 = arith.constant 0 : i32
      %dma_start3A_288 = tpu.memref_slice %arg6[%dma_start3A_277, %add3A_276, %dma_start3A_287] : memref<4x128x64xf32, #tpu.memory_space<vmem>> -> memref<1x1x64xf32, #tpu.memory_space<vmem>>
      %dma_start3A_289 = tpu.memref_squeeze %dma_start3A_288 : memref<1x1x64xf32, #tpu.memory_space<vmem>> -> memref<64xf32, #tpu.memory_space<vmem>>
      %dma_start3A_290 = arith.constant 0 : i32
      %dma_start3A_291 = tpu.memref_slice %arg2[%squeeze3A_274, %dma_start3A_290] : memref<1000000x64xf32, #tpu.memory_space<hbm>> -> memref<1x64xf32, #tpu.memory_space<hbm>>
      %dma_start3A_292 = tpu.memref_squeeze %dma_start3A_291 : memref<1x64xf32, #tpu.memory_space<hbm>> -> memref<64xf32, #tpu.memory_space<hbm>>
      tpu.enqueue_dma source(%dma_start3A_292 : memref<64xf32, #tpu.memory_space<hbm>>) target(%dma_start3A_289 : memref<64xf32, #tpu.memory_space<vmem>>) target_semaphore(%dma_start3A_286 : memref<!tpu.dma_semaphore, #tpu.memory_space<semaphore_mem>>)
      %slice3A_293 = vector.extract_strided_slice %get3A_55 {offsets = [12], sizes = [1], strides = [1]} : vector<16xi32> to vector<1xi32>
      %squeeze3A_294 = vector.extract %slice3A_293[0] : i32 from vector<1xi32>
      %add3A_295 = arith.constant 12 : i32
      %add3A_296 = arith.addi %add3A_50, %add3A_295 : i32
      %dma_start3A_297 = arith.constant 3 : i32
      %dma_start3A_298 = arith.constant 3 : i32
      %dma_start3A_299 = arith.constant 0 : i32
      %dma_start3A_300 = tpu.memref_slice %arg6[%dma_start3A_297, %add3A_296, %dma_start3A_299] : memref<4x128x64xf32, #tpu.memory_space<vmem>> -> memref<1x1x64xf32, #tpu.memory_space<vmem>>
      %dma_start3A_301 = tpu.memref_squeeze %dma_start3A_300 : memref<1x1x64xf32, #tpu.memory_space<vmem>> -> memref<64xf32, #tpu.memory_space<vmem>>
      %dma_start3A_302 = arith.constant 0 : i32
      %dma_start3A_303 = tpu.memref_slice %arg2[%squeeze3A_294, %dma_start3A_302] : memref<1000000x64xf32, #tpu.memory_space<hbm>> -> memref<1x64xf32, #tpu.memory_space<hbm>>
      %dma_start3A_304 = tpu.memref_squeeze %dma_start3A_303 : memref<1x64xf32, #tpu.memory_space<hbm>> -> memref<64xf32, #tpu.memory_space<hbm>>
      %dma_start3A_305 = tpu.memref_slice %arg7[%dma_start3A_298] : memref<4x!tpu.dma_semaphore, #tpu.memory_space<semaphore_mem>> -> memref<1x!tpu.dma_semaphore, #tpu.memory_space<semaphore_mem>>
      %dma_start3A_306 = tpu.memref_squeeze %dma_start3A_305 : memref<1x!tpu.dma_semaphore, #tpu.memory_space<semaphore_mem>> -> memref<!tpu.dma_semaphore, #tpu.memory_space<semaphore_mem>>
      %dma_start3A_307 = arith.constant 0 : i32
      %dma_start3A_308 = tpu.memref_slice %arg6[%dma_start3A_297, %add3A_296, %dma_start3A_307] : memref<4x128x64xf32, #tpu.memory_space<vmem>> -> memref<1x1x64xf32, #tpu.memory_space<vmem>>
      %dma_start3A_309 = tpu.memref_squeeze %dma_start3A_308 : memref<1x1x64xf32, #tpu.memory_space<vmem>> -> memref<64xf32, #tpu.memory_space<vmem>>
      %dma_start3A_310 = arith.constant 0 : i32
      %dma_start3A_311 = tpu.memref_slice %arg2[%squeeze3A_294, %dma_start3A_310] : memref<1000000x64xf32, #tpu.memory_space<hbm>> -> memref<1x64xf32, #tpu.memory_space<hbm>>
      %dma_start3A_312 = tpu.memref_squeeze %dma_start3A_311 : memref<1x64xf32, #tpu.memory_space<hbm>> -> memref<64xf32, #tpu.memory_space<hbm>>
      tpu.enqueue_dma source(%dma_start3A_312 : memref<64xf32, #tpu.memory_space<hbm>>) target(%dma_start3A_309 : memref<64xf32, #tpu.memory_space<vmem>>) target_semaphore(%dma_start3A_306 : memref<!tpu.dma_semaphore, #tpu.memory_space<semaphore_mem>>)
      %slice3A_313 = vector.extract_strided_slice %get3A_55 {offsets = [13], sizes = [1], strides = [1]} : vector<16xi32> to vector<1xi32>
      %squeeze3A_314 = vector.extract %slice3A_313[0] : i32 from vector<1xi32>
      %add3A_315 = arith.constant 13 : i32
      %add3A_316 = arith.addi %add3A_50, %add3A_315 : i32
      %dma_start3A_317 = arith.constant 3 : i32
      %dma_start3A_318 = arith.constant 3 : i32
      %dma_start3A_319 = arith.constant 0 : i32
      %dma_start3A_320 = tpu.memref_slice %arg6[%dma_start3A_317, %add3A_316, %dma_start3A_319] : memref<4x128x64xf32, #tpu.memory_space<vmem>> -> memref<1x1x64xf32, #tpu.memory_space<vmem>>
      %dma_start3A_321 = tpu.memref_squeeze %dma_start3A_320 : memref<1x1x64xf32, #tpu.memory_space<vmem>> -> memref<64xf32, #tpu.memory_space<vmem>>
      %dma_start3A_322 = arith.constant 0 : i32
      %dma_start3A_323 = tpu.memref_slice %arg2[%squeeze3A_314, %dma_start3A_322] : memref<1000000x64xf32, #tpu.memory_space<hbm>> -> memref<1x64xf32, #tpu.memory_space<hbm>>
      %dma_start3A_324 = tpu.memref_squeeze %dma_start3A_323 : memref<1x64xf32, #tpu.memory_space<hbm>> -> memref<64xf32, #tpu.memory_space<hbm>>
      %dma_start3A_325 = tpu.memref_slice %arg7[%dma_start3A_318] : memref<4x!tpu.dma_semaphore, #tpu.memory_space<semaphore_mem>> -> memref<1x!tpu.dma_semaphore, #tpu.memory_space<semaphore_mem>>
      %dma_start3A_326 = tpu.memref_squeeze %dma_start3A_325 : memref<1x!tpu.dma_semaphore, #tpu.memory_space<semaphore_mem>> -> memref<!tpu.dma_semaphore, #tpu.memory_space<semaphore_mem>>
      %dma_start3A_327 = arith.constant 0 : i32
      %dma_start3A_328 = tpu.memref_slice %arg6[%dma_start3A_317, %add3A_316, %dma_start3A_327] : memref<4x128x64xf32, #tpu.memory_space<vmem>> -> memref<1x1x64xf32, #tpu.memory_space<vmem>>
      %dma_start3A_329 = tpu.memref_squeeze %dma_start3A_328 : memref<1x1x64xf32, #tpu.memory_space<vmem>> -> memref<64xf32, #tpu.memory_space<vmem>>
      %dma_start3A_330 = arith.constant 0 : i32
      %dma_start3A_331 = tpu.memref_slice %arg2[%squeeze3A_314, %dma_start3A_330] : memref<1000000x64xf32, #tpu.memory_space<hbm>> -> memref<1x64xf32, #tpu.memory_space<hbm>>
      %dma_start3A_332 = tpu.memref_squeeze %dma_start3A_331 : memref<1x64xf32, #tpu.memory_space<hbm>> -> memref<64xf32, #tpu.memory_space<hbm>>
      tpu.enqueue_dma source(%dma_start3A_332 : memref<64xf32, #tpu.memory_space<hbm>>) target(%dma_start3A_329 : memref<64xf32, #tpu.memory_space<vmem>>) target_semaphore(%dma_start3A_326 : memref<!tpu.dma_semaphore, #tpu.memory_space<semaphore_mem>>)
      %slice3A_333 = vector.extract_strided_slice %get3A_55 {offsets = [14], sizes = [1], strides = [1]} : vector<16xi32> to vector<1xi32>
      %squeeze3A_334 = vector.extract %slice3A_333[0] : i32 from vector<1xi32>
      %add3A_335 = arith.constant 14 : i32
      %add3A_336 = arith.addi %add3A_50, %add3A_335 : i32
      %dma_start3A_337 = arith.constant 3 : i32
      %dma_start3A_338 = arith.constant 3 : i32
      %dma_start3A_339 = arith.constant 0 : i32
      %dma_start3A_340 = tpu.memref_slice %arg6[%dma_start3A_337, %add3A_336, %dma_start3A_339] : memref<4x128x64xf32, #tpu.memory_space<vmem>> -> memref<1x1x64xf32, #tpu.memory_space<vmem>>
      %dma_start3A_341 = tpu.memref_squeeze %dma_start3A_340 : memref<1x1x64xf32, #tpu.memory_space<vmem>> -> memref<64xf32, #tpu.memory_space<vmem>>
      %dma_start3A_342 = arith.constant 0 : i32
      %dma_start3A_343 = tpu.memref_slice %arg2[%squeeze3A_334, %dma_start3A_342] : memref<1000000x64xf32, #tpu.memory_space<hbm>> -> memref<1x64xf32, #tpu.memory_space<hbm>>
      %dma_start3A_344 = tpu.memref_squeeze %dma_start3A_343 : memref<1x64xf32, #tpu.memory_space<hbm>> -> memref<64xf32, #tpu.memory_space<hbm>>
      %dma_start3A_345 = tpu.memref_slice %arg7[%dma_start3A_338] : memref<4x!tpu.dma_semaphore, #tpu.memory_space<semaphore_mem>> -> memref<1x!tpu.dma_semaphore, #tpu.memory_space<semaphore_mem>>
      %dma_start3A_346 = tpu.memref_squeeze %dma_start3A_345 : memref<1x!tpu.dma_semaphore, #tpu.memory_space<semaphore_mem>> -> memref<!tpu.dma_semaphore, #tpu.memory_space<semaphore_mem>>
      %dma_start3A_347 = arith.constant 0 : i32
      %dma_start3A_348 = tpu.memref_slice %arg6[%dma_start3A_337, %add3A_336, %dma_start3A_347] : memref<4x128x64xf32, #tpu.memory_space<vmem>> -> memref<1x1x64xf32, #tpu.memory_space<vmem>>
      %dma_start3A_349 = tpu.memref_squeeze %dma_start3A_348 : memref<1x1x64xf32, #tpu.memory_space<vmem>> -> memref<64xf32, #tpu.memory_space<vmem>>
      %dma_start3A_350 = arith.constant 0 : i32
      %dma_start3A_351 = tpu.memref_slice %arg2[%squeeze3A_334, %dma_start3A_350] : memref<1000000x64xf32, #tpu.memory_space<hbm>> -> memref<1x64xf32, #tpu.memory_space<hbm>>
      %dma_start3A_352 = tpu.memref_squeeze %dma_start3A_351 : memref<1x64xf32, #tpu.memory_space<hbm>> -> memref<64xf32, #tpu.memory_space<hbm>>
      tpu.enqueue_dma source(%dma_start3A_352 : memref<64xf32, #tpu.memory_space<hbm>>) target(%dma_start3A_349 : memref<64xf32, #tpu.memory_space<vmem>>) target_semaphore(%dma_start3A_346 : memref<!tpu.dma_semaphore, #tpu.memory_space<semaphore_mem>>)
      %slice3A_353 = vector.extract_strided_slice %get3A_55 {offsets = [15], sizes = [1], strides = [1]} : vector<16xi32> to vector<1xi32>
      %squeeze3A_354 = vector.extract %slice3A_353[0] : i32 from vector<1xi32>
      %add3A_355 = arith.constant 15 : i32
      %add3A_356 = arith.addi %add3A_50, %add3A_355 : i32
      %dma_start3A_357 = arith.constant 3 : i32
      %dma_start3A_358 = arith.constant 3 : i32
      %dma_start3A_359 = arith.constant 0 : i32
      %dma_start3A_360 = tpu.memref_slice %arg6[%dma_start3A_357, %add3A_356, %dma_start3A_359] : memref<4x128x64xf32, #tpu.memory_space<vmem>> -> memref<1x1x64xf32, #tpu.memory_space<vmem>>
      %dma_start3A_361 = tpu.memref_squeeze %dma_start3A_360 : memref<1x1x64xf32, #tpu.memory_space<vmem>> -> memref<64xf32, #tpu.memory_space<vmem>>
      %dma_start3A_362 = arith.constant 0 : i32
      %dma_start3A_363 = tpu.memref_slice %arg2[%squeeze3A_354, %dma_start3A_362] : memref<1000000x64xf32, #tpu.memory_space<hbm>> -> memref<1x64xf32, #tpu.memory_space<hbm>>
      %dma_start3A_364 = tpu.memref_squeeze %dma_start3A_363 : memref<1x64xf32, #tpu.memory_space<hbm>> -> memref<64xf32, #tpu.memory_space<hbm>>
      %dma_start3A_365 = tpu.memref_slice %arg7[%dma_start3A_358] : memref<4x!tpu.dma_semaphore, #tpu.memory_space<semaphore_mem>> -> memref<1x!tpu.dma_semaphore, #tpu.memory_space<semaphore_mem>>
      %dma_start3A_366 = tpu.memref_squeeze %dma_start3A_365 : memref<1x!tpu.dma_semaphore, #tpu.memory_space<semaphore_mem>> -> memref<!tpu.dma_semaphore, #tpu.memory_space<semaphore_mem>>
      %dma_start3A_367 = arith.constant 0 : i32
      %dma_start3A_368 = tpu.memref_slice %arg6[%dma_start3A_357, %add3A_356, %dma_start3A_367] : memref<4x128x64xf32, #tpu.memory_space<vmem>> -> memref<1x1x64xf32, #tpu.memory_space<vmem>>
      %dma_start3A_369 = tpu.memref_squeeze %dma_start3A_368 : memref<1x1x64xf32, #tpu.memory_space<vmem>> -> memref<64xf32, #tpu.memory_space<vmem>>
      %dma_start3A_370 = arith.constant 0 : i32
      %dma_start3A_371 = tpu.memref_slice %arg2[%squeeze3A_354, %dma_start3A_370] : memref<1000000x64xf32, #tpu.memory_space<hbm>> -> memref<1x64xf32, #tpu.memory_space<hbm>>
      %dma_start3A_372 = tpu.memref_squeeze %dma_start3A_371 : memref<1x64xf32, #tpu.memory_space<hbm>> -> memref<64xf32, #tpu.memory_space<hbm>>
      tpu.enqueue_dma source(%dma_start3A_372 : memref<64xf32, #tpu.memory_space<hbm>>) target(%dma_start3A_369 : memref<64xf32, #tpu.memory_space<vmem>>) target_semaphore(%dma_start3A_366 : memref<!tpu.dma_semaphore, #tpu.memory_space<semaphore_mem>>)
    }
    %scan3A_40 = arith.constant 8 : i32
    %scan3A_41 = arith.constant 0 : i32
    %scan3A_42 = arith.constant 26 : i32
    %scan3A_43 = arith.addi %scan3A_41, %scan3A_42 : i32
    %scan3A_44 = arith.constant 1 : i32
    scf.for %scan3A_46 = %scan3A_41 to %scan3A_43 step %scan3A_44  : i32 {
      %mul3A_47 = arith.constant 4 : i32
      %mul3A_48 = arith.muli %scan3A_46, %mul3A_47 : i32
      %add3A_49 = arith.constant 0 : i32
      %add3A_50 = arith.addi %add3A_49, %mul3A_48 : i32
      %add3A_51 = arith.constant 0 : i32
      %add3A_52 = arith.addi %add3A_50, %add3A_51 : i32
      %dma_wait3A = arith.constant 0 : i32
      %dma_wait3A_53 = arith.constant 0 : i32
      %dma_wait3A_54 = arith.constant 0 : i32
      %dma_wait3A_55 = arith.constant 0 : i32
      %dma_wait3A_56 = tpu.memref_slice %arg6[%dma_wait3A, %dma_wait3A_54, %dma_wait3A_55] : memref<4x128x64xf32, #tpu.memory_space<vmem>> -> memref<1x128x64xf32, #tpu.memory_space<vmem>>
      %dma_wait3A_57 = tpu.memref_squeeze %dma_wait3A_56 : memref<1x128x64xf32, #tpu.memory_space<vmem>> -> memref<128x64xf32, #tpu.memory_space<vmem>>
      %dma_wait3A_58 = arith.constant 0 : i32
      %dma_wait3A_59 = arith.constant 0 : i32
      %dma_wait3A_60 = tpu.memref_slice %arg2[%dma_wait3A_58, %dma_wait3A_59] : memref<1000000x64xf32, #tpu.memory_space<hbm>> -> memref<128x64xf32, #tpu.memory_space<hbm>>
      %dma_wait3A_61 = tpu.memref_slice %arg7[%dma_wait3A_53] : memref<4x!tpu.dma_semaphore, #tpu.memory_space<semaphore_mem>> -> memref<1x!tpu.dma_semaphore, #tpu.memory_space<semaphore_mem>>
      %dma_wait3A_62 = tpu.memref_squeeze %dma_wait3A_61 : memref<1x!tpu.dma_semaphore, #tpu.memory_space<semaphore_mem>> -> memref<!tpu.dma_semaphore, #tpu.memory_space<semaphore_mem>>
      %dma_wait3A_63 = arith.constant 0 : i32
      %dma_wait3A_64 = arith.constant 0 : i32
      %dma_wait3A_65 = tpu.memref_slice %arg6[%dma_wait3A, %dma_wait3A_63, %dma_wait3A_64] : memref<4x128x64xf32, #tpu.memory_space<vmem>> -> memref<1x128x64xf32, #tpu.memory_space<vmem>>
      %dma_wait3A_66 = tpu.memref_squeeze %dma_wait3A_65 : memref<1x128x64xf32, #tpu.memory_space<vmem>> -> memref<128x64xf32, #tpu.memory_space<vmem>>
      %dma_wait3A_67 = arith.constant 0 : i32
      %dma_wait3A_68 = arith.constant 0 : i32
      %dma_wait3A_69 = tpu.memref_slice %arg2[%dma_wait3A_67, %dma_wait3A_68] : memref<1000000x64xf32, #tpu.memory_space<hbm>> -> memref<128x64xf32, #tpu.memory_space<hbm>>
      tpu.wait_dma2 semaphore(%dma_wait3A_62 : memref<!tpu.dma_semaphore, #tpu.memory_space<semaphore_mem>>) src(%dma_wait3A_69 : memref<128x64xf32, #tpu.memory_space<hbm>>) dst(%dma_wait3A_66 : memref<128x64xf32, #tpu.memory_space<vmem>>)
      %jit3A = arith.constant 4 : i32
      %div3A = arith.divsi %add3A_52, %jit3A : i32
      %sign3A = arith.constant 0 : i32
      %sign3A_70 = arith.cmpi sgt, %add3A_52, %sign3A : i32
      %sign3A_71 = arith.extui %sign3A_70 : i1 to i32
      %sign3A_72 = arith.constant 0 : i32
      %sign3A_73 = arith.cmpi slt, %add3A_52, %sign3A_72 : i32
      %sign3A_74 = arith.extui %sign3A_73 : i1 to i32
      %sign3A_75 = arith.subi %sign3A_71, %sign3A_74 : i32
      %sign3A_76 = arith.constant 0 : i32
      %sign3A_77 = arith.cmpi sgt, %jit3A, %sign3A_76 : i32
      %sign3A_78 = arith.extui %sign3A_77 : i1 to i32
      %sign3A_79 = arith.constant 0 : i32
      %sign3A_80 = arith.cmpi slt, %jit3A, %sign3A_79 : i32
      %sign3A_81 = arith.extui %sign3A_80 : i1 to i32
      %sign3A_82 = arith.subi %sign3A_78, %sign3A_81 : i32
      %ne3A = arith.cmpi ne, %sign3A_75, %sign3A_82 : i32
      %rem3A_83 = arith.remsi %add3A_52, %jit3A : i32
      %ne3A_84 = arith.constant 0 : i32
      %ne3A_85 = arith.cmpi ne, %rem3A_83, %ne3A_84 : i32
      %and3A = arith.andi %ne3A, %ne3A_85 : i1
      %sub3A = arith.constant 1 : i32
      %sub3A_86 = arith.subi %div3A, %sub3A : i32
      %select_n3A = arith.select %and3A, %sub3A_86, %div3A : i32
      %rem3A_87 = arith.constant 4 : i32
      %rem3A_88 = arith.remsi %add3A_52, %rem3A_87 : i32
      %mul3A_89 = arith.constant 128 : i32
      %mul3A_90 = arith.muli %rem3A_88, %mul3A_89 : i32
      %add3A_91 = arith.addi %mul3A_2, %mul3A_90 : i32
      %dma_start3A = arith.constant 0 : i32
      %dma_start3A_92 = arith.constant 0 : i32
      %dma_start3A_93 = arith.constant 0 : i32
      %dma_start3A_94 = arith.constant 0 : i32
      %dma_start3A_95 = tpu.memref_slice %arg6[%dma_start3A, %dma_start3A_93, %dma_start3A_94] : memref<4x128x64xf32, #tpu.memory_space<vmem>> -> memref<1x128x64xf32, #tpu.memory_space<vmem>>
      %dma_start3A_96 = tpu.memref_squeeze %dma_start3A_95 : memref<1x128x64xf32, #tpu.memory_space<vmem>> -> memref<128x64xf32, #tpu.memory_space<vmem>>
      %dma_start3A_97 = arith.constant 0 : i32
      %dma_start3A_98 = tpu.memref_slice %arg4[%add3A_91, %select_n3A, %dma_start3A_97] : memref<16384x26x64xf32, #tpu.memory_space<hbm>> -> memref<128x1x64xf32, #tpu.memory_space<hbm>>
      %dma_start3A_99 = tpu.memref_squeeze %dma_start3A_98 : memref<128x1x64xf32, #tpu.memory_space<hbm>> -> memref<128x64xf32, #tpu.memory_space<hbm>>
      %dma_start3A_100 = tpu.memref_slice %arg8[%dma_start3A_92] : memref<4x!tpu.dma_semaphore, #tpu.memory_space<semaphore_mem>> -> memref<1x!tpu.dma_semaphore, #tpu.memory_space<semaphore_mem>>
      %dma_start3A_101 = tpu.memref_squeeze %dma_start3A_100 : memref<1x!tpu.dma_semaphore, #tpu.memory_space<semaphore_mem>> -> memref<!tpu.dma_semaphore, #tpu.memory_space<semaphore_mem>>
      %dma_start3A_102 = arith.constant 0 : i32
      %dma_start3A_103 = tpu.memref_slice %arg4[%add3A_91, %select_n3A, %dma_start3A_102] : memref<16384x26x64xf32, #tpu.memory_space<hbm>> -> memref<128x1x64xf32, #tpu.memory_space<hbm>>
      %dma_start3A_104 = tpu.memref_squeeze %dma_start3A_103 : memref<128x1x64xf32, #tpu.memory_space<hbm>> -> memref<128x64xf32, #tpu.memory_space<hbm>>
      %dma_start3A_105 = arith.constant 0 : i32
      %dma_start3A_106 = arith.constant 0 : i32
      %dma_start3A_107 = tpu.memref_slice %arg6[%dma_start3A, %dma_start3A_105, %dma_start3A_106] : memref<4x128x64xf32, #tpu.memory_space<vmem>> -> memref<1x128x64xf32, #tpu.memory_space<vmem>>
      %dma_start3A_108 = tpu.memref_squeeze %dma_start3A_107 : memref<1x128x64xf32, #tpu.memory_space<vmem>> -> memref<128x64xf32, #tpu.memory_space<vmem>>
      tpu.enqueue_dma source(%dma_start3A_108 : memref<128x64xf32, #tpu.memory_space<vmem>>) target(%dma_start3A_104 : memref<128x64xf32, #tpu.memory_space<hbm>>) target_semaphore(%dma_start3A_101 : memref<!tpu.dma_semaphore, #tpu.memory_space<semaphore_mem>>)
      %add3A_109 = arith.constant 4 : i32
      %add3A_110 = arith.addi %add3A_52, %add3A_109 : i32
      %lt3A = arith.constant 104 : i32
      %lt3A_111 = arith.cmpi slt, %add3A_110, %lt3A : i32
      %convert_element_type3A = arith.extui %lt3A_111 : i1 to i32
      %cond3A = arith.constant 0 : i32
      %cond3A_112 = arith.cmpi ne, %convert_element_type3A, %cond3A : i32
      scf.if %cond3A_112 {
        %jit3A_362 = arith.constant 4 : i32
        %div3A_363 = arith.divsi %add3A_52, %jit3A_362 : i32
        %sign3A_364 = arith.constant 0 : i32
        %sign3A_365 = arith.cmpi sgt, %add3A_52, %sign3A_364 : i32
        %sign3A_366 = arith.extui %sign3A_365 : i1 to i32
        %sign3A_367 = arith.constant 0 : i32
        %sign3A_368 = arith.cmpi slt, %add3A_52, %sign3A_367 : i32
        %sign3A_369 = arith.extui %sign3A_368 : i1 to i32
        %sign3A_370 = arith.subi %sign3A_366, %sign3A_369 : i32
        %sign3A_371 = arith.constant 0 : i32
        %sign3A_372 = arith.cmpi sgt, %jit3A_362, %sign3A_371 : i32
        %sign3A_373 = arith.extui %sign3A_372 : i1 to i32
        %sign3A_374 = arith.constant 0 : i32
        %sign3A_375 = arith.cmpi slt, %jit3A_362, %sign3A_374 : i32
        %sign3A_376 = arith.extui %sign3A_375 : i1 to i32
        %sign3A_377 = arith.subi %sign3A_373, %sign3A_376 : i32
        %ne3A_378 = arith.cmpi ne, %sign3A_370, %sign3A_377 : i32
        %rem3A_379 = arith.remsi %add3A_52, %jit3A_362 : i32
        %ne3A_380 = arith.constant 0 : i32
        %ne3A_381 = arith.cmpi ne, %rem3A_379, %ne3A_380 : i32
        %and3A_382 = arith.andi %ne3A_378, %ne3A_381 : i1
        %sub3A_383 = arith.constant 1 : i32
        %sub3A_384 = arith.subi %div3A_363, %sub3A_383 : i32
        %select_n3A_385 = arith.select %and3A_382, %sub3A_384, %div3A_363 : i32
        %rem3A_386 = arith.constant 4 : i32
        %rem3A_387 = arith.remsi %add3A_52, %rem3A_386 : i32
        %mul3A_388 = arith.constant 128 : i32
        %mul3A_389 = arith.muli %rem3A_387, %mul3A_388 : i32
        %add3A_390 = arith.addi %mul3A_2, %mul3A_389 : i32
        %dma_wait3A_391 = arith.constant 0 : i32
        %dma_wait3A_392 = arith.constant 0 : i32
        %dma_wait3A_393 = arith.constant 0 : i32
        %dma_wait3A_394 = arith.constant 0 : i32
        %dma_wait3A_395 = tpu.memref_slice %arg6[%dma_wait3A_391, %dma_wait3A_393, %dma_wait3A_394] : memref<4x128x64xf32, #tpu.memory_space<vmem>> -> memref<1x128x64xf32, #tpu.memory_space<vmem>>
        %dma_wait3A_396 = tpu.memref_squeeze %dma_wait3A_395 : memref<1x128x64xf32, #tpu.memory_space<vmem>> -> memref<128x64xf32, #tpu.memory_space<vmem>>
        %dma_wait3A_397 = arith.constant 0 : i32
        %dma_wait3A_398 = tpu.memref_slice %arg4[%add3A_390, %select_n3A_385, %dma_wait3A_397] : memref<16384x26x64xf32, #tpu.memory_space<hbm>> -> memref<128x1x64xf32, #tpu.memory_space<hbm>>
        %dma_wait3A_399 = tpu.memref_squeeze %dma_wait3A_398 : memref<128x1x64xf32, #tpu.memory_space<hbm>> -> memref<128x64xf32, #tpu.memory_space<hbm>>
        %dma_wait3A_400 = tpu.memref_slice %arg8[%dma_wait3A_392] : memref<4x!tpu.dma_semaphore, #tpu.memory_space<semaphore_mem>> -> memref<1x!tpu.dma_semaphore, #tpu.memory_space<semaphore_mem>>
        %dma_wait3A_401 = tpu.memref_squeeze %dma_wait3A_400 : memref<1x!tpu.dma_semaphore, #tpu.memory_space<semaphore_mem>> -> memref<!tpu.dma_semaphore, #tpu.memory_space<semaphore_mem>>
        %dma_wait3A_402 = arith.constant 0 : i32
        %dma_wait3A_403 = tpu.memref_slice %arg4[%add3A_390, %select_n3A_385, %dma_wait3A_402] : memref<16384x26x64xf32, #tpu.memory_space<hbm>> -> memref<128x1x64xf32, #tpu.memory_space<hbm>>
        %dma_wait3A_404 = tpu.memref_squeeze %dma_wait3A_403 : memref<128x1x64xf32, #tpu.memory_space<hbm>> -> memref<128x64xf32, #tpu.memory_space<hbm>>
        %dma_wait3A_405 = arith.constant 0 : i32
        %dma_wait3A_406 = arith.constant 0 : i32
        %dma_wait3A_407 = tpu.memref_slice %arg6[%dma_wait3A_391, %dma_wait3A_405, %dma_wait3A_406] : memref<4x128x64xf32, #tpu.memory_space<vmem>> -> memref<1x128x64xf32, #tpu.memory_space<vmem>>
        %dma_wait3A_408 = tpu.memref_squeeze %dma_wait3A_407 : memref<1x128x64xf32, #tpu.memory_space<vmem>> -> memref<128x64xf32, #tpu.memory_space<vmem>>
        tpu.wait_dma2 semaphore(%dma_wait3A_401 : memref<!tpu.dma_semaphore, #tpu.memory_space<semaphore_mem>>) src(%dma_wait3A_408 : memref<128x64xf32, #tpu.memory_space<vmem>>) dst(%dma_wait3A_404 : memref<128x64xf32, #tpu.memory_space<hbm>>)
        %add3A_409 = arith.constant 4 : i32
        %add3A_410 = arith.addi %add3A_52, %add3A_409 : i32
        %jit3A_411 = arith.constant 4 : i32
        %div3A_412 = arith.divsi %add3A_410, %jit3A_411 : i32
        %sign3A_413 = arith.constant 0 : i32
        %sign3A_414 = arith.cmpi sgt, %add3A_410, %sign3A_413 : i32
        %sign3A_415 = arith.extui %sign3A_414 : i1 to i32
        %sign3A_416 = arith.constant 0 : i32
        %sign3A_417 = arith.cmpi slt, %add3A_410, %sign3A_416 : i32
        %sign3A_418 = arith.extui %sign3A_417 : i1 to i32
        %sign3A_419 = arith.subi %sign3A_415, %sign3A_418 : i32
        %sign3A_420 = arith.constant 0 : i32
        %sign3A_421 = arith.cmpi sgt, %jit3A_411, %sign3A_420 : i32
        %sign3A_422 = arith.extui %sign3A_421 : i1 to i32
        %sign3A_423 = arith.constant 0 : i32
        %sign3A_424 = arith.cmpi slt, %jit3A_411, %sign3A_423 : i32
        %sign3A_425 = arith.extui %sign3A_424 : i1 to i32
        %sign3A_426 = arith.subi %sign3A_422, %sign3A_425 : i32
        %ne3A_427 = arith.cmpi ne, %sign3A_419, %sign3A_426 : i32
        %rem3A_428 = arith.remsi %add3A_410, %jit3A_411 : i32
        %ne3A_429 = arith.constant 0 : i32
        %ne3A_430 = arith.cmpi ne, %rem3A_428, %ne3A_429 : i32
        %and3A_431 = arith.andi %ne3A_427, %ne3A_430 : i1
        %sub3A_432 = arith.constant 1 : i32
        %sub3A_433 = arith.subi %div3A_412, %sub3A_432 : i32
        %select_n3A_434 = arith.select %and3A_431, %sub3A_433, %div3A_412 : i32
        %rem3A_435 = arith.constant 4 : i32
        %rem3A_436 = arith.remsi %add3A_410, %rem3A_435 : i32
        %mul3A_437 = arith.constant 128 : i32
        %mul3A_438 = arith.muli %rem3A_436, %mul3A_437 : i32
        %scan3A_439 = arith.constant 0 : i32
        %scan3A_440 = arith.constant 8 : i32
        %scan3A_441 = arith.addi %scan3A_439, %scan3A_440 : i32
        %scan3A_442 = arith.constant 1 : i32
        scf.for %scan3A_444 = %scan3A_439 to %scan3A_441 step %scan3A_442  : i32 {
          %mul3A_445 = arith.constant 16 : i32
          %mul3A_446 = arith.muli %scan3A_444, %mul3A_445 : i32
          %add3A_447 = arith.constant 0 : i32
          %add3A_448 = arith.addi %add3A_447, %mul3A_446 : i32
          %add3A_449 = arith.addi %mul3A_438, %add3A_448 : i32
          %get3A = arith.index_cast %select_n3A_434 : i32 to index
          %get3A_450 = arith.index_cast %add3A_449 : i32 to index
          %get3A_451 = tpu.vector_load %arg5[%get3A, %get3A_450] {strides = array<i32>} : memref<26x512xi32, #tpu.memory_space<vmem>>, vector<1x16xi32>,
          %get3A_452 = vector.shape_cast %get3A_451 : vector<1x16xi32> to vector<16xi32>
          %slice3A = vector.extract_strided_slice %get3A_452 {offsets = [0], sizes = [1], strides = [1]} : vector<16xi32> to vector<1xi32>
          %squeeze3A = vector.extract %slice3A[0] : i32 from vector<1xi32>
          %add3A_453 = arith.constant 0 : i32
          %add3A_454 = arith.addi %add3A_448, %add3A_453 : i32
          %dma_start3A_455 = arith.constant 0 : i32
          %dma_start3A_456 = arith.constant 0 : i32
          %dma_start3A_457 = arith.constant 0 : i32
          %dma_start3A_458 = tpu.memref_slice %arg6[%dma_start3A_455, %add3A_454, %dma_start3A_457] : memref<4x128x64xf32, #tpu.memory_space<vmem>> -> memref<1x1x64xf32, #tpu.memory_space<vmem>>
          %dma_start3A_459 = tpu.memref_squeeze %dma_start3A_458 : memref<1x1x64xf32, #tpu.memory_space<vmem>> -> memref<64xf32, #tpu.memory_space<vmem>>
          %dma_start3A_460 = arith.constant 0 : i32
          %dma_start3A_461 = tpu.memref_slice %arg2[%squeeze3A, %dma_start3A_460] : memref<1000000x64xf32, #tpu.memory_space<hbm>> -> memref<1x64xf32, #tpu.memory_space<hbm>>
          %dma_start3A_462 = tpu.memref_squeeze %dma_start3A_461 : memref<1x64xf32, #tpu.memory_space<hbm>> -> memref<64xf32, #tpu.memory_space<hbm>>
          %dma_start3A_463 = tpu.memref_slice %arg7[%dma_start3A_456] : memref<4x!tpu.dma_semaphore, #tpu.memory_space<semaphore_mem>> -> memref<1x!tpu.dma_semaphore, #tpu.memory_space<semaphore_mem>>
          %dma_start3A_464 = tpu.memref_squeeze %dma_start3A_463 : memref<1x!tpu.dma_semaphore, #tpu.memory_space<semaphore_mem>> -> memref<!tpu.dma_semaphore, #tpu.memory_space<semaphore_mem>>
          %dma_start3A_465 = arith.constant 0 : i32
          %dma_start3A_466 = tpu.memref_slice %arg6[%dma_start3A_455, %add3A_454, %dma_start3A_465] : memref<4x128x64xf32, #tpu.memory_space<vmem>> -> memref<1x1x64xf32, #tpu.memory_space<vmem>>
          %dma_start3A_467 = tpu.memref_squeeze %dma_start3A_466 : memref<1x1x64xf32, #tpu.memory_space<vmem>> -> memref<64xf32, #tpu.memory_space<vmem>>
          %dma_start3A_468 = arith.constant 0 : i32
          %dma_start3A_469 = tpu.memref_slice %arg2[%squeeze3A, %dma_start3A_468] : memref<1000000x64xf32, #tpu.memory_space<hbm>> -> memref<1x64xf32, #tpu.memory_space<hbm>>
          %dma_start3A_470 = tpu.memref_squeeze %dma_start3A_469 : memref<1x64xf32, #tpu.memory_space<hbm>> -> memref<64xf32, #tpu.memory_space<hbm>>
          tpu.enqueue_dma source(%dma_start3A_470 : memref<64xf32, #tpu.memory_space<hbm>>) target(%dma_start3A_467 : memref<64xf32, #tpu.memory_space<vmem>>) target_semaphore(%dma_start3A_464 : memref<!tpu.dma_semaphore, #tpu.memory_space<semaphore_mem>>)
          %slice3A_471 = vector.extract_strided_slice %get3A_452 {offsets = [1], sizes = [1], strides = [1]} : vector<16xi32> to vector<1xi32>
          %squeeze3A_472 = vector.extract %slice3A_471[0] : i32 from vector<1xi32>
          %add3A_473 = arith.constant 1 : i32
          %add3A_474 = arith.addi %add3A_448, %add3A_473 : i32
          %dma_start3A_475 = arith.constant 0 : i32
          %dma_start3A_476 = arith.constant 0 : i32
          %dma_start3A_477 = arith.constant 0 : i32
          %dma_start3A_478 = tpu.memref_slice %arg6[%dma_start3A_475, %add3A_474, %dma_start3A_477] : memref<4x128x64xf32, #tpu.memory_space<vmem>> -> memref<1x1x64xf32, #tpu.memory_space<vmem>>
          %dma_start3A_479 = tpu.memref_squeeze %dma_start3A_478 : memref<1x1x64xf32, #tpu.memory_space<vmem>> -> memref<64xf32, #tpu.memory_space<vmem>>
          %dma_start3A_480 = arith.constant 0 : i32
          %dma_start3A_481 = tpu.memref_slice %arg2[%squeeze3A_472, %dma_start3A_480] : memref<1000000x64xf32, #tpu.memory_space<hbm>> -> memref<1x64xf32, #tpu.memory_space<hbm>>
          %dma_start3A_482 = tpu.memref_squeeze %dma_start3A_481 : memref<1x64xf32, #tpu.memory_space<hbm>> -> memref<64xf32, #tpu.memory_space<hbm>>
          %dma_start3A_483 = tpu.memref_slice %arg7[%dma_start3A_476] : memref<4x!tpu.dma_semaphore, #tpu.memory_space<semaphore_mem>> -> memref<1x!tpu.dma_semaphore, #tpu.memory_space<semaphore_mem>>
          %dma_start3A_484 = tpu.memref_squeeze %dma_start3A_483 : memref<1x!tpu.dma_semaphore, #tpu.memory_space<semaphore_mem>> -> memref<!tpu.dma_semaphore, #tpu.memory_space<semaphore_mem>>
          %dma_start3A_485 = arith.constant 0 : i32
          %dma_start3A_486 = tpu.memref_slice %arg6[%dma_start3A_475, %add3A_474, %dma_start3A_485] : memref<4x128x64xf32, #tpu.memory_space<vmem>> -> memref<1x1x64xf32, #tpu.memory_space<vmem>>
          %dma_start3A_487 = tpu.memref_squeeze %dma_start3A_486 : memref<1x1x64xf32, #tpu.memory_space<vmem>> -> memref<64xf32, #tpu.memory_space<vmem>>
          %dma_start3A_488 = arith.constant 0 : i32
          %dma_start3A_489 = tpu.memref_slice %arg2[%squeeze3A_472, %dma_start3A_488] : memref<1000000x64xf32, #tpu.memory_space<hbm>> -> memref<1x64xf32, #tpu.memory_space<hbm>>
          %dma_start3A_490 = tpu.memref_squeeze %dma_start3A_489 : memref<1x64xf32, #tpu.memory_space<hbm>> -> memref<64xf32, #tpu.memory_space<hbm>>
          tpu.enqueue_dma source(%dma_start3A_490 : memref<64xf32, #tpu.memory_space<hbm>>) target(%dma_start3A_487 : memref<64xf32, #tpu.memory_space<vmem>>) target_semaphore(%dma_start3A_484 : memref<!tpu.dma_semaphore, #tpu.memory_space<semaphore_mem>>)
          %slice3A_491 = vector.extract_strided_slice %get3A_452 {offsets = [2], sizes = [1], strides = [1]} : vector<16xi32> to vector<1xi32>
          %squeeze3A_492 = vector.extract %slice3A_491[0] : i32 from vector<1xi32>
          %add3A_493 = arith.constant 2 : i32
          %add3A_494 = arith.addi %add3A_448, %add3A_493 : i32
          %dma_start3A_495 = arith.constant 0 : i32
          %dma_start3A_496 = arith.constant 0 : i32
          %dma_start3A_497 = arith.constant 0 : i32
          %dma_start3A_498 = tpu.memref_slice %arg6[%dma_start3A_495, %add3A_494, %dma_start3A_497] : memref<4x128x64xf32, #tpu.memory_space<vmem>> -> memref<1x1x64xf32, #tpu.memory_space<vmem>>
          %dma_start3A_499 = tpu.memref_squeeze %dma_start3A_498 : memref<1x1x64xf32, #tpu.memory_space<vmem>> -> memref<64xf32, #tpu.memory_space<vmem>>
          %dma_start3A_500 = arith.constant 0 : i32
          %dma_start3A_501 = tpu.memref_slice %arg2[%squeeze3A_492, %dma_start3A_500] : memref<1000000x64xf32, #tpu.memory_space<hbm>> -> memref<1x64xf32, #tpu.memory_space<hbm>>
          %dma_start3A_502 = tpu.memref_squeeze %dma_start3A_501 : memref<1x64xf32, #tpu.memory_space<hbm>> -> memref<64xf32, #tpu.memory_space<hbm>>
          %dma_start3A_503 = tpu.memref_slice %arg7[%dma_start3A_496] : memref<4x!tpu.dma_semaphore, #tpu.memory_space<semaphore_mem>> -> memref<1x!tpu.dma_semaphore, #tpu.memory_space<semaphore_mem>>
          %dma_start3A_504 = tpu.memref_squeeze %dma_start3A_503 : memref<1x!tpu.dma_semaphore, #tpu.memory_space<semaphore_mem>> -> memref<!tpu.dma_semaphore, #tpu.memory_space<semaphore_mem>>
          %dma_start3A_505 = arith.constant 0 : i32
          %dma_start3A_506 = tpu.memref_slice %arg6[%dma_start3A_495, %add3A_494, %dma_start3A_505] : memref<4x128x64xf32, #tpu.memory_space<vmem>> -> memref<1x1x64xf32, #tpu.memory_space<vmem>>
          %dma_start3A_507 = tpu.memref_squeeze %dma_start3A_506 : memref<1x1x64xf32, #tpu.memory_space<vmem>> -> memref<64xf32, #tpu.memory_space<vmem>>
          %dma_start3A_508 = arith.constant 0 : i32
          %dma_start3A_509 = tpu.memref_slice %arg2[%squeeze3A_492, %dma_start3A_508] : memref<1000000x64xf32, #tpu.memory_space<hbm>> -> memref<1x64xf32, #tpu.memory_space<hbm>>
          %dma_start3A_510 = tpu.memref_squeeze %dma_start3A_509 : memref<1x64xf32, #tpu.memory_space<hbm>> -> memref<64xf32, #tpu.memory_space<hbm>>
          tpu.enqueue_dma source(%dma_start3A_510 : memref<64xf32, #tpu.memory_space<hbm>>) target(%dma_start3A_507 : memref<64xf32, #tpu.memory_space<vmem>>) target_semaphore(%dma_start3A_504 : memref<!tpu.dma_semaphore, #tpu.memory_space<semaphore_mem>>)
          %slice3A_511 = vector.extract_strided_slice %get3A_452 {offsets = [3], sizes = [1], strides = [1]} : vector<16xi32> to vector<1xi32>
          %squeeze3A_512 = vector.extract %slice3A_511[0] : i32 from vector<1xi32>
          %add3A_513 = arith.constant 3 : i32
          %add3A_514 = arith.addi %add3A_448, %add3A_513 : i32
          %dma_start3A_515 = arith.constant 0 : i32
          %dma_start3A_516 = arith.constant 0 : i32
          %dma_start3A_517 = arith.constant 0 : i32
          %dma_start3A_518 = tpu.memref_slice %arg6[%dma_start3A_515, %add3A_514, %dma_start3A_517] : memref<4x128x64xf32, #tpu.memory_space<vmem>> -> memref<1x1x64xf32, #tpu.memory_space<vmem>>
          %dma_start3A_519 = tpu.memref_squeeze %dma_start3A_518 : memref<1x1x64xf32, #tpu.memory_space<vmem>> -> memref<64xf32, #tpu.memory_space<vmem>>
          %dma_start3A_520 = arith.constant 0 : i32
          %dma_start3A_521 = tpu.memref_slice %arg2[%squeeze3A_512, %dma_start3A_520] : memref<1000000x64xf32, #tpu.memory_space<hbm>> -> memref<1x64xf32, #tpu.memory_space<hbm>>
          %dma_start3A_522 = tpu.memref_squeeze %dma_start3A_521 : memref<1x64xf32, #tpu.memory_space<hbm>> -> memref<64xf32, #tpu.memory_space<hbm>>
          %dma_start3A_523 = tpu.memref_slice %arg7[%dma_start3A_516] : memref<4x!tpu.dma_semaphore, #tpu.memory_space<semaphore_mem>> -> memref<1x!tpu.dma_semaphore, #tpu.memory_space<semaphore_mem>>
          %dma_start3A_524 = tpu.memref_squeeze %dma_start3A_523 : memref<1x!tpu.dma_semaphore, #tpu.memory_space<semaphore_mem>> -> memref<!tpu.dma_semaphore, #tpu.memory_space<semaphore_mem>>
          %dma_start3A_525 = arith.constant 0 : i32
          %dma_start3A_526 = tpu.memref_slice %arg6[%dma_start3A_515, %add3A_514, %dma_start3A_525] : memref<4x128x64xf32, #tpu.memory_space<vmem>> -> memref<1x1x64xf32, #tpu.memory_space<vmem>>
          %dma_start3A_527 = tpu.memref_squeeze %dma_start3A_526 : memref<1x1x64xf32, #tpu.memory_space<vmem>> -> memref<64xf32, #tpu.memory_space<vmem>>
          %dma_start3A_528 = arith.constant 0 : i32
          %dma_start3A_529 = tpu.memref_slice %arg2[%squeeze3A_512, %dma_start3A_528] : memref<1000000x64xf32, #tpu.memory_space<hbm>> -> memref<1x64xf32, #tpu.memory_space<hbm>>
          %dma_start3A_530 = tpu.memref_squeeze %dma_start3A_529 : memref<1x64xf32, #tpu.memory_space<hbm>> -> memref<64xf32, #tpu.memory_space<hbm>>
          tpu.enqueue_dma source(%dma_start3A_530 : memref<64xf32, #tpu.memory_space<hbm>>) target(%dma_start3A_527 : memref<64xf32, #tpu.memory_space<vmem>>) target_semaphore(%dma_start3A_524 : memref<!tpu.dma_semaphore, #tpu.memory_space<semaphore_mem>>)
          %slice3A_531 = vector.extract_strided_slice %get3A_452 {offsets = [4], sizes = [1], strides = [1]} : vector<16xi32> to vector<1xi32>
          %squeeze3A_532 = vector.extract %slice3A_531[0] : i32 from vector<1xi32>
          %add3A_533 = arith.constant 4 : i32
          %add3A_534 = arith.addi %add3A_448, %add3A_533 : i32
          %dma_start3A_535 = arith.constant 0 : i32
          %dma_start3A_536 = arith.constant 0 : i32
          %dma_start3A_537 = arith.constant 0 : i32
          %dma_start3A_538 = tpu.memref_slice %arg6[%dma_start3A_535, %add3A_534, %dma_start3A_537] : memref<4x128x64xf32, #tpu.memory_space<vmem>> -> memref<1x1x64xf32, #tpu.memory_space<vmem>>
          %dma_start3A_539 = tpu.memref_squeeze %dma_start3A_538 : memref<1x1x64xf32, #tpu.memory_space<vmem>> -> memref<64xf32, #tpu.memory_space<vmem>>
          %dma_start3A_540 = arith.constant 0 : i32
          %dma_start3A_541 = tpu.memref_slice %arg2[%squeeze3A_532, %dma_start3A_540] : memref<1000000x64xf32, #tpu.memory_space<hbm>> -> memref<1x64xf32, #tpu.memory_space<hbm>>
          %dma_start3A_542 = tpu.memref_squeeze %dma_start3A_541 : memref<1x64xf32, #tpu.memory_space<hbm>> -> memref<64xf32, #tpu.memory_space<hbm>>
          %dma_start3A_543 = tpu.memref_slice %arg7[%dma_start3A_536] : memref<4x!tpu.dma_semaphore, #tpu.memory_space<semaphore_mem>> -> memref<1x!tpu.dma_semaphore, #tpu.memory_space<semaphore_mem>>
          %dma_start3A_544 = tpu.memref_squeeze %dma_start3A_543 : memref<1x!tpu.dma_semaphore, #tpu.memory_space<semaphore_mem>> -> memref<!tpu.dma_semaphore, #tpu.memory_space<semaphore_mem>>
          %dma_start3A_545 = arith.constant 0 : i32
          %dma_start3A_546 = tpu.memref_slice %arg6[%dma_start3A_535, %add3A_534, %dma_start3A_545] : memref<4x128x64xf32, #tpu.memory_space<vmem>> -> memref<1x1x64xf32, #tpu.memory_space<vmem>>
          %dma_start3A_547 = tpu.memref_squeeze %dma_start3A_546 : memref<1x1x64xf32, #tpu.memory_space<vmem>> -> memref<64xf32, #tpu.memory_space<vmem>>
          %dma_start3A_548 = arith.constant 0 : i32
          %dma_start3A_549 = tpu.memref_slice %arg2[%squeeze3A_532, %dma_start3A_548] : memref<1000000x64xf32, #tpu.memory_space<hbm>> -> memref<1x64xf32, #tpu.memory_space<hbm>>
          %dma_start3A_550 = tpu.memref_squeeze %dma_start3A_549 : memref<1x64xf32, #tpu.memory_space<hbm>> -> memref<64xf32, #tpu.memory_space<hbm>>
          tpu.enqueue_dma source(%dma_start3A_550 : memref<64xf32, #tpu.memory_space<hbm>>) target(%dma_start3A_547 : memref<64xf32, #tpu.memory_space<vmem>>) target_semaphore(%dma_start3A_544 : memref<!tpu.dma_semaphore, #tpu.memory_space<semaphore_mem>>)
          %slice3A_551 = vector.extract_strided_slice %get3A_452 {offsets = [5], sizes = [1], strides = [1]} : vector<16xi32> to vector<1xi32>
          %squeeze3A_552 = vector.extract %slice3A_551[0] : i32 from vector<1xi32>
          %add3A_553 = arith.constant 5 : i32
          %add3A_554 = arith.addi %add3A_448, %add3A_553 : i32
          %dma_start3A_555 = arith.constant 0 : i32
          %dma_start3A_556 = arith.constant 0 : i32
          %dma_start3A_557 = arith.constant 0 : i32
          %dma_start3A_558 = tpu.memref_slice %arg6[%dma_start3A_555, %add3A_554, %dma_start3A_557] : memref<4x128x64xf32, #tpu.memory_space<vmem>> -> memref<1x1x64xf32, #tpu.memory_space<vmem>>
          %dma_start3A_559 = tpu.memref_squeeze %dma_start3A_558 : memref<1x1x64xf32, #tpu.memory_space<vmem>> -> memref<64xf32, #tpu.memory_space<vmem>>
          %dma_start3A_560 = arith.constant 0 : i32
          %dma_start3A_561 = tpu.memref_slice %arg2[%squeeze3A_552, %dma_start3A_560] : memref<1000000x64xf32, #tpu.memory_space<hbm>> -> memref<1x64xf32, #tpu.memory_space<hbm>>
          %dma_start3A_562 = tpu.memref_squeeze %dma_start3A_561 : memref<1x64xf32, #tpu.memory_space<hbm>> -> memref<64xf32, #tpu.memory_space<hbm>>
          %dma_start3A_563 = tpu.memref_slice %arg7[%dma_start3A_556] : memref<4x!tpu.dma_semaphore, #tpu.memory_space<semaphore_mem>> -> memref<1x!tpu.dma_semaphore, #tpu.memory_space<semaphore_mem>>
          %dma_start3A_564 = tpu.memref_squeeze %dma_start3A_563 : memref<1x!tpu.dma_semaphore, #tpu.memory_space<semaphore_mem>> -> memref<!tpu.dma_semaphore, #tpu.memory_space<semaphore_mem>>
          %dma_start3A_565 = arith.constant 0 : i32
          %dma_start3A_566 = tpu.memref_slice %arg6[%dma_start3A_555, %add3A_554, %dma_start3A_565] : memref<4x128x64xf32, #tpu.memory_space<vmem>> -> memref<1x1x64xf32, #tpu.memory_space<vmem>>
          %dma_start3A_567 = tpu.memref_squeeze %dma_start3A_566 : memref<1x1x64xf32, #tpu.memory_space<vmem>> -> memref<64xf32, #tpu.memory_space<vmem>>
          %dma_start3A_568 = arith.constant 0 : i32
          %dma_start3A_569 = tpu.memref_slice %arg2[%squeeze3A_552, %dma_start3A_568] : memref<1000000x64xf32, #tpu.memory_space<hbm>> -> memref<1x64xf32, #tpu.memory_space<hbm>>
          %dma_start3A_570 = tpu.memref_squeeze %dma_start3A_569 : memref<1x64xf32, #tpu.memory_space<hbm>> -> memref<64xf32, #tpu.memory_space<hbm>>
          tpu.enqueue_dma source(%dma_start3A_570 : memref<64xf32, #tpu.memory_space<hbm>>) target(%dma_start3A_567 : memref<64xf32, #tpu.memory_space<vmem>>) target_semaphore(%dma_start3A_564 : memref<!tpu.dma_semaphore, #tpu.memory_space<semaphore_mem>>)
          %slice3A_571 = vector.extract_strided_slice %get3A_452 {offsets = [6], sizes = [1], strides = [1]} : vector<16xi32> to vector<1xi32>
          %squeeze3A_572 = vector.extract %slice3A_571[0] : i32 from vector<1xi32>
          %add3A_573 = arith.constant 6 : i32
          %add3A_574 = arith.addi %add3A_448, %add3A_573 : i32
          %dma_start3A_575 = arith.constant 0 : i32
          %dma_start3A_576 = arith.constant 0 : i32
          %dma_start3A_577 = arith.constant 0 : i32
          %dma_start3A_578 = tpu.memref_slice %arg6[%dma_start3A_575, %add3A_574, %dma_start3A_577] : memref<4x128x64xf32, #tpu.memory_space<vmem>> -> memref<1x1x64xf32, #tpu.memory_space<vmem>>
          %dma_start3A_579 = tpu.memref_squeeze %dma_start3A_578 : memref<1x1x64xf32, #tpu.memory_space<vmem>> -> memref<64xf32, #tpu.memory_space<vmem>>
          %dma_start3A_580 = arith.constant 0 : i32
          %dma_start3A_581 = tpu.memref_slice %arg2[%squeeze3A_572, %dma_start3A_580] : memref<1000000x64xf32, #tpu.memory_space<hbm>> -> memref<1x64xf32, #tpu.memory_space<hbm>>
          %dma_start3A_582 = tpu.memref_squeeze %dma_start3A_581 : memref<1x64xf32, #tpu.memory_space<hbm>> -> memref<64xf32, #tpu.memory_space<hbm>>
          %dma_start3A_583 = tpu.memref_slice %arg7[%dma_start3A_576] : memref<4x!tpu.dma_semaphore, #tpu.memory_space<semaphore_mem>> -> memref<1x!tpu.dma_semaphore, #tpu.memory_space<semaphore_mem>>
          %dma_start3A_584 = tpu.memref_squeeze %dma_start3A_583 : memref<1x!tpu.dma_semaphore, #tpu.memory_space<semaphore_mem>> -> memref<!tpu.dma_semaphore, #tpu.memory_space<semaphore_mem>>
          %dma_start3A_585 = arith.constant 0 : i32
          %dma_start3A_586 = tpu.memref_slice %arg6[%dma_start3A_575, %add3A_574, %dma_start3A_585] : memref<4x128x64xf32, #tpu.memory_space<vmem>> -> memref<1x1x64xf32, #tpu.memory_space<vmem>>
          %dma_start3A_587 = tpu.memref_squeeze %dma_start3A_586 : memref<1x1x64xf32, #tpu.memory_space<vmem>> -> memref<64xf32, #tpu.memory_space<vmem>>
          %dma_start3A_588 = arith.constant 0 : i32
          %dma_start3A_589 = tpu.memref_slice %arg2[%squeeze3A_572, %dma_start3A_588] : memref<1000000x64xf32, #tpu.memory_space<hbm>> -> memref<1x64xf32, #tpu.memory_space<hbm>>
          %dma_start3A_590 = tpu.memref_squeeze %dma_start3A_589 : memref<1x64xf32, #tpu.memory_space<hbm>> -> memref<64xf32, #tpu.memory_space<hbm>>
          tpu.enqueue_dma source(%dma_start3A_590 : memref<64xf32, #tpu.memory_space<hbm>>) target(%dma_start3A_587 : memref<64xf32, #tpu.memory_space<vmem>>) target_semaphore(%dma_start3A_584 : memref<!tpu.dma_semaphore, #tpu.memory_space<semaphore_mem>>)
          %slice3A_591 = vector.extract_strided_slice %get3A_452 {offsets = [7], sizes = [1], strides = [1]} : vector<16xi32> to vector<1xi32>
          %squeeze3A_592 = vector.extract %slice3A_591[0] : i32 from vector<1xi32>
          %add3A_593 = arith.constant 7 : i32
          %add3A_594 = arith.addi %add3A_448, %add3A_593 : i32
          %dma_start3A_595 = arith.constant 0 : i32
          %dma_start3A_596 = arith.constant 0 : i32
          %dma_start3A_597 = arith.constant 0 : i32
          %dma_start3A_598 = tpu.memref_slice %arg6[%dma_start3A_595, %add3A_594, %dma_start3A_597] : memref<4x128x64xf32, #tpu.memory_space<vmem>> -> memref<1x1x64xf32, #tpu.memory_space<vmem>>
          %dma_start3A_599 = tpu.memref_squeeze %dma_start3A_598 : memref<1x1x64xf32, #tpu.memory_space<vmem>> -> memref<64xf32, #tpu.memory_space<vmem>>
          %dma_start3A_600 = arith.constant 0 : i32
          %dma_start3A_601 = tpu.memref_slice %arg2[%squeeze3A_592, %dma_start3A_600] : memref<1000000x64xf32, #tpu.memory_space<hbm>> -> memref<1x64xf32, #tpu.memory_space<hbm>>
          %dma_start3A_602 = tpu.memref_squeeze %dma_start3A_601 : memref<1x64xf32, #tpu.memory_space<hbm>> -> memref<64xf32, #tpu.memory_space<hbm>>
          %dma_start3A_603 = tpu.memref_slice %arg7[%dma_start3A_596] : memref<4x!tpu.dma_semaphore, #tpu.memory_space<semaphore_mem>> -> memref<1x!tpu.dma_semaphore, #tpu.memory_space<semaphore_mem>>
          %dma_start3A_604 = tpu.memref_squeeze %dma_start3A_603 : memref<1x!tpu.dma_semaphore, #tpu.memory_space<semaphore_mem>> -> memref<!tpu.dma_semaphore, #tpu.memory_space<semaphore_mem>>
          %dma_start3A_605 = arith.constant 0 : i32
          %dma_start3A_606 = tpu.memref_slice %arg6[%dma_start3A_595, %add3A_594, %dma_start3A_605] : memref<4x128x64xf32, #tpu.memory_space<vmem>> -> memref<1x1x64xf32, #tpu.memory_space<vmem>>
          %dma_start3A_607 = tpu.memref_squeeze %dma_start3A_606 : memref<1x1x64xf32, #tpu.memory_space<vmem>> -> memref<64xf32, #tpu.memory_space<vmem>>
          %dma_start3A_608 = arith.constant 0 : i32
          %dma_start3A_609 = tpu.memref_slice %arg2[%squeeze3A_592, %dma_start3A_608] : memref<1000000x64xf32, #tpu.memory_space<hbm>> -> memref<1x64xf32, #tpu.memory_space<hbm>>
          %dma_start3A_610 = tpu.memref_squeeze %dma_start3A_609 : memref<1x64xf32, #tpu.memory_space<hbm>> -> memref<64xf32, #tpu.memory_space<hbm>>
          tpu.enqueue_dma source(%dma_start3A_610 : memref<64xf32, #tpu.memory_space<hbm>>) target(%dma_start3A_607 : memref<64xf32, #tpu.memory_space<vmem>>) target_semaphore(%dma_start3A_604 : memref<!tpu.dma_semaphore, #tpu.memory_space<semaphore_mem>>)
          %slice3A_611 = vector.extract_strided_slice %get3A_452 {offsets = [8], sizes = [1], strides = [1]} : vector<16xi32> to vector<1xi32>
          %squeeze3A_612 = vector.extract %slice3A_611[0] : i32 from vector<1xi32>
          %add3A_613 = arith.constant 8 : i32
          %add3A_614 = arith.addi %add3A_448, %add3A_613 : i32
          %dma_start3A_615 = arith.constant 0 : i32
          %dma_start3A_616 = arith.constant 0 : i32
          %dma_start3A_617 = arith.constant 0 : i32
          %dma_start3A_618 = tpu.memref_slice %arg6[%dma_start3A_615, %add3A_614, %dma_start3A_617] : memref<4x128x64xf32, #tpu.memory_space<vmem>> -> memref<1x1x64xf32, #tpu.memory_space<vmem>>
          %dma_start3A_619 = tpu.memref_squeeze %dma_start3A_618 : memref<1x1x64xf32, #tpu.memory_space<vmem>> -> memref<64xf32, #tpu.memory_space<vmem>>
          %dma_start3A_620 = arith.constant 0 : i32
          %dma_start3A_621 = tpu.memref_slice %arg2[%squeeze3A_612, %dma_start3A_620] : memref<1000000x64xf32, #tpu.memory_space<hbm>> -> memref<1x64xf32, #tpu.memory_space<hbm>>
          %dma_start3A_622 = tpu.memref_squeeze %dma_start3A_621 : memref<1x64xf32, #tpu.memory_space<hbm>> -> memref<64xf32, #tpu.memory_space<hbm>>
          %dma_start3A_623 = tpu.memref_slice %arg7[%dma_start3A_616] : memref<4x!tpu.dma_semaphore, #tpu.memory_space<semaphore_mem>> -> memref<1x!tpu.dma_semaphore, #tpu.memory_space<semaphore_mem>>
          %dma_start3A_624 = tpu.memref_squeeze %dma_start3A_623 : memref<1x!tpu.dma_semaphore, #tpu.memory_space<semaphore_mem>> -> memref<!tpu.dma_semaphore, #tpu.memory_space<semaphore_mem>>
          %dma_start3A_625 = arith.constant 0 : i32
          %dma_start3A_626 = tpu.memref_slice %arg6[%dma_start3A_615, %add3A_614, %dma_start3A_625] : memref<4x128x64xf32, #tpu.memory_space<vmem>> -> memref<1x1x64xf32, #tpu.memory_space<vmem>>
          %dma_start3A_627 = tpu.memref_squeeze %dma_start3A_626 : memref<1x1x64xf32, #tpu.memory_space<vmem>> -> memref<64xf32, #tpu.memory_space<vmem>>
          %dma_start3A_628 = arith.constant 0 : i32
          %dma_start3A_629 = tpu.memref_slice %arg2[%squeeze3A_612, %dma_start3A_628] : memref<1000000x64xf32, #tpu.memory_space<hbm>> -> memref<1x64xf32, #tpu.memory_space<hbm>>
          %dma_start3A_630 = tpu.memref_squeeze %dma_start3A_629 : memref<1x64xf32, #tpu.memory_space<hbm>> -> memref<64xf32, #tpu.memory_space<hbm>>
          tpu.enqueue_dma source(%dma_start3A_630 : memref<64xf32, #tpu.memory_space<hbm>>) target(%dma_start3A_627 : memref<64xf32, #tpu.memory_space<vmem>>) target_semaphore(%dma_start3A_624 : memref<!tpu.dma_semaphore, #tpu.memory_space<semaphore_mem>>)
          %slice3A_631 = vector.extract_strided_slice %get3A_452 {offsets = [9], sizes = [1], strides = [1]} : vector<16xi32> to vector<1xi32>
          %squeeze3A_632 = vector.extract %slice3A_631[0] : i32 from vector<1xi32>
          %add3A_633 = arith.constant 9 : i32
          %add3A_634 = arith.addi %add3A_448, %add3A_633 : i32
          %dma_start3A_635 = arith.constant 0 : i32
          %dma_start3A_636 = arith.constant 0 : i32
          %dma_start3A_637 = arith.constant 0 : i32
          %dma_start3A_638 = tpu.memref_slice %arg6[%dma_start3A_635, %add3A_634, %dma_start3A_637] : memref<4x128x64xf32, #tpu.memory_space<vmem>> -> memref<1x1x64xf32, #tpu.memory_space<vmem>>
          %dma_start3A_639 = tpu.memref_squeeze %dma_start3A_638 : memref<1x1x64xf32, #tpu.memory_space<vmem>> -> memref<64xf32, #tpu.memory_space<vmem>>
          %dma_start3A_640 = arith.constant 0 : i32
          %dma_start3A_641 = tpu.memref_slice %arg2[%squeeze3A_632, %dma_start3A_640] : memref<1000000x64xf32, #tpu.memory_space<hbm>> -> memref<1x64xf32, #tpu.memory_space<hbm>>
          %dma_start3A_642 = tpu.memref_squeeze %dma_start3A_641 : memref<1x64xf32, #tpu.memory_space<hbm>> -> memref<64xf32, #tpu.memory_space<hbm>>
          %dma_start3A_643 = tpu.memref_slice %arg7[%dma_start3A_636] : memref<4x!tpu.dma_semaphore, #tpu.memory_space<semaphore_mem>> -> memref<1x!tpu.dma_semaphore, #tpu.memory_space<semaphore_mem>>
          %dma_start3A_644 = tpu.memref_squeeze %dma_start3A_643 : memref<1x!tpu.dma_semaphore, #tpu.memory_space<semaphore_mem>> -> memref<!tpu.dma_semaphore, #tpu.memory_space<semaphore_mem>>
          %dma_start3A_645 = arith.constant 0 : i32
          %dma_start3A_646 = tpu.memref_slice %arg6[%dma_start3A_635, %add3A_634, %dma_start3A_645] : memref<4x128x64xf32, #tpu.memory_space<vmem>> -> memref<1x1x64xf32, #tpu.memory_space<vmem>>
          %dma_start3A_647 = tpu.memref_squeeze %dma_start3A_646 : memref<1x1x64xf32, #tpu.memory_space<vmem>> -> memref<64xf32, #tpu.memory_space<vmem>>
          %dma_start3A_648 = arith.constant 0 : i32
          %dma_start3A_649 = tpu.memref_slice %arg2[%squeeze3A_632, %dma_start3A_648] : memref<1000000x64xf32, #tpu.memory_space<hbm>> -> memref<1x64xf32, #tpu.memory_space<hbm>>
          %dma_start3A_650 = tpu.memref_squeeze %dma_start3A_649 : memref<1x64xf32, #tpu.memory_space<hbm>> -> memref<64xf32, #tpu.memory_space<hbm>>
          tpu.enqueue_dma source(%dma_start3A_650 : memref<64xf32, #tpu.memory_space<hbm>>) target(%dma_start3A_647 : memref<64xf32, #tpu.memory_space<vmem>>) target_semaphore(%dma_start3A_644 : memref<!tpu.dma_semaphore, #tpu.memory_space<semaphore_mem>>)
          %slice3A_651 = vector.extract_strided_slice %get3A_452 {offsets = [10], sizes = [1], strides = [1]} : vector<16xi32> to vector<1xi32>
          %squeeze3A_652 = vector.extract %slice3A_651[0] : i32 from vector<1xi32>
          %add3A_653 = arith.constant 10 : i32
          %add3A_654 = arith.addi %add3A_448, %add3A_653 : i32
          %dma_start3A_655 = arith.constant 0 : i32
          %dma_start3A_656 = arith.constant 0 : i32
          %dma_start3A_657 = arith.constant 0 : i32
          %dma_start3A_658 = tpu.memref_slice %arg6[%dma_start3A_655, %add3A_654, %dma_start3A_657] : memref<4x128x64xf32, #tpu.memory_space<vmem>> -> memref<1x1x64xf32, #tpu.memory_space<vmem>>
          %dma_start3A_659 = tpu.memref_squeeze %dma_start3A_658 : memref<1x1x64xf32, #tpu.memory_space<vmem>> -> memref<64xf32, #tpu.memory_space<vmem>>
          %dma_start3A_660 = arith.constant 0 : i32
          %dma_start3A_661 = tpu.memref_slice %arg2[%squeeze3A_652, %dma_start3A_660] : memref<1000000x64xf32, #tpu.memory_space<hbm>> -> memref<1x64xf32, #tpu.memory_space<hbm>>
          %dma_start3A_662 = tpu.memref_squeeze %dma_start3A_661 : memref<1x64xf32, #tpu.memory_space<hbm>> -> memref<64xf32, #tpu.memory_space<hbm>>
          %dma_start3A_663 = tpu.memref_slice %arg7[%dma_start3A_656] : memref<4x!tpu.dma_semaphore, #tpu.memory_space<semaphore_mem>> -> memref<1x!tpu.dma_semaphore, #tpu.memory_space<semaphore_mem>>
          %dma_start3A_664 = tpu.memref_squeeze %dma_start3A_663 : memref<1x!tpu.dma_semaphore, #tpu.memory_space<semaphore_mem>> -> memref<!tpu.dma_semaphore, #tpu.memory_space<semaphore_mem>>
          %dma_start3A_665 = arith.constant 0 : i32
          %dma_start3A_666 = tpu.memref_slice %arg6[%dma_start3A_655, %add3A_654, %dma_start3A_665] : memref<4x128x64xf32, #tpu.memory_space<vmem>> -> memref<1x1x64xf32, #tpu.memory_space<vmem>>
          %dma_start3A_667 = tpu.memref_squeeze %dma_start3A_666 : memref<1x1x64xf32, #tpu.memory_space<vmem>> -> memref<64xf32, #tpu.memory_space<vmem>>
          %dma_start3A_668 = arith.constant 0 : i32
          %dma_start3A_669 = tpu.memref_slice %arg2[%squeeze3A_652, %dma_start3A_668] : memref<1000000x64xf32, #tpu.memory_space<hbm>> -> memref<1x64xf32, #tpu.memory_space<hbm>>
          %dma_start3A_670 = tpu.memref_squeeze %dma_start3A_669 : memref<1x64xf32, #tpu.memory_space<hbm>> -> memref<64xf32, #tpu.memory_space<hbm>>
          tpu.enqueue_dma source(%dma_start3A_670 : memref<64xf32, #tpu.memory_space<hbm>>) target(%dma_start3A_667 : memref<64xf32, #tpu.memory_space<vmem>>) target_semaphore(%dma_start3A_664 : memref<!tpu.dma_semaphore, #tpu.memory_space<semaphore_mem>>)
          %slice3A_671 = vector.extract_strided_slice %get3A_452 {offsets = [11], sizes = [1], strides = [1]} : vector<16xi32> to vector<1xi32>
          %squeeze3A_672 = vector.extract %slice3A_671[0] : i32 from vector<1xi32>
          %add3A_673 = arith.constant 11 : i32
          %add3A_674 = arith.addi %add3A_448, %add3A_673 : i32
          %dma_start3A_675 = arith.constant 0 : i32
          %dma_start3A_676 = arith.constant 0 : i32
          %dma_start3A_677 = arith.constant 0 : i32
          %dma_start3A_678 = tpu.memref_slice %arg6[%dma_start3A_675, %add3A_674, %dma_start3A_677] : memref<4x128x64xf32, #tpu.memory_space<vmem>> -> memref<1x1x64xf32, #tpu.memory_space<vmem>>
          %dma_start3A_679 = tpu.memref_squeeze %dma_start3A_678 : memref<1x1x64xf32, #tpu.memory_space<vmem>> -> memref<64xf32, #tpu.memory_space<vmem>>
          %dma_start3A_680 = arith.constant 0 : i32
          %dma_start3A_681 = tpu.memref_slice %arg2[%squeeze3A_672, %dma_start3A_680] : memref<1000000x64xf32, #tpu.memory_space<hbm>> -> memref<1x64xf32, #tpu.memory_space<hbm>>
          %dma_start3A_682 = tpu.memref_squeeze %dma_start3A_681 : memref<1x64xf32, #tpu.memory_space<hbm>> -> memref<64xf32, #tpu.memory_space<hbm>>
          %dma_start3A_683 = tpu.memref_slice %arg7[%dma_start3A_676] : memref<4x!tpu.dma_semaphore, #tpu.memory_space<semaphore_mem>> -> memref<1x!tpu.dma_semaphore, #tpu.memory_space<semaphore_mem>>
          %dma_start3A_684 = tpu.memref_squeeze %dma_start3A_683 : memref<1x!tpu.dma_semaphore, #tpu.memory_space<semaphore_mem>> -> memref<!tpu.dma_semaphore, #tpu.memory_space<semaphore_mem>>
          %dma_start3A_685 = arith.constant 0 : i32
          %dma_start3A_686 = tpu.memref_slice %arg6[%dma_start3A_675, %add3A_674, %dma_start3A_685] : memref<4x128x64xf32, #tpu.memory_space<vmem>> -> memref<1x1x64xf32, #tpu.memory_space<vmem>>
          %dma_start3A_687 = tpu.memref_squeeze %dma_start3A_686 : memref<1x1x64xf32, #tpu.memory_space<vmem>> -> memref<64xf32, #tpu.memory_space<vmem>>
          %dma_start3A_688 = arith.constant 0 : i32
          %dma_start3A_689 = tpu.memref_slice %arg2[%squeeze3A_672, %dma_start3A_688] : memref<1000000x64xf32, #tpu.memory_space<hbm>> -> memref<1x64xf32, #tpu.memory_space<hbm>>
          %dma_start3A_690 = tpu.memref_squeeze %dma_start3A_689 : memref<1x64xf32, #tpu.memory_space<hbm>> -> memref<64xf32, #tpu.memory_space<hbm>>
          tpu.enqueue_dma source(%dma_start3A_690 : memref<64xf32, #tpu.memory_space<hbm>>) target(%dma_start3A_687 : memref<64xf32, #tpu.memory_space<vmem>>) target_semaphore(%dma_start3A_684 : memref<!tpu.dma_semaphore, #tpu.memory_space<semaphore_mem>>)
          %slice3A_691 = vector.extract_strided_slice %get3A_452 {offsets = [12], sizes = [1], strides = [1]} : vector<16xi32> to vector<1xi32>
          %squeeze3A_692 = vector.extract %slice3A_691[0] : i32 from vector<1xi32>
          %add3A_693 = arith.constant 12 : i32
          %add3A_694 = arith.addi %add3A_448, %add3A_693 : i32
          %dma_start3A_695 = arith.constant 0 : i32
          %dma_start3A_696 = arith.constant 0 : i32
          %dma_start3A_697 = arith.constant 0 : i32
          %dma_start3A_698 = tpu.memref_slice %arg6[%dma_start3A_695, %add3A_694, %dma_start3A_697] : memref<4x128x64xf32, #tpu.memory_space<vmem>> -> memref<1x1x64xf32, #tpu.memory_space<vmem>>
          %dma_start3A_699 = tpu.memref_squeeze %dma_start3A_698 : memref<1x1x64xf32, #tpu.memory_space<vmem>> -> memref<64xf32, #tpu.memory_space<vmem>>
          %dma_start3A_700 = arith.constant 0 : i32
          %dma_start3A_701 = tpu.memref_slice %arg2[%squeeze3A_692, %dma_start3A_700] : memref<1000000x64xf32, #tpu.memory_space<hbm>> -> memref<1x64xf32, #tpu.memory_space<hbm>>
          %dma_start3A_702 = tpu.memref_squeeze %dma_start3A_701 : memref<1x64xf32, #tpu.memory_space<hbm>> -> memref<64xf32, #tpu.memory_space<hbm>>
          %dma_start3A_703 = tpu.memref_slice %arg7[%dma_start3A_696] : memref<4x!tpu.dma_semaphore, #tpu.memory_space<semaphore_mem>> -> memref<1x!tpu.dma_semaphore, #tpu.memory_space<semaphore_mem>>
          %dma_start3A_704 = tpu.memref_squeeze %dma_start3A_703 : memref<1x!tpu.dma_semaphore, #tpu.memory_space<semaphore_mem>> -> memref<!tpu.dma_semaphore, #tpu.memory_space<semaphore_mem>>
          %dma_start3A_705 = arith.constant 0 : i32
          %dma_start3A_706 = tpu.memref_slice %arg6[%dma_start3A_695, %add3A_694, %dma_start3A_705] : memref<4x128x64xf32, #tpu.memory_space<vmem>> -> memref<1x1x64xf32, #tpu.memory_space<vmem>>
          %dma_start3A_707 = tpu.memref_squeeze %dma_start3A_706 : memref<1x1x64xf32, #tpu.memory_space<vmem>> -> memref<64xf32, #tpu.memory_space<vmem>>
          %dma_start3A_708 = arith.constant 0 : i32
          %dma_start3A_709 = tpu.memref_slice %arg2[%squeeze3A_692, %dma_start3A_708] : memref<1000000x64xf32, #tpu.memory_space<hbm>> -> memref<1x64xf32, #tpu.memory_space<hbm>>
          %dma_start3A_710 = tpu.memref_squeeze %dma_start3A_709 : memref<1x64xf32, #tpu.memory_space<hbm>> -> memref<64xf32, #tpu.memory_space<hbm>>
          tpu.enqueue_dma source(%dma_start3A_710 : memref<64xf32, #tpu.memory_space<hbm>>) target(%dma_start3A_707 : memref<64xf32, #tpu.memory_space<vmem>>) target_semaphore(%dma_start3A_704 : memref<!tpu.dma_semaphore, #tpu.memory_space<semaphore_mem>>)
          %slice3A_711 = vector.extract_strided_slice %get3A_452 {offsets = [13], sizes = [1], strides = [1]} : vector<16xi32> to vector<1xi32>
          %squeeze3A_712 = vector.extract %slice3A_711[0] : i32 from vector<1xi32>
          %add3A_713 = arith.constant 13 : i32
          %add3A_714 = arith.addi %add3A_448, %add3A_713 : i32
          %dma_start3A_715 = arith.constant 0 : i32
          %dma_start3A_716 = arith.constant 0 : i32
          %dma_start3A_717 = arith.constant 0 : i32
          %dma_start3A_718 = tpu.memref_slice %arg6[%dma_start3A_715, %add3A_714, %dma_start3A_717] : memref<4x128x64xf32, #tpu.memory_space<vmem>> -> memref<1x1x64xf32, #tpu.memory_space<vmem>>
          %dma_start3A_719 = tpu.memref_squeeze %dma_start3A_718 : memref<1x1x64xf32, #tpu.memory_space<vmem>> -> memref<64xf32, #tpu.memory_space<vmem>>
          %dma_start3A_720 = arith.constant 0 : i32
          %dma_start3A_721 = tpu.memref_slice %arg2[%squeeze3A_712, %dma_start3A_720] : memref<1000000x64xf32, #tpu.memory_space<hbm>> -> memref<1x64xf32, #tpu.memory_space<hbm>>
          %dma_start3A_722 = tpu.memref_squeeze %dma_start3A_721 : memref<1x64xf32, #tpu.memory_space<hbm>> -> memref<64xf32, #tpu.memory_space<hbm>>
          %dma_start3A_723 = tpu.memref_slice %arg7[%dma_start3A_716] : memref<4x!tpu.dma_semaphore, #tpu.memory_space<semaphore_mem>> -> memref<1x!tpu.dma_semaphore, #tpu.memory_space<semaphore_mem>>
          %dma_start3A_724 = tpu.memref_squeeze %dma_start3A_723 : memref<1x!tpu.dma_semaphore, #tpu.memory_space<semaphore_mem>> -> memref<!tpu.dma_semaphore, #tpu.memory_space<semaphore_mem>>
          %dma_start3A_725 = arith.constant 0 : i32
          %dma_start3A_726 = tpu.memref_slice %arg6[%dma_start3A_715, %add3A_714, %dma_start3A_725] : memref<4x128x64xf32, #tpu.memory_space<vmem>> -> memref<1x1x64xf32, #tpu.memory_space<vmem>>
          %dma_start3A_727 = tpu.memref_squeeze %dma_start3A_726 : memref<1x1x64xf32, #tpu.memory_space<vmem>> -> memref<64xf32, #tpu.memory_space<vmem>>
          %dma_start3A_728 = arith.constant 0 : i32
          %dma_start3A_729 = tpu.memref_slice %arg2[%squeeze3A_712, %dma_start3A_728] : memref<1000000x64xf32, #tpu.memory_space<hbm>> -> memref<1x64xf32, #tpu.memory_space<hbm>>
          %dma_start3A_730 = tpu.memref_squeeze %dma_start3A_729 : memref<1x64xf32, #tpu.memory_space<hbm>> -> memref<64xf32, #tpu.memory_space<hbm>>
          tpu.enqueue_dma source(%dma_start3A_730 : memref<64xf32, #tpu.memory_space<hbm>>) target(%dma_start3A_727 : memref<64xf32, #tpu.memory_space<vmem>>) target_semaphore(%dma_start3A_724 : memref<!tpu.dma_semaphore, #tpu.memory_space<semaphore_mem>>)
          %slice3A_731 = vector.extract_strided_slice %get3A_452 {offsets = [14], sizes = [1], strides = [1]} : vector<16xi32> to vector<1xi32>
          %squeeze3A_732 = vector.extract %slice3A_731[0] : i32 from vector<1xi32>
          %add3A_733 = arith.constant 14 : i32
          %add3A_734 = arith.addi %add3A_448, %add3A_733 : i32
          %dma_start3A_735 = arith.constant 0 : i32
          %dma_start3A_736 = arith.constant 0 : i32
          %dma_start3A_737 = arith.constant 0 : i32
          %dma_start3A_738 = tpu.memref_slice %arg6[%dma_start3A_735, %add3A_734, %dma_start3A_737] : memref<4x128x64xf32, #tpu.memory_space<vmem>> -> memref<1x1x64xf32, #tpu.memory_space<vmem>>
          %dma_start3A_739 = tpu.memref_squeeze %dma_start3A_738 : memref<1x1x64xf32, #tpu.memory_space<vmem>> -> memref<64xf32, #tpu.memory_space<vmem>>
          %dma_start3A_740 = arith.constant 0 : i32
          %dma_start3A_741 = tpu.memref_slice %arg2[%squeeze3A_732, %dma_start3A_740] : memref<1000000x64xf32, #tpu.memory_space<hbm>> -> memref<1x64xf32, #tpu.memory_space<hbm>>
          %dma_start3A_742 = tpu.memref_squeeze %dma_start3A_741 : memref<1x64xf32, #tpu.memory_space<hbm>> -> memref<64xf32, #tpu.memory_space<hbm>>
          %dma_start3A_743 = tpu.memref_slice %arg7[%dma_start3A_736] : memref<4x!tpu.dma_semaphore, #tpu.memory_space<semaphore_mem>> -> memref<1x!tpu.dma_semaphore, #tpu.memory_space<semaphore_mem>>
          %dma_start3A_744 = tpu.memref_squeeze %dma_start3A_743 : memref<1x!tpu.dma_semaphore, #tpu.memory_space<semaphore_mem>> -> memref<!tpu.dma_semaphore, #tpu.memory_space<semaphore_mem>>
          %dma_start3A_745 = arith.constant 0 : i32
          %dma_start3A_746 = tpu.memref_slice %arg6[%dma_start3A_735, %add3A_734, %dma_start3A_745] : memref<4x128x64xf32, #tpu.memory_space<vmem>> -> memref<1x1x64xf32, #tpu.memory_space<vmem>>
          %dma_start3A_747 = tpu.memref_squeeze %dma_start3A_746 : memref<1x1x64xf32, #tpu.memory_space<vmem>> -> memref<64xf32, #tpu.memory_space<vmem>>
          %dma_start3A_748 = arith.constant 0 : i32
          %dma_start3A_749 = tpu.memref_slice %arg2[%squeeze3A_732, %dma_start3A_748] : memref<1000000x64xf32, #tpu.memory_space<hbm>> -> memref<1x64xf32, #tpu.memory_space<hbm>>
          %dma_start3A_750 = tpu.memref_squeeze %dma_start3A_749 : memref<1x64xf32, #tpu.memory_space<hbm>> -> memref<64xf32, #tpu.memory_space<hbm>>
          tpu.enqueue_dma source(%dma_start3A_750 : memref<64xf32, #tpu.memory_space<hbm>>) target(%dma_start3A_747 : memref<64xf32, #tpu.memory_space<vmem>>) target_semaphore(%dma_start3A_744 : memref<!tpu.dma_semaphore, #tpu.memory_space<semaphore_mem>>)
          %slice3A_751 = vector.extract_strided_slice %get3A_452 {offsets = [15], sizes = [1], strides = [1]} : vector<16xi32> to vector<1xi32>
          %squeeze3A_752 = vector.extract %slice3A_751[0] : i32 from vector<1xi32>
          %add3A_753 = arith.constant 15 : i32
          %add3A_754 = arith.addi %add3A_448, %add3A_753 : i32
          %dma_start3A_755 = arith.constant 0 : i32
          %dma_start3A_756 = arith.constant 0 : i32
          %dma_start3A_757 = arith.constant 0 : i32
          %dma_start3A_758 = tpu.memref_slice %arg6[%dma_start3A_755, %add3A_754, %dma_start3A_757] : memref<4x128x64xf32, #tpu.memory_space<vmem>> -> memref<1x1x64xf32, #tpu.memory_space<vmem>>
          %dma_start3A_759 = tpu.memref_squeeze %dma_start3A_758 : memref<1x1x64xf32, #tpu.memory_space<vmem>> -> memref<64xf32, #tpu.memory_space<vmem>>
          %dma_start3A_760 = arith.constant 0 : i32
          %dma_start3A_761 = tpu.memref_slice %arg2[%squeeze3A_752, %dma_start3A_760] : memref<1000000x64xf32, #tpu.memory_space<hbm>> -> memref<1x64xf32, #tpu.memory_space<hbm>>
          %dma_start3A_762 = tpu.memref_squeeze %dma_start3A_761 : memref<1x64xf32, #tpu.memory_space<hbm>> -> memref<64xf32, #tpu.memory_space<hbm>>
          %dma_start3A_763 = tpu.memref_slice %arg7[%dma_start3A_756] : memref<4x!tpu.dma_semaphore, #tpu.memory_space<semaphore_mem>> -> memref<1x!tpu.dma_semaphore, #tpu.memory_space<semaphore_mem>>
          %dma_start3A_764 = tpu.memref_squeeze %dma_start3A_763 : memref<1x!tpu.dma_semaphore, #tpu.memory_space<semaphore_mem>> -> memref<!tpu.dma_semaphore, #tpu.memory_space<semaphore_mem>>
          %dma_start3A_765 = arith.constant 0 : i32
          %dma_start3A_766 = tpu.memref_slice %arg6[%dma_start3A_755, %add3A_754, %dma_start3A_765] : memref<4x128x64xf32, #tpu.memory_space<vmem>> -> memref<1x1x64xf32, #tpu.memory_space<vmem>>
          %dma_start3A_767 = tpu.memref_squeeze %dma_start3A_766 : memref<1x1x64xf32, #tpu.memory_space<vmem>> -> memref<64xf32, #tpu.memory_space<vmem>>
          %dma_start3A_768 = arith.constant 0 : i32
          %dma_start3A_769 = tpu.memref_slice %arg2[%squeeze3A_752, %dma_start3A_768] : memref<1000000x64xf32, #tpu.memory_space<hbm>> -> memref<1x64xf32, #tpu.memory_space<hbm>>
          %dma_start3A_770 = tpu.memref_squeeze %dma_start3A_769 : memref<1x64xf32, #tpu.memory_space<hbm>> -> memref<64xf32, #tpu.memory_space<hbm>>
          tpu.enqueue_dma source(%dma_start3A_770 : memref<64xf32, #tpu.memory_space<hbm>>) target(%dma_start3A_767 : memref<64xf32, #tpu.memory_space<vmem>>) target_semaphore(%dma_start3A_764 : memref<!tpu.dma_semaphore, #tpu.memory_space<semaphore_mem>>)
        }
        %scan3A_443 = arith.constant 8 : i32
      } else {
      }
      %add3A_113 = arith.constant 4 : i32
      %add3A_114 = arith.addi %add3A_52, %add3A_113 : i32
      %ge3A = arith.constant 104 : i32
      %ge3A_115 = arith.cmpi sge, %add3A_114, %ge3A : i32
      %convert_element_type3A_116 = arith.extui %ge3A_115 : i1 to i32
      %cond3A_117 = arith.constant 0 : i32
      %cond3A_118 = arith.cmpi ne, %convert_element_type3A_116, %cond3A_117 : i32
      scf.if %cond3A_118 {
        %jit3A_362 = arith.constant 4 : i32
        %div3A_363 = arith.divsi %add3A_52, %jit3A_362 : i32
        %sign3A_364 = arith.constant 0 : i32
        %sign3A_365 = arith.cmpi sgt, %add3A_52, %sign3A_364 : i32
        %sign3A_366 = arith.extui %sign3A_365 : i1 to i32
        %sign3A_367 = arith.constant 0 : i32
        %sign3A_368 = arith.cmpi slt, %add3A_52, %sign3A_367 : i32
        %sign3A_369 = arith.extui %sign3A_368 : i1 to i32
        %sign3A_370 = arith.subi %sign3A_366, %sign3A_369 : i32
        %sign3A_371 = arith.constant 0 : i32
        %sign3A_372 = arith.cmpi sgt, %jit3A_362, %sign3A_371 : i32
        %sign3A_373 = arith.extui %sign3A_372 : i1 to i32
        %sign3A_374 = arith.constant 0 : i32
        %sign3A_375 = arith.cmpi slt, %jit3A_362, %sign3A_374 : i32
        %sign3A_376 = arith.extui %sign3A_375 : i1 to i32
        %sign3A_377 = arith.subi %sign3A_373, %sign3A_376 : i32
        %ne3A_378 = arith.cmpi ne, %sign3A_370, %sign3A_377 : i32
        %rem3A_379 = arith.remsi %add3A_52, %jit3A_362 : i32
        %ne3A_380 = arith.constant 0 : i32
        %ne3A_381 = arith.cmpi ne, %rem3A_379, %ne3A_380 : i32
        %and3A_382 = arith.andi %ne3A_378, %ne3A_381 : i1
        %sub3A_383 = arith.constant 1 : i32
        %sub3A_384 = arith.subi %div3A_363, %sub3A_383 : i32
        %select_n3A_385 = arith.select %and3A_382, %sub3A_384, %div3A_363 : i32
        %rem3A_386 = arith.constant 4 : i32
        %rem3A_387 = arith.remsi %add3A_52, %rem3A_386 : i32
        %mul3A_388 = arith.constant 128 : i32
        %mul3A_389 = arith.muli %rem3A_387, %mul3A_388 : i32
        %add3A_390 = arith.addi %mul3A_2, %mul3A_389 : i32
        %dma_wait3A_391 = arith.constant 0 : i32
        %dma_wait3A_392 = arith.constant 0 : i32
        %dma_wait3A_393 = arith.constant 0 : i32
        %dma_wait3A_394 = arith.constant 0 : i32
        %dma_wait3A_395 = tpu.memref_slice %arg6[%dma_wait3A_391, %dma_wait3A_393, %dma_wait3A_394] : memref<4x128x64xf32, #tpu.memory_space<vmem>> -> memref<1x128x64xf32, #tpu.memory_space<vmem>>
        %dma_wait3A_396 = tpu.memref_squeeze %dma_wait3A_395 : memref<1x128x64xf32, #tpu.memory_space<vmem>> -> memref<128x64xf32, #tpu.memory_space<vmem>>
        %dma_wait3A_397 = arith.constant 0 : i32
        %dma_wait3A_398 = tpu.memref_slice %arg4[%add3A_390, %select_n3A_385, %dma_wait3A_397] : memref<16384x26x64xf32, #tpu.memory_space<hbm>> -> memref<128x1x64xf32, #tpu.memory_space<hbm>>
        %dma_wait3A_399 = tpu.memref_squeeze %dma_wait3A_398 : memref<128x1x64xf32, #tpu.memory_space<hbm>> -> memref<128x64xf32, #tpu.memory_space<hbm>>
        %dma_wait3A_400 = tpu.memref_slice %arg8[%dma_wait3A_392] : memref<4x!tpu.dma_semaphore, #tpu.memory_space<semaphore_mem>> -> memref<1x!tpu.dma_semaphore, #tpu.memory_space<semaphore_mem>>
        %dma_wait3A_401 = tpu.memref_squeeze %dma_wait3A_400 : memref<1x!tpu.dma_semaphore, #tpu.memory_space<semaphore_mem>> -> memref<!tpu.dma_semaphore, #tpu.memory_space<semaphore_mem>>
        %dma_wait3A_402 = arith.constant 0 : i32
        %dma_wait3A_403 = tpu.memref_slice %arg4[%add3A_390, %select_n3A_385, %dma_wait3A_402] : memref<16384x26x64xf32, #tpu.memory_space<hbm>> -> memref<128x1x64xf32, #tpu.memory_space<hbm>>
        %dma_wait3A_404 = tpu.memref_squeeze %dma_wait3A_403 : memref<128x1x64xf32, #tpu.memory_space<hbm>> -> memref<128x64xf32, #tpu.memory_space<hbm>>
        %dma_wait3A_405 = arith.constant 0 : i32
        %dma_wait3A_406 = arith.constant 0 : i32
        %dma_wait3A_407 = tpu.memref_slice %arg6[%dma_wait3A_391, %dma_wait3A_405, %dma_wait3A_406] : memref<4x128x64xf32, #tpu.memory_space<vmem>> -> memref<1x128x64xf32, #tpu.memory_space<vmem>>
        %dma_wait3A_408 = tpu.memref_squeeze %dma_wait3A_407 : memref<1x128x64xf32, #tpu.memory_space<vmem>> -> memref<128x64xf32, #tpu.memory_space<vmem>>
        tpu.wait_dma2 semaphore(%dma_wait3A_401 : memref<!tpu.dma_semaphore, #tpu.memory_space<semaphore_mem>>) src(%dma_wait3A_408 : memref<128x64xf32, #tpu.memory_space<vmem>>) dst(%dma_wait3A_404 : memref<128x64xf32, #tpu.memory_space<hbm>>)
      } else {
      }
      %add3A_119 = arith.constant 1 : i32
      %add3A_120 = arith.addi %add3A_50, %add3A_119 : i32
      %dma_wait3A_121 = arith.constant 1 : i32
      %dma_wait3A_122 = arith.constant 1 : i32
      %dma_wait3A_123 = arith.constant 0 : i32
      %dma_wait3A_124 = arith.constant 0 : i32
      %dma_wait3A_125 = tpu.memref_slice %arg6[%dma_wait3A_121, %dma_wait3A_123, %dma_wait3A_124] : memref<4x128x64xf32, #tpu.memory_space<vmem>> -> memref<1x128x64xf32, #tpu.memory_space<vmem>>
      %dma_wait3A_126 = tpu.memref_squeeze %dma_wait3A_125 : memref<1x128x64xf32, #tpu.memory_space<vmem>> -> memref<128x64xf32, #tpu.memory_space<vmem>>
      %dma_wait3A_127 = arith.constant 0 : i32
      %dma_wait3A_128 = arith.constant 0 : i32
      %dma_wait3A_129 = tpu.memref_slice %arg2[%dma_wait3A_127, %dma_wait3A_128] : memref<1000000x64xf32, #tpu.memory_space<hbm>> -> memref<128x64xf32, #tpu.memory_space<hbm>>
      %dma_wait3A_130 = tpu.memref_slice %arg7[%dma_wait3A_122] : memref<4x!tpu.dma_semaphore, #tpu.memory_space<semaphore_mem>> -> memref<1x!tpu.dma_semaphore, #tpu.memory_space<semaphore_mem>>
      %dma_wait3A_131 = tpu.memref_squeeze %dma_wait3A_130 : memref<1x!tpu.dma_semaphore, #tpu.memory_space<semaphore_mem>> -> memref<!tpu.dma_semaphore, #tpu.memory_space<semaphore_mem>>
      %dma_wait3A_132 = arith.constant 0 : i32
      %dma_wait3A_133 = arith.constant 0 : i32
      %dma_wait3A_134 = tpu.memref_slice %arg6[%dma_wait3A_121, %dma_wait3A_132, %dma_wait3A_133] : memref<4x128x64xf32, #tpu.memory_space<vmem>> -> memref<1x128x64xf32, #tpu.memory_space<vmem>>
      %dma_wait3A_135 = tpu.memref_squeeze %dma_wait3A_134 : memref<1x128x64xf32, #tpu.memory_space<vmem>> -> memref<128x64xf32, #tpu.memory_space<vmem>>
      %dma_wait3A_136 = arith.constant 0 : i32
      %dma_wait3A_137 = arith.constant 0 : i32
      %dma_wait3A_138 = tpu.memref_slice %arg2[%dma_wait3A_136, %dma_wait3A_137] : memref<1000000x64xf32, #tpu.memory_space<hbm>> -> memref<128x64xf32, #tpu.memory_space<hbm>>
      tpu.wait_dma2 semaphore(%dma_wait3A_131 : memref<!tpu.dma_semaphore, #tpu.memory_space<semaphore_mem>>) src(%dma_wait3A_138 : memref<128x64xf32, #tpu.memory_space<hbm>>) dst(%dma_wait3A_135 : memref<128x64xf32, #tpu.memory_space<vmem>>)
      %jit3A_139 = arith.constant 4 : i32
      %div3A_140 = arith.divsi %add3A_120, %jit3A_139 : i32
      %sign3A_141 = arith.constant 0 : i32
      %sign3A_142 = arith.cmpi sgt, %add3A_120, %sign3A_141 : i32
      %sign3A_143 = arith.extui %sign3A_142 : i1 to i32
      %sign3A_144 = arith.constant 0 : i32
      %sign3A_145 = arith.cmpi slt, %add3A_120, %sign3A_144 : i32
      %sign3A_146 = arith.extui %sign3A_145 : i1 to i32
      %sign3A_147 = arith.subi %sign3A_143, %sign3A_146 : i32
      %sign3A_148 = arith.constant 0 : i32
      %sign3A_149 = arith.cmpi sgt, %jit3A_139, %sign3A_148 : i32
      %sign3A_150 = arith.extui %sign3A_149 : i1 to i32
      %sign3A_151 = arith.constant 0 : i32
      %sign3A_152 = arith.cmpi slt, %jit3A_139, %sign3A_151 : i32
      %sign3A_153 = arith.extui %sign3A_152 : i1 to i32
      %sign3A_154 = arith.subi %sign3A_150, %sign3A_153 : i32
      %ne3A_155 = arith.cmpi ne, %sign3A_147, %sign3A_154 : i32
      %rem3A_156 = arith.remsi %add3A_120, %jit3A_139 : i32
      %ne3A_157 = arith.constant 0 : i32
      %ne3A_158 = arith.cmpi ne, %rem3A_156, %ne3A_157 : i32
      %and3A_159 = arith.andi %ne3A_155, %ne3A_158 : i1
      %sub3A_160 = arith.constant 1 : i32
      %sub3A_161 = arith.subi %div3A_140, %sub3A_160 : i32
      %select_n3A_162 = arith.select %and3A_159, %sub3A_161, %div3A_140 : i32
      %rem3A_163 = arith.constant 4 : i32
      %rem3A_164 = arith.remsi %add3A_120, %rem3A_163 : i32
      %mul3A_165 = arith.constant 128 : i32
      %mul3A_166 = arith.muli %rem3A_164, %mul3A_165 : i32
      %add3A_167 = arith.addi %mul3A_2, %mul3A_166 : i32
      %dma_start3A_168 = arith.constant 1 : i32
      %dma_start3A_169 = arith.constant 1 : i32
      %dma_start3A_170 = arith.constant 0 : i32
      %dma_start3A_171 = arith.constant 0 : i32
      %dma_start3A_172 = tpu.memref_slice %arg6[%dma_start3A_168, %dma_start3A_170, %dma_start3A_171] : memref<4x128x64xf32, #tpu.memory_space<vmem>> -> memref<1x128x64xf32, #tpu.memory_space<vmem>>
      %dma_start3A_173 = tpu.memref_squeeze %dma_start3A_172 : memref<1x128x64xf32, #tpu.memory_space<vmem>> -> memref<128x64xf32, #tpu.memory_space<vmem>>
      %dma_start3A_174 = arith.constant 0 : i32
      %dma_start3A_175 = tpu.memref_slice %arg4[%add3A_167, %select_n3A_162, %dma_start3A_174] : memref<16384x26x64xf32, #tpu.memory_space<hbm>> -> memref<128x1x64xf32, #tpu.memory_space<hbm>>
      %dma_start3A_176 = tpu.memref_squeeze %dma_start3A_175 : memref<128x1x64xf32, #tpu.memory_space<hbm>> -> memref<128x64xf32, #tpu.memory_space<hbm>>
      %dma_start3A_177 = tpu.memref_slice %arg8[%dma_start3A_169] : memref<4x!tpu.dma_semaphore, #tpu.memory_space<semaphore_mem>> -> memref<1x!tpu.dma_semaphore, #tpu.memory_space<semaphore_mem>>
      %dma_start3A_178 = tpu.memref_squeeze %dma_start3A_177 : memref<1x!tpu.dma_semaphore, #tpu.memory_space<semaphore_mem>> -> memref<!tpu.dma_semaphore, #tpu.memory_space<semaphore_mem>>
      %dma_start3A_179 = arith.constant 0 : i32
      %dma_start3A_180 = tpu.memref_slice %arg4[%add3A_167, %select_n3A_162, %dma_start3A_179] : memref<16384x26x64xf32, #tpu.memory_space<hbm>> -> memref<128x1x64xf32, #tpu.memory_space<hbm>>
      %dma_start3A_181 = tpu.memref_squeeze %dma_start3A_180 : memref<128x1x64xf32, #tpu.memory_space<hbm>> -> memref<128x64xf32, #tpu.memory_space<hbm>>
      %dma_start3A_182 = arith.constant 0 : i32
      %dma_start3A_183 = arith.constant 0 : i32
      %dma_start3A_184 = tpu.memref_slice %arg6[%dma_start3A_168, %dma_start3A_182, %dma_start3A_183] : memref<4x128x64xf32, #tpu.memory_space<vmem>> -> memref<1x128x64xf32, #tpu.memory_space<vmem>>
      %dma_start3A_185 = tpu.memref_squeeze %dma_start3A_184 : memref<1x128x64xf32, #tpu.memory_space<vmem>> -> memref<128x64xf32, #tpu.memory_space<vmem>>
      tpu.enqueue_dma source(%dma_start3A_185 : memref<128x64xf32, #tpu.memory_space<vmem>>) target(%dma_start3A_181 : memref<128x64xf32, #tpu.memory_space<hbm>>) target_semaphore(%dma_start3A_178 : memref<!tpu.dma_semaphore, #tpu.memory_space<semaphore_mem>>)
      %add3A_186 = arith.constant 4 : i32
      %add3A_187 = arith.addi %add3A_120, %add3A_186 : i32
      %lt3A_188 = arith.constant 104 : i32
      %lt3A_189 = arith.cmpi slt, %add3A_187, %lt3A_188 : i32
      %convert_element_type3A_190 = arith.extui %lt3A_189 : i1 to i32
      %cond3A_191 = arith.constant 0 : i32
      %cond3A_192 = arith.cmpi ne, %convert_element_type3A_190, %cond3A_191 : i32
      scf.if %cond3A_192 {
        %jit3A_362 = arith.constant 4 : i32
        %div3A_363 = arith.divsi %add3A_120, %jit3A_362 : i32
        %sign3A_364 = arith.constant 0 : i32
        %sign3A_365 = arith.cmpi sgt, %add3A_120, %sign3A_364 : i32
        %sign3A_366 = arith.extui %sign3A_365 : i1 to i32
        %sign3A_367 = arith.constant 0 : i32
        %sign3A_368 = arith.cmpi slt, %add3A_120, %sign3A_367 : i32
        %sign3A_369 = arith.extui %sign3A_368 : i1 to i32
        %sign3A_370 = arith.subi %sign3A_366, %sign3A_369 : i32
        %sign3A_371 = arith.constant 0 : i32
        %sign3A_372 = arith.cmpi sgt, %jit3A_362, %sign3A_371 : i32
        %sign3A_373 = arith.extui %sign3A_372 : i1 to i32
        %sign3A_374 = arith.constant 0 : i32
        %sign3A_375 = arith.cmpi slt, %jit3A_362, %sign3A_374 : i32
        %sign3A_376 = arith.extui %sign3A_375 : i1 to i32
        %sign3A_377 = arith.subi %sign3A_373, %sign3A_376 : i32
        %ne3A_378 = arith.cmpi ne, %sign3A_370, %sign3A_377 : i32
        %rem3A_379 = arith.remsi %add3A_120, %jit3A_362 : i32
        %ne3A_380 = arith.constant 0 : i32
        %ne3A_381 = arith.cmpi ne, %rem3A_379, %ne3A_380 : i32
        %and3A_382 = arith.andi %ne3A_378, %ne3A_381 : i1
        %sub3A_383 = arith.constant 1 : i32
        %sub3A_384 = arith.subi %div3A_363, %sub3A_383 : i32
        %select_n3A_385 = arith.select %and3A_382, %sub3A_384, %div3A_363 : i32
        %rem3A_386 = arith.constant 4 : i32
        %rem3A_387 = arith.remsi %add3A_120, %rem3A_386 : i32
        %mul3A_388 = arith.constant 128 : i32
        %mul3A_389 = arith.muli %rem3A_387, %mul3A_388 : i32
        %add3A_390 = arith.addi %mul3A_2, %mul3A_389 : i32
        %dma_wait3A_391 = arith.constant 1 : i32
        %dma_wait3A_392 = arith.constant 1 : i32
        %dma_wait3A_393 = arith.constant 0 : i32
        %dma_wait3A_394 = arith.constant 0 : i32
        %dma_wait3A_395 = tpu.memref_slice %arg6[%dma_wait3A_391, %dma_wait3A_393, %dma_wait3A_394] : memref<4x128x64xf32, #tpu.memory_space<vmem>> -> memref<1x128x64xf32, #tpu.memory_space<vmem>>
        %dma_wait3A_396 = tpu.memref_squeeze %dma_wait3A_395 : memref<1x128x64xf32, #tpu.memory_space<vmem>> -> memref<128x64xf32, #tpu.memory_space<vmem>>
        %dma_wait3A_397 = arith.constant 0 : i32
        %dma_wait3A_398 = tpu.memref_slice %arg4[%add3A_390, %select_n3A_385, %dma_wait3A_397] : memref<16384x26x64xf32, #tpu.memory_space<hbm>> -> memref<128x1x64xf32, #tpu.memory_space<hbm>>
        %dma_wait3A_399 = tpu.memref_squeeze %dma_wait3A_398 : memref<128x1x64xf32, #tpu.memory_space<hbm>> -> memref<128x64xf32, #tpu.memory_space<hbm>>
        %dma_wait3A_400 = tpu.memref_slice %arg8[%dma_wait3A_392] : memref<4x!tpu.dma_semaphore, #tpu.memory_space<semaphore_mem>> -> memref<1x!tpu.dma_semaphore, #tpu.memory_space<semaphore_mem>>
        %dma_wait3A_401 = tpu.memref_squeeze %dma_wait3A_400 : memref<1x!tpu.dma_semaphore, #tpu.memory_space<semaphore_mem>> -> memref<!tpu.dma_semaphore, #tpu.memory_space<semaphore_mem>>
        %dma_wait3A_402 = arith.constant 0 : i32
        %dma_wait3A_403 = tpu.memref_slice %arg4[%add3A_390, %select_n3A_385, %dma_wait3A_402] : memref<16384x26x64xf32, #tpu.memory_space<hbm>> -> memref<128x1x64xf32, #tpu.memory_space<hbm>>
        %dma_wait3A_404 = tpu.memref_squeeze %dma_wait3A_403 : memref<128x1x64xf32, #tpu.memory_space<hbm>> -> memref<128x64xf32, #tpu.memory_space<hbm>>
        %dma_wait3A_405 = arith.constant 0 : i32
        %dma_wait3A_406 = arith.constant 0 : i32
        %dma_wait3A_407 = tpu.memref_slice %arg6[%dma_wait3A_391, %dma_wait3A_405, %dma_wait3A_406] : memref<4x128x64xf32, #tpu.memory_space<vmem>> -> memref<1x128x64xf32, #tpu.memory_space<vmem>>
        %dma_wait3A_408 = tpu.memref_squeeze %dma_wait3A_407 : memref<1x128x64xf32, #tpu.memory_space<vmem>> -> memref<128x64xf32, #tpu.memory_space<vmem>>
        tpu.wait_dma2 semaphore(%dma_wait3A_401 : memref<!tpu.dma_semaphore, #tpu.memory_space<semaphore_mem>>) src(%dma_wait3A_408 : memref<128x64xf32, #tpu.memory_space<vmem>>) dst(%dma_wait3A_404 : memref<128x64xf32, #tpu.memory_space<hbm>>)
        %add3A_409 = arith.constant 4 : i32
        %add3A_410 = arith.addi %add3A_120, %add3A_409 : i32
        %jit3A_411 = arith.constant 4 : i32
        %div3A_412 = arith.divsi %add3A_410, %jit3A_411 : i32
        %sign3A_413 = arith.constant 0 : i32
        %sign3A_414 = arith.cmpi sgt, %add3A_410, %sign3A_413 : i32
        %sign3A_415 = arith.extui %sign3A_414 : i1 to i32
        %sign3A_416 = arith.constant 0 : i32
        %sign3A_417 = arith.cmpi slt, %add3A_410, %sign3A_416 : i32
        %sign3A_418 = arith.extui %sign3A_417 : i1 to i32
        %sign3A_419 = arith.subi %sign3A_415, %sign3A_418 : i32
        %sign3A_420 = arith.constant 0 : i32
        %sign3A_421 = arith.cmpi sgt, %jit3A_411, %sign3A_420 : i32
        %sign3A_422 = arith.extui %sign3A_421 : i1 to i32
        %sign3A_423 = arith.constant 0 : i32
        %sign3A_424 = arith.cmpi slt, %jit3A_411, %sign3A_423 : i32
        %sign3A_425 = arith.extui %sign3A_424 : i1 to i32
        %sign3A_426 = arith.subi %sign3A_422, %sign3A_425 : i32
        %ne3A_427 = arith.cmpi ne, %sign3A_419, %sign3A_426 : i32
        %rem3A_428 = arith.remsi %add3A_410, %jit3A_411 : i32
        %ne3A_429 = arith.constant 0 : i32
        %ne3A_430 = arith.cmpi ne, %rem3A_428, %ne3A_429 : i32
        %and3A_431 = arith.andi %ne3A_427, %ne3A_430 : i1
        %sub3A_432 = arith.constant 1 : i32
        %sub3A_433 = arith.subi %div3A_412, %sub3A_432 : i32
        %select_n3A_434 = arith.select %and3A_431, %sub3A_433, %div3A_412 : i32
        %rem3A_435 = arith.constant 4 : i32
        %rem3A_436 = arith.remsi %add3A_410, %rem3A_435 : i32
        %mul3A_437 = arith.constant 128 : i32
        %mul3A_438 = arith.muli %rem3A_436, %mul3A_437 : i32
        %scan3A_439 = arith.constant 0 : i32
        %scan3A_440 = arith.constant 8 : i32
        %scan3A_441 = arith.addi %scan3A_439, %scan3A_440 : i32
        %scan3A_442 = arith.constant 1 : i32
        scf.for %scan3A_444 = %scan3A_439 to %scan3A_441 step %scan3A_442  : i32 {
          %mul3A_445 = arith.constant 16 : i32
          %mul3A_446 = arith.muli %scan3A_444, %mul3A_445 : i32
          %add3A_447 = arith.constant 0 : i32
          %add3A_448 = arith.addi %add3A_447, %mul3A_446 : i32
          %add3A_449 = arith.addi %mul3A_438, %add3A_448 : i32
          %get3A = arith.index_cast %select_n3A_434 : i32 to index
          %get3A_450 = arith.index_cast %add3A_449 : i32 to index
          %get3A_451 = tpu.vector_load %arg5[%get3A, %get3A_450] {strides = array<i32>} : memref<26x512xi32, #tpu.memory_space<vmem>>, vector<1x16xi32>,
          %get3A_452 = vector.shape_cast %get3A_451 : vector<1x16xi32> to vector<16xi32>
          %slice3A = vector.extract_strided_slice %get3A_452 {offsets = [0], sizes = [1], strides = [1]} : vector<16xi32> to vector<1xi32>
          %squeeze3A = vector.extract %slice3A[0] : i32 from vector<1xi32>
          %add3A_453 = arith.constant 0 : i32
          %add3A_454 = arith.addi %add3A_448, %add3A_453 : i32
          %dma_start3A_455 = arith.constant 1 : i32
          %dma_start3A_456 = arith.constant 1 : i32
          %dma_start3A_457 = arith.constant 0 : i32
          %dma_start3A_458 = tpu.memref_slice %arg6[%dma_start3A_455, %add3A_454, %dma_start3A_457] : memref<4x128x64xf32, #tpu.memory_space<vmem>> -> memref<1x1x64xf32, #tpu.memory_space<vmem>>
          %dma_start3A_459 = tpu.memref_squeeze %dma_start3A_458 : memref<1x1x64xf32, #tpu.memory_space<vmem>> -> memref<64xf32, #tpu.memory_space<vmem>>
          %dma_start3A_460 = arith.constant 0 : i32
          %dma_start3A_461 = tpu.memref_slice %arg2[%squeeze3A, %dma_start3A_460] : memref<1000000x64xf32, #tpu.memory_space<hbm>> -> memref<1x64xf32, #tpu.memory_space<hbm>>
          %dma_start3A_462 = tpu.memref_squeeze %dma_start3A_461 : memref<1x64xf32, #tpu.memory_space<hbm>> -> memref<64xf32, #tpu.memory_space<hbm>>
          %dma_start3A_463 = tpu.memref_slice %arg7[%dma_start3A_456] : memref<4x!tpu.dma_semaphore, #tpu.memory_space<semaphore_mem>> -> memref<1x!tpu.dma_semaphore, #tpu.memory_space<semaphore_mem>>
          %dma_start3A_464 = tpu.memref_squeeze %dma_start3A_463 : memref<1x!tpu.dma_semaphore, #tpu.memory_space<semaphore_mem>> -> memref<!tpu.dma_semaphore, #tpu.memory_space<semaphore_mem>>
          %dma_start3A_465 = arith.constant 0 : i32
          %dma_start3A_466 = tpu.memref_slice %arg6[%dma_start3A_455, %add3A_454, %dma_start3A_465] : memref<4x128x64xf32, #tpu.memory_space<vmem>> -> memref<1x1x64xf32, #tpu.memory_space<vmem>>
          %dma_start3A_467 = tpu.memref_squeeze %dma_start3A_466 : memref<1x1x64xf32, #tpu.memory_space<vmem>> -> memref<64xf32, #tpu.memory_space<vmem>>
          %dma_start3A_468 = arith.constant 0 : i32
          %dma_start3A_469 = tpu.memref_slice %arg2[%squeeze3A, %dma_start3A_468] : memref<1000000x64xf32, #tpu.memory_space<hbm>> -> memref<1x64xf32, #tpu.memory_space<hbm>>
          %dma_start3A_470 = tpu.memref_squeeze %dma_start3A_469 : memref<1x64xf32, #tpu.memory_space<hbm>> -> memref<64xf32, #tpu.memory_space<hbm>>
          tpu.enqueue_dma source(%dma_start3A_470 : memref<64xf32, #tpu.memory_space<hbm>>) target(%dma_start3A_467 : memref<64xf32, #tpu.memory_space<vmem>>) target_semaphore(%dma_start3A_464 : memref<!tpu.dma_semaphore, #tpu.memory_space<semaphore_mem>>)
          %slice3A_471 = vector.extract_strided_slice %get3A_452 {offsets = [1], sizes = [1], strides = [1]} : vector<16xi32> to vector<1xi32>
          %squeeze3A_472 = vector.extract %slice3A_471[0] : i32 from vector<1xi32>
          %add3A_473 = arith.constant 1 : i32
          %add3A_474 = arith.addi %add3A_448, %add3A_473 : i32
          %dma_start3A_475 = arith.constant 1 : i32
          %dma_start3A_476 = arith.constant 1 : i32
          %dma_start3A_477 = arith.constant 0 : i32
          %dma_start3A_478 = tpu.memref_slice %arg6[%dma_start3A_475, %add3A_474, %dma_start3A_477] : memref<4x128x64xf32, #tpu.memory_space<vmem>> -> memref<1x1x64xf32, #tpu.memory_space<vmem>>
          %dma_start3A_479 = tpu.memref_squeeze %dma_start3A_478 : memref<1x1x64xf32, #tpu.memory_space<vmem>> -> memref<64xf32, #tpu.memory_space<vmem>>
          %dma_start3A_480 = arith.constant 0 : i32
          %dma_start3A_481 = tpu.memref_slice %arg2[%squeeze3A_472, %dma_start3A_480] : memref<1000000x64xf32, #tpu.memory_space<hbm>> -> memref<1x64xf32, #tpu.memory_space<hbm>>
          %dma_start3A_482 = tpu.memref_squeeze %dma_start3A_481 : memref<1x64xf32, #tpu.memory_space<hbm>> -> memref<64xf32, #tpu.memory_space<hbm>>
          %dma_start3A_483 = tpu.memref_slice %arg7[%dma_start3A_476] : memref<4x!tpu.dma_semaphore, #tpu.memory_space<semaphore_mem>> -> memref<1x!tpu.dma_semaphore, #tpu.memory_space<semaphore_mem>>
          %dma_start3A_484 = tpu.memref_squeeze %dma_start3A_483 : memref<1x!tpu.dma_semaphore, #tpu.memory_space<semaphore_mem>> -> memref<!tpu.dma_semaphore, #tpu.memory_space<semaphore_mem>>
          %dma_start3A_485 = arith.constant 0 : i32
          %dma_start3A_486 = tpu.memref_slice %arg6[%dma_start3A_475, %add3A_474, %dma_start3A_485] : memref<4x128x64xf32, #tpu.memory_space<vmem>> -> memref<1x1x64xf32, #tpu.memory_space<vmem>>
          %dma_start3A_487 = tpu.memref_squeeze %dma_start3A_486 : memref<1x1x64xf32, #tpu.memory_space<vmem>> -> memref<64xf32, #tpu.memory_space<vmem>>
          %dma_start3A_488 = arith.constant 0 : i32
          %dma_start3A_489 = tpu.memref_slice %arg2[%squeeze3A_472, %dma_start3A_488] : memref<1000000x64xf32, #tpu.memory_space<hbm>> -> memref<1x64xf32, #tpu.memory_space<hbm>>
          %dma_start3A_490 = tpu.memref_squeeze %dma_start3A_489 : memref<1x64xf32, #tpu.memory_space<hbm>> -> memref<64xf32, #tpu.memory_space<hbm>>
          tpu.enqueue_dma source(%dma_start3A_490 : memref<64xf32, #tpu.memory_space<hbm>>) target(%dma_start3A_487 : memref<64xf32, #tpu.memory_space<vmem>>) target_semaphore(%dma_start3A_484 : memref<!tpu.dma_semaphore, #tpu.memory_space<semaphore_mem>>)
          %slice3A_491 = vector.extract_strided_slice %get3A_452 {offsets = [2], sizes = [1], strides = [1]} : vector<16xi32> to vector<1xi32>
          %squeeze3A_492 = vector.extract %slice3A_491[0] : i32 from vector<1xi32>
          %add3A_493 = arith.constant 2 : i32
          %add3A_494 = arith.addi %add3A_448, %add3A_493 : i32
          %dma_start3A_495 = arith.constant 1 : i32
          %dma_start3A_496 = arith.constant 1 : i32
          %dma_start3A_497 = arith.constant 0 : i32
          %dma_start3A_498 = tpu.memref_slice %arg6[%dma_start3A_495, %add3A_494, %dma_start3A_497] : memref<4x128x64xf32, #tpu.memory_space<vmem>> -> memref<1x1x64xf32, #tpu.memory_space<vmem>>
          %dma_start3A_499 = tpu.memref_squeeze %dma_start3A_498 : memref<1x1x64xf32, #tpu.memory_space<vmem>> -> memref<64xf32, #tpu.memory_space<vmem>>
          %dma_start3A_500 = arith.constant 0 : i32
          %dma_start3A_501 = tpu.memref_slice %arg2[%squeeze3A_492, %dma_start3A_500] : memref<1000000x64xf32, #tpu.memory_space<hbm>> -> memref<1x64xf32, #tpu.memory_space<hbm>>
          %dma_start3A_502 = tpu.memref_squeeze %dma_start3A_501 : memref<1x64xf32, #tpu.memory_space<hbm>> -> memref<64xf32, #tpu.memory_space<hbm>>
          %dma_start3A_503 = tpu.memref_slice %arg7[%dma_start3A_496] : memref<4x!tpu.dma_semaphore, #tpu.memory_space<semaphore_mem>> -> memref<1x!tpu.dma_semaphore, #tpu.memory_space<semaphore_mem>>
          %dma_start3A_504 = tpu.memref_squeeze %dma_start3A_503 : memref<1x!tpu.dma_semaphore, #tpu.memory_space<semaphore_mem>> -> memref<!tpu.dma_semaphore, #tpu.memory_space<semaphore_mem>>
          %dma_start3A_505 = arith.constant 0 : i32
          %dma_start3A_506 = tpu.memref_slice %arg6[%dma_start3A_495, %add3A_494, %dma_start3A_505] : memref<4x128x64xf32, #tpu.memory_space<vmem>> -> memref<1x1x64xf32, #tpu.memory_space<vmem>>
          %dma_start3A_507 = tpu.memref_squeeze %dma_start3A_506 : memref<1x1x64xf32, #tpu.memory_space<vmem>> -> memref<64xf32, #tpu.memory_space<vmem>>
          %dma_start3A_508 = arith.constant 0 : i32
          %dma_start3A_509 = tpu.memref_slice %arg2[%squeeze3A_492, %dma_start3A_508] : memref<1000000x64xf32, #tpu.memory_space<hbm>> -> memref<1x64xf32, #tpu.memory_space<hbm>>
          %dma_start3A_510 = tpu.memref_squeeze %dma_start3A_509 : memref<1x64xf32, #tpu.memory_space<hbm>> -> memref<64xf32, #tpu.memory_space<hbm>>
          tpu.enqueue_dma source(%dma_start3A_510 : memref<64xf32, #tpu.memory_space<hbm>>) target(%dma_start3A_507 : memref<64xf32, #tpu.memory_space<vmem>>) target_semaphore(%dma_start3A_504 : memref<!tpu.dma_semaphore, #tpu.memory_space<semaphore_mem>>)
          %slice3A_511 = vector.extract_strided_slice %get3A_452 {offsets = [3], sizes = [1], strides = [1]} : vector<16xi32> to vector<1xi32>
          %squeeze3A_512 = vector.extract %slice3A_511[0] : i32 from vector<1xi32>
          %add3A_513 = arith.constant 3 : i32
          %add3A_514 = arith.addi %add3A_448, %add3A_513 : i32
          %dma_start3A_515 = arith.constant 1 : i32
          %dma_start3A_516 = arith.constant 1 : i32
          %dma_start3A_517 = arith.constant 0 : i32
          %dma_start3A_518 = tpu.memref_slice %arg6[%dma_start3A_515, %add3A_514, %dma_start3A_517] : memref<4x128x64xf32, #tpu.memory_space<vmem>> -> memref<1x1x64xf32, #tpu.memory_space<vmem>>
          %dma_start3A_519 = tpu.memref_squeeze %dma_start3A_518 : memref<1x1x64xf32, #tpu.memory_space<vmem>> -> memref<64xf32, #tpu.memory_space<vmem>>
          %dma_start3A_520 = arith.constant 0 : i32
          %dma_start3A_521 = tpu.memref_slice %arg2[%squeeze3A_512, %dma_start3A_520] : memref<1000000x64xf32, #tpu.memory_space<hbm>> -> memref<1x64xf32, #tpu.memory_space<hbm>>
          %dma_start3A_522 = tpu.memref_squeeze %dma_start3A_521 : memref<1x64xf32, #tpu.memory_space<hbm>> -> memref<64xf32, #tpu.memory_space<hbm>>
          %dma_start3A_523 = tpu.memref_slice %arg7[%dma_start3A_516] : memref<4x!tpu.dma_semaphore, #tpu.memory_space<semaphore_mem>> -> memref<1x!tpu.dma_semaphore, #tpu.memory_space<semaphore_mem>>
          %dma_start3A_524 = tpu.memref_squeeze %dma_start3A_523 : memref<1x!tpu.dma_semaphore, #tpu.memory_space<semaphore_mem>> -> memref<!tpu.dma_semaphore, #tpu.memory_space<semaphore_mem>>
          %dma_start3A_525 = arith.constant 0 : i32
          %dma_start3A_526 = tpu.memref_slice %arg6[%dma_start3A_515, %add3A_514, %dma_start3A_525] : memref<4x128x64xf32, #tpu.memory_space<vmem>> -> memref<1x1x64xf32, #tpu.memory_space<vmem>>
          %dma_start3A_527 = tpu.memref_squeeze %dma_start3A_526 : memref<1x1x64xf32, #tpu.memory_space<vmem>> -> memref<64xf32, #tpu.memory_space<vmem>>
          %dma_start3A_528 = arith.constant 0 : i32
          %dma_start3A_529 = tpu.memref_slice %arg2[%squeeze3A_512, %dma_start3A_528] : memref<1000000x64xf32, #tpu.memory_space<hbm>> -> memref<1x64xf32, #tpu.memory_space<hbm>>
          %dma_start3A_530 = tpu.memref_squeeze %dma_start3A_529 : memref<1x64xf32, #tpu.memory_space<hbm>> -> memref<64xf32, #tpu.memory_space<hbm>>
          tpu.enqueue_dma source(%dma_start3A_530 : memref<64xf32, #tpu.memory_space<hbm>>) target(%dma_start3A_527 : memref<64xf32, #tpu.memory_space<vmem>>) target_semaphore(%dma_start3A_524 : memref<!tpu.dma_semaphore, #tpu.memory_space<semaphore_mem>>)
          %slice3A_531 = vector.extract_strided_slice %get3A_452 {offsets = [4], sizes = [1], strides = [1]} : vector<16xi32> to vector<1xi32>
          %squeeze3A_532 = vector.extract %slice3A_531[0] : i32 from vector<1xi32>
          %add3A_533 = arith.constant 4 : i32
          %add3A_534 = arith.addi %add3A_448, %add3A_533 : i32
          %dma_start3A_535 = arith.constant 1 : i32
          %dma_start3A_536 = arith.constant 1 : i32
          %dma_start3A_537 = arith.constant 0 : i32
          %dma_start3A_538 = tpu.memref_slice %arg6[%dma_start3A_535, %add3A_534, %dma_start3A_537] : memref<4x128x64xf32, #tpu.memory_space<vmem>> -> memref<1x1x64xf32, #tpu.memory_space<vmem>>
          %dma_start3A_539 = tpu.memref_squeeze %dma_start3A_538 : memref<1x1x64xf32, #tpu.memory_space<vmem>> -> memref<64xf32, #tpu.memory_space<vmem>>
          %dma_start3A_540 = arith.constant 0 : i32
          %dma_start3A_541 = tpu.memref_slice %arg2[%squeeze3A_532, %dma_start3A_540] : memref<1000000x64xf32, #tpu.memory_space<hbm>> -> memref<1x64xf32, #tpu.memory_space<hbm>>
          %dma_start3A_542 = tpu.memref_squeeze %dma_start3A_541 : memref<1x64xf32, #tpu.memory_space<hbm>> -> memref<64xf32, #tpu.memory_space<hbm>>
          %dma_start3A_543 = tpu.memref_slice %arg7[%dma_start3A_536] : memref<4x!tpu.dma_semaphore, #tpu.memory_space<semaphore_mem>> -> memref<1x!tpu.dma_semaphore, #tpu.memory_space<semaphore_mem>>
          %dma_start3A_544 = tpu.memref_squeeze %dma_start3A_543 : memref<1x!tpu.dma_semaphore, #tpu.memory_space<semaphore_mem>> -> memref<!tpu.dma_semaphore, #tpu.memory_space<semaphore_mem>>
          %dma_start3A_545 = arith.constant 0 : i32
          %dma_start3A_546 = tpu.memref_slice %arg6[%dma_start3A_535, %add3A_534, %dma_start3A_545] : memref<4x128x64xf32, #tpu.memory_space<vmem>> -> memref<1x1x64xf32, #tpu.memory_space<vmem>>
          %dma_start3A_547 = tpu.memref_squeeze %dma_start3A_546 : memref<1x1x64xf32, #tpu.memory_space<vmem>> -> memref<64xf32, #tpu.memory_space<vmem>>
          %dma_start3A_548 = arith.constant 0 : i32
          %dma_start3A_549 = tpu.memref_slice %arg2[%squeeze3A_532, %dma_start3A_548] : memref<1000000x64xf32, #tpu.memory_space<hbm>> -> memref<1x64xf32, #tpu.memory_space<hbm>>
          %dma_start3A_550 = tpu.memref_squeeze %dma_start3A_549 : memref<1x64xf32, #tpu.memory_space<hbm>> -> memref<64xf32, #tpu.memory_space<hbm>>
          tpu.enqueue_dma source(%dma_start3A_550 : memref<64xf32, #tpu.memory_space<hbm>>) target(%dma_start3A_547 : memref<64xf32, #tpu.memory_space<vmem>>) target_semaphore(%dma_start3A_544 : memref<!tpu.dma_semaphore, #tpu.memory_space<semaphore_mem>>)
          %slice3A_551 = vector.extract_strided_slice %get3A_452 {offsets = [5], sizes = [1], strides = [1]} : vector<16xi32> to vector<1xi32>
          %squeeze3A_552 = vector.extract %slice3A_551[0] : i32 from vector<1xi32>
          %add3A_553 = arith.constant 5 : i32
          %add3A_554 = arith.addi %add3A_448, %add3A_553 : i32
          %dma_start3A_555 = arith.constant 1 : i32
          %dma_start3A_556 = arith.constant 1 : i32
          %dma_start3A_557 = arith.constant 0 : i32
          %dma_start3A_558 = tpu.memref_slice %arg6[%dma_start3A_555, %add3A_554, %dma_start3A_557] : memref<4x128x64xf32, #tpu.memory_space<vmem>> -> memref<1x1x64xf32, #tpu.memory_space<vmem>>
          %dma_start3A_559 = tpu.memref_squeeze %dma_start3A_558 : memref<1x1x64xf32, #tpu.memory_space<vmem>> -> memref<64xf32, #tpu.memory_space<vmem>>
          %dma_start3A_560 = arith.constant 0 : i32
          %dma_start3A_561 = tpu.memref_slice %arg2[%squeeze3A_552, %dma_start3A_560] : memref<1000000x64xf32, #tpu.memory_space<hbm>> -> memref<1x64xf32, #tpu.memory_space<hbm>>
          %dma_start3A_562 = tpu.memref_squeeze %dma_start3A_561 : memref<1x64xf32, #tpu.memory_space<hbm>> -> memref<64xf32, #tpu.memory_space<hbm>>
          %dma_start3A_563 = tpu.memref_slice %arg7[%dma_start3A_556] : memref<4x!tpu.dma_semaphore, #tpu.memory_space<semaphore_mem>> -> memref<1x!tpu.dma_semaphore, #tpu.memory_space<semaphore_mem>>
          %dma_start3A_564 = tpu.memref_squeeze %dma_start3A_563 : memref<1x!tpu.dma_semaphore, #tpu.memory_space<semaphore_mem>> -> memref<!tpu.dma_semaphore, #tpu.memory_space<semaphore_mem>>
          %dma_start3A_565 = arith.constant 0 : i32
          %dma_start3A_566 = tpu.memref_slice %arg6[%dma_start3A_555, %add3A_554, %dma_start3A_565] : memref<4x128x64xf32, #tpu.memory_space<vmem>> -> memref<1x1x64xf32, #tpu.memory_space<vmem>>
          %dma_start3A_567 = tpu.memref_squeeze %dma_start3A_566 : memref<1x1x64xf32, #tpu.memory_space<vmem>> -> memref<64xf32, #tpu.memory_space<vmem>>
          %dma_start3A_568 = arith.constant 0 : i32
          %dma_start3A_569 = tpu.memref_slice %arg2[%squeeze3A_552, %dma_start3A_568] : memref<1000000x64xf32, #tpu.memory_space<hbm>> -> memref<1x64xf32, #tpu.memory_space<hbm>>
          %dma_start3A_570 = tpu.memref_squeeze %dma_start3A_569 : memref<1x64xf32, #tpu.memory_space<hbm>> -> memref<64xf32, #tpu.memory_space<hbm>>
          tpu.enqueue_dma source(%dma_start3A_570 : memref<64xf32, #tpu.memory_space<hbm>>) target(%dma_start3A_567 : memref<64xf32, #tpu.memory_space<vmem>>) target_semaphore(%dma_start3A_564 : memref<!tpu.dma_semaphore, #tpu.memory_space<semaphore_mem>>)
          %slice3A_571 = vector.extract_strided_slice %get3A_452 {offsets = [6], sizes = [1], strides = [1]} : vector<16xi32> to vector<1xi32>
          %squeeze3A_572 = vector.extract %slice3A_571[0] : i32 from vector<1xi32>
          %add3A_573 = arith.constant 6 : i32
          %add3A_574 = arith.addi %add3A_448, %add3A_573 : i32
          %dma_start3A_575 = arith.constant 1 : i32
          %dma_start3A_576 = arith.constant 1 : i32
          %dma_start3A_577 = arith.constant 0 : i32
          %dma_start3A_578 = tpu.memref_slice %arg6[%dma_start3A_575, %add3A_574, %dma_start3A_577] : memref<4x128x64xf32, #tpu.memory_space<vmem>> -> memref<1x1x64xf32, #tpu.memory_space<vmem>>
          %dma_start3A_579 = tpu.memref_squeeze %dma_start3A_578 : memref<1x1x64xf32, #tpu.memory_space<vmem>> -> memref<64xf32, #tpu.memory_space<vmem>>
          %dma_start3A_580 = arith.constant 0 : i32
          %dma_start3A_581 = tpu.memref_slice %arg2[%squeeze3A_572, %dma_start3A_580] : memref<1000000x64xf32, #tpu.memory_space<hbm>> -> memref<1x64xf32, #tpu.memory_space<hbm>>
          %dma_start3A_582 = tpu.memref_squeeze %dma_start3A_581 : memref<1x64xf32, #tpu.memory_space<hbm>> -> memref<64xf32, #tpu.memory_space<hbm>>
          %dma_start3A_583 = tpu.memref_slice %arg7[%dma_start3A_576] : memref<4x!tpu.dma_semaphore, #tpu.memory_space<semaphore_mem>> -> memref<1x!tpu.dma_semaphore, #tpu.memory_space<semaphore_mem>>
          %dma_start3A_584 = tpu.memref_squeeze %dma_start3A_583 : memref<1x!tpu.dma_semaphore, #tpu.memory_space<semaphore_mem>> -> memref<!tpu.dma_semaphore, #tpu.memory_space<semaphore_mem>>
          %dma_start3A_585 = arith.constant 0 : i32
          %dma_start3A_586 = tpu.memref_slice %arg6[%dma_start3A_575, %add3A_574, %dma_start3A_585] : memref<4x128x64xf32, #tpu.memory_space<vmem>> -> memref<1x1x64xf32, #tpu.memory_space<vmem>>
          %dma_start3A_587 = tpu.memref_squeeze %dma_start3A_586 : memref<1x1x64xf32, #tpu.memory_space<vmem>> -> memref<64xf32, #tpu.memory_space<vmem>>
          %dma_start3A_588 = arith.constant 0 : i32
          %dma_start3A_589 = tpu.memref_slice %arg2[%squeeze3A_572, %dma_start3A_588] : memref<1000000x64xf32, #tpu.memory_space<hbm>> -> memref<1x64xf32, #tpu.memory_space<hbm>>
          %dma_start3A_590 = tpu.memref_squeeze %dma_start3A_589 : memref<1x64xf32, #tpu.memory_space<hbm>> -> memref<64xf32, #tpu.memory_space<hbm>>
          tpu.enqueue_dma source(%dma_start3A_590 : memref<64xf32, #tpu.memory_space<hbm>>) target(%dma_start3A_587 : memref<64xf32, #tpu.memory_space<vmem>>) target_semaphore(%dma_start3A_584 : memref<!tpu.dma_semaphore, #tpu.memory_space<semaphore_mem>>)
          %slice3A_591 = vector.extract_strided_slice %get3A_452 {offsets = [7], sizes = [1], strides = [1]} : vector<16xi32> to vector<1xi32>
          %squeeze3A_592 = vector.extract %slice3A_591[0] : i32 from vector<1xi32>
          %add3A_593 = arith.constant 7 : i32
          %add3A_594 = arith.addi %add3A_448, %add3A_593 : i32
          %dma_start3A_595 = arith.constant 1 : i32
          %dma_start3A_596 = arith.constant 1 : i32
          %dma_start3A_597 = arith.constant 0 : i32
          %dma_start3A_598 = tpu.memref_slice %arg6[%dma_start3A_595, %add3A_594, %dma_start3A_597] : memref<4x128x64xf32, #tpu.memory_space<vmem>> -> memref<1x1x64xf32, #tpu.memory_space<vmem>>
          %dma_start3A_599 = tpu.memref_squeeze %dma_start3A_598 : memref<1x1x64xf32, #tpu.memory_space<vmem>> -> memref<64xf32, #tpu.memory_space<vmem>>
          %dma_start3A_600 = arith.constant 0 : i32
          %dma_start3A_601 = tpu.memref_slice %arg2[%squeeze3A_592, %dma_start3A_600] : memref<1000000x64xf32, #tpu.memory_space<hbm>> -> memref<1x64xf32, #tpu.memory_space<hbm>>
          %dma_start3A_602 = tpu.memref_squeeze %dma_start3A_601 : memref<1x64xf32, #tpu.memory_space<hbm>> -> memref<64xf32, #tpu.memory_space<hbm>>
          %dma_start3A_603 = tpu.memref_slice %arg7[%dma_start3A_596] : memref<4x!tpu.dma_semaphore, #tpu.memory_space<semaphore_mem>> -> memref<1x!tpu.dma_semaphore, #tpu.memory_space<semaphore_mem>>
          %dma_start3A_604 = tpu.memref_squeeze %dma_start3A_603 : memref<1x!tpu.dma_semaphore, #tpu.memory_space<semaphore_mem>> -> memref<!tpu.dma_semaphore, #tpu.memory_space<semaphore_mem>>
          %dma_start3A_605 = arith.constant 0 : i32
          %dma_start3A_606 = tpu.memref_slice %arg6[%dma_start3A_595, %add3A_594, %dma_start3A_605] : memref<4x128x64xf32, #tpu.memory_space<vmem>> -> memref<1x1x64xf32, #tpu.memory_space<vmem>>
          %dma_start3A_607 = tpu.memref_squeeze %dma_start3A_606 : memref<1x1x64xf32, #tpu.memory_space<vmem>> -> memref<64xf32, #tpu.memory_space<vmem>>
          %dma_start3A_608 = arith.constant 0 : i32
          %dma_start3A_609 = tpu.memref_slice %arg2[%squeeze3A_592, %dma_start3A_608] : memref<1000000x64xf32, #tpu.memory_space<hbm>> -> memref<1x64xf32, #tpu.memory_space<hbm>>
          %dma_start3A_610 = tpu.memref_squeeze %dma_start3A_609 : memref<1x64xf32, #tpu.memory_space<hbm>> -> memref<64xf32, #tpu.memory_space<hbm>>
          tpu.enqueue_dma source(%dma_start3A_610 : memref<64xf32, #tpu.memory_space<hbm>>) target(%dma_start3A_607 : memref<64xf32, #tpu.memory_space<vmem>>) target_semaphore(%dma_start3A_604 : memref<!tpu.dma_semaphore, #tpu.memory_space<semaphore_mem>>)
          %slice3A_611 = vector.extract_strided_slice %get3A_452 {offsets = [8], sizes = [1], strides = [1]} : vector<16xi32> to vector<1xi32>
          %squeeze3A_612 = vector.extract %slice3A_611[0] : i32 from vector<1xi32>
          %add3A_613 = arith.constant 8 : i32
          %add3A_614 = arith.addi %add3A_448, %add3A_613 : i32
          %dma_start3A_615 = arith.constant 1 : i32
          %dma_start3A_616 = arith.constant 1 : i32
          %dma_start3A_617 = arith.constant 0 : i32
          %dma_start3A_618 = tpu.memref_slice %arg6[%dma_start3A_615, %add3A_614, %dma_start3A_617] : memref<4x128x64xf32, #tpu.memory_space<vmem>> -> memref<1x1x64xf32, #tpu.memory_space<vmem>>
          %dma_start3A_619 = tpu.memref_squeeze %dma_start3A_618 : memref<1x1x64xf32, #tpu.memory_space<vmem>> -> memref<64xf32, #tpu.memory_space<vmem>>
          %dma_start3A_620 = arith.constant 0 : i32
          %dma_start3A_621 = tpu.memref_slice %arg2[%squeeze3A_612, %dma_start3A_620] : memref<1000000x64xf32, #tpu.memory_space<hbm>> -> memref<1x64xf32, #tpu.memory_space<hbm>>
          %dma_start3A_622 = tpu.memref_squeeze %dma_start3A_621 : memref<1x64xf32, #tpu.memory_space<hbm>> -> memref<64xf32, #tpu.memory_space<hbm>>
          %dma_start3A_623 = tpu.memref_slice %arg7[%dma_start3A_616] : memref<4x!tpu.dma_semaphore, #tpu.memory_space<semaphore_mem>> -> memref<1x!tpu.dma_semaphore, #tpu.memory_space<semaphore_mem>>
          %dma_start3A_624 = tpu.memref_squeeze %dma_start3A_623 : memref<1x!tpu.dma_semaphore, #tpu.memory_space<semaphore_mem>> -> memref<!tpu.dma_semaphore, #tpu.memory_space<semaphore_mem>>
          %dma_start3A_625 = arith.constant 0 : i32
          %dma_start3A_626 = tpu.memref_slice %arg6[%dma_start3A_615, %add3A_614, %dma_start3A_625] : memref<4x128x64xf32, #tpu.memory_space<vmem>> -> memref<1x1x64xf32, #tpu.memory_space<vmem>>
          %dma_start3A_627 = tpu.memref_squeeze %dma_start3A_626 : memref<1x1x64xf32, #tpu.memory_space<vmem>> -> memref<64xf32, #tpu.memory_space<vmem>>
          %dma_start3A_628 = arith.constant 0 : i32
          %dma_start3A_629 = tpu.memref_slice %arg2[%squeeze3A_612, %dma_start3A_628] : memref<1000000x64xf32, #tpu.memory_space<hbm>> -> memref<1x64xf32, #tpu.memory_space<hbm>>
          %dma_start3A_630 = tpu.memref_squeeze %dma_start3A_629 : memref<1x64xf32, #tpu.memory_space<hbm>> -> memref<64xf32, #tpu.memory_space<hbm>>
          tpu.enqueue_dma source(%dma_start3A_630 : memref<64xf32, #tpu.memory_space<hbm>>) target(%dma_start3A_627 : memref<64xf32, #tpu.memory_space<vmem>>) target_semaphore(%dma_start3A_624 : memref<!tpu.dma_semaphore, #tpu.memory_space<semaphore_mem>>)
          %slice3A_631 = vector.extract_strided_slice %get3A_452 {offsets = [9], sizes = [1], strides = [1]} : vector<16xi32> to vector<1xi32>
          %squeeze3A_632 = vector.extract %slice3A_631[0] : i32 from vector<1xi32>
          %add3A_633 = arith.constant 9 : i32
          %add3A_634 = arith.addi %add3A_448, %add3A_633 : i32
          %dma_start3A_635 = arith.constant 1 : i32
          %dma_start3A_636 = arith.constant 1 : i32
          %dma_start3A_637 = arith.constant 0 : i32
          %dma_start3A_638 = tpu.memref_slice %arg6[%dma_start3A_635, %add3A_634, %dma_start3A_637] : memref<4x128x64xf32, #tpu.memory_space<vmem>> -> memref<1x1x64xf32, #tpu.memory_space<vmem>>
          %dma_start3A_639 = tpu.memref_squeeze %dma_start3A_638 : memref<1x1x64xf32, #tpu.memory_space<vmem>> -> memref<64xf32, #tpu.memory_space<vmem>>
          %dma_start3A_640 = arith.constant 0 : i32
          %dma_start3A_641 = tpu.memref_slice %arg2[%squeeze3A_632, %dma_start3A_640] : memref<1000000x64xf32, #tpu.memory_space<hbm>> -> memref<1x64xf32, #tpu.memory_space<hbm>>
          %dma_start3A_642 = tpu.memref_squeeze %dma_start3A_641 : memref<1x64xf32, #tpu.memory_space<hbm>> -> memref<64xf32, #tpu.memory_space<hbm>>
          %dma_start3A_643 = tpu.memref_slice %arg7[%dma_start3A_636] : memref<4x!tpu.dma_semaphore, #tpu.memory_space<semaphore_mem>> -> memref<1x!tpu.dma_semaphore, #tpu.memory_space<semaphore_mem>>
          %dma_start3A_644 = tpu.memref_squeeze %dma_start3A_643 : memref<1x!tpu.dma_semaphore, #tpu.memory_space<semaphore_mem>> -> memref<!tpu.dma_semaphore, #tpu.memory_space<semaphore_mem>>
          %dma_start3A_645 = arith.constant 0 : i32
          %dma_start3A_646 = tpu.memref_slice %arg6[%dma_start3A_635, %add3A_634, %dma_start3A_645] : memref<4x128x64xf32, #tpu.memory_space<vmem>> -> memref<1x1x64xf32, #tpu.memory_space<vmem>>
          %dma_start3A_647 = tpu.memref_squeeze %dma_start3A_646 : memref<1x1x64xf32, #tpu.memory_space<vmem>> -> memref<64xf32, #tpu.memory_space<vmem>>
          %dma_start3A_648 = arith.constant 0 : i32
          %dma_start3A_649 = tpu.memref_slice %arg2[%squeeze3A_632, %dma_start3A_648] : memref<1000000x64xf32, #tpu.memory_space<hbm>> -> memref<1x64xf32, #tpu.memory_space<hbm>>
          %dma_start3A_650 = tpu.memref_squeeze %dma_start3A_649 : memref<1x64xf32, #tpu.memory_space<hbm>> -> memref<64xf32, #tpu.memory_space<hbm>>
          tpu.enqueue_dma source(%dma_start3A_650 : memref<64xf32, #tpu.memory_space<hbm>>) target(%dma_start3A_647 : memref<64xf32, #tpu.memory_space<vmem>>) target_semaphore(%dma_start3A_644 : memref<!tpu.dma_semaphore, #tpu.memory_space<semaphore_mem>>)
          %slice3A_651 = vector.extract_strided_slice %get3A_452 {offsets = [10], sizes = [1], strides = [1]} : vector<16xi32> to vector<1xi32>
          %squeeze3A_652 = vector.extract %slice3A_651[0] : i32 from vector<1xi32>
          %add3A_653 = arith.constant 10 : i32
          %add3A_654 = arith.addi %add3A_448, %add3A_653 : i32
          %dma_start3A_655 = arith.constant 1 : i32
          %dma_start3A_656 = arith.constant 1 : i32
          %dma_start3A_657 = arith.constant 0 : i32
          %dma_start3A_658 = tpu.memref_slice %arg6[%dma_start3A_655, %add3A_654, %dma_start3A_657] : memref<4x128x64xf32, #tpu.memory_space<vmem>> -> memref<1x1x64xf32, #tpu.memory_space<vmem>>
          %dma_start3A_659 = tpu.memref_squeeze %dma_start3A_658 : memref<1x1x64xf32, #tpu.memory_space<vmem>> -> memref<64xf32, #tpu.memory_space<vmem>>
          %dma_start3A_660 = arith.constant 0 : i32
          %dma_start3A_661 = tpu.memref_slice %arg2[%squeeze3A_652, %dma_start3A_660] : memref<1000000x64xf32, #tpu.memory_space<hbm>> -> memref<1x64xf32, #tpu.memory_space<hbm>>
          %dma_start3A_662 = tpu.memref_squeeze %dma_start3A_661 : memref<1x64xf32, #tpu.memory_space<hbm>> -> memref<64xf32, #tpu.memory_space<hbm>>
          %dma_start3A_663 = tpu.memref_slice %arg7[%dma_start3A_656] : memref<4x!tpu.dma_semaphore, #tpu.memory_space<semaphore_mem>> -> memref<1x!tpu.dma_semaphore, #tpu.memory_space<semaphore_mem>>
          %dma_start3A_664 = tpu.memref_squeeze %dma_start3A_663 : memref<1x!tpu.dma_semaphore, #tpu.memory_space<semaphore_mem>> -> memref<!tpu.dma_semaphore, #tpu.memory_space<semaphore_mem>>
          %dma_start3A_665 = arith.constant 0 : i32
          %dma_start3A_666 = tpu.memref_slice %arg6[%dma_start3A_655, %add3A_654, %dma_start3A_665] : memref<4x128x64xf32, #tpu.memory_space<vmem>> -> memref<1x1x64xf32, #tpu.memory_space<vmem>>
          %dma_start3A_667 = tpu.memref_squeeze %dma_start3A_666 : memref<1x1x64xf32, #tpu.memory_space<vmem>> -> memref<64xf32, #tpu.memory_space<vmem>>
          %dma_start3A_668 = arith.constant 0 : i32
          %dma_start3A_669 = tpu.memref_slice %arg2[%squeeze3A_652, %dma_start3A_668] : memref<1000000x64xf32, #tpu.memory_space<hbm>> -> memref<1x64xf32, #tpu.memory_space<hbm>>
          %dma_start3A_670 = tpu.memref_squeeze %dma_start3A_669 : memref<1x64xf32, #tpu.memory_space<hbm>> -> memref<64xf32, #tpu.memory_space<hbm>>
          tpu.enqueue_dma source(%dma_start3A_670 : memref<64xf32, #tpu.memory_space<hbm>>) target(%dma_start3A_667 : memref<64xf32, #tpu.memory_space<vmem>>) target_semaphore(%dma_start3A_664 : memref<!tpu.dma_semaphore, #tpu.memory_space<semaphore_mem>>)
          %slice3A_671 = vector.extract_strided_slice %get3A_452 {offsets = [11], sizes = [1], strides = [1]} : vector<16xi32> to vector<1xi32>
          %squeeze3A_672 = vector.extract %slice3A_671[0] : i32 from vector<1xi32>
          %add3A_673 = arith.constant 11 : i32
          %add3A_674 = arith.addi %add3A_448, %add3A_673 : i32
          %dma_start3A_675 = arith.constant 1 : i32
          %dma_start3A_676 = arith.constant 1 : i32
          %dma_start3A_677 = arith.constant 0 : i32
          %dma_start3A_678 = tpu.memref_slice %arg6[%dma_start3A_675, %add3A_674, %dma_start3A_677] : memref<4x128x64xf32, #tpu.memory_space<vmem>> -> memref<1x1x64xf32, #tpu.memory_space<vmem>>
          %dma_start3A_679 = tpu.memref_squeeze %dma_start3A_678 : memref<1x1x64xf32, #tpu.memory_space<vmem>> -> memref<64xf32, #tpu.memory_space<vmem>>
          %dma_start3A_680 = arith.constant 0 : i32
          %dma_start3A_681 = tpu.memref_slice %arg2[%squeeze3A_672, %dma_start3A_680] : memref<1000000x64xf32, #tpu.memory_space<hbm>> -> memref<1x64xf32, #tpu.memory_space<hbm>>
          %dma_start3A_682 = tpu.memref_squeeze %dma_start3A_681 : memref<1x64xf32, #tpu.memory_space<hbm>> -> memref<64xf32, #tpu.memory_space<hbm>>
          %dma_start3A_683 = tpu.memref_slice %arg7[%dma_start3A_676] : memref<4x!tpu.dma_semaphore, #tpu.memory_space<semaphore_mem>> -> memref<1x!tpu.dma_semaphore, #tpu.memory_space<semaphore_mem>>
          %dma_start3A_684 = tpu.memref_squeeze %dma_start3A_683 : memref<1x!tpu.dma_semaphore, #tpu.memory_space<semaphore_mem>> -> memref<!tpu.dma_semaphore, #tpu.memory_space<semaphore_mem>>
          %dma_start3A_685 = arith.constant 0 : i32
          %dma_start3A_686 = tpu.memref_slice %arg6[%dma_start3A_675, %add3A_674, %dma_start3A_685] : memref<4x128x64xf32, #tpu.memory_space<vmem>> -> memref<1x1x64xf32, #tpu.memory_space<vmem>>
          %dma_start3A_687 = tpu.memref_squeeze %dma_start3A_686 : memref<1x1x64xf32, #tpu.memory_space<vmem>> -> memref<64xf32, #tpu.memory_space<vmem>>
          %dma_start3A_688 = arith.constant 0 : i32
          %dma_start3A_689 = tpu.memref_slice %arg2[%squeeze3A_672, %dma_start3A_688] : memref<1000000x64xf32, #tpu.memory_space<hbm>> -> memref<1x64xf32, #tpu.memory_space<hbm>>
          %dma_start3A_690 = tpu.memref_squeeze %dma_start3A_689 : memref<1x64xf32, #tpu.memory_space<hbm>> -> memref<64xf32, #tpu.memory_space<hbm>>
          tpu.enqueue_dma source(%dma_start3A_690 : memref<64xf32, #tpu.memory_space<hbm>>) target(%dma_start3A_687 : memref<64xf32, #tpu.memory_space<vmem>>) target_semaphore(%dma_start3A_684 : memref<!tpu.dma_semaphore, #tpu.memory_space<semaphore_mem>>)
          %slice3A_691 = vector.extract_strided_slice %get3A_452 {offsets = [12], sizes = [1], strides = [1]} : vector<16xi32> to vector<1xi32>
          %squeeze3A_692 = vector.extract %slice3A_691[0] : i32 from vector<1xi32>
          %add3A_693 = arith.constant 12 : i32
          %add3A_694 = arith.addi %add3A_448, %add3A_693 : i32
          %dma_start3A_695 = arith.constant 1 : i32
          %dma_start3A_696 = arith.constant 1 : i32
          %dma_start3A_697 = arith.constant 0 : i32
          %dma_start3A_698 = tpu.memref_slice %arg6[%dma_start3A_695, %add3A_694, %dma_start3A_697] : memref<4x128x64xf32, #tpu.memory_space<vmem>> -> memref<1x1x64xf32, #tpu.memory_space<vmem>>
          %dma_start3A_699 = tpu.memref_squeeze %dma_start3A_698 : memref<1x1x64xf32, #tpu.memory_space<vmem>> -> memref<64xf32, #tpu.memory_space<vmem>>
          %dma_start3A_700 = arith.constant 0 : i32
          %dma_start3A_701 = tpu.memref_slice %arg2[%squeeze3A_692, %dma_start3A_700] : memref<1000000x64xf32, #tpu.memory_space<hbm>> -> memref<1x64xf32, #tpu.memory_space<hbm>>
          %dma_start3A_702 = tpu.memref_squeeze %dma_start3A_701 : memref<1x64xf32, #tpu.memory_space<hbm>> -> memref<64xf32, #tpu.memory_space<hbm>>
          %dma_start3A_703 = tpu.memref_slice %arg7[%dma_start3A_696] : memref<4x!tpu.dma_semaphore, #tpu.memory_space<semaphore_mem>> -> memref<1x!tpu.dma_semaphore, #tpu.memory_space<semaphore_mem>>
          %dma_start3A_704 = tpu.memref_squeeze %dma_start3A_703 : memref<1x!tpu.dma_semaphore, #tpu.memory_space<semaphore_mem>> -> memref<!tpu.dma_semaphore, #tpu.memory_space<semaphore_mem>>
          %dma_start3A_705 = arith.constant 0 : i32
          %dma_start3A_706 = tpu.memref_slice %arg6[%dma_start3A_695, %add3A_694, %dma_start3A_705] : memref<4x128x64xf32, #tpu.memory_space<vmem>> -> memref<1x1x64xf32, #tpu.memory_space<vmem>>
          %dma_start3A_707 = tpu.memref_squeeze %dma_start3A_706 : memref<1x1x64xf32, #tpu.memory_space<vmem>> -> memref<64xf32, #tpu.memory_space<vmem>>
          %dma_start3A_708 = arith.constant 0 : i32
          %dma_start3A_709 = tpu.memref_slice %arg2[%squeeze3A_692, %dma_start3A_708] : memref<1000000x64xf32, #tpu.memory_space<hbm>> -> memref<1x64xf32, #tpu.memory_space<hbm>>
          %dma_start3A_710 = tpu.memref_squeeze %dma_start3A_709 : memref<1x64xf32, #tpu.memory_space<hbm>> -> memref<64xf32, #tpu.memory_space<hbm>>
          tpu.enqueue_dma source(%dma_start3A_710 : memref<64xf32, #tpu.memory_space<hbm>>) target(%dma_start3A_707 : memref<64xf32, #tpu.memory_space<vmem>>) target_semaphore(%dma_start3A_704 : memref<!tpu.dma_semaphore, #tpu.memory_space<semaphore_mem>>)
          %slice3A_711 = vector.extract_strided_slice %get3A_452 {offsets = [13], sizes = [1], strides = [1]} : vector<16xi32> to vector<1xi32>
          %squeeze3A_712 = vector.extract %slice3A_711[0] : i32 from vector<1xi32>
          %add3A_713 = arith.constant 13 : i32
          %add3A_714 = arith.addi %add3A_448, %add3A_713 : i32
          %dma_start3A_715 = arith.constant 1 : i32
          %dma_start3A_716 = arith.constant 1 : i32
          %dma_start3A_717 = arith.constant 0 : i32
          %dma_start3A_718 = tpu.memref_slice %arg6[%dma_start3A_715, %add3A_714, %dma_start3A_717] : memref<4x128x64xf32, #tpu.memory_space<vmem>> -> memref<1x1x64xf32, #tpu.memory_space<vmem>>
          %dma_start3A_719 = tpu.memref_squeeze %dma_start3A_718 : memref<1x1x64xf32, #tpu.memory_space<vmem>> -> memref<64xf32, #tpu.memory_space<vmem>>
          %dma_start3A_720 = arith.constant 0 : i32
          %dma_start3A_721 = tpu.memref_slice %arg2[%squeeze3A_712, %dma_start3A_720] : memref<1000000x64xf32, #tpu.memory_space<hbm>> -> memref<1x64xf32, #tpu.memory_space<hbm>>
          %dma_start3A_722 = tpu.memref_squeeze %dma_start3A_721 : memref<1x64xf32, #tpu.memory_space<hbm>> -> memref<64xf32, #tpu.memory_space<hbm>>
          %dma_start3A_723 = tpu.memref_slice %arg7[%dma_start3A_716] : memref<4x!tpu.dma_semaphore, #tpu.memory_space<semaphore_mem>> -> memref<1x!tpu.dma_semaphore, #tpu.memory_space<semaphore_mem>>
          %dma_start3A_724 = tpu.memref_squeeze %dma_start3A_723 : memref<1x!tpu.dma_semaphore, #tpu.memory_space<semaphore_mem>> -> memref<!tpu.dma_semaphore, #tpu.memory_space<semaphore_mem>>
          %dma_start3A_725 = arith.constant 0 : i32
          %dma_start3A_726 = tpu.memref_slice %arg6[%dma_start3A_715, %add3A_714, %dma_start3A_725] : memref<4x128x64xf32, #tpu.memory_space<vmem>> -> memref<1x1x64xf32, #tpu.memory_space<vmem>>
          %dma_start3A_727 = tpu.memref_squeeze %dma_start3A_726 : memref<1x1x64xf32, #tpu.memory_space<vmem>> -> memref<64xf32, #tpu.memory_space<vmem>>
          %dma_start3A_728 = arith.constant 0 : i32
          %dma_start3A_729 = tpu.memref_slice %arg2[%squeeze3A_712, %dma_start3A_728] : memref<1000000x64xf32, #tpu.memory_space<hbm>> -> memref<1x64xf32, #tpu.memory_space<hbm>>
          %dma_start3A_730 = tpu.memref_squeeze %dma_start3A_729 : memref<1x64xf32, #tpu.memory_space<hbm>> -> memref<64xf32, #tpu.memory_space<hbm>>
          tpu.enqueue_dma source(%dma_start3A_730 : memref<64xf32, #tpu.memory_space<hbm>>) target(%dma_start3A_727 : memref<64xf32, #tpu.memory_space<vmem>>) target_semaphore(%dma_start3A_724 : memref<!tpu.dma_semaphore, #tpu.memory_space<semaphore_mem>>)
          %slice3A_731 = vector.extract_strided_slice %get3A_452 {offsets = [14], sizes = [1], strides = [1]} : vector<16xi32> to vector<1xi32>
          %squeeze3A_732 = vector.extract %slice3A_731[0] : i32 from vector<1xi32>
          %add3A_733 = arith.constant 14 : i32
          %add3A_734 = arith.addi %add3A_448, %add3A_733 : i32
          %dma_start3A_735 = arith.constant 1 : i32
          %dma_start3A_736 = arith.constant 1 : i32
          %dma_start3A_737 = arith.constant 0 : i32
          %dma_start3A_738 = tpu.memref_slice %arg6[%dma_start3A_735, %add3A_734, %dma_start3A_737] : memref<4x128x64xf32, #tpu.memory_space<vmem>> -> memref<1x1x64xf32, #tpu.memory_space<vmem>>
          %dma_start3A_739 = tpu.memref_squeeze %dma_start3A_738 : memref<1x1x64xf32, #tpu.memory_space<vmem>> -> memref<64xf32, #tpu.memory_space<vmem>>
          %dma_start3A_740 = arith.constant 0 : i32
          %dma_start3A_741 = tpu.memref_slice %arg2[%squeeze3A_732, %dma_start3A_740] : memref<1000000x64xf32, #tpu.memory_space<hbm>> -> memref<1x64xf32, #tpu.memory_space<hbm>>
          %dma_start3A_742 = tpu.memref_squeeze %dma_start3A_741 : memref<1x64xf32, #tpu.memory_space<hbm>> -> memref<64xf32, #tpu.memory_space<hbm>>
          %dma_start3A_743 = tpu.memref_slice %arg7[%dma_start3A_736] : memref<4x!tpu.dma_semaphore, #tpu.memory_space<semaphore_mem>> -> memref<1x!tpu.dma_semaphore, #tpu.memory_space<semaphore_mem>>
          %dma_start3A_744 = tpu.memref_squeeze %dma_start3A_743 : memref<1x!tpu.dma_semaphore, #tpu.memory_space<semaphore_mem>> -> memref<!tpu.dma_semaphore, #tpu.memory_space<semaphore_mem>>
          %dma_start3A_745 = arith.constant 0 : i32
          %dma_start3A_746 = tpu.memref_slice %arg6[%dma_start3A_735, %add3A_734, %dma_start3A_745] : memref<4x128x64xf32, #tpu.memory_space<vmem>> -> memref<1x1x64xf32, #tpu.memory_space<vmem>>
          %dma_start3A_747 = tpu.memref_squeeze %dma_start3A_746 : memref<1x1x64xf32, #tpu.memory_space<vmem>> -> memref<64xf32, #tpu.memory_space<vmem>>
          %dma_start3A_748 = arith.constant 0 : i32
          %dma_start3A_749 = tpu.memref_slice %arg2[%squeeze3A_732, %dma_start3A_748] : memref<1000000x64xf32, #tpu.memory_space<hbm>> -> memref<1x64xf32, #tpu.memory_space<hbm>>
          %dma_start3A_750 = tpu.memref_squeeze %dma_start3A_749 : memref<1x64xf32, #tpu.memory_space<hbm>> -> memref<64xf32, #tpu.memory_space<hbm>>
          tpu.enqueue_dma source(%dma_start3A_750 : memref<64xf32, #tpu.memory_space<hbm>>) target(%dma_start3A_747 : memref<64xf32, #tpu.memory_space<vmem>>) target_semaphore(%dma_start3A_744 : memref<!tpu.dma_semaphore, #tpu.memory_space<semaphore_mem>>)
          %slice3A_751 = vector.extract_strided_slice %get3A_452 {offsets = [15], sizes = [1], strides = [1]} : vector<16xi32> to vector<1xi32>
          %squeeze3A_752 = vector.extract %slice3A_751[0] : i32 from vector<1xi32>
          %add3A_753 = arith.constant 15 : i32
          %add3A_754 = arith.addi %add3A_448, %add3A_753 : i32
          %dma_start3A_755 = arith.constant 1 : i32
          %dma_start3A_756 = arith.constant 1 : i32
          %dma_start3A_757 = arith.constant 0 : i32
          %dma_start3A_758 = tpu.memref_slice %arg6[%dma_start3A_755, %add3A_754, %dma_start3A_757] : memref<4x128x64xf32, #tpu.memory_space<vmem>> -> memref<1x1x64xf32, #tpu.memory_space<vmem>>
          %dma_start3A_759 = tpu.memref_squeeze %dma_start3A_758 : memref<1x1x64xf32, #tpu.memory_space<vmem>> -> memref<64xf32, #tpu.memory_space<vmem>>
          %dma_start3A_760 = arith.constant 0 : i32
          %dma_start3A_761 = tpu.memref_slice %arg2[%squeeze3A_752, %dma_start3A_760] : memref<1000000x64xf32, #tpu.memory_space<hbm>> -> memref<1x64xf32, #tpu.memory_space<hbm>>
          %dma_start3A_762 = tpu.memref_squeeze %dma_start3A_761 : memref<1x64xf32, #tpu.memory_space<hbm>> -> memref<64xf32, #tpu.memory_space<hbm>>
          %dma_start3A_763 = tpu.memref_slice %arg7[%dma_start3A_756] : memref<4x!tpu.dma_semaphore, #tpu.memory_space<semaphore_mem>> -> memref<1x!tpu.dma_semaphore, #tpu.memory_space<semaphore_mem>>
          %dma_start3A_764 = tpu.memref_squeeze %dma_start3A_763 : memref<1x!tpu.dma_semaphore, #tpu.memory_space<semaphore_mem>> -> memref<!tpu.dma_semaphore, #tpu.memory_space<semaphore_mem>>
          %dma_start3A_765 = arith.constant 0 : i32
          %dma_start3A_766 = tpu.memref_slice %arg6[%dma_start3A_755, %add3A_754, %dma_start3A_765] : memref<4x128x64xf32, #tpu.memory_space<vmem>> -> memref<1x1x64xf32, #tpu.memory_space<vmem>>
          %dma_start3A_767 = tpu.memref_squeeze %dma_start3A_766 : memref<1x1x64xf32, #tpu.memory_space<vmem>> -> memref<64xf32, #tpu.memory_space<vmem>>
          %dma_start3A_768 = arith.constant 0 : i32
          %dma_start3A_769 = tpu.memref_slice %arg2[%squeeze3A_752, %dma_start3A_768] : memref<1000000x64xf32, #tpu.memory_space<hbm>> -> memref<1x64xf32, #tpu.memory_space<hbm>>
          %dma_start3A_770 = tpu.memref_squeeze %dma_start3A_769 : memref<1x64xf32, #tpu.memory_space<hbm>> -> memref<64xf32, #tpu.memory_space<hbm>>
          tpu.enqueue_dma source(%dma_start3A_770 : memref<64xf32, #tpu.memory_space<hbm>>) target(%dma_start3A_767 : memref<64xf32, #tpu.memory_space<vmem>>) target_semaphore(%dma_start3A_764 : memref<!tpu.dma_semaphore, #tpu.memory_space<semaphore_mem>>)
        }
        %scan3A_443 = arith.constant 8 : i32
      } else {
      }
      %add3A_193 = arith.constant 4 : i32
      %add3A_194 = arith.addi %add3A_120, %add3A_193 : i32
      %ge3A_195 = arith.constant 104 : i32
      %ge3A_196 = arith.cmpi sge, %add3A_194, %ge3A_195 : i32
      %convert_element_type3A_197 = arith.extui %ge3A_196 : i1 to i32
      %cond3A_198 = arith.constant 0 : i32
      %cond3A_199 = arith.cmpi ne, %convert_element_type3A_197, %cond3A_198 : i32
      scf.if %cond3A_199 {
        %jit3A_362 = arith.constant 4 : i32
        %div3A_363 = arith.divsi %add3A_120, %jit3A_362 : i32
        %sign3A_364 = arith.constant 0 : i32
        %sign3A_365 = arith.cmpi sgt, %add3A_120, %sign3A_364 : i32
        %sign3A_366 = arith.extui %sign3A_365 : i1 to i32
        %sign3A_367 = arith.constant 0 : i32
        %sign3A_368 = arith.cmpi slt, %add3A_120, %sign3A_367 : i32
        %sign3A_369 = arith.extui %sign3A_368 : i1 to i32
        %sign3A_370 = arith.subi %sign3A_366, %sign3A_369 : i32
        %sign3A_371 = arith.constant 0 : i32
        %sign3A_372 = arith.cmpi sgt, %jit3A_362, %sign3A_371 : i32
        %sign3A_373 = arith.extui %sign3A_372 : i1 to i32
        %sign3A_374 = arith.constant 0 : i32
        %sign3A_375 = arith.cmpi slt, %jit3A_362, %sign3A_374 : i32
        %sign3A_376 = arith.extui %sign3A_375 : i1 to i32
        %sign3A_377 = arith.subi %sign3A_373, %sign3A_376 : i32
        %ne3A_378 = arith.cmpi ne, %sign3A_370, %sign3A_377 : i32
        %rem3A_379 = arith.remsi %add3A_120, %jit3A_362 : i32
        %ne3A_380 = arith.constant 0 : i32
        %ne3A_381 = arith.cmpi ne, %rem3A_379, %ne3A_380 : i32
        %and3A_382 = arith.andi %ne3A_378, %ne3A_381 : i1
        %sub3A_383 = arith.constant 1 : i32
        %sub3A_384 = arith.subi %div3A_363, %sub3A_383 : i32
        %select_n3A_385 = arith.select %and3A_382, %sub3A_384, %div3A_363 : i32
        %rem3A_386 = arith.constant 4 : i32
        %rem3A_387 = arith.remsi %add3A_120, %rem3A_386 : i32
        %mul3A_388 = arith.constant 128 : i32
        %mul3A_389 = arith.muli %rem3A_387, %mul3A_388 : i32
        %add3A_390 = arith.addi %mul3A_2, %mul3A_389 : i32
        %dma_wait3A_391 = arith.constant 1 : i32
        %dma_wait3A_392 = arith.constant 1 : i32
        %dma_wait3A_393 = arith.constant 0 : i32
        %dma_wait3A_394 = arith.constant 0 : i32
        %dma_wait3A_395 = tpu.memref_slice %arg6[%dma_wait3A_391, %dma_wait3A_393, %dma_wait3A_394] : memref<4x128x64xf32, #tpu.memory_space<vmem>> -> memref<1x128x64xf32, #tpu.memory_space<vmem>>
        %dma_wait3A_396 = tpu.memref_squeeze %dma_wait3A_395 : memref<1x128x64xf32, #tpu.memory_space<vmem>> -> memref<128x64xf32, #tpu.memory_space<vmem>>
        %dma_wait3A_397 = arith.constant 0 : i32
        %dma_wait3A_398 = tpu.memref_slice %arg4[%add3A_390, %select_n3A_385, %dma_wait3A_397] : memref<16384x26x64xf32, #tpu.memory_space<hbm>> -> memref<128x1x64xf32, #tpu.memory_space<hbm>>
        %dma_wait3A_399 = tpu.memref_squeeze %dma_wait3A_398 : memref<128x1x64xf32, #tpu.memory_space<hbm>> -> memref<128x64xf32, #tpu.memory_space<hbm>>
        %dma_wait3A_400 = tpu.memref_slice %arg8[%dma_wait3A_392] : memref<4x!tpu.dma_semaphore, #tpu.memory_space<semaphore_mem>> -> memref<1x!tpu.dma_semaphore, #tpu.memory_space<semaphore_mem>>
        %dma_wait3A_401 = tpu.memref_squeeze %dma_wait3A_400 : memref<1x!tpu.dma_semaphore, #tpu.memory_space<semaphore_mem>> -> memref<!tpu.dma_semaphore, #tpu.memory_space<semaphore_mem>>
        %dma_wait3A_402 = arith.constant 0 : i32
        %dma_wait3A_403 = tpu.memref_slice %arg4[%add3A_390, %select_n3A_385, %dma_wait3A_402] : memref<16384x26x64xf32, #tpu.memory_space<hbm>> -> memref<128x1x64xf32, #tpu.memory_space<hbm>>
        %dma_wait3A_404 = tpu.memref_squeeze %dma_wait3A_403 : memref<128x1x64xf32, #tpu.memory_space<hbm>> -> memref<128x64xf32, #tpu.memory_space<hbm>>
        %dma_wait3A_405 = arith.constant 0 : i32
        %dma_wait3A_406 = arith.constant 0 : i32
        %dma_wait3A_407 = tpu.memref_slice %arg6[%dma_wait3A_391, %dma_wait3A_405, %dma_wait3A_406] : memref<4x128x64xf32, #tpu.memory_space<vmem>> -> memref<1x128x64xf32, #tpu.memory_space<vmem>>
        %dma_wait3A_408 = tpu.memref_squeeze %dma_wait3A_407 : memref<1x128x64xf32, #tpu.memory_space<vmem>> -> memref<128x64xf32, #tpu.memory_space<vmem>>
        tpu.wait_dma2 semaphore(%dma_wait3A_401 : memref<!tpu.dma_semaphore, #tpu.memory_space<semaphore_mem>>) src(%dma_wait3A_408 : memref<128x64xf32, #tpu.memory_space<vmem>>) dst(%dma_wait3A_404 : memref<128x64xf32, #tpu.memory_space<hbm>>)
      } else {
      }
      %add3A_200 = arith.constant 2 : i32
      %add3A_201 = arith.addi %add3A_50, %add3A_200 : i32
      %dma_wait3A_202 = arith.constant 2 : i32
      %dma_wait3A_203 = arith.constant 2 : i32
      %dma_wait3A_204 = arith.constant 0 : i32
      %dma_wait3A_205 = arith.constant 0 : i32
      %dma_wait3A_206 = tpu.memref_slice %arg6[%dma_wait3A_202, %dma_wait3A_204, %dma_wait3A_205] : memref<4x128x64xf32, #tpu.memory_space<vmem>> -> memref<1x128x64xf32, #tpu.memory_space<vmem>>
      %dma_wait3A_207 = tpu.memref_squeeze %dma_wait3A_206 : memref<1x128x64xf32, #tpu.memory_space<vmem>> -> memref<128x64xf32, #tpu.memory_space<vmem>>
      %dma_wait3A_208 = arith.constant 0 : i32
      %dma_wait3A_209 = arith.constant 0 : i32
      %dma_wait3A_210 = tpu.memref_slice %arg2[%dma_wait3A_208, %dma_wait3A_209] : memref<1000000x64xf32, #tpu.memory_space<hbm>> -> memref<128x64xf32, #tpu.memory_space<hbm>>
      %dma_wait3A_211 = tpu.memref_slice %arg7[%dma_wait3A_203] : memref<4x!tpu.dma_semaphore, #tpu.memory_space<semaphore_mem>> -> memref<1x!tpu.dma_semaphore, #tpu.memory_space<semaphore_mem>>
      %dma_wait3A_212 = tpu.memref_squeeze %dma_wait3A_211 : memref<1x!tpu.dma_semaphore, #tpu.memory_space<semaphore_mem>> -> memref<!tpu.dma_semaphore, #tpu.memory_space<semaphore_mem>>
      %dma_wait3A_213 = arith.constant 0 : i32
      %dma_wait3A_214 = arith.constant 0 : i32
      %dma_wait3A_215 = tpu.memref_slice %arg6[%dma_wait3A_202, %dma_wait3A_213, %dma_wait3A_214] : memref<4x128x64xf32, #tpu.memory_space<vmem>> -> memref<1x128x64xf32, #tpu.memory_space<vmem>>
      %dma_wait3A_216 = tpu.memref_squeeze %dma_wait3A_215 : memref<1x128x64xf32, #tpu.memory_space<vmem>> -> memref<128x64xf32, #tpu.memory_space<vmem>>
      %dma_wait3A_217 = arith.constant 0 : i32
      %dma_wait3A_218 = arith.constant 0 : i32
      %dma_wait3A_219 = tpu.memref_slice %arg2[%dma_wait3A_217, %dma_wait3A_218] : memref<1000000x64xf32, #tpu.memory_space<hbm>> -> memref<128x64xf32, #tpu.memory_space<hbm>>
      tpu.wait_dma2 semaphore(%dma_wait3A_212 : memref<!tpu.dma_semaphore, #tpu.memory_space<semaphore_mem>>) src(%dma_wait3A_219 : memref<128x64xf32, #tpu.memory_space<hbm>>) dst(%dma_wait3A_216 : memref<128x64xf32, #tpu.memory_space<vmem>>)
      %jit3A_220 = arith.constant 4 : i32
      %div3A_221 = arith.divsi %add3A_201, %jit3A_220 : i32
      %sign3A_222 = arith.constant 0 : i32
      %sign3A_223 = arith.cmpi sgt, %add3A_201, %sign3A_222 : i32
      %sign3A_224 = arith.extui %sign3A_223 : i1 to i32
      %sign3A_225 = arith.constant 0 : i32
      %sign3A_226 = arith.cmpi slt, %add3A_201, %sign3A_225 : i32
      %sign3A_227 = arith.extui %sign3A_226 : i1 to i32
      %sign3A_228 = arith.subi %sign3A_224, %sign3A_227 : i32
      %sign3A_229 = arith.constant 0 : i32
      %sign3A_230 = arith.cmpi sgt, %jit3A_220, %sign3A_229 : i32
      %sign3A_231 = arith.extui %sign3A_230 : i1 to i32
      %sign3A_232 = arith.constant 0 : i32
      %sign3A_233 = arith.cmpi slt, %jit3A_220, %sign3A_232 : i32
      %sign3A_234 = arith.extui %sign3A_233 : i1 to i32
      %sign3A_235 = arith.subi %sign3A_231, %sign3A_234 : i32
      %ne3A_236 = arith.cmpi ne, %sign3A_228, %sign3A_235 : i32
      %rem3A_237 = arith.remsi %add3A_201, %jit3A_220 : i32
      %ne3A_238 = arith.constant 0 : i32
      %ne3A_239 = arith.cmpi ne, %rem3A_237, %ne3A_238 : i32
      %and3A_240 = arith.andi %ne3A_236, %ne3A_239 : i1
      %sub3A_241 = arith.constant 1 : i32
      %sub3A_242 = arith.subi %div3A_221, %sub3A_241 : i32
      %select_n3A_243 = arith.select %and3A_240, %sub3A_242, %div3A_221 : i32
      %rem3A_244 = arith.constant 4 : i32
      %rem3A_245 = arith.remsi %add3A_201, %rem3A_244 : i32
      %mul3A_246 = arith.constant 128 : i32
      %mul3A_247 = arith.muli %rem3A_245, %mul3A_246 : i32
      %add3A_248 = arith.addi %mul3A_2, %mul3A_247 : i32
      %dma_start3A_249 = arith.constant 2 : i32
      %dma_start3A_250 = arith.constant 2 : i32
      %dma_start3A_251 = arith.constant 0 : i32
      %dma_start3A_252 = arith.constant 0 : i32
      %dma_start3A_253 = tpu.memref_slice %arg6[%dma_start3A_249, %dma_start3A_251, %dma_start3A_252] : memref<4x128x64xf32, #tpu.memory_space<vmem>> -> memref<1x128x64xf32, #tpu.memory_space<vmem>>
      %dma_start3A_254 = tpu.memref_squeeze %dma_start3A_253 : memref<1x128x64xf32, #tpu.memory_space<vmem>> -> memref<128x64xf32, #tpu.memory_space<vmem>>
      %dma_start3A_255 = arith.constant 0 : i32
      %dma_start3A_256 = tpu.memref_slice %arg4[%add3A_248, %select_n3A_243, %dma_start3A_255] : memref<16384x26x64xf32, #tpu.memory_space<hbm>> -> memref<128x1x64xf32, #tpu.memory_space<hbm>>
      %dma_start3A_257 = tpu.memref_squeeze %dma_start3A_256 : memref<128x1x64xf32, #tpu.memory_space<hbm>> -> memref<128x64xf32, #tpu.memory_space<hbm>>
      %dma_start3A_258 = tpu.memref_slice %arg8[%dma_start3A_250] : memref<4x!tpu.dma_semaphore, #tpu.memory_space<semaphore_mem>> -> memref<1x!tpu.dma_semaphore, #tpu.memory_space<semaphore_mem>>
      %dma_start3A_259 = tpu.memref_squeeze %dma_start3A_258 : memref<1x!tpu.dma_semaphore, #tpu.memory_space<semaphore_mem>> -> memref<!tpu.dma_semaphore, #tpu.memory_space<semaphore_mem>>
      %dma_start3A_260 = arith.constant 0 : i32
      %dma_start3A_261 = tpu.memref_slice %arg4[%add3A_248, %select_n3A_243, %dma_start3A_260] : memref<16384x26x64xf32, #tpu.memory_space<hbm>> -> memref<128x1x64xf32, #tpu.memory_space<hbm>>
      %dma_start3A_262 = tpu.memref_squeeze %dma_start3A_261 : memref<128x1x64xf32, #tpu.memory_space<hbm>> -> memref<128x64xf32, #tpu.memory_space<hbm>>
      %dma_start3A_263 = arith.constant 0 : i32
      %dma_start3A_264 = arith.constant 0 : i32
      %dma_start3A_265 = tpu.memref_slice %arg6[%dma_start3A_249, %dma_start3A_263, %dma_start3A_264] : memref<4x128x64xf32, #tpu.memory_space<vmem>> -> memref<1x128x64xf32, #tpu.memory_space<vmem>>
      %dma_start3A_266 = tpu.memref_squeeze %dma_start3A_265 : memref<1x128x64xf32, #tpu.memory_space<vmem>> -> memref<128x64xf32, #tpu.memory_space<vmem>>
      tpu.enqueue_dma source(%dma_start3A_266 : memref<128x64xf32, #tpu.memory_space<vmem>>) target(%dma_start3A_262 : memref<128x64xf32, #tpu.memory_space<hbm>>) target_semaphore(%dma_start3A_259 : memref<!tpu.dma_semaphore, #tpu.memory_space<semaphore_mem>>)
      %add3A_267 = arith.constant 4 : i32
      %add3A_268 = arith.addi %add3A_201, %add3A_267 : i32
      %lt3A_269 = arith.constant 104 : i32
      %lt3A_270 = arith.cmpi slt, %add3A_268, %lt3A_269 : i32
      %convert_element_type3A_271 = arith.extui %lt3A_270 : i1 to i32
      %cond3A_272 = arith.constant 0 : i32
      %cond3A_273 = arith.cmpi ne, %convert_element_type3A_271, %cond3A_272 : i32
      scf.if %cond3A_273 {
        %jit3A_362 = arith.constant 4 : i32
        %div3A_363 = arith.divsi %add3A_201, %jit3A_362 : i32
        %sign3A_364 = arith.constant 0 : i32
        %sign3A_365 = arith.cmpi sgt, %add3A_201, %sign3A_364 : i32
        %sign3A_366 = arith.extui %sign3A_365 : i1 to i32
        %sign3A_367 = arith.constant 0 : i32
        %sign3A_368 = arith.cmpi slt, %add3A_201, %sign3A_367 : i32
        %sign3A_369 = arith.extui %sign3A_368 : i1 to i32
        %sign3A_370 = arith.subi %sign3A_366, %sign3A_369 : i32
        %sign3A_371 = arith.constant 0 : i32
        %sign3A_372 = arith.cmpi sgt, %jit3A_362, %sign3A_371 : i32
        %sign3A_373 = arith.extui %sign3A_372 : i1 to i32
        %sign3A_374 = arith.constant 0 : i32
        %sign3A_375 = arith.cmpi slt, %jit3A_362, %sign3A_374 : i32
        %sign3A_376 = arith.extui %sign3A_375 : i1 to i32
        %sign3A_377 = arith.subi %sign3A_373, %sign3A_376 : i32
        %ne3A_378 = arith.cmpi ne, %sign3A_370, %sign3A_377 : i32
        %rem3A_379 = arith.remsi %add3A_201, %jit3A_362 : i32
        %ne3A_380 = arith.constant 0 : i32
        %ne3A_381 = arith.cmpi ne, %rem3A_379, %ne3A_380 : i32
        %and3A_382 = arith.andi %ne3A_378, %ne3A_381 : i1
        %sub3A_383 = arith.constant 1 : i32
        %sub3A_384 = arith.subi %div3A_363, %sub3A_383 : i32
        %select_n3A_385 = arith.select %and3A_382, %sub3A_384, %div3A_363 : i32
        %rem3A_386 = arith.constant 4 : i32
        %rem3A_387 = arith.remsi %add3A_201, %rem3A_386 : i32
        %mul3A_388 = arith.constant 128 : i32
        %mul3A_389 = arith.muli %rem3A_387, %mul3A_388 : i32
        %add3A_390 = arith.addi %mul3A_2, %mul3A_389 : i32
        %dma_wait3A_391 = arith.constant 2 : i32
        %dma_wait3A_392 = arith.constant 2 : i32
        %dma_wait3A_393 = arith.constant 0 : i32
        %dma_wait3A_394 = arith.constant 0 : i32
        %dma_wait3A_395 = tpu.memref_slice %arg6[%dma_wait3A_391, %dma_wait3A_393, %dma_wait3A_394] : memref<4x128x64xf32, #tpu.memory_space<vmem>> -> memref<1x128x64xf32, #tpu.memory_space<vmem>>
        %dma_wait3A_396 = tpu.memref_squeeze %dma_wait3A_395 : memref<1x128x64xf32, #tpu.memory_space<vmem>> -> memref<128x64xf32, #tpu.memory_space<vmem>>
        %dma_wait3A_397 = arith.constant 0 : i32
        %dma_wait3A_398 = tpu.memref_slice %arg4[%add3A_390, %select_n3A_385, %dma_wait3A_397] : memref<16384x26x64xf32, #tpu.memory_space<hbm>> -> memref<128x1x64xf32, #tpu.memory_space<hbm>>
        %dma_wait3A_399 = tpu.memref_squeeze %dma_wait3A_398 : memref<128x1x64xf32, #tpu.memory_space<hbm>> -> memref<128x64xf32, #tpu.memory_space<hbm>>
        %dma_wait3A_400 = tpu.memref_slice %arg8[%dma_wait3A_392] : memref<4x!tpu.dma_semaphore, #tpu.memory_space<semaphore_mem>> -> memref<1x!tpu.dma_semaphore, #tpu.memory_space<semaphore_mem>>
        %dma_wait3A_401 = tpu.memref_squeeze %dma_wait3A_400 : memref<1x!tpu.dma_semaphore, #tpu.memory_space<semaphore_mem>> -> memref<!tpu.dma_semaphore, #tpu.memory_space<semaphore_mem>>
        %dma_wait3A_402 = arith.constant 0 : i32
        %dma_wait3A_403 = tpu.memref_slice %arg4[%add3A_390, %select_n3A_385, %dma_wait3A_402] : memref<16384x26x64xf32, #tpu.memory_space<hbm>> -> memref<128x1x64xf32, #tpu.memory_space<hbm>>
        %dma_wait3A_404 = tpu.memref_squeeze %dma_wait3A_403 : memref<128x1x64xf32, #tpu.memory_space<hbm>> -> memref<128x64xf32, #tpu.memory_space<hbm>>
        %dma_wait3A_405 = arith.constant 0 : i32
        %dma_wait3A_406 = arith.constant 0 : i32
        %dma_wait3A_407 = tpu.memref_slice %arg6[%dma_wait3A_391, %dma_wait3A_405, %dma_wait3A_406] : memref<4x128x64xf32, #tpu.memory_space<vmem>> -> memref<1x128x64xf32, #tpu.memory_space<vmem>>
        %dma_wait3A_408 = tpu.memref_squeeze %dma_wait3A_407 : memref<1x128x64xf32, #tpu.memory_space<vmem>> -> memref<128x64xf32, #tpu.memory_space<vmem>>
        tpu.wait_dma2 semaphore(%dma_wait3A_401 : memref<!tpu.dma_semaphore, #tpu.memory_space<semaphore_mem>>) src(%dma_wait3A_408 : memref<128x64xf32, #tpu.memory_space<vmem>>) dst(%dma_wait3A_404 : memref<128x64xf32, #tpu.memory_space<hbm>>)
        %add3A_409 = arith.constant 4 : i32
        %add3A_410 = arith.addi %add3A_201, %add3A_409 : i32
        %jit3A_411 = arith.constant 4 : i32
        %div3A_412 = arith.divsi %add3A_410, %jit3A_411 : i32
        %sign3A_413 = arith.constant 0 : i32
        %sign3A_414 = arith.cmpi sgt, %add3A_410, %sign3A_413 : i32
        %sign3A_415 = arith.extui %sign3A_414 : i1 to i32
        %sign3A_416 = arith.constant 0 : i32
        %sign3A_417 = arith.cmpi slt, %add3A_410, %sign3A_416 : i32
        %sign3A_418 = arith.extui %sign3A_417 : i1 to i32
        %sign3A_419 = arith.subi %sign3A_415, %sign3A_418 : i32
        %sign3A_420 = arith.constant 0 : i32
        %sign3A_421 = arith.cmpi sgt, %jit3A_411, %sign3A_420 : i32
        %sign3A_422 = arith.extui %sign3A_421 : i1 to i32
        %sign3A_423 = arith.constant 0 : i32
        %sign3A_424 = arith.cmpi slt, %jit3A_411, %sign3A_423 : i32
        %sign3A_425 = arith.extui %sign3A_424 : i1 to i32
        %sign3A_426 = arith.subi %sign3A_422, %sign3A_425 : i32
        %ne3A_427 = arith.cmpi ne, %sign3A_419, %sign3A_426 : i32
        %rem3A_428 = arith.remsi %add3A_410, %jit3A_411 : i32
        %ne3A_429 = arith.constant 0 : i32
        %ne3A_430 = arith.cmpi ne, %rem3A_428, %ne3A_429 : i32
        %and3A_431 = arith.andi %ne3A_427, %ne3A_430 : i1
        %sub3A_432 = arith.constant 1 : i32
        %sub3A_433 = arith.subi %div3A_412, %sub3A_432 : i32
        %select_n3A_434 = arith.select %and3A_431, %sub3A_433, %div3A_412 : i32
        %rem3A_435 = arith.constant 4 : i32
        %rem3A_436 = arith.remsi %add3A_410, %rem3A_435 : i32
        %mul3A_437 = arith.constant 128 : i32
        %mul3A_438 = arith.muli %rem3A_436, %mul3A_437 : i32
        %scan3A_439 = arith.constant 0 : i32
        %scan3A_440 = arith.constant 8 : i32
        %scan3A_441 = arith.addi %scan3A_439, %scan3A_440 : i32
        %scan3A_442 = arith.constant 1 : i32
        scf.for %scan3A_444 = %scan3A_439 to %scan3A_441 step %scan3A_442  : i32 {
          %mul3A_445 = arith.constant 16 : i32
          %mul3A_446 = arith.muli %scan3A_444, %mul3A_445 : i32
          %add3A_447 = arith.constant 0 : i32
          %add3A_448 = arith.addi %add3A_447, %mul3A_446 : i32
          %add3A_449 = arith.addi %mul3A_438, %add3A_448 : i32
          %get3A = arith.index_cast %select_n3A_434 : i32 to index
          %get3A_450 = arith.index_cast %add3A_449 : i32 to index
          %get3A_451 = tpu.vector_load %arg5[%get3A, %get3A_450] {strides = array<i32>} : memref<26x512xi32, #tpu.memory_space<vmem>>, vector<1x16xi32>,
          %get3A_452 = vector.shape_cast %get3A_451 : vector<1x16xi32> to vector<16xi32>
          %slice3A = vector.extract_strided_slice %get3A_452 {offsets = [0], sizes = [1], strides = [1]} : vector<16xi32> to vector<1xi32>
          %squeeze3A = vector.extract %slice3A[0] : i32 from vector<1xi32>
          %add3A_453 = arith.constant 0 : i32
          %add3A_454 = arith.addi %add3A_448, %add3A_453 : i32
          %dma_start3A_455 = arith.constant 2 : i32
          %dma_start3A_456 = arith.constant 2 : i32
          %dma_start3A_457 = arith.constant 0 : i32
          %dma_start3A_458 = tpu.memref_slice %arg6[%dma_start3A_455, %add3A_454, %dma_start3A_457] : memref<4x128x64xf32, #tpu.memory_space<vmem>> -> memref<1x1x64xf32, #tpu.memory_space<vmem>>
          %dma_start3A_459 = tpu.memref_squeeze %dma_start3A_458 : memref<1x1x64xf32, #tpu.memory_space<vmem>> -> memref<64xf32, #tpu.memory_space<vmem>>
          %dma_start3A_460 = arith.constant 0 : i32
          %dma_start3A_461 = tpu.memref_slice %arg2[%squeeze3A, %dma_start3A_460] : memref<1000000x64xf32, #tpu.memory_space<hbm>> -> memref<1x64xf32, #tpu.memory_space<hbm>>
          %dma_start3A_462 = tpu.memref_squeeze %dma_start3A_461 : memref<1x64xf32, #tpu.memory_space<hbm>> -> memref<64xf32, #tpu.memory_space<hbm>>
          %dma_start3A_463 = tpu.memref_slice %arg7[%dma_start3A_456] : memref<4x!tpu.dma_semaphore, #tpu.memory_space<semaphore_mem>> -> memref<1x!tpu.dma_semaphore, #tpu.memory_space<semaphore_mem>>
          %dma_start3A_464 = tpu.memref_squeeze %dma_start3A_463 : memref<1x!tpu.dma_semaphore, #tpu.memory_space<semaphore_mem>> -> memref<!tpu.dma_semaphore, #tpu.memory_space<semaphore_mem>>
          %dma_start3A_465 = arith.constant 0 : i32
          %dma_start3A_466 = tpu.memref_slice %arg6[%dma_start3A_455, %add3A_454, %dma_start3A_465] : memref<4x128x64xf32, #tpu.memory_space<vmem>> -> memref<1x1x64xf32, #tpu.memory_space<vmem>>
          %dma_start3A_467 = tpu.memref_squeeze %dma_start3A_466 : memref<1x1x64xf32, #tpu.memory_space<vmem>> -> memref<64xf32, #tpu.memory_space<vmem>>
          %dma_start3A_468 = arith.constant 0 : i32
          %dma_start3A_469 = tpu.memref_slice %arg2[%squeeze3A, %dma_start3A_468] : memref<1000000x64xf32, #tpu.memory_space<hbm>> -> memref<1x64xf32, #tpu.memory_space<hbm>>
          %dma_start3A_470 = tpu.memref_squeeze %dma_start3A_469 : memref<1x64xf32, #tpu.memory_space<hbm>> -> memref<64xf32, #tpu.memory_space<hbm>>
          tpu.enqueue_dma source(%dma_start3A_470 : memref<64xf32, #tpu.memory_space<hbm>>) target(%dma_start3A_467 : memref<64xf32, #tpu.memory_space<vmem>>) target_semaphore(%dma_start3A_464 : memref<!tpu.dma_semaphore, #tpu.memory_space<semaphore_mem>>)
          %slice3A_471 = vector.extract_strided_slice %get3A_452 {offsets = [1], sizes = [1], strides = [1]} : vector<16xi32> to vector<1xi32>
          %squeeze3A_472 = vector.extract %slice3A_471[0] : i32 from vector<1xi32>
          %add3A_473 = arith.constant 1 : i32
          %add3A_474 = arith.addi %add3A_448, %add3A_473 : i32
          %dma_start3A_475 = arith.constant 2 : i32
          %dma_start3A_476 = arith.constant 2 : i32
          %dma_start3A_477 = arith.constant 0 : i32
          %dma_start3A_478 = tpu.memref_slice %arg6[%dma_start3A_475, %add3A_474, %dma_start3A_477] : memref<4x128x64xf32, #tpu.memory_space<vmem>> -> memref<1x1x64xf32, #tpu.memory_space<vmem>>
          %dma_start3A_479 = tpu.memref_squeeze %dma_start3A_478 : memref<1x1x64xf32, #tpu.memory_space<vmem>> -> memref<64xf32, #tpu.memory_space<vmem>>
          %dma_start3A_480 = arith.constant 0 : i32
          %dma_start3A_481 = tpu.memref_slice %arg2[%squeeze3A_472, %dma_start3A_480] : memref<1000000x64xf32, #tpu.memory_space<hbm>> -> memref<1x64xf32, #tpu.memory_space<hbm>>
          %dma_start3A_482 = tpu.memref_squeeze %dma_start3A_481 : memref<1x64xf32, #tpu.memory_space<hbm>> -> memref<64xf32, #tpu.memory_space<hbm>>
          %dma_start3A_483 = tpu.memref_slice %arg7[%dma_start3A_476] : memref<4x!tpu.dma_semaphore, #tpu.memory_space<semaphore_mem>> -> memref<1x!tpu.dma_semaphore, #tpu.memory_space<semaphore_mem>>
          %dma_start3A_484 = tpu.memref_squeeze %dma_start3A_483 : memref<1x!tpu.dma_semaphore, #tpu.memory_space<semaphore_mem>> -> memref<!tpu.dma_semaphore, #tpu.memory_space<semaphore_mem>>
          %dma_start3A_485 = arith.constant 0 : i32
          %dma_start3A_486 = tpu.memref_slice %arg6[%dma_start3A_475, %add3A_474, %dma_start3A_485] : memref<4x128x64xf32, #tpu.memory_space<vmem>> -> memref<1x1x64xf32, #tpu.memory_space<vmem>>
          %dma_start3A_487 = tpu.memref_squeeze %dma_start3A_486 : memref<1x1x64xf32, #tpu.memory_space<vmem>> -> memref<64xf32, #tpu.memory_space<vmem>>
          %dma_start3A_488 = arith.constant 0 : i32
          %dma_start3A_489 = tpu.memref_slice %arg2[%squeeze3A_472, %dma_start3A_488] : memref<1000000x64xf32, #tpu.memory_space<hbm>> -> memref<1x64xf32, #tpu.memory_space<hbm>>
          %dma_start3A_490 = tpu.memref_squeeze %dma_start3A_489 : memref<1x64xf32, #tpu.memory_space<hbm>> -> memref<64xf32, #tpu.memory_space<hbm>>
          tpu.enqueue_dma source(%dma_start3A_490 : memref<64xf32, #tpu.memory_space<hbm>>) target(%dma_start3A_487 : memref<64xf32, #tpu.memory_space<vmem>>) target_semaphore(%dma_start3A_484 : memref<!tpu.dma_semaphore, #tpu.memory_space<semaphore_mem>>)
          %slice3A_491 = vector.extract_strided_slice %get3A_452 {offsets = [2], sizes = [1], strides = [1]} : vector<16xi32> to vector<1xi32>
          %squeeze3A_492 = vector.extract %slice3A_491[0] : i32 from vector<1xi32>
          %add3A_493 = arith.constant 2 : i32
          %add3A_494 = arith.addi %add3A_448, %add3A_493 : i32
          %dma_start3A_495 = arith.constant 2 : i32
          %dma_start3A_496 = arith.constant 2 : i32
          %dma_start3A_497 = arith.constant 0 : i32
          %dma_start3A_498 = tpu.memref_slice %arg6[%dma_start3A_495, %add3A_494, %dma_start3A_497] : memref<4x128x64xf32, #tpu.memory_space<vmem>> -> memref<1x1x64xf32, #tpu.memory_space<vmem>>
          %dma_start3A_499 = tpu.memref_squeeze %dma_start3A_498 : memref<1x1x64xf32, #tpu.memory_space<vmem>> -> memref<64xf32, #tpu.memory_space<vmem>>
          %dma_start3A_500 = arith.constant 0 : i32
          %dma_start3A_501 = tpu.memref_slice %arg2[%squeeze3A_492, %dma_start3A_500] : memref<1000000x64xf32, #tpu.memory_space<hbm>> -> memref<1x64xf32, #tpu.memory_space<hbm>>
          %dma_start3A_502 = tpu.memref_squeeze %dma_start3A_501 : memref<1x64xf32, #tpu.memory_space<hbm>> -> memref<64xf32, #tpu.memory_space<hbm>>
          %dma_start3A_503 = tpu.memref_slice %arg7[%dma_start3A_496] : memref<4x!tpu.dma_semaphore, #tpu.memory_space<semaphore_mem>> -> memref<1x!tpu.dma_semaphore, #tpu.memory_space<semaphore_mem>>
          %dma_start3A_504 = tpu.memref_squeeze %dma_start3A_503 : memref<1x!tpu.dma_semaphore, #tpu.memory_space<semaphore_mem>> -> memref<!tpu.dma_semaphore, #tpu.memory_space<semaphore_mem>>
          %dma_start3A_505 = arith.constant 0 : i32
          %dma_start3A_506 = tpu.memref_slice %arg6[%dma_start3A_495, %add3A_494, %dma_start3A_505] : memref<4x128x64xf32, #tpu.memory_space<vmem>> -> memref<1x1x64xf32, #tpu.memory_space<vmem>>
          %dma_start3A_507 = tpu.memref_squeeze %dma_start3A_506 : memref<1x1x64xf32, #tpu.memory_space<vmem>> -> memref<64xf32, #tpu.memory_space<vmem>>
          %dma_start3A_508 = arith.constant 0 : i32
          %dma_start3A_509 = tpu.memref_slice %arg2[%squeeze3A_492, %dma_start3A_508] : memref<1000000x64xf32, #tpu.memory_space<hbm>> -> memref<1x64xf32, #tpu.memory_space<hbm>>
          %dma_start3A_510 = tpu.memref_squeeze %dma_start3A_509 : memref<1x64xf32, #tpu.memory_space<hbm>> -> memref<64xf32, #tpu.memory_space<hbm>>
          tpu.enqueue_dma source(%dma_start3A_510 : memref<64xf32, #tpu.memory_space<hbm>>) target(%dma_start3A_507 : memref<64xf32, #tpu.memory_space<vmem>>) target_semaphore(%dma_start3A_504 : memref<!tpu.dma_semaphore, #tpu.memory_space<semaphore_mem>>)
          %slice3A_511 = vector.extract_strided_slice %get3A_452 {offsets = [3], sizes = [1], strides = [1]} : vector<16xi32> to vector<1xi32>
          %squeeze3A_512 = vector.extract %slice3A_511[0] : i32 from vector<1xi32>
          %add3A_513 = arith.constant 3 : i32
          %add3A_514 = arith.addi %add3A_448, %add3A_513 : i32
          %dma_start3A_515 = arith.constant 2 : i32
          %dma_start3A_516 = arith.constant 2 : i32
          %dma_start3A_517 = arith.constant 0 : i32
          %dma_start3A_518 = tpu.memref_slice %arg6[%dma_start3A_515, %add3A_514, %dma_start3A_517] : memref<4x128x64xf32, #tpu.memory_space<vmem>> -> memref<1x1x64xf32, #tpu.memory_space<vmem>>
          %dma_start3A_519 = tpu.memref_squeeze %dma_start3A_518 : memref<1x1x64xf32, #tpu.memory_space<vmem>> -> memref<64xf32, #tpu.memory_space<vmem>>
          %dma_start3A_520 = arith.constant 0 : i32
          %dma_start3A_521 = tpu.memref_slice %arg2[%squeeze3A_512, %dma_start3A_520] : memref<1000000x64xf32, #tpu.memory_space<hbm>> -> memref<1x64xf32, #tpu.memory_space<hbm>>
          %dma_start3A_522 = tpu.memref_squeeze %dma_start3A_521 : memref<1x64xf32, #tpu.memory_space<hbm>> -> memref<64xf32, #tpu.memory_space<hbm>>
          %dma_start3A_523 = tpu.memref_slice %arg7[%dma_start3A_516] : memref<4x!tpu.dma_semaphore, #tpu.memory_space<semaphore_mem>> -> memref<1x!tpu.dma_semaphore, #tpu.memory_space<semaphore_mem>>
          %dma_start3A_524 = tpu.memref_squeeze %dma_start3A_523 : memref<1x!tpu.dma_semaphore, #tpu.memory_space<semaphore_mem>> -> memref<!tpu.dma_semaphore, #tpu.memory_space<semaphore_mem>>
          %dma_start3A_525 = arith.constant 0 : i32
          %dma_start3A_526 = tpu.memref_slice %arg6[%dma_start3A_515, %add3A_514, %dma_start3A_525] : memref<4x128x64xf32, #tpu.memory_space<vmem>> -> memref<1x1x64xf32, #tpu.memory_space<vmem>>
          %dma_start3A_527 = tpu.memref_squeeze %dma_start3A_526 : memref<1x1x64xf32, #tpu.memory_space<vmem>> -> memref<64xf32, #tpu.memory_space<vmem>>
          %dma_start3A_528 = arith.constant 0 : i32
          %dma_start3A_529 = tpu.memref_slice %arg2[%squeeze3A_512, %dma_start3A_528] : memref<1000000x64xf32, #tpu.memory_space<hbm>> -> memref<1x64xf32, #tpu.memory_space<hbm>>
          %dma_start3A_530 = tpu.memref_squeeze %dma_start3A_529 : memref<1x64xf32, #tpu.memory_space<hbm>> -> memref<64xf32, #tpu.memory_space<hbm>>
          tpu.enqueue_dma source(%dma_start3A_530 : memref<64xf32, #tpu.memory_space<hbm>>) target(%dma_start3A_527 : memref<64xf32, #tpu.memory_space<vmem>>) target_semaphore(%dma_start3A_524 : memref<!tpu.dma_semaphore, #tpu.memory_space<semaphore_mem>>)
          %slice3A_531 = vector.extract_strided_slice %get3A_452 {offsets = [4], sizes = [1], strides = [1]} : vector<16xi32> to vector<1xi32>
          %squeeze3A_532 = vector.extract %slice3A_531[0] : i32 from vector<1xi32>
          %add3A_533 = arith.constant 4 : i32
          %add3A_534 = arith.addi %add3A_448, %add3A_533 : i32
          %dma_start3A_535 = arith.constant 2 : i32
          %dma_start3A_536 = arith.constant 2 : i32
          %dma_start3A_537 = arith.constant 0 : i32
          %dma_start3A_538 = tpu.memref_slice %arg6[%dma_start3A_535, %add3A_534, %dma_start3A_537] : memref<4x128x64xf32, #tpu.memory_space<vmem>> -> memref<1x1x64xf32, #tpu.memory_space<vmem>>
          %dma_start3A_539 = tpu.memref_squeeze %dma_start3A_538 : memref<1x1x64xf32, #tpu.memory_space<vmem>> -> memref<64xf32, #tpu.memory_space<vmem>>
          %dma_start3A_540 = arith.constant 0 : i32
          %dma_start3A_541 = tpu.memref_slice %arg2[%squeeze3A_532, %dma_start3A_540] : memref<1000000x64xf32, #tpu.memory_space<hbm>> -> memref<1x64xf32, #tpu.memory_space<hbm>>
          %dma_start3A_542 = tpu.memref_squeeze %dma_start3A_541 : memref<1x64xf32, #tpu.memory_space<hbm>> -> memref<64xf32, #tpu.memory_space<hbm>>
          %dma_start3A_543 = tpu.memref_slice %arg7[%dma_start3A_536] : memref<4x!tpu.dma_semaphore, #tpu.memory_space<semaphore_mem>> -> memref<1x!tpu.dma_semaphore, #tpu.memory_space<semaphore_mem>>
          %dma_start3A_544 = tpu.memref_squeeze %dma_start3A_543 : memref<1x!tpu.dma_semaphore, #tpu.memory_space<semaphore_mem>> -> memref<!tpu.dma_semaphore, #tpu.memory_space<semaphore_mem>>
          %dma_start3A_545 = arith.constant 0 : i32
          %dma_start3A_546 = tpu.memref_slice %arg6[%dma_start3A_535, %add3A_534, %dma_start3A_545] : memref<4x128x64xf32, #tpu.memory_space<vmem>> -> memref<1x1x64xf32, #tpu.memory_space<vmem>>
          %dma_start3A_547 = tpu.memref_squeeze %dma_start3A_546 : memref<1x1x64xf32, #tpu.memory_space<vmem>> -> memref<64xf32, #tpu.memory_space<vmem>>
          %dma_start3A_548 = arith.constant 0 : i32
          %dma_start3A_549 = tpu.memref_slice %arg2[%squeeze3A_532, %dma_start3A_548] : memref<1000000x64xf32, #tpu.memory_space<hbm>> -> memref<1x64xf32, #tpu.memory_space<hbm>>
          %dma_start3A_550 = tpu.memref_squeeze %dma_start3A_549 : memref<1x64xf32, #tpu.memory_space<hbm>> -> memref<64xf32, #tpu.memory_space<hbm>>
          tpu.enqueue_dma source(%dma_start3A_550 : memref<64xf32, #tpu.memory_space<hbm>>) target(%dma_start3A_547 : memref<64xf32, #tpu.memory_space<vmem>>) target_semaphore(%dma_start3A_544 : memref<!tpu.dma_semaphore, #tpu.memory_space<semaphore_mem>>)
          %slice3A_551 = vector.extract_strided_slice %get3A_452 {offsets = [5], sizes = [1], strides = [1]} : vector<16xi32> to vector<1xi32>
          %squeeze3A_552 = vector.extract %slice3A_551[0] : i32 from vector<1xi32>
          %add3A_553 = arith.constant 5 : i32
          %add3A_554 = arith.addi %add3A_448, %add3A_553 : i32
          %dma_start3A_555 = arith.constant 2 : i32
          %dma_start3A_556 = arith.constant 2 : i32
          %dma_start3A_557 = arith.constant 0 : i32
          %dma_start3A_558 = tpu.memref_slice %arg6[%dma_start3A_555, %add3A_554, %dma_start3A_557] : memref<4x128x64xf32, #tpu.memory_space<vmem>> -> memref<1x1x64xf32, #tpu.memory_space<vmem>>
          %dma_start3A_559 = tpu.memref_squeeze %dma_start3A_558 : memref<1x1x64xf32, #tpu.memory_space<vmem>> -> memref<64xf32, #tpu.memory_space<vmem>>
          %dma_start3A_560 = arith.constant 0 : i32
          %dma_start3A_561 = tpu.memref_slice %arg2[%squeeze3A_552, %dma_start3A_560] : memref<1000000x64xf32, #tpu.memory_space<hbm>> -> memref<1x64xf32, #tpu.memory_space<hbm>>
          %dma_start3A_562 = tpu.memref_squeeze %dma_start3A_561 : memref<1x64xf32, #tpu.memory_space<hbm>> -> memref<64xf32, #tpu.memory_space<hbm>>
          %dma_start3A_563 = tpu.memref_slice %arg7[%dma_start3A_556] : memref<4x!tpu.dma_semaphore, #tpu.memory_space<semaphore_mem>> -> memref<1x!tpu.dma_semaphore, #tpu.memory_space<semaphore_mem>>
          %dma_start3A_564 = tpu.memref_squeeze %dma_start3A_563 : memref<1x!tpu.dma_semaphore, #tpu.memory_space<semaphore_mem>> -> memref<!tpu.dma_semaphore, #tpu.memory_space<semaphore_mem>>
          %dma_start3A_565 = arith.constant 0 : i32
          %dma_start3A_566 = tpu.memref_slice %arg6[%dma_start3A_555, %add3A_554, %dma_start3A_565] : memref<4x128x64xf32, #tpu.memory_space<vmem>> -> memref<1x1x64xf32, #tpu.memory_space<vmem>>
          %dma_start3A_567 = tpu.memref_squeeze %dma_start3A_566 : memref<1x1x64xf32, #tpu.memory_space<vmem>> -> memref<64xf32, #tpu.memory_space<vmem>>
          %dma_start3A_568 = arith.constant 0 : i32
          %dma_start3A_569 = tpu.memref_slice %arg2[%squeeze3A_552, %dma_start3A_568] : memref<1000000x64xf32, #tpu.memory_space<hbm>> -> memref<1x64xf32, #tpu.memory_space<hbm>>
          %dma_start3A_570 = tpu.memref_squeeze %dma_start3A_569 : memref<1x64xf32, #tpu.memory_space<hbm>> -> memref<64xf32, #tpu.memory_space<hbm>>
          tpu.enqueue_dma source(%dma_start3A_570 : memref<64xf32, #tpu.memory_space<hbm>>) target(%dma_start3A_567 : memref<64xf32, #tpu.memory_space<vmem>>) target_semaphore(%dma_start3A_564 : memref<!tpu.dma_semaphore, #tpu.memory_space<semaphore_mem>>)
          %slice3A_571 = vector.extract_strided_slice %get3A_452 {offsets = [6], sizes = [1], strides = [1]} : vector<16xi32> to vector<1xi32>
          %squeeze3A_572 = vector.extract %slice3A_571[0] : i32 from vector<1xi32>
          %add3A_573 = arith.constant 6 : i32
          %add3A_574 = arith.addi %add3A_448, %add3A_573 : i32
          %dma_start3A_575 = arith.constant 2 : i32
          %dma_start3A_576 = arith.constant 2 : i32
          %dma_start3A_577 = arith.constant 0 : i32
          %dma_start3A_578 = tpu.memref_slice %arg6[%dma_start3A_575, %add3A_574, %dma_start3A_577] : memref<4x128x64xf32, #tpu.memory_space<vmem>> -> memref<1x1x64xf32, #tpu.memory_space<vmem>>
          %dma_start3A_579 = tpu.memref_squeeze %dma_start3A_578 : memref<1x1x64xf32, #tpu.memory_space<vmem>> -> memref<64xf32, #tpu.memory_space<vmem>>
          %dma_start3A_580 = arith.constant 0 : i32
          %dma_start3A_581 = tpu.memref_slice %arg2[%squeeze3A_572, %dma_start3A_580] : memref<1000000x64xf32, #tpu.memory_space<hbm>> -> memref<1x64xf32, #tpu.memory_space<hbm>>
          %dma_start3A_582 = tpu.memref_squeeze %dma_start3A_581 : memref<1x64xf32, #tpu.memory_space<hbm>> -> memref<64xf32, #tpu.memory_space<hbm>>
          %dma_start3A_583 = tpu.memref_slice %arg7[%dma_start3A_576] : memref<4x!tpu.dma_semaphore, #tpu.memory_space<semaphore_mem>> -> memref<1x!tpu.dma_semaphore, #tpu.memory_space<semaphore_mem>>
          %dma_start3A_584 = tpu.memref_squeeze %dma_start3A_583 : memref<1x!tpu.dma_semaphore, #tpu.memory_space<semaphore_mem>> -> memref<!tpu.dma_semaphore, #tpu.memory_space<semaphore_mem>>
          %dma_start3A_585 = arith.constant 0 : i32
          %dma_start3A_586 = tpu.memref_slice %arg6[%dma_start3A_575, %add3A_574, %dma_start3A_585] : memref<4x128x64xf32, #tpu.memory_space<vmem>> -> memref<1x1x64xf32, #tpu.memory_space<vmem>>
          %dma_start3A_587 = tpu.memref_squeeze %dma_start3A_586 : memref<1x1x64xf32, #tpu.memory_space<vmem>> -> memref<64xf32, #tpu.memory_space<vmem>>
          %dma_start3A_588 = arith.constant 0 : i32
          %dma_start3A_589 = tpu.memref_slice %arg2[%squeeze3A_572, %dma_start3A_588] : memref<1000000x64xf32, #tpu.memory_space<hbm>> -> memref<1x64xf32, #tpu.memory_space<hbm>>
          %dma_start3A_590 = tpu.memref_squeeze %dma_start3A_589 : memref<1x64xf32, #tpu.memory_space<hbm>> -> memref<64xf32, #tpu.memory_space<hbm>>
          tpu.enqueue_dma source(%dma_start3A_590 : memref<64xf32, #tpu.memory_space<hbm>>) target(%dma_start3A_587 : memref<64xf32, #tpu.memory_space<vmem>>) target_semaphore(%dma_start3A_584 : memref<!tpu.dma_semaphore, #tpu.memory_space<semaphore_mem>>)
          %slice3A_591 = vector.extract_strided_slice %get3A_452 {offsets = [7], sizes = [1], strides = [1]} : vector<16xi32> to vector<1xi32>
          %squeeze3A_592 = vector.extract %slice3A_591[0] : i32 from vector<1xi32>
          %add3A_593 = arith.constant 7 : i32
          %add3A_594 = arith.addi %add3A_448, %add3A_593 : i32
          %dma_start3A_595 = arith.constant 2 : i32
          %dma_start3A_596 = arith.constant 2 : i32
          %dma_start3A_597 = arith.constant 0 : i32
          %dma_start3A_598 = tpu.memref_slice %arg6[%dma_start3A_595, %add3A_594, %dma_start3A_597] : memref<4x128x64xf32, #tpu.memory_space<vmem>> -> memref<1x1x64xf32, #tpu.memory_space<vmem>>
          %dma_start3A_599 = tpu.memref_squeeze %dma_start3A_598 : memref<1x1x64xf32, #tpu.memory_space<vmem>> -> memref<64xf32, #tpu.memory_space<vmem>>
          %dma_start3A_600 = arith.constant 0 : i32
          %dma_start3A_601 = tpu.memref_slice %arg2[%squeeze3A_592, %dma_start3A_600] : memref<1000000x64xf32, #tpu.memory_space<hbm>> -> memref<1x64xf32, #tpu.memory_space<hbm>>
          %dma_start3A_602 = tpu.memref_squeeze %dma_start3A_601 : memref<1x64xf32, #tpu.memory_space<hbm>> -> memref<64xf32, #tpu.memory_space<hbm>>
          %dma_start3A_603 = tpu.memref_slice %arg7[%dma_start3A_596] : memref<4x!tpu.dma_semaphore, #tpu.memory_space<semaphore_mem>> -> memref<1x!tpu.dma_semaphore, #tpu.memory_space<semaphore_mem>>
          %dma_start3A_604 = tpu.memref_squeeze %dma_start3A_603 : memref<1x!tpu.dma_semaphore, #tpu.memory_space<semaphore_mem>> -> memref<!tpu.dma_semaphore, #tpu.memory_space<semaphore_mem>>
          %dma_start3A_605 = arith.constant 0 : i32
          %dma_start3A_606 = tpu.memref_slice %arg6[%dma_start3A_595, %add3A_594, %dma_start3A_605] : memref<4x128x64xf32, #tpu.memory_space<vmem>> -> memref<1x1x64xf32, #tpu.memory_space<vmem>>
          %dma_start3A_607 = tpu.memref_squeeze %dma_start3A_606 : memref<1x1x64xf32, #tpu.memory_space<vmem>> -> memref<64xf32, #tpu.memory_space<vmem>>
          %dma_start3A_608 = arith.constant 0 : i32
          %dma_start3A_609 = tpu.memref_slice %arg2[%squeeze3A_592, %dma_start3A_608] : memref<1000000x64xf32, #tpu.memory_space<hbm>> -> memref<1x64xf32, #tpu.memory_space<hbm>>
          %dma_start3A_610 = tpu.memref_squeeze %dma_start3A_609 : memref<1x64xf32, #tpu.memory_space<hbm>> -> memref<64xf32, #tpu.memory_space<hbm>>
          tpu.enqueue_dma source(%dma_start3A_610 : memref<64xf32, #tpu.memory_space<hbm>>) target(%dma_start3A_607 : memref<64xf32, #tpu.memory_space<vmem>>) target_semaphore(%dma_start3A_604 : memref<!tpu.dma_semaphore, #tpu.memory_space<semaphore_mem>>)
          %slice3A_611 = vector.extract_strided_slice %get3A_452 {offsets = [8], sizes = [1], strides = [1]} : vector<16xi32> to vector<1xi32>
          %squeeze3A_612 = vector.extract %slice3A_611[0] : i32 from vector<1xi32>
          %add3A_613 = arith.constant 8 : i32
          %add3A_614 = arith.addi %add3A_448, %add3A_613 : i32
          %dma_start3A_615 = arith.constant 2 : i32
          %dma_start3A_616 = arith.constant 2 : i32
          %dma_start3A_617 = arith.constant 0 : i32
          %dma_start3A_618 = tpu.memref_slice %arg6[%dma_start3A_615, %add3A_614, %dma_start3A_617] : memref<4x128x64xf32, #tpu.memory_space<vmem>> -> memref<1x1x64xf32, #tpu.memory_space<vmem>>
          %dma_start3A_619 = tpu.memref_squeeze %dma_start3A_618 : memref<1x1x64xf32, #tpu.memory_space<vmem>> -> memref<64xf32, #tpu.memory_space<vmem>>
          %dma_start3A_620 = arith.constant 0 : i32
          %dma_start3A_621 = tpu.memref_slice %arg2[%squeeze3A_612, %dma_start3A_620] : memref<1000000x64xf32, #tpu.memory_space<hbm>> -> memref<1x64xf32, #tpu.memory_space<hbm>>
          %dma_start3A_622 = tpu.memref_squeeze %dma_start3A_621 : memref<1x64xf32, #tpu.memory_space<hbm>> -> memref<64xf32, #tpu.memory_space<hbm>>
          %dma_start3A_623 = tpu.memref_slice %arg7[%dma_start3A_616] : memref<4x!tpu.dma_semaphore, #tpu.memory_space<semaphore_mem>> -> memref<1x!tpu.dma_semaphore, #tpu.memory_space<semaphore_mem>>
          %dma_start3A_624 = tpu.memref_squeeze %dma_start3A_623 : memref<1x!tpu.dma_semaphore, #tpu.memory_space<semaphore_mem>> -> memref<!tpu.dma_semaphore, #tpu.memory_space<semaphore_mem>>
          %dma_start3A_625 = arith.constant 0 : i32
          %dma_start3A_626 = tpu.memref_slice %arg6[%dma_start3A_615, %add3A_614, %dma_start3A_625] : memref<4x128x64xf32, #tpu.memory_space<vmem>> -> memref<1x1x64xf32, #tpu.memory_space<vmem>>
          %dma_start3A_627 = tpu.memref_squeeze %dma_start3A_626 : memref<1x1x64xf32, #tpu.memory_space<vmem>> -> memref<64xf32, #tpu.memory_space<vmem>>
          %dma_start3A_628 = arith.constant 0 : i32
          %dma_start3A_629 = tpu.memref_slice %arg2[%squeeze3A_612, %dma_start3A_628] : memref<1000000x64xf32, #tpu.memory_space<hbm>> -> memref<1x64xf32, #tpu.memory_space<hbm>>
          %dma_start3A_630 = tpu.memref_squeeze %dma_start3A_629 : memref<1x64xf32, #tpu.memory_space<hbm>> -> memref<64xf32, #tpu.memory_space<hbm>>
          tpu.enqueue_dma source(%dma_start3A_630 : memref<64xf32, #tpu.memory_space<hbm>>) target(%dma_start3A_627 : memref<64xf32, #tpu.memory_space<vmem>>) target_semaphore(%dma_start3A_624 : memref<!tpu.dma_semaphore, #tpu.memory_space<semaphore_mem>>)
          %slice3A_631 = vector.extract_strided_slice %get3A_452 {offsets = [9], sizes = [1], strides = [1]} : vector<16xi32> to vector<1xi32>
          %squeeze3A_632 = vector.extract %slice3A_631[0] : i32 from vector<1xi32>
          %add3A_633 = arith.constant 9 : i32
          %add3A_634 = arith.addi %add3A_448, %add3A_633 : i32
          %dma_start3A_635 = arith.constant 2 : i32
          %dma_start3A_636 = arith.constant 2 : i32
          %dma_start3A_637 = arith.constant 0 : i32
          %dma_start3A_638 = tpu.memref_slice %arg6[%dma_start3A_635, %add3A_634, %dma_start3A_637] : memref<4x128x64xf32, #tpu.memory_space<vmem>> -> memref<1x1x64xf32, #tpu.memory_space<vmem>>
          %dma_start3A_639 = tpu.memref_squeeze %dma_start3A_638 : memref<1x1x64xf32, #tpu.memory_space<vmem>> -> memref<64xf32, #tpu.memory_space<vmem>>
          %dma_start3A_640 = arith.constant 0 : i32
          %dma_start3A_641 = tpu.memref_slice %arg2[%squeeze3A_632, %dma_start3A_640] : memref<1000000x64xf32, #tpu.memory_space<hbm>> -> memref<1x64xf32, #tpu.memory_space<hbm>>
          %dma_start3A_642 = tpu.memref_squeeze %dma_start3A_641 : memref<1x64xf32, #tpu.memory_space<hbm>> -> memref<64xf32, #tpu.memory_space<hbm>>
          %dma_start3A_643 = tpu.memref_slice %arg7[%dma_start3A_636] : memref<4x!tpu.dma_semaphore, #tpu.memory_space<semaphore_mem>> -> memref<1x!tpu.dma_semaphore, #tpu.memory_space<semaphore_mem>>
          %dma_start3A_644 = tpu.memref_squeeze %dma_start3A_643 : memref<1x!tpu.dma_semaphore, #tpu.memory_space<semaphore_mem>> -> memref<!tpu.dma_semaphore, #tpu.memory_space<semaphore_mem>>
          %dma_start3A_645 = arith.constant 0 : i32
          %dma_start3A_646 = tpu.memref_slice %arg6[%dma_start3A_635, %add3A_634, %dma_start3A_645] : memref<4x128x64xf32, #tpu.memory_space<vmem>> -> memref<1x1x64xf32, #tpu.memory_space<vmem>>
          %dma_start3A_647 = tpu.memref_squeeze %dma_start3A_646 : memref<1x1x64xf32, #tpu.memory_space<vmem>> -> memref<64xf32, #tpu.memory_space<vmem>>
          %dma_start3A_648 = arith.constant 0 : i32
          %dma_start3A_649 = tpu.memref_slice %arg2[%squeeze3A_632, %dma_start3A_648] : memref<1000000x64xf32, #tpu.memory_space<hbm>> -> memref<1x64xf32, #tpu.memory_space<hbm>>
          %dma_start3A_650 = tpu.memref_squeeze %dma_start3A_649 : memref<1x64xf32, #tpu.memory_space<hbm>> -> memref<64xf32, #tpu.memory_space<hbm>>
          tpu.enqueue_dma source(%dma_start3A_650 : memref<64xf32, #tpu.memory_space<hbm>>) target(%dma_start3A_647 : memref<64xf32, #tpu.memory_space<vmem>>) target_semaphore(%dma_start3A_644 : memref<!tpu.dma_semaphore, #tpu.memory_space<semaphore_mem>>)
          %slice3A_651 = vector.extract_strided_slice %get3A_452 {offsets = [10], sizes = [1], strides = [1]} : vector<16xi32> to vector<1xi32>
          %squeeze3A_652 = vector.extract %slice3A_651[0] : i32 from vector<1xi32>
          %add3A_653 = arith.constant 10 : i32
          %add3A_654 = arith.addi %add3A_448, %add3A_653 : i32
          %dma_start3A_655 = arith.constant 2 : i32
          %dma_start3A_656 = arith.constant 2 : i32
          %dma_start3A_657 = arith.constant 0 : i32
          %dma_start3A_658 = tpu.memref_slice %arg6[%dma_start3A_655, %add3A_654, %dma_start3A_657] : memref<4x128x64xf32, #tpu.memory_space<vmem>> -> memref<1x1x64xf32, #tpu.memory_space<vmem>>
          %dma_start3A_659 = tpu.memref_squeeze %dma_start3A_658 : memref<1x1x64xf32, #tpu.memory_space<vmem>> -> memref<64xf32, #tpu.memory_space<vmem>>
          %dma_start3A_660 = arith.constant 0 : i32
          %dma_start3A_661 = tpu.memref_slice %arg2[%squeeze3A_652, %dma_start3A_660] : memref<1000000x64xf32, #tpu.memory_space<hbm>> -> memref<1x64xf32, #tpu.memory_space<hbm>>
          %dma_start3A_662 = tpu.memref_squeeze %dma_start3A_661 : memref<1x64xf32, #tpu.memory_space<hbm>> -> memref<64xf32, #tpu.memory_space<hbm>>
          %dma_start3A_663 = tpu.memref_slice %arg7[%dma_start3A_656] : memref<4x!tpu.dma_semaphore, #tpu.memory_space<semaphore_mem>> -> memref<1x!tpu.dma_semaphore, #tpu.memory_space<semaphore_mem>>
          %dma_start3A_664 = tpu.memref_squeeze %dma_start3A_663 : memref<1x!tpu.dma_semaphore, #tpu.memory_space<semaphore_mem>> -> memref<!tpu.dma_semaphore, #tpu.memory_space<semaphore_mem>>
          %dma_start3A_665 = arith.constant 0 : i32
          %dma_start3A_666 = tpu.memref_slice %arg6[%dma_start3A_655, %add3A_654, %dma_start3A_665] : memref<4x128x64xf32, #tpu.memory_space<vmem>> -> memref<1x1x64xf32, #tpu.memory_space<vmem>>
          %dma_start3A_667 = tpu.memref_squeeze %dma_start3A_666 : memref<1x1x64xf32, #tpu.memory_space<vmem>> -> memref<64xf32, #tpu.memory_space<vmem>>
          %dma_start3A_668 = arith.constant 0 : i32
          %dma_start3A_669 = tpu.memref_slice %arg2[%squeeze3A_652, %dma_start3A_668] : memref<1000000x64xf32, #tpu.memory_space<hbm>> -> memref<1x64xf32, #tpu.memory_space<hbm>>
          %dma_start3A_670 = tpu.memref_squeeze %dma_start3A_669 : memref<1x64xf32, #tpu.memory_space<hbm>> -> memref<64xf32, #tpu.memory_space<hbm>>
          tpu.enqueue_dma source(%dma_start3A_670 : memref<64xf32, #tpu.memory_space<hbm>>) target(%dma_start3A_667 : memref<64xf32, #tpu.memory_space<vmem>>) target_semaphore(%dma_start3A_664 : memref<!tpu.dma_semaphore, #tpu.memory_space<semaphore_mem>>)
          %slice3A_671 = vector.extract_strided_slice %get3A_452 {offsets = [11], sizes = [1], strides = [1]} : vector<16xi32> to vector<1xi32>
          %squeeze3A_672 = vector.extract %slice3A_671[0] : i32 from vector<1xi32>
          %add3A_673 = arith.constant 11 : i32
          %add3A_674 = arith.addi %add3A_448, %add3A_673 : i32
          %dma_start3A_675 = arith.constant 2 : i32
          %dma_start3A_676 = arith.constant 2 : i32
          %dma_start3A_677 = arith.constant 0 : i32
          %dma_start3A_678 = tpu.memref_slice %arg6[%dma_start3A_675, %add3A_674, %dma_start3A_677] : memref<4x128x64xf32, #tpu.memory_space<vmem>> -> memref<1x1x64xf32, #tpu.memory_space<vmem>>
          %dma_start3A_679 = tpu.memref_squeeze %dma_start3A_678 : memref<1x1x64xf32, #tpu.memory_space<vmem>> -> memref<64xf32, #tpu.memory_space<vmem>>
          %dma_start3A_680 = arith.constant 0 : i32
          %dma_start3A_681 = tpu.memref_slice %arg2[%squeeze3A_672, %dma_start3A_680] : memref<1000000x64xf32, #tpu.memory_space<hbm>> -> memref<1x64xf32, #tpu.memory_space<hbm>>
          %dma_start3A_682 = tpu.memref_squeeze %dma_start3A_681 : memref<1x64xf32, #tpu.memory_space<hbm>> -> memref<64xf32, #tpu.memory_space<hbm>>
          %dma_start3A_683 = tpu.memref_slice %arg7[%dma_start3A_676] : memref<4x!tpu.dma_semaphore, #tpu.memory_space<semaphore_mem>> -> memref<1x!tpu.dma_semaphore, #tpu.memory_space<semaphore_mem>>
          %dma_start3A_684 = tpu.memref_squeeze %dma_start3A_683 : memref<1x!tpu.dma_semaphore, #tpu.memory_space<semaphore_mem>> -> memref<!tpu.dma_semaphore, #tpu.memory_space<semaphore_mem>>
          %dma_start3A_685 = arith.constant 0 : i32
          %dma_start3A_686 = tpu.memref_slice %arg6[%dma_start3A_675, %add3A_674, %dma_start3A_685] : memref<4x128x64xf32, #tpu.memory_space<vmem>> -> memref<1x1x64xf32, #tpu.memory_space<vmem>>
          %dma_start3A_687 = tpu.memref_squeeze %dma_start3A_686 : memref<1x1x64xf32, #tpu.memory_space<vmem>> -> memref<64xf32, #tpu.memory_space<vmem>>
          %dma_start3A_688 = arith.constant 0 : i32
          %dma_start3A_689 = tpu.memref_slice %arg2[%squeeze3A_672, %dma_start3A_688] : memref<1000000x64xf32, #tpu.memory_space<hbm>> -> memref<1x64xf32, #tpu.memory_space<hbm>>
          %dma_start3A_690 = tpu.memref_squeeze %dma_start3A_689 : memref<1x64xf32, #tpu.memory_space<hbm>> -> memref<64xf32, #tpu.memory_space<hbm>>
          tpu.enqueue_dma source(%dma_start3A_690 : memref<64xf32, #tpu.memory_space<hbm>>) target(%dma_start3A_687 : memref<64xf32, #tpu.memory_space<vmem>>) target_semaphore(%dma_start3A_684 : memref<!tpu.dma_semaphore, #tpu.memory_space<semaphore_mem>>)
          %slice3A_691 = vector.extract_strided_slice %get3A_452 {offsets = [12], sizes = [1], strides = [1]} : vector<16xi32> to vector<1xi32>
          %squeeze3A_692 = vector.extract %slice3A_691[0] : i32 from vector<1xi32>
          %add3A_693 = arith.constant 12 : i32
          %add3A_694 = arith.addi %add3A_448, %add3A_693 : i32
          %dma_start3A_695 = arith.constant 2 : i32
          %dma_start3A_696 = arith.constant 2 : i32
          %dma_start3A_697 = arith.constant 0 : i32
          %dma_start3A_698 = tpu.memref_slice %arg6[%dma_start3A_695, %add3A_694, %dma_start3A_697] : memref<4x128x64xf32, #tpu.memory_space<vmem>> -> memref<1x1x64xf32, #tpu.memory_space<vmem>>
          %dma_start3A_699 = tpu.memref_squeeze %dma_start3A_698 : memref<1x1x64xf32, #tpu.memory_space<vmem>> -> memref<64xf32, #tpu.memory_space<vmem>>
          %dma_start3A_700 = arith.constant 0 : i32
          %dma_start3A_701 = tpu.memref_slice %arg2[%squeeze3A_692, %dma_start3A_700] : memref<1000000x64xf32, #tpu.memory_space<hbm>> -> memref<1x64xf32, #tpu.memory_space<hbm>>
          %dma_start3A_702 = tpu.memref_squeeze %dma_start3A_701 : memref<1x64xf32, #tpu.memory_space<hbm>> -> memref<64xf32, #tpu.memory_space<hbm>>
          %dma_start3A_703 = tpu.memref_slice %arg7[%dma_start3A_696] : memref<4x!tpu.dma_semaphore, #tpu.memory_space<semaphore_mem>> -> memref<1x!tpu.dma_semaphore, #tpu.memory_space<semaphore_mem>>
          %dma_start3A_704 = tpu.memref_squeeze %dma_start3A_703 : memref<1x!tpu.dma_semaphore, #tpu.memory_space<semaphore_mem>> -> memref<!tpu.dma_semaphore, #tpu.memory_space<semaphore_mem>>
          %dma_start3A_705 = arith.constant 0 : i32
          %dma_start3A_706 = tpu.memref_slice %arg6[%dma_start3A_695, %add3A_694, %dma_start3A_705] : memref<4x128x64xf32, #tpu.memory_space<vmem>> -> memref<1x1x64xf32, #tpu.memory_space<vmem>>
          %dma_start3A_707 = tpu.memref_squeeze %dma_start3A_706 : memref<1x1x64xf32, #tpu.memory_space<vmem>> -> memref<64xf32, #tpu.memory_space<vmem>>
          %dma_start3A_708 = arith.constant 0 : i32
          %dma_start3A_709 = tpu.memref_slice %arg2[%squeeze3A_692, %dma_start3A_708] : memref<1000000x64xf32, #tpu.memory_space<hbm>> -> memref<1x64xf32, #tpu.memory_space<hbm>>
          %dma_start3A_710 = tpu.memref_squeeze %dma_start3A_709 : memref<1x64xf32, #tpu.memory_space<hbm>> -> memref<64xf32, #tpu.memory_space<hbm>>
          tpu.enqueue_dma source(%dma_start3A_710 : memref<64xf32, #tpu.memory_space<hbm>>) target(%dma_start3A_707 : memref<64xf32, #tpu.memory_space<vmem>>) target_semaphore(%dma_start3A_704 : memref<!tpu.dma_semaphore, #tpu.memory_space<semaphore_mem>>)
          %slice3A_711 = vector.extract_strided_slice %get3A_452 {offsets = [13], sizes = [1], strides = [1]} : vector<16xi32> to vector<1xi32>
          %squeeze3A_712 = vector.extract %slice3A_711[0] : i32 from vector<1xi32>
          %add3A_713 = arith.constant 13 : i32
          %add3A_714 = arith.addi %add3A_448, %add3A_713 : i32
          %dma_start3A_715 = arith.constant 2 : i32
          %dma_start3A_716 = arith.constant 2 : i32
          %dma_start3A_717 = arith.constant 0 : i32
          %dma_start3A_718 = tpu.memref_slice %arg6[%dma_start3A_715, %add3A_714, %dma_start3A_717] : memref<4x128x64xf32, #tpu.memory_space<vmem>> -> memref<1x1x64xf32, #tpu.memory_space<vmem>>
          %dma_start3A_719 = tpu.memref_squeeze %dma_start3A_718 : memref<1x1x64xf32, #tpu.memory_space<vmem>> -> memref<64xf32, #tpu.memory_space<vmem>>
          %dma_start3A_720 = arith.constant 0 : i32
          %dma_start3A_721 = tpu.memref_slice %arg2[%squeeze3A_712, %dma_start3A_720] : memref<1000000x64xf32, #tpu.memory_space<hbm>> -> memref<1x64xf32, #tpu.memory_space<hbm>>
          %dma_start3A_722 = tpu.memref_squeeze %dma_start3A_721 : memref<1x64xf32, #tpu.memory_space<hbm>> -> memref<64xf32, #tpu.memory_space<hbm>>
          %dma_start3A_723 = tpu.memref_slice %arg7[%dma_start3A_716] : memref<4x!tpu.dma_semaphore, #tpu.memory_space<semaphore_mem>> -> memref<1x!tpu.dma_semaphore, #tpu.memory_space<semaphore_mem>>
          %dma_start3A_724 = tpu.memref_squeeze %dma_start3A_723 : memref<1x!tpu.dma_semaphore, #tpu.memory_space<semaphore_mem>> -> memref<!tpu.dma_semaphore, #tpu.memory_space<semaphore_mem>>
          %dma_start3A_725 = arith.constant 0 : i32
          %dma_start3A_726 = tpu.memref_slice %arg6[%dma_start3A_715, %add3A_714, %dma_start3A_725] : memref<4x128x64xf32, #tpu.memory_space<vmem>> -> memref<1x1x64xf32, #tpu.memory_space<vmem>>
          %dma_start3A_727 = tpu.memref_squeeze %dma_start3A_726 : memref<1x1x64xf32, #tpu.memory_space<vmem>> -> memref<64xf32, #tpu.memory_space<vmem>>
          %dma_start3A_728 = arith.constant 0 : i32
          %dma_start3A_729 = tpu.memref_slice %arg2[%squeeze3A_712, %dma_start3A_728] : memref<1000000x64xf32, #tpu.memory_space<hbm>> -> memref<1x64xf32, #tpu.memory_space<hbm>>
          %dma_start3A_730 = tpu.memref_squeeze %dma_start3A_729 : memref<1x64xf32, #tpu.memory_space<hbm>> -> memref<64xf32, #tpu.memory_space<hbm>>
          tpu.enqueue_dma source(%dma_start3A_730 : memref<64xf32, #tpu.memory_space<hbm>>) target(%dma_start3A_727 : memref<64xf32, #tpu.memory_space<vmem>>) target_semaphore(%dma_start3A_724 : memref<!tpu.dma_semaphore, #tpu.memory_space<semaphore_mem>>)
          %slice3A_731 = vector.extract_strided_slice %get3A_452 {offsets = [14], sizes = [1], strides = [1]} : vector<16xi32> to vector<1xi32>
          %squeeze3A_732 = vector.extract %slice3A_731[0] : i32 from vector<1xi32>
          %add3A_733 = arith.constant 14 : i32
          %add3A_734 = arith.addi %add3A_448, %add3A_733 : i32
          %dma_start3A_735 = arith.constant 2 : i32
          %dma_start3A_736 = arith.constant 2 : i32
          %dma_start3A_737 = arith.constant 0 : i32
          %dma_start3A_738 = tpu.memref_slice %arg6[%dma_start3A_735, %add3A_734, %dma_start3A_737] : memref<4x128x64xf32, #tpu.memory_space<vmem>> -> memref<1x1x64xf32, #tpu.memory_space<vmem>>
          %dma_start3A_739 = tpu.memref_squeeze %dma_start3A_738 : memref<1x1x64xf32, #tpu.memory_space<vmem>> -> memref<64xf32, #tpu.memory_space<vmem>>
          %dma_start3A_740 = arith.constant 0 : i32
          %dma_start3A_741 = tpu.memref_slice %arg2[%squeeze3A_732, %dma_start3A_740] : memref<1000000x64xf32, #tpu.memory_space<hbm>> -> memref<1x64xf32, #tpu.memory_space<hbm>>
          %dma_start3A_742 = tpu.memref_squeeze %dma_start3A_741 : memref<1x64xf32, #tpu.memory_space<hbm>> -> memref<64xf32, #tpu.memory_space<hbm>>
          %dma_start3A_743 = tpu.memref_slice %arg7[%dma_start3A_736] : memref<4x!tpu.dma_semaphore, #tpu.memory_space<semaphore_mem>> -> memref<1x!tpu.dma_semaphore, #tpu.memory_space<semaphore_mem>>
          %dma_start3A_744 = tpu.memref_squeeze %dma_start3A_743 : memref<1x!tpu.dma_semaphore, #tpu.memory_space<semaphore_mem>> -> memref<!tpu.dma_semaphore, #tpu.memory_space<semaphore_mem>>
          %dma_start3A_745 = arith.constant 0 : i32
          %dma_start3A_746 = tpu.memref_slice %arg6[%dma_start3A_735, %add3A_734, %dma_start3A_745] : memref<4x128x64xf32, #tpu.memory_space<vmem>> -> memref<1x1x64xf32, #tpu.memory_space<vmem>>
          %dma_start3A_747 = tpu.memref_squeeze %dma_start3A_746 : memref<1x1x64xf32, #tpu.memory_space<vmem>> -> memref<64xf32, #tpu.memory_space<vmem>>
          %dma_start3A_748 = arith.constant 0 : i32
          %dma_start3A_749 = tpu.memref_slice %arg2[%squeeze3A_732, %dma_start3A_748] : memref<1000000x64xf32, #tpu.memory_space<hbm>> -> memref<1x64xf32, #tpu.memory_space<hbm>>
          %dma_start3A_750 = tpu.memref_squeeze %dma_start3A_749 : memref<1x64xf32, #tpu.memory_space<hbm>> -> memref<64xf32, #tpu.memory_space<hbm>>
          tpu.enqueue_dma source(%dma_start3A_750 : memref<64xf32, #tpu.memory_space<hbm>>) target(%dma_start3A_747 : memref<64xf32, #tpu.memory_space<vmem>>) target_semaphore(%dma_start3A_744 : memref<!tpu.dma_semaphore, #tpu.memory_space<semaphore_mem>>)
          %slice3A_751 = vector.extract_strided_slice %get3A_452 {offsets = [15], sizes = [1], strides = [1]} : vector<16xi32> to vector<1xi32>
          %squeeze3A_752 = vector.extract %slice3A_751[0] : i32 from vector<1xi32>
          %add3A_753 = arith.constant 15 : i32
          %add3A_754 = arith.addi %add3A_448, %add3A_753 : i32
          %dma_start3A_755 = arith.constant 2 : i32
          %dma_start3A_756 = arith.constant 2 : i32
          %dma_start3A_757 = arith.constant 0 : i32
          %dma_start3A_758 = tpu.memref_slice %arg6[%dma_start3A_755, %add3A_754, %dma_start3A_757] : memref<4x128x64xf32, #tpu.memory_space<vmem>> -> memref<1x1x64xf32, #tpu.memory_space<vmem>>
          %dma_start3A_759 = tpu.memref_squeeze %dma_start3A_758 : memref<1x1x64xf32, #tpu.memory_space<vmem>> -> memref<64xf32, #tpu.memory_space<vmem>>
          %dma_start3A_760 = arith.constant 0 : i32
          %dma_start3A_761 = tpu.memref_slice %arg2[%squeeze3A_752, %dma_start3A_760] : memref<1000000x64xf32, #tpu.memory_space<hbm>> -> memref<1x64xf32, #tpu.memory_space<hbm>>
          %dma_start3A_762 = tpu.memref_squeeze %dma_start3A_761 : memref<1x64xf32, #tpu.memory_space<hbm>> -> memref<64xf32, #tpu.memory_space<hbm>>
          %dma_start3A_763 = tpu.memref_slice %arg7[%dma_start3A_756] : memref<4x!tpu.dma_semaphore, #tpu.memory_space<semaphore_mem>> -> memref<1x!tpu.dma_semaphore, #tpu.memory_space<semaphore_mem>>
          %dma_start3A_764 = tpu.memref_squeeze %dma_start3A_763 : memref<1x!tpu.dma_semaphore, #tpu.memory_space<semaphore_mem>> -> memref<!tpu.dma_semaphore, #tpu.memory_space<semaphore_mem>>
          %dma_start3A_765 = arith.constant 0 : i32
          %dma_start3A_766 = tpu.memref_slice %arg6[%dma_start3A_755, %add3A_754, %dma_start3A_765] : memref<4x128x64xf32, #tpu.memory_space<vmem>> -> memref<1x1x64xf32, #tpu.memory_space<vmem>>
          %dma_start3A_767 = tpu.memref_squeeze %dma_start3A_766 : memref<1x1x64xf32, #tpu.memory_space<vmem>> -> memref<64xf32, #tpu.memory_space<vmem>>
          %dma_start3A_768 = arith.constant 0 : i32
          %dma_start3A_769 = tpu.memref_slice %arg2[%squeeze3A_752, %dma_start3A_768] : memref<1000000x64xf32, #tpu.memory_space<hbm>> -> memref<1x64xf32, #tpu.memory_space<hbm>>
          %dma_start3A_770 = tpu.memref_squeeze %dma_start3A_769 : memref<1x64xf32, #tpu.memory_space<hbm>> -> memref<64xf32, #tpu.memory_space<hbm>>
          tpu.enqueue_dma source(%dma_start3A_770 : memref<64xf32, #tpu.memory_space<hbm>>) target(%dma_start3A_767 : memref<64xf32, #tpu.memory_space<vmem>>) target_semaphore(%dma_start3A_764 : memref<!tpu.dma_semaphore, #tpu.memory_space<semaphore_mem>>)
        }
        %scan3A_443 = arith.constant 8 : i32
      } else {
      }
      %add3A_274 = arith.constant 4 : i32
      %add3A_275 = arith.addi %add3A_201, %add3A_274 : i32
      %ge3A_276 = arith.constant 104 : i32
      %ge3A_277 = arith.cmpi sge, %add3A_275, %ge3A_276 : i32
      %convert_element_type3A_278 = arith.extui %ge3A_277 : i1 to i32
      %cond3A_279 = arith.constant 0 : i32
      %cond3A_280 = arith.cmpi ne, %convert_element_type3A_278, %cond3A_279 : i32
      scf.if %cond3A_280 {
        %jit3A_362 = arith.constant 4 : i32
        %div3A_363 = arith.divsi %add3A_201, %jit3A_362 : i32
        %sign3A_364 = arith.constant 0 : i32
        %sign3A_365 = arith.cmpi sgt, %add3A_201, %sign3A_364 : i32
        %sign3A_366 = arith.extui %sign3A_365 : i1 to i32
        %sign3A_367 = arith.constant 0 : i32
        %sign3A_368 = arith.cmpi slt, %add3A_201, %sign3A_367 : i32
        %sign3A_369 = arith.extui %sign3A_368 : i1 to i32
        %sign3A_370 = arith.subi %sign3A_366, %sign3A_369 : i32
        %sign3A_371 = arith.constant 0 : i32
        %sign3A_372 = arith.cmpi sgt, %jit3A_362, %sign3A_371 : i32
        %sign3A_373 = arith.extui %sign3A_372 : i1 to i32
        %sign3A_374 = arith.constant 0 : i32
        %sign3A_375 = arith.cmpi slt, %jit3A_362, %sign3A_374 : i32
        %sign3A_376 = arith.extui %sign3A_375 : i1 to i32
        %sign3A_377 = arith.subi %sign3A_373, %sign3A_376 : i32
        %ne3A_378 = arith.cmpi ne, %sign3A_370, %sign3A_377 : i32
        %rem3A_379 = arith.remsi %add3A_201, %jit3A_362 : i32
        %ne3A_380 = arith.constant 0 : i32
        %ne3A_381 = arith.cmpi ne, %rem3A_379, %ne3A_380 : i32
        %and3A_382 = arith.andi %ne3A_378, %ne3A_381 : i1
        %sub3A_383 = arith.constant 1 : i32
        %sub3A_384 = arith.subi %div3A_363, %sub3A_383 : i32
        %select_n3A_385 = arith.select %and3A_382, %sub3A_384, %div3A_363 : i32
        %rem3A_386 = arith.constant 4 : i32
        %rem3A_387 = arith.remsi %add3A_201, %rem3A_386 : i32
        %mul3A_388 = arith.constant 128 : i32
        %mul3A_389 = arith.muli %rem3A_387, %mul3A_388 : i32
        %add3A_390 = arith.addi %mul3A_2, %mul3A_389 : i32
        %dma_wait3A_391 = arith.constant 2 : i32
        %dma_wait3A_392 = arith.constant 2 : i32
        %dma_wait3A_393 = arith.constant 0 : i32
        %dma_wait3A_394 = arith.constant 0 : i32
        %dma_wait3A_395 = tpu.memref_slice %arg6[%dma_wait3A_391, %dma_wait3A_393, %dma_wait3A_394] : memref<4x128x64xf32, #tpu.memory_space<vmem>> -> memref<1x128x64xf32, #tpu.memory_space<vmem>>
        %dma_wait3A_396 = tpu.memref_squeeze %dma_wait3A_395 : memref<1x128x64xf32, #tpu.memory_space<vmem>> -> memref<128x64xf32, #tpu.memory_space<vmem>>
        %dma_wait3A_397 = arith.constant 0 : i32
        %dma_wait3A_398 = tpu.memref_slice %arg4[%add3A_390, %select_n3A_385, %dma_wait3A_397] : memref<16384x26x64xf32, #tpu.memory_space<hbm>> -> memref<128x1x64xf32, #tpu.memory_space<hbm>>
        %dma_wait3A_399 = tpu.memref_squeeze %dma_wait3A_398 : memref<128x1x64xf32, #tpu.memory_space<hbm>> -> memref<128x64xf32, #tpu.memory_space<hbm>>
        %dma_wait3A_400 = tpu.memref_slice %arg8[%dma_wait3A_392] : memref<4x!tpu.dma_semaphore, #tpu.memory_space<semaphore_mem>> -> memref<1x!tpu.dma_semaphore, #tpu.memory_space<semaphore_mem>>
        %dma_wait3A_401 = tpu.memref_squeeze %dma_wait3A_400 : memref<1x!tpu.dma_semaphore, #tpu.memory_space<semaphore_mem>> -> memref<!tpu.dma_semaphore, #tpu.memory_space<semaphore_mem>>
        %dma_wait3A_402 = arith.constant 0 : i32
        %dma_wait3A_403 = tpu.memref_slice %arg4[%add3A_390, %select_n3A_385, %dma_wait3A_402] : memref<16384x26x64xf32, #tpu.memory_space<hbm>> -> memref<128x1x64xf32, #tpu.memory_space<hbm>>
        %dma_wait3A_404 = tpu.memref_squeeze %dma_wait3A_403 : memref<128x1x64xf32, #tpu.memory_space<hbm>> -> memref<128x64xf32, #tpu.memory_space<hbm>>
        %dma_wait3A_405 = arith.constant 0 : i32
        %dma_wait3A_406 = arith.constant 0 : i32
        %dma_wait3A_407 = tpu.memref_slice %arg6[%dma_wait3A_391, %dma_wait3A_405, %dma_wait3A_406] : memref<4x128x64xf32, #tpu.memory_space<vmem>> -> memref<1x128x64xf32, #tpu.memory_space<vmem>>
        %dma_wait3A_408 = tpu.memref_squeeze %dma_wait3A_407 : memref<1x128x64xf32, #tpu.memory_space<vmem>> -> memref<128x64xf32, #tpu.memory_space<vmem>>
        tpu.wait_dma2 semaphore(%dma_wait3A_401 : memref<!tpu.dma_semaphore, #tpu.memory_space<semaphore_mem>>) src(%dma_wait3A_408 : memref<128x64xf32, #tpu.memory_space<vmem>>) dst(%dma_wait3A_404 : memref<128x64xf32, #tpu.memory_space<hbm>>)
      } else {
      }
      %add3A_281 = arith.constant 3 : i32
      %add3A_282 = arith.addi %add3A_50, %add3A_281 : i32
      %dma_wait3A_283 = arith.constant 3 : i32
      %dma_wait3A_284 = arith.constant 3 : i32
      %dma_wait3A_285 = arith.constant 0 : i32
      %dma_wait3A_286 = arith.constant 0 : i32
      %dma_wait3A_287 = tpu.memref_slice %arg6[%dma_wait3A_283, %dma_wait3A_285, %dma_wait3A_286] : memref<4x128x64xf32, #tpu.memory_space<vmem>> -> memref<1x128x64xf32, #tpu.memory_space<vmem>>
      %dma_wait3A_288 = tpu.memref_squeeze %dma_wait3A_287 : memref<1x128x64xf32, #tpu.memory_space<vmem>> -> memref<128x64xf32, #tpu.memory_space<vmem>>
      %dma_wait3A_289 = arith.constant 0 : i32
      %dma_wait3A_290 = arith.constant 0 : i32
      %dma_wait3A_291 = tpu.memref_slice %arg2[%dma_wait3A_289, %dma_wait3A_290] : memref<1000000x64xf32, #tpu.memory_space<hbm>> -> memref<128x64xf32, #tpu.memory_space<hbm>>
      %dma_wait3A_292 = tpu.memref_slice %arg7[%dma_wait3A_284] : memref<4x!tpu.dma_semaphore, #tpu.memory_space<semaphore_mem>> -> memref<1x!tpu.dma_semaphore, #tpu.memory_space<semaphore_mem>>
      %dma_wait3A_293 = tpu.memref_squeeze %dma_wait3A_292 : memref<1x!tpu.dma_semaphore, #tpu.memory_space<semaphore_mem>> -> memref<!tpu.dma_semaphore, #tpu.memory_space<semaphore_mem>>
      %dma_wait3A_294 = arith.constant 0 : i32
      %dma_wait3A_295 = arith.constant 0 : i32
      %dma_wait3A_296 = tpu.memref_slice %arg6[%dma_wait3A_283, %dma_wait3A_294, %dma_wait3A_295] : memref<4x128x64xf32, #tpu.memory_space<vmem>> -> memref<1x128x64xf32, #tpu.memory_space<vmem>>
      %dma_wait3A_297 = tpu.memref_squeeze %dma_wait3A_296 : memref<1x128x64xf32, #tpu.memory_space<vmem>> -> memref<128x64xf32, #tpu.memory_space<vmem>>
      %dma_wait3A_298 = arith.constant 0 : i32
      %dma_wait3A_299 = arith.constant 0 : i32
      %dma_wait3A_300 = tpu.memref_slice %arg2[%dma_wait3A_298, %dma_wait3A_299] : memref<1000000x64xf32, #tpu.memory_space<hbm>> -> memref<128x64xf32, #tpu.memory_space<hbm>>
      tpu.wait_dma2 semaphore(%dma_wait3A_293 : memref<!tpu.dma_semaphore, #tpu.memory_space<semaphore_mem>>) src(%dma_wait3A_300 : memref<128x64xf32, #tpu.memory_space<hbm>>) dst(%dma_wait3A_297 : memref<128x64xf32, #tpu.memory_space<vmem>>)
      %jit3A_301 = arith.constant 4 : i32
      %div3A_302 = arith.divsi %add3A_282, %jit3A_301 : i32
      %sign3A_303 = arith.constant 0 : i32
      %sign3A_304 = arith.cmpi sgt, %add3A_282, %sign3A_303 : i32
      %sign3A_305 = arith.extui %sign3A_304 : i1 to i32
      %sign3A_306 = arith.constant 0 : i32
      %sign3A_307 = arith.cmpi slt, %add3A_282, %sign3A_306 : i32
      %sign3A_308 = arith.extui %sign3A_307 : i1 to i32
      %sign3A_309 = arith.subi %sign3A_305, %sign3A_308 : i32
      %sign3A_310 = arith.constant 0 : i32
      %sign3A_311 = arith.cmpi sgt, %jit3A_301, %sign3A_310 : i32
      %sign3A_312 = arith.extui %sign3A_311 : i1 to i32
      %sign3A_313 = arith.constant 0 : i32
      %sign3A_314 = arith.cmpi slt, %jit3A_301, %sign3A_313 : i32
      %sign3A_315 = arith.extui %sign3A_314 : i1 to i32
      %sign3A_316 = arith.subi %sign3A_312, %sign3A_315 : i32
      %ne3A_317 = arith.cmpi ne, %sign3A_309, %sign3A_316 : i32
      %rem3A_318 = arith.remsi %add3A_282, %jit3A_301 : i32
      %ne3A_319 = arith.constant 0 : i32
      %ne3A_320 = arith.cmpi ne, %rem3A_318, %ne3A_319 : i32
      %and3A_321 = arith.andi %ne3A_317, %ne3A_320 : i1
      %sub3A_322 = arith.constant 1 : i32
      %sub3A_323 = arith.subi %div3A_302, %sub3A_322 : i32
      %select_n3A_324 = arith.select %and3A_321, %sub3A_323, %div3A_302 : i32
      %rem3A_325 = arith.constant 4 : i32
      %rem3A_326 = arith.remsi %add3A_282, %rem3A_325 : i32
      %mul3A_327 = arith.constant 128 : i32
      %mul3A_328 = arith.muli %rem3A_326, %mul3A_327 : i32
      %add3A_329 = arith.addi %mul3A_2, %mul3A_328 : i32
      %dma_start3A_330 = arith.constant 3 : i32
      %dma_start3A_331 = arith.constant 3 : i32
      %dma_start3A_332 = arith.constant 0 : i32
      %dma_start3A_333 = arith.constant 0 : i32
      %dma_start3A_334 = tpu.memref_slice %arg6[%dma_start3A_330, %dma_start3A_332, %dma_start3A_333] : memref<4x128x64xf32, #tpu.memory_space<vmem>> -> memref<1x128x64xf32, #tpu.memory_space<vmem>>
      %dma_start3A_335 = tpu.memref_squeeze %dma_start3A_334 : memref<1x128x64xf32, #tpu.memory_space<vmem>> -> memref<128x64xf32, #tpu.memory_space<vmem>>
      %dma_start3A_336 = arith.constant 0 : i32
      %dma_start3A_337 = tpu.memref_slice %arg4[%add3A_329, %select_n3A_324, %dma_start3A_336] : memref<16384x26x64xf32, #tpu.memory_space<hbm>> -> memref<128x1x64xf32, #tpu.memory_space<hbm>>
      %dma_start3A_338 = tpu.memref_squeeze %dma_start3A_337 : memref<128x1x64xf32, #tpu.memory_space<hbm>> -> memref<128x64xf32, #tpu.memory_space<hbm>>
      %dma_start3A_339 = tpu.memref_slice %arg8[%dma_start3A_331] : memref<4x!tpu.dma_semaphore, #tpu.memory_space<semaphore_mem>> -> memref<1x!tpu.dma_semaphore, #tpu.memory_space<semaphore_mem>>
      %dma_start3A_340 = tpu.memref_squeeze %dma_start3A_339 : memref<1x!tpu.dma_semaphore, #tpu.memory_space<semaphore_mem>> -> memref<!tpu.dma_semaphore, #tpu.memory_space<semaphore_mem>>
      %dma_start3A_341 = arith.constant 0 : i32
      %dma_start3A_342 = tpu.memref_slice %arg4[%add3A_329, %select_n3A_324, %dma_start3A_341] : memref<16384x26x64xf32, #tpu.memory_space<hbm>> -> memref<128x1x64xf32, #tpu.memory_space<hbm>>
      %dma_start3A_343 = tpu.memref_squeeze %dma_start3A_342 : memref<128x1x64xf32, #tpu.memory_space<hbm>> -> memref<128x64xf32, #tpu.memory_space<hbm>>
      %dma_start3A_344 = arith.constant 0 : i32
      %dma_start3A_345 = arith.constant 0 : i32
      %dma_start3A_346 = tpu.memref_slice %arg6[%dma_start3A_330, %dma_start3A_344, %dma_start3A_345] : memref<4x128x64xf32, #tpu.memory_space<vmem>> -> memref<1x128x64xf32, #tpu.memory_space<vmem>>
      %dma_start3A_347 = tpu.memref_squeeze %dma_start3A_346 : memref<1x128x64xf32, #tpu.memory_space<vmem>> -> memref<128x64xf32, #tpu.memory_space<vmem>>
      tpu.enqueue_dma source(%dma_start3A_347 : memref<128x64xf32, #tpu.memory_space<vmem>>) target(%dma_start3A_343 : memref<128x64xf32, #tpu.memory_space<hbm>>) target_semaphore(%dma_start3A_340 : memref<!tpu.dma_semaphore, #tpu.memory_space<semaphore_mem>>)
      %add3A_348 = arith.constant 4 : i32
      %add3A_349 = arith.addi %add3A_282, %add3A_348 : i32
      %lt3A_350 = arith.constant 104 : i32
      %lt3A_351 = arith.cmpi slt, %add3A_349, %lt3A_350 : i32
      %convert_element_type3A_352 = arith.extui %lt3A_351 : i1 to i32
      %cond3A_353 = arith.constant 0 : i32
      %cond3A_354 = arith.cmpi ne, %convert_element_type3A_352, %cond3A_353 : i32
      scf.if %cond3A_354 {
        %jit3A_362 = arith.constant 4 : i32
        %div3A_363 = arith.divsi %add3A_282, %jit3A_362 : i32
        %sign3A_364 = arith.constant 0 : i32
        %sign3A_365 = arith.cmpi sgt, %add3A_282, %sign3A_364 : i32
        %sign3A_366 = arith.extui %sign3A_365 : i1 to i32
        %sign3A_367 = arith.constant 0 : i32
        %sign3A_368 = arith.cmpi slt, %add3A_282, %sign3A_367 : i32
        %sign3A_369 = arith.extui %sign3A_368 : i1 to i32
        %sign3A_370 = arith.subi %sign3A_366, %sign3A_369 : i32
        %sign3A_371 = arith.constant 0 : i32
        %sign3A_372 = arith.cmpi sgt, %jit3A_362, %sign3A_371 : i32
        %sign3A_373 = arith.extui %sign3A_372 : i1 to i32
        %sign3A_374 = arith.constant 0 : i32
        %sign3A_375 = arith.cmpi slt, %jit3A_362, %sign3A_374 : i32
        %sign3A_376 = arith.extui %sign3A_375 : i1 to i32
        %sign3A_377 = arith.subi %sign3A_373, %sign3A_376 : i32
        %ne3A_378 = arith.cmpi ne, %sign3A_370, %sign3A_377 : i32
        %rem3A_379 = arith.remsi %add3A_282, %jit3A_362 : i32
        %ne3A_380 = arith.constant 0 : i32
        %ne3A_381 = arith.cmpi ne, %rem3A_379, %ne3A_380 : i32
        %and3A_382 = arith.andi %ne3A_378, %ne3A_381 : i1
        %sub3A_383 = arith.constant 1 : i32
        %sub3A_384 = arith.subi %div3A_363, %sub3A_383 : i32
        %select_n3A_385 = arith.select %and3A_382, %sub3A_384, %div3A_363 : i32
        %rem3A_386 = arith.constant 4 : i32
        %rem3A_387 = arith.remsi %add3A_282, %rem3A_386 : i32
        %mul3A_388 = arith.constant 128 : i32
        %mul3A_389 = arith.muli %rem3A_387, %mul3A_388 : i32
        %add3A_390 = arith.addi %mul3A_2, %mul3A_389 : i32
        %dma_wait3A_391 = arith.constant 3 : i32
        %dma_wait3A_392 = arith.constant 3 : i32
        %dma_wait3A_393 = arith.constant 0 : i32
        %dma_wait3A_394 = arith.constant 0 : i32
        %dma_wait3A_395 = tpu.memref_slice %arg6[%dma_wait3A_391, %dma_wait3A_393, %dma_wait3A_394] : memref<4x128x64xf32, #tpu.memory_space<vmem>> -> memref<1x128x64xf32, #tpu.memory_space<vmem>>
        %dma_wait3A_396 = tpu.memref_squeeze %dma_wait3A_395 : memref<1x128x64xf32, #tpu.memory_space<vmem>> -> memref<128x64xf32, #tpu.memory_space<vmem>>
        %dma_wait3A_397 = arith.constant 0 : i32
        %dma_wait3A_398 = tpu.memref_slice %arg4[%add3A_390, %select_n3A_385, %dma_wait3A_397] : memref<16384x26x64xf32, #tpu.memory_space<hbm>> -> memref<128x1x64xf32, #tpu.memory_space<hbm>>
        %dma_wait3A_399 = tpu.memref_squeeze %dma_wait3A_398 : memref<128x1x64xf32, #tpu.memory_space<hbm>> -> memref<128x64xf32, #tpu.memory_space<hbm>>
        %dma_wait3A_400 = tpu.memref_slice %arg8[%dma_wait3A_392] : memref<4x!tpu.dma_semaphore, #tpu.memory_space<semaphore_mem>> -> memref<1x!tpu.dma_semaphore, #tpu.memory_space<semaphore_mem>>
        %dma_wait3A_401 = tpu.memref_squeeze %dma_wait3A_400 : memref<1x!tpu.dma_semaphore, #tpu.memory_space<semaphore_mem>> -> memref<!tpu.dma_semaphore, #tpu.memory_space<semaphore_mem>>
        %dma_wait3A_402 = arith.constant 0 : i32
        %dma_wait3A_403 = tpu.memref_slice %arg4[%add3A_390, %select_n3A_385, %dma_wait3A_402] : memref<16384x26x64xf32, #tpu.memory_space<hbm>> -> memref<128x1x64xf32, #tpu.memory_space<hbm>>
        %dma_wait3A_404 = tpu.memref_squeeze %dma_wait3A_403 : memref<128x1x64xf32, #tpu.memory_space<hbm>> -> memref<128x64xf32, #tpu.memory_space<hbm>>
        %dma_wait3A_405 = arith.constant 0 : i32
        %dma_wait3A_406 = arith.constant 0 : i32
        %dma_wait3A_407 = tpu.memref_slice %arg6[%dma_wait3A_391, %dma_wait3A_405, %dma_wait3A_406] : memref<4x128x64xf32, #tpu.memory_space<vmem>> -> memref<1x128x64xf32, #tpu.memory_space<vmem>>
        %dma_wait3A_408 = tpu.memref_squeeze %dma_wait3A_407 : memref<1x128x64xf32, #tpu.memory_space<vmem>> -> memref<128x64xf32, #tpu.memory_space<vmem>>
        tpu.wait_dma2 semaphore(%dma_wait3A_401 : memref<!tpu.dma_semaphore, #tpu.memory_space<semaphore_mem>>) src(%dma_wait3A_408 : memref<128x64xf32, #tpu.memory_space<vmem>>) dst(%dma_wait3A_404 : memref<128x64xf32, #tpu.memory_space<hbm>>)
        %add3A_409 = arith.constant 4 : i32
        %add3A_410 = arith.addi %add3A_282, %add3A_409 : i32
        %jit3A_411 = arith.constant 4 : i32
        %div3A_412 = arith.divsi %add3A_410, %jit3A_411 : i32
        %sign3A_413 = arith.constant 0 : i32
        %sign3A_414 = arith.cmpi sgt, %add3A_410, %sign3A_413 : i32
        %sign3A_415 = arith.extui %sign3A_414 : i1 to i32
        %sign3A_416 = arith.constant 0 : i32
        %sign3A_417 = arith.cmpi slt, %add3A_410, %sign3A_416 : i32
        %sign3A_418 = arith.extui %sign3A_417 : i1 to i32
        %sign3A_419 = arith.subi %sign3A_415, %sign3A_418 : i32
        %sign3A_420 = arith.constant 0 : i32
        %sign3A_421 = arith.cmpi sgt, %jit3A_411, %sign3A_420 : i32
        %sign3A_422 = arith.extui %sign3A_421 : i1 to i32
        %sign3A_423 = arith.constant 0 : i32
        %sign3A_424 = arith.cmpi slt, %jit3A_411, %sign3A_423 : i32
        %sign3A_425 = arith.extui %sign3A_424 : i1 to i32
        %sign3A_426 = arith.subi %sign3A_422, %sign3A_425 : i32
        %ne3A_427 = arith.cmpi ne, %sign3A_419, %sign3A_426 : i32
        %rem3A_428 = arith.remsi %add3A_410, %jit3A_411 : i32
        %ne3A_429 = arith.constant 0 : i32
        %ne3A_430 = arith.cmpi ne, %rem3A_428, %ne3A_429 : i32
        %and3A_431 = arith.andi %ne3A_427, %ne3A_430 : i1
        %sub3A_432 = arith.constant 1 : i32
        %sub3A_433 = arith.subi %div3A_412, %sub3A_432 : i32
        %select_n3A_434 = arith.select %and3A_431, %sub3A_433, %div3A_412 : i32
        %rem3A_435 = arith.constant 4 : i32
        %rem3A_436 = arith.remsi %add3A_410, %rem3A_435 : i32
        %mul3A_437 = arith.constant 128 : i32
        %mul3A_438 = arith.muli %rem3A_436, %mul3A_437 : i32
        %scan3A_439 = arith.constant 0 : i32
        %scan3A_440 = arith.constant 8 : i32
        %scan3A_441 = arith.addi %scan3A_439, %scan3A_440 : i32
        %scan3A_442 = arith.constant 1 : i32
        scf.for %scan3A_444 = %scan3A_439 to %scan3A_441 step %scan3A_442  : i32 {
          %mul3A_445 = arith.constant 16 : i32
          %mul3A_446 = arith.muli %scan3A_444, %mul3A_445 : i32
          %add3A_447 = arith.constant 0 : i32
          %add3A_448 = arith.addi %add3A_447, %mul3A_446 : i32
          %add3A_449 = arith.addi %mul3A_438, %add3A_448 : i32
          %get3A = arith.index_cast %select_n3A_434 : i32 to index
          %get3A_450 = arith.index_cast %add3A_449 : i32 to index
          %get3A_451 = tpu.vector_load %arg5[%get3A, %get3A_450] {strides = array<i32>} : memref<26x512xi32, #tpu.memory_space<vmem>>, vector<1x16xi32>,
          %get3A_452 = vector.shape_cast %get3A_451 : vector<1x16xi32> to vector<16xi32>
          %slice3A = vector.extract_strided_slice %get3A_452 {offsets = [0], sizes = [1], strides = [1]} : vector<16xi32> to vector<1xi32>
          %squeeze3A = vector.extract %slice3A[0] : i32 from vector<1xi32>
          %add3A_453 = arith.constant 0 : i32
          %add3A_454 = arith.addi %add3A_448, %add3A_453 : i32
          %dma_start3A_455 = arith.constant 3 : i32
          %dma_start3A_456 = arith.constant 3 : i32
          %dma_start3A_457 = arith.constant 0 : i32
          %dma_start3A_458 = tpu.memref_slice %arg6[%dma_start3A_455, %add3A_454, %dma_start3A_457] : memref<4x128x64xf32, #tpu.memory_space<vmem>> -> memref<1x1x64xf32, #tpu.memory_space<vmem>>
          %dma_start3A_459 = tpu.memref_squeeze %dma_start3A_458 : memref<1x1x64xf32, #tpu.memory_space<vmem>> -> memref<64xf32, #tpu.memory_space<vmem>>
          %dma_start3A_460 = arith.constant 0 : i32
          %dma_start3A_461 = tpu.memref_slice %arg2[%squeeze3A, %dma_start3A_460] : memref<1000000x64xf32, #tpu.memory_space<hbm>> -> memref<1x64xf32, #tpu.memory_space<hbm>>
          %dma_start3A_462 = tpu.memref_squeeze %dma_start3A_461 : memref<1x64xf32, #tpu.memory_space<hbm>> -> memref<64xf32, #tpu.memory_space<hbm>>
          %dma_start3A_463 = tpu.memref_slice %arg7[%dma_start3A_456] : memref<4x!tpu.dma_semaphore, #tpu.memory_space<semaphore_mem>> -> memref<1x!tpu.dma_semaphore, #tpu.memory_space<semaphore_mem>>
          %dma_start3A_464 = tpu.memref_squeeze %dma_start3A_463 : memref<1x!tpu.dma_semaphore, #tpu.memory_space<semaphore_mem>> -> memref<!tpu.dma_semaphore, #tpu.memory_space<semaphore_mem>>
          %dma_start3A_465 = arith.constant 0 : i32
          %dma_start3A_466 = tpu.memref_slice %arg6[%dma_start3A_455, %add3A_454, %dma_start3A_465] : memref<4x128x64xf32, #tpu.memory_space<vmem>> -> memref<1x1x64xf32, #tpu.memory_space<vmem>>
          %dma_start3A_467 = tpu.memref_squeeze %dma_start3A_466 : memref<1x1x64xf32, #tpu.memory_space<vmem>> -> memref<64xf32, #tpu.memory_space<vmem>>
          %dma_start3A_468 = arith.constant 0 : i32
          %dma_start3A_469 = tpu.memref_slice %arg2[%squeeze3A, %dma_start3A_468] : memref<1000000x64xf32, #tpu.memory_space<hbm>> -> memref<1x64xf32, #tpu.memory_space<hbm>>
          %dma_start3A_470 = tpu.memref_squeeze %dma_start3A_469 : memref<1x64xf32, #tpu.memory_space<hbm>> -> memref<64xf32, #tpu.memory_space<hbm>>
          tpu.enqueue_dma source(%dma_start3A_470 : memref<64xf32, #tpu.memory_space<hbm>>) target(%dma_start3A_467 : memref<64xf32, #tpu.memory_space<vmem>>) target_semaphore(%dma_start3A_464 : memref<!tpu.dma_semaphore, #tpu.memory_space<semaphore_mem>>)
          %slice3A_471 = vector.extract_strided_slice %get3A_452 {offsets = [1], sizes = [1], strides = [1]} : vector<16xi32> to vector<1xi32>
          %squeeze3A_472 = vector.extract %slice3A_471[0] : i32 from vector<1xi32>
          %add3A_473 = arith.constant 1 : i32
          %add3A_474 = arith.addi %add3A_448, %add3A_473 : i32
          %dma_start3A_475 = arith.constant 3 : i32
          %dma_start3A_476 = arith.constant 3 : i32
          %dma_start3A_477 = arith.constant 0 : i32
          %dma_start3A_478 = tpu.memref_slice %arg6[%dma_start3A_475, %add3A_474, %dma_start3A_477] : memref<4x128x64xf32, #tpu.memory_space<vmem>> -> memref<1x1x64xf32, #tpu.memory_space<vmem>>
          %dma_start3A_479 = tpu.memref_squeeze %dma_start3A_478 : memref<1x1x64xf32, #tpu.memory_space<vmem>> -> memref<64xf32, #tpu.memory_space<vmem>>
          %dma_start3A_480 = arith.constant 0 : i32
          %dma_start3A_481 = tpu.memref_slice %arg2[%squeeze3A_472, %dma_start3A_480] : memref<1000000x64xf32, #tpu.memory_space<hbm>> -> memref<1x64xf32, #tpu.memory_space<hbm>>
          %dma_start3A_482 = tpu.memref_squeeze %dma_start3A_481 : memref<1x64xf32, #tpu.memory_space<hbm>> -> memref<64xf32, #tpu.memory_space<hbm>>
          %dma_start3A_483 = tpu.memref_slice %arg7[%dma_start3A_476] : memref<4x!tpu.dma_semaphore, #tpu.memory_space<semaphore_mem>> -> memref<1x!tpu.dma_semaphore, #tpu.memory_space<semaphore_mem>>
          %dma_start3A_484 = tpu.memref_squeeze %dma_start3A_483 : memref<1x!tpu.dma_semaphore, #tpu.memory_space<semaphore_mem>> -> memref<!tpu.dma_semaphore, #tpu.memory_space<semaphore_mem>>
          %dma_start3A_485 = arith.constant 0 : i32
          %dma_start3A_486 = tpu.memref_slice %arg6[%dma_start3A_475, %add3A_474, %dma_start3A_485] : memref<4x128x64xf32, #tpu.memory_space<vmem>> -> memref<1x1x64xf32, #tpu.memory_space<vmem>>
          %dma_start3A_487 = tpu.memref_squeeze %dma_start3A_486 : memref<1x1x64xf32, #tpu.memory_space<vmem>> -> memref<64xf32, #tpu.memory_space<vmem>>
          %dma_start3A_488 = arith.constant 0 : i32
          %dma_start3A_489 = tpu.memref_slice %arg2[%squeeze3A_472, %dma_start3A_488] : memref<1000000x64xf32, #tpu.memory_space<hbm>> -> memref<1x64xf32, #tpu.memory_space<hbm>>
          %dma_start3A_490 = tpu.memref_squeeze %dma_start3A_489 : memref<1x64xf32, #tpu.memory_space<hbm>> -> memref<64xf32, #tpu.memory_space<hbm>>
          tpu.enqueue_dma source(%dma_start3A_490 : memref<64xf32, #tpu.memory_space<hbm>>) target(%dma_start3A_487 : memref<64xf32, #tpu.memory_space<vmem>>) target_semaphore(%dma_start3A_484 : memref<!tpu.dma_semaphore, #tpu.memory_space<semaphore_mem>>)
          %slice3A_491 = vector.extract_strided_slice %get3A_452 {offsets = [2], sizes = [1], strides = [1]} : vector<16xi32> to vector<1xi32>
          %squeeze3A_492 = vector.extract %slice3A_491[0] : i32 from vector<1xi32>
          %add3A_493 = arith.constant 2 : i32
          %add3A_494 = arith.addi %add3A_448, %add3A_493 : i32
          %dma_start3A_495 = arith.constant 3 : i32
          %dma_start3A_496 = arith.constant 3 : i32
          %dma_start3A_497 = arith.constant 0 : i32
          %dma_start3A_498 = tpu.memref_slice %arg6[%dma_start3A_495, %add3A_494, %dma_start3A_497] : memref<4x128x64xf32, #tpu.memory_space<vmem>> -> memref<1x1x64xf32, #tpu.memory_space<vmem>>
          %dma_start3A_499 = tpu.memref_squeeze %dma_start3A_498 : memref<1x1x64xf32, #tpu.memory_space<vmem>> -> memref<64xf32, #tpu.memory_space<vmem>>
          %dma_start3A_500 = arith.constant 0 : i32
          %dma_start3A_501 = tpu.memref_slice %arg2[%squeeze3A_492, %dma_start3A_500] : memref<1000000x64xf32, #tpu.memory_space<hbm>> -> memref<1x64xf32, #tpu.memory_space<hbm>>
          %dma_start3A_502 = tpu.memref_squeeze %dma_start3A_501 : memref<1x64xf32, #tpu.memory_space<hbm>> -> memref<64xf32, #tpu.memory_space<hbm>>
          %dma_start3A_503 = tpu.memref_slice %arg7[%dma_start3A_496] : memref<4x!tpu.dma_semaphore, #tpu.memory_space<semaphore_mem>> -> memref<1x!tpu.dma_semaphore, #tpu.memory_space<semaphore_mem>>
          %dma_start3A_504 = tpu.memref_squeeze %dma_start3A_503 : memref<1x!tpu.dma_semaphore, #tpu.memory_space<semaphore_mem>> -> memref<!tpu.dma_semaphore, #tpu.memory_space<semaphore_mem>>
          %dma_start3A_505 = arith.constant 0 : i32
          %dma_start3A_506 = tpu.memref_slice %arg6[%dma_start3A_495, %add3A_494, %dma_start3A_505] : memref<4x128x64xf32, #tpu.memory_space<vmem>> -> memref<1x1x64xf32, #tpu.memory_space<vmem>>
          %dma_start3A_507 = tpu.memref_squeeze %dma_start3A_506 : memref<1x1x64xf32, #tpu.memory_space<vmem>> -> memref<64xf32, #tpu.memory_space<vmem>>
          %dma_start3A_508 = arith.constant 0 : i32
          %dma_start3A_509 = tpu.memref_slice %arg2[%squeeze3A_492, %dma_start3A_508] : memref<1000000x64xf32, #tpu.memory_space<hbm>> -> memref<1x64xf32, #tpu.memory_space<hbm>>
          %dma_start3A_510 = tpu.memref_squeeze %dma_start3A_509 : memref<1x64xf32, #tpu.memory_space<hbm>> -> memref<64xf32, #tpu.memory_space<hbm>>
          tpu.enqueue_dma source(%dma_start3A_510 : memref<64xf32, #tpu.memory_space<hbm>>) target(%dma_start3A_507 : memref<64xf32, #tpu.memory_space<vmem>>) target_semaphore(%dma_start3A_504 : memref<!tpu.dma_semaphore, #tpu.memory_space<semaphore_mem>>)
          %slice3A_511 = vector.extract_strided_slice %get3A_452 {offsets = [3], sizes = [1], strides = [1]} : vector<16xi32> to vector<1xi32>
          %squeeze3A_512 = vector.extract %slice3A_511[0] : i32 from vector<1xi32>
          %add3A_513 = arith.constant 3 : i32
          %add3A_514 = arith.addi %add3A_448, %add3A_513 : i32
          %dma_start3A_515 = arith.constant 3 : i32
          %dma_start3A_516 = arith.constant 3 : i32
          %dma_start3A_517 = arith.constant 0 : i32
          %dma_start3A_518 = tpu.memref_slice %arg6[%dma_start3A_515, %add3A_514, %dma_start3A_517] : memref<4x128x64xf32, #tpu.memory_space<vmem>> -> memref<1x1x64xf32, #tpu.memory_space<vmem>>
          %dma_start3A_519 = tpu.memref_squeeze %dma_start3A_518 : memref<1x1x64xf32, #tpu.memory_space<vmem>> -> memref<64xf32, #tpu.memory_space<vmem>>
          %dma_start3A_520 = arith.constant 0 : i32
          %dma_start3A_521 = tpu.memref_slice %arg2[%squeeze3A_512, %dma_start3A_520] : memref<1000000x64xf32, #tpu.memory_space<hbm>> -> memref<1x64xf32, #tpu.memory_space<hbm>>
          %dma_start3A_522 = tpu.memref_squeeze %dma_start3A_521 : memref<1x64xf32, #tpu.memory_space<hbm>> -> memref<64xf32, #tpu.memory_space<hbm>>
          %dma_start3A_523 = tpu.memref_slice %arg7[%dma_start3A_516] : memref<4x!tpu.dma_semaphore, #tpu.memory_space<semaphore_mem>> -> memref<1x!tpu.dma_semaphore, #tpu.memory_space<semaphore_mem>>
          %dma_start3A_524 = tpu.memref_squeeze %dma_start3A_523 : memref<1x!tpu.dma_semaphore, #tpu.memory_space<semaphore_mem>> -> memref<!tpu.dma_semaphore, #tpu.memory_space<semaphore_mem>>
          %dma_start3A_525 = arith.constant 0 : i32
          %dma_start3A_526 = tpu.memref_slice %arg6[%dma_start3A_515, %add3A_514, %dma_start3A_525] : memref<4x128x64xf32, #tpu.memory_space<vmem>> -> memref<1x1x64xf32, #tpu.memory_space<vmem>>
          %dma_start3A_527 = tpu.memref_squeeze %dma_start3A_526 : memref<1x1x64xf32, #tpu.memory_space<vmem>> -> memref<64xf32, #tpu.memory_space<vmem>>
          %dma_start3A_528 = arith.constant 0 : i32
          %dma_start3A_529 = tpu.memref_slice %arg2[%squeeze3A_512, %dma_start3A_528] : memref<1000000x64xf32, #tpu.memory_space<hbm>> -> memref<1x64xf32, #tpu.memory_space<hbm>>
          %dma_start3A_530 = tpu.memref_squeeze %dma_start3A_529 : memref<1x64xf32, #tpu.memory_space<hbm>> -> memref<64xf32, #tpu.memory_space<hbm>>
          tpu.enqueue_dma source(%dma_start3A_530 : memref<64xf32, #tpu.memory_space<hbm>>) target(%dma_start3A_527 : memref<64xf32, #tpu.memory_space<vmem>>) target_semaphore(%dma_start3A_524 : memref<!tpu.dma_semaphore, #tpu.memory_space<semaphore_mem>>)
          %slice3A_531 = vector.extract_strided_slice %get3A_452 {offsets = [4], sizes = [1], strides = [1]} : vector<16xi32> to vector<1xi32>
          %squeeze3A_532 = vector.extract %slice3A_531[0] : i32 from vector<1xi32>
          %add3A_533 = arith.constant 4 : i32
          %add3A_534 = arith.addi %add3A_448, %add3A_533 : i32
          %dma_start3A_535 = arith.constant 3 : i32
          %dma_start3A_536 = arith.constant 3 : i32
          %dma_start3A_537 = arith.constant 0 : i32
          %dma_start3A_538 = tpu.memref_slice %arg6[%dma_start3A_535, %add3A_534, %dma_start3A_537] : memref<4x128x64xf32, #tpu.memory_space<vmem>> -> memref<1x1x64xf32, #tpu.memory_space<vmem>>
          %dma_start3A_539 = tpu.memref_squeeze %dma_start3A_538 : memref<1x1x64xf32, #tpu.memory_space<vmem>> -> memref<64xf32, #tpu.memory_space<vmem>>
          %dma_start3A_540 = arith.constant 0 : i32
          %dma_start3A_541 = tpu.memref_slice %arg2[%squeeze3A_532, %dma_start3A_540] : memref<1000000x64xf32, #tpu.memory_space<hbm>> -> memref<1x64xf32, #tpu.memory_space<hbm>>
          %dma_start3A_542 = tpu.memref_squeeze %dma_start3A_541 : memref<1x64xf32, #tpu.memory_space<hbm>> -> memref<64xf32, #tpu.memory_space<hbm>>
          %dma_start3A_543 = tpu.memref_slice %arg7[%dma_start3A_536] : memref<4x!tpu.dma_semaphore, #tpu.memory_space<semaphore_mem>> -> memref<1x!tpu.dma_semaphore, #tpu.memory_space<semaphore_mem>>
          %dma_start3A_544 = tpu.memref_squeeze %dma_start3A_543 : memref<1x!tpu.dma_semaphore, #tpu.memory_space<semaphore_mem>> -> memref<!tpu.dma_semaphore, #tpu.memory_space<semaphore_mem>>
          %dma_start3A_545 = arith.constant 0 : i32
          %dma_start3A_546 = tpu.memref_slice %arg6[%dma_start3A_535, %add3A_534, %dma_start3A_545] : memref<4x128x64xf32, #tpu.memory_space<vmem>> -> memref<1x1x64xf32, #tpu.memory_space<vmem>>
          %dma_start3A_547 = tpu.memref_squeeze %dma_start3A_546 : memref<1x1x64xf32, #tpu.memory_space<vmem>> -> memref<64xf32, #tpu.memory_space<vmem>>
          %dma_start3A_548 = arith.constant 0 : i32
          %dma_start3A_549 = tpu.memref_slice %arg2[%squeeze3A_532, %dma_start3A_548] : memref<1000000x64xf32, #tpu.memory_space<hbm>> -> memref<1x64xf32, #tpu.memory_space<hbm>>
          %dma_start3A_550 = tpu.memref_squeeze %dma_start3A_549 : memref<1x64xf32, #tpu.memory_space<hbm>> -> memref<64xf32, #tpu.memory_space<hbm>>
          tpu.enqueue_dma source(%dma_start3A_550 : memref<64xf32, #tpu.memory_space<hbm>>) target(%dma_start3A_547 : memref<64xf32, #tpu.memory_space<vmem>>) target_semaphore(%dma_start3A_544 : memref<!tpu.dma_semaphore, #tpu.memory_space<semaphore_mem>>)
          %slice3A_551 = vector.extract_strided_slice %get3A_452 {offsets = [5], sizes = [1], strides = [1]} : vector<16xi32> to vector<1xi32>
          %squeeze3A_552 = vector.extract %slice3A_551[0] : i32 from vector<1xi32>
          %add3A_553 = arith.constant 5 : i32
          %add3A_554 = arith.addi %add3A_448, %add3A_553 : i32
          %dma_start3A_555 = arith.constant 3 : i32
          %dma_start3A_556 = arith.constant 3 : i32
          %dma_start3A_557 = arith.constant 0 : i32
          %dma_start3A_558 = tpu.memref_slice %arg6[%dma_start3A_555, %add3A_554, %dma_start3A_557] : memref<4x128x64xf32, #tpu.memory_space<vmem>> -> memref<1x1x64xf32, #tpu.memory_space<vmem>>
          %dma_start3A_559 = tpu.memref_squeeze %dma_start3A_558 : memref<1x1x64xf32, #tpu.memory_space<vmem>> -> memref<64xf32, #tpu.memory_space<vmem>>
          %dma_start3A_560 = arith.constant 0 : i32
          %dma_start3A_561 = tpu.memref_slice %arg2[%squeeze3A_552, %dma_start3A_560] : memref<1000000x64xf32, #tpu.memory_space<hbm>> -> memref<1x64xf32, #tpu.memory_space<hbm>>
          %dma_start3A_562 = tpu.memref_squeeze %dma_start3A_561 : memref<1x64xf32, #tpu.memory_space<hbm>> -> memref<64xf32, #tpu.memory_space<hbm>>
          %dma_start3A_563 = tpu.memref_slice %arg7[%dma_start3A_556] : memref<4x!tpu.dma_semaphore, #tpu.memory_space<semaphore_mem>> -> memref<1x!tpu.dma_semaphore, #tpu.memory_space<semaphore_mem>>
          %dma_start3A_564 = tpu.memref_squeeze %dma_start3A_563 : memref<1x!tpu.dma_semaphore, #tpu.memory_space<semaphore_mem>> -> memref<!tpu.dma_semaphore, #tpu.memory_space<semaphore_mem>>
          %dma_start3A_565 = arith.constant 0 : i32
          %dma_start3A_566 = tpu.memref_slice %arg6[%dma_start3A_555, %add3A_554, %dma_start3A_565] : memref<4x128x64xf32, #tpu.memory_space<vmem>> -> memref<1x1x64xf32, #tpu.memory_space<vmem>>
          %dma_start3A_567 = tpu.memref_squeeze %dma_start3A_566 : memref<1x1x64xf32, #tpu.memory_space<vmem>> -> memref<64xf32, #tpu.memory_space<vmem>>
          %dma_start3A_568 = arith.constant 0 : i32
          %dma_start3A_569 = tpu.memref_slice %arg2[%squeeze3A_552, %dma_start3A_568] : memref<1000000x64xf32, #tpu.memory_space<hbm>> -> memref<1x64xf32, #tpu.memory_space<hbm>>
          %dma_start3A_570 = tpu.memref_squeeze %dma_start3A_569 : memref<1x64xf32, #tpu.memory_space<hbm>> -> memref<64xf32, #tpu.memory_space<hbm>>
          tpu.enqueue_dma source(%dma_start3A_570 : memref<64xf32, #tpu.memory_space<hbm>>) target(%dma_start3A_567 : memref<64xf32, #tpu.memory_space<vmem>>) target_semaphore(%dma_start3A_564 : memref<!tpu.dma_semaphore, #tpu.memory_space<semaphore_mem>>)
          %slice3A_571 = vector.extract_strided_slice %get3A_452 {offsets = [6], sizes = [1], strides = [1]} : vector<16xi32> to vector<1xi32>
          %squeeze3A_572 = vector.extract %slice3A_571[0] : i32 from vector<1xi32>
          %add3A_573 = arith.constant 6 : i32
          %add3A_574 = arith.addi %add3A_448, %add3A_573 : i32
          %dma_start3A_575 = arith.constant 3 : i32
          %dma_start3A_576 = arith.constant 3 : i32
          %dma_start3A_577 = arith.constant 0 : i32
          %dma_start3A_578 = tpu.memref_slice %arg6[%dma_start3A_575, %add3A_574, %dma_start3A_577] : memref<4x128x64xf32, #tpu.memory_space<vmem>> -> memref<1x1x64xf32, #tpu.memory_space<vmem>>
          %dma_start3A_579 = tpu.memref_squeeze %dma_start3A_578 : memref<1x1x64xf32, #tpu.memory_space<vmem>> -> memref<64xf32, #tpu.memory_space<vmem>>
          %dma_start3A_580 = arith.constant 0 : i32
          %dma_start3A_581 = tpu.memref_slice %arg2[%squeeze3A_572, %dma_start3A_580] : memref<1000000x64xf32, #tpu.memory_space<hbm>> -> memref<1x64xf32, #tpu.memory_space<hbm>>
          %dma_start3A_582 = tpu.memref_squeeze %dma_start3A_581 : memref<1x64xf32, #tpu.memory_space<hbm>> -> memref<64xf32, #tpu.memory_space<hbm>>
          %dma_start3A_583 = tpu.memref_slice %arg7[%dma_start3A_576] : memref<4x!tpu.dma_semaphore, #tpu.memory_space<semaphore_mem>> -> memref<1x!tpu.dma_semaphore, #tpu.memory_space<semaphore_mem>>
          %dma_start3A_584 = tpu.memref_squeeze %dma_start3A_583 : memref<1x!tpu.dma_semaphore, #tpu.memory_space<semaphore_mem>> -> memref<!tpu.dma_semaphore, #tpu.memory_space<semaphore_mem>>
          %dma_start3A_585 = arith.constant 0 : i32
          %dma_start3A_586 = tpu.memref_slice %arg6[%dma_start3A_575, %add3A_574, %dma_start3A_585] : memref<4x128x64xf32, #tpu.memory_space<vmem>> -> memref<1x1x64xf32, #tpu.memory_space<vmem>>
          %dma_start3A_587 = tpu.memref_squeeze %dma_start3A_586 : memref<1x1x64xf32, #tpu.memory_space<vmem>> -> memref<64xf32, #tpu.memory_space<vmem>>
          %dma_start3A_588 = arith.constant 0 : i32
          %dma_start3A_589 = tpu.memref_slice %arg2[%squeeze3A_572, %dma_start3A_588] : memref<1000000x64xf32, #tpu.memory_space<hbm>> -> memref<1x64xf32, #tpu.memory_space<hbm>>
          %dma_start3A_590 = tpu.memref_squeeze %dma_start3A_589 : memref<1x64xf32, #tpu.memory_space<hbm>> -> memref<64xf32, #tpu.memory_space<hbm>>
          tpu.enqueue_dma source(%dma_start3A_590 : memref<64xf32, #tpu.memory_space<hbm>>) target(%dma_start3A_587 : memref<64xf32, #tpu.memory_space<vmem>>) target_semaphore(%dma_start3A_584 : memref<!tpu.dma_semaphore, #tpu.memory_space<semaphore_mem>>)
          %slice3A_591 = vector.extract_strided_slice %get3A_452 {offsets = [7], sizes = [1], strides = [1]} : vector<16xi32> to vector<1xi32>
          %squeeze3A_592 = vector.extract %slice3A_591[0] : i32 from vector<1xi32>
          %add3A_593 = arith.constant 7 : i32
          %add3A_594 = arith.addi %add3A_448, %add3A_593 : i32
          %dma_start3A_595 = arith.constant 3 : i32
          %dma_start3A_596 = arith.constant 3 : i32
          %dma_start3A_597 = arith.constant 0 : i32
          %dma_start3A_598 = tpu.memref_slice %arg6[%dma_start3A_595, %add3A_594, %dma_start3A_597] : memref<4x128x64xf32, #tpu.memory_space<vmem>> -> memref<1x1x64xf32, #tpu.memory_space<vmem>>
          %dma_start3A_599 = tpu.memref_squeeze %dma_start3A_598 : memref<1x1x64xf32, #tpu.memory_space<vmem>> -> memref<64xf32, #tpu.memory_space<vmem>>
          %dma_start3A_600 = arith.constant 0 : i32
          %dma_start3A_601 = tpu.memref_slice %arg2[%squeeze3A_592, %dma_start3A_600] : memref<1000000x64xf32, #tpu.memory_space<hbm>> -> memref<1x64xf32, #tpu.memory_space<hbm>>
          %dma_start3A_602 = tpu.memref_squeeze %dma_start3A_601 : memref<1x64xf32, #tpu.memory_space<hbm>> -> memref<64xf32, #tpu.memory_space<hbm>>
          %dma_start3A_603 = tpu.memref_slice %arg7[%dma_start3A_596] : memref<4x!tpu.dma_semaphore, #tpu.memory_space<semaphore_mem>> -> memref<1x!tpu.dma_semaphore, #tpu.memory_space<semaphore_mem>>
          %dma_start3A_604 = tpu.memref_squeeze %dma_start3A_603 : memref<1x!tpu.dma_semaphore, #tpu.memory_space<semaphore_mem>> -> memref<!tpu.dma_semaphore, #tpu.memory_space<semaphore_mem>>
          %dma_start3A_605 = arith.constant 0 : i32
          %dma_start3A_606 = tpu.memref_slice %arg6[%dma_start3A_595, %add3A_594, %dma_start3A_605] : memref<4x128x64xf32, #tpu.memory_space<vmem>> -> memref<1x1x64xf32, #tpu.memory_space<vmem>>
          %dma_start3A_607 = tpu.memref_squeeze %dma_start3A_606 : memref<1x1x64xf32, #tpu.memory_space<vmem>> -> memref<64xf32, #tpu.memory_space<vmem>>
          %dma_start3A_608 = arith.constant 0 : i32
          %dma_start3A_609 = tpu.memref_slice %arg2[%squeeze3A_592, %dma_start3A_608] : memref<1000000x64xf32, #tpu.memory_space<hbm>> -> memref<1x64xf32, #tpu.memory_space<hbm>>
          %dma_start3A_610 = tpu.memref_squeeze %dma_start3A_609 : memref<1x64xf32, #tpu.memory_space<hbm>> -> memref<64xf32, #tpu.memory_space<hbm>>
          tpu.enqueue_dma source(%dma_start3A_610 : memref<64xf32, #tpu.memory_space<hbm>>) target(%dma_start3A_607 : memref<64xf32, #tpu.memory_space<vmem>>) target_semaphore(%dma_start3A_604 : memref<!tpu.dma_semaphore, #tpu.memory_space<semaphore_mem>>)
          %slice3A_611 = vector.extract_strided_slice %get3A_452 {offsets = [8], sizes = [1], strides = [1]} : vector<16xi32> to vector<1xi32>
          %squeeze3A_612 = vector.extract %slice3A_611[0] : i32 from vector<1xi32>
          %add3A_613 = arith.constant 8 : i32
          %add3A_614 = arith.addi %add3A_448, %add3A_613 : i32
          %dma_start3A_615 = arith.constant 3 : i32
          %dma_start3A_616 = arith.constant 3 : i32
          %dma_start3A_617 = arith.constant 0 : i32
          %dma_start3A_618 = tpu.memref_slice %arg6[%dma_start3A_615, %add3A_614, %dma_start3A_617] : memref<4x128x64xf32, #tpu.memory_space<vmem>> -> memref<1x1x64xf32, #tpu.memory_space<vmem>>
          %dma_start3A_619 = tpu.memref_squeeze %dma_start3A_618 : memref<1x1x64xf32, #tpu.memory_space<vmem>> -> memref<64xf32, #tpu.memory_space<vmem>>
          %dma_start3A_620 = arith.constant 0 : i32
          %dma_start3A_621 = tpu.memref_slice %arg2[%squeeze3A_612, %dma_start3A_620] : memref<1000000x64xf32, #tpu.memory_space<hbm>> -> memref<1x64xf32, #tpu.memory_space<hbm>>
          %dma_start3A_622 = tpu.memref_squeeze %dma_start3A_621 : memref<1x64xf32, #tpu.memory_space<hbm>> -> memref<64xf32, #tpu.memory_space<hbm>>
          %dma_start3A_623 = tpu.memref_slice %arg7[%dma_start3A_616] : memref<4x!tpu.dma_semaphore, #tpu.memory_space<semaphore_mem>> -> memref<1x!tpu.dma_semaphore, #tpu.memory_space<semaphore_mem>>
          %dma_start3A_624 = tpu.memref_squeeze %dma_start3A_623 : memref<1x!tpu.dma_semaphore, #tpu.memory_space<semaphore_mem>> -> memref<!tpu.dma_semaphore, #tpu.memory_space<semaphore_mem>>
          %dma_start3A_625 = arith.constant 0 : i32
          %dma_start3A_626 = tpu.memref_slice %arg6[%dma_start3A_615, %add3A_614, %dma_start3A_625] : memref<4x128x64xf32, #tpu.memory_space<vmem>> -> memref<1x1x64xf32, #tpu.memory_space<vmem>>
          %dma_start3A_627 = tpu.memref_squeeze %dma_start3A_626 : memref<1x1x64xf32, #tpu.memory_space<vmem>> -> memref<64xf32, #tpu.memory_space<vmem>>
          %dma_start3A_628 = arith.constant 0 : i32
          %dma_start3A_629 = tpu.memref_slice %arg2[%squeeze3A_612, %dma_start3A_628] : memref<1000000x64xf32, #tpu.memory_space<hbm>> -> memref<1x64xf32, #tpu.memory_space<hbm>>
          %dma_start3A_630 = tpu.memref_squeeze %dma_start3A_629 : memref<1x64xf32, #tpu.memory_space<hbm>> -> memref<64xf32, #tpu.memory_space<hbm>>
          tpu.enqueue_dma source(%dma_start3A_630 : memref<64xf32, #tpu.memory_space<hbm>>) target(%dma_start3A_627 : memref<64xf32, #tpu.memory_space<vmem>>) target_semaphore(%dma_start3A_624 : memref<!tpu.dma_semaphore, #tpu.memory_space<semaphore_mem>>)
          %slice3A_631 = vector.extract_strided_slice %get3A_452 {offsets = [9], sizes = [1], strides = [1]} : vector<16xi32> to vector<1xi32>
          %squeeze3A_632 = vector.extract %slice3A_631[0] : i32 from vector<1xi32>
          %add3A_633 = arith.constant 9 : i32
          %add3A_634 = arith.addi %add3A_448, %add3A_633 : i32
          %dma_start3A_635 = arith.constant 3 : i32
          %dma_start3A_636 = arith.constant 3 : i32
          %dma_start3A_637 = arith.constant 0 : i32
          %dma_start3A_638 = tpu.memref_slice %arg6[%dma_start3A_635, %add3A_634, %dma_start3A_637] : memref<4x128x64xf32, #tpu.memory_space<vmem>> -> memref<1x1x64xf32, #tpu.memory_space<vmem>>
          %dma_start3A_639 = tpu.memref_squeeze %dma_start3A_638 : memref<1x1x64xf32, #tpu.memory_space<vmem>> -> memref<64xf32, #tpu.memory_space<vmem>>
          %dma_start3A_640 = arith.constant 0 : i32
          %dma_start3A_641 = tpu.memref_slice %arg2[%squeeze3A_632, %dma_start3A_640] : memref<1000000x64xf32, #tpu.memory_space<hbm>> -> memref<1x64xf32, #tpu.memory_space<hbm>>
          %dma_start3A_642 = tpu.memref_squeeze %dma_start3A_641 : memref<1x64xf32, #tpu.memory_space<hbm>> -> memref<64xf32, #tpu.memory_space<hbm>>
          %dma_start3A_643 = tpu.memref_slice %arg7[%dma_start3A_636] : memref<4x!tpu.dma_semaphore, #tpu.memory_space<semaphore_mem>> -> memref<1x!tpu.dma_semaphore, #tpu.memory_space<semaphore_mem>>
          %dma_start3A_644 = tpu.memref_squeeze %dma_start3A_643 : memref<1x!tpu.dma_semaphore, #tpu.memory_space<semaphore_mem>> -> memref<!tpu.dma_semaphore, #tpu.memory_space<semaphore_mem>>
          %dma_start3A_645 = arith.constant 0 : i32
          %dma_start3A_646 = tpu.memref_slice %arg6[%dma_start3A_635, %add3A_634, %dma_start3A_645] : memref<4x128x64xf32, #tpu.memory_space<vmem>> -> memref<1x1x64xf32, #tpu.memory_space<vmem>>
          %dma_start3A_647 = tpu.memref_squeeze %dma_start3A_646 : memref<1x1x64xf32, #tpu.memory_space<vmem>> -> memref<64xf32, #tpu.memory_space<vmem>>
          %dma_start3A_648 = arith.constant 0 : i32
          %dma_start3A_649 = tpu.memref_slice %arg2[%squeeze3A_632, %dma_start3A_648] : memref<1000000x64xf32, #tpu.memory_space<hbm>> -> memref<1x64xf32, #tpu.memory_space<hbm>>
          %dma_start3A_650 = tpu.memref_squeeze %dma_start3A_649 : memref<1x64xf32, #tpu.memory_space<hbm>> -> memref<64xf32, #tpu.memory_space<hbm>>
          tpu.enqueue_dma source(%dma_start3A_650 : memref<64xf32, #tpu.memory_space<hbm>>) target(%dma_start3A_647 : memref<64xf32, #tpu.memory_space<vmem>>) target_semaphore(%dma_start3A_644 : memref<!tpu.dma_semaphore, #tpu.memory_space<semaphore_mem>>)
          %slice3A_651 = vector.extract_strided_slice %get3A_452 {offsets = [10], sizes = [1], strides = [1]} : vector<16xi32> to vector<1xi32>
          %squeeze3A_652 = vector.extract %slice3A_651[0] : i32 from vector<1xi32>
          %add3A_653 = arith.constant 10 : i32
          %add3A_654 = arith.addi %add3A_448, %add3A_653 : i32
          %dma_start3A_655 = arith.constant 3 : i32
          %dma_start3A_656 = arith.constant 3 : i32
          %dma_start3A_657 = arith.constant 0 : i32
          %dma_start3A_658 = tpu.memref_slice %arg6[%dma_start3A_655, %add3A_654, %dma_start3A_657] : memref<4x128x64xf32, #tpu.memory_space<vmem>> -> memref<1x1x64xf32, #tpu.memory_space<vmem>>
          %dma_start3A_659 = tpu.memref_squeeze %dma_start3A_658 : memref<1x1x64xf32, #tpu.memory_space<vmem>> -> memref<64xf32, #tpu.memory_space<vmem>>
          %dma_start3A_660 = arith.constant 0 : i32
          %dma_start3A_661 = tpu.memref_slice %arg2[%squeeze3A_652, %dma_start3A_660] : memref<1000000x64xf32, #tpu.memory_space<hbm>> -> memref<1x64xf32, #tpu.memory_space<hbm>>
          %dma_start3A_662 = tpu.memref_squeeze %dma_start3A_661 : memref<1x64xf32, #tpu.memory_space<hbm>> -> memref<64xf32, #tpu.memory_space<hbm>>
          %dma_start3A_663 = tpu.memref_slice %arg7[%dma_start3A_656] : memref<4x!tpu.dma_semaphore, #tpu.memory_space<semaphore_mem>> -> memref<1x!tpu.dma_semaphore, #tpu.memory_space<semaphore_mem>>
          %dma_start3A_664 = tpu.memref_squeeze %dma_start3A_663 : memref<1x!tpu.dma_semaphore, #tpu.memory_space<semaphore_mem>> -> memref<!tpu.dma_semaphore, #tpu.memory_space<semaphore_mem>>
          %dma_start3A_665 = arith.constant 0 : i32
          %dma_start3A_666 = tpu.memref_slice %arg6[%dma_start3A_655, %add3A_654, %dma_start3A_665] : memref<4x128x64xf32, #tpu.memory_space<vmem>> -> memref<1x1x64xf32, #tpu.memory_space<vmem>>
          %dma_start3A_667 = tpu.memref_squeeze %dma_start3A_666 : memref<1x1x64xf32, #tpu.memory_space<vmem>> -> memref<64xf32, #tpu.memory_space<vmem>>
          %dma_start3A_668 = arith.constant 0 : i32
          %dma_start3A_669 = tpu.memref_slice %arg2[%squeeze3A_652, %dma_start3A_668] : memref<1000000x64xf32, #tpu.memory_space<hbm>> -> memref<1x64xf32, #tpu.memory_space<hbm>>
          %dma_start3A_670 = tpu.memref_squeeze %dma_start3A_669 : memref<1x64xf32, #tpu.memory_space<hbm>> -> memref<64xf32, #tpu.memory_space<hbm>>
          tpu.enqueue_dma source(%dma_start3A_670 : memref<64xf32, #tpu.memory_space<hbm>>) target(%dma_start3A_667 : memref<64xf32, #tpu.memory_space<vmem>>) target_semaphore(%dma_start3A_664 : memref<!tpu.dma_semaphore, #tpu.memory_space<semaphore_mem>>)
          %slice3A_671 = vector.extract_strided_slice %get3A_452 {offsets = [11], sizes = [1], strides = [1]} : vector<16xi32> to vector<1xi32>
          %squeeze3A_672 = vector.extract %slice3A_671[0] : i32 from vector<1xi32>
          %add3A_673 = arith.constant 11 : i32
          %add3A_674 = arith.addi %add3A_448, %add3A_673 : i32
          %dma_start3A_675 = arith.constant 3 : i32
          %dma_start3A_676 = arith.constant 3 : i32
          %dma_start3A_677 = arith.constant 0 : i32
          %dma_start3A_678 = tpu.memref_slice %arg6[%dma_start3A_675, %add3A_674, %dma_start3A_677] : memref<4x128x64xf32, #tpu.memory_space<vmem>> -> memref<1x1x64xf32, #tpu.memory_space<vmem>>
          %dma_start3A_679 = tpu.memref_squeeze %dma_start3A_678 : memref<1x1x64xf32, #tpu.memory_space<vmem>> -> memref<64xf32, #tpu.memory_space<vmem>>
          %dma_start3A_680 = arith.constant 0 : i32
          %dma_start3A_681 = tpu.memref_slice %arg2[%squeeze3A_672, %dma_start3A_680] : memref<1000000x64xf32, #tpu.memory_space<hbm>> -> memref<1x64xf32, #tpu.memory_space<hbm>>
          %dma_start3A_682 = tpu.memref_squeeze %dma_start3A_681 : memref<1x64xf32, #tpu.memory_space<hbm>> -> memref<64xf32, #tpu.memory_space<hbm>>
          %dma_start3A_683 = tpu.memref_slice %arg7[%dma_start3A_676] : memref<4x!tpu.dma_semaphore, #tpu.memory_space<semaphore_mem>> -> memref<1x!tpu.dma_semaphore, #tpu.memory_space<semaphore_mem>>
          %dma_start3A_684 = tpu.memref_squeeze %dma_start3A_683 : memref<1x!tpu.dma_semaphore, #tpu.memory_space<semaphore_mem>> -> memref<!tpu.dma_semaphore, #tpu.memory_space<semaphore_mem>>
          %dma_start3A_685 = arith.constant 0 : i32
          %dma_start3A_686 = tpu.memref_slice %arg6[%dma_start3A_675, %add3A_674, %dma_start3A_685] : memref<4x128x64xf32, #tpu.memory_space<vmem>> -> memref<1x1x64xf32, #tpu.memory_space<vmem>>
          %dma_start3A_687 = tpu.memref_squeeze %dma_start3A_686 : memref<1x1x64xf32, #tpu.memory_space<vmem>> -> memref<64xf32, #tpu.memory_space<vmem>>
          %dma_start3A_688 = arith.constant 0 : i32
          %dma_start3A_689 = tpu.memref_slice %arg2[%squeeze3A_672, %dma_start3A_688] : memref<1000000x64xf32, #tpu.memory_space<hbm>> -> memref<1x64xf32, #tpu.memory_space<hbm>>
          %dma_start3A_690 = tpu.memref_squeeze %dma_start3A_689 : memref<1x64xf32, #tpu.memory_space<hbm>> -> memref<64xf32, #tpu.memory_space<hbm>>
          tpu.enqueue_dma source(%dma_start3A_690 : memref<64xf32, #tpu.memory_space<hbm>>) target(%dma_start3A_687 : memref<64xf32, #tpu.memory_space<vmem>>) target_semaphore(%dma_start3A_684 : memref<!tpu.dma_semaphore, #tpu.memory_space<semaphore_mem>>)
          %slice3A_691 = vector.extract_strided_slice %get3A_452 {offsets = [12], sizes = [1], strides = [1]} : vector<16xi32> to vector<1xi32>
          %squeeze3A_692 = vector.extract %slice3A_691[0] : i32 from vector<1xi32>
          %add3A_693 = arith.constant 12 : i32
          %add3A_694 = arith.addi %add3A_448, %add3A_693 : i32
          %dma_start3A_695 = arith.constant 3 : i32
          %dma_start3A_696 = arith.constant 3 : i32
          %dma_start3A_697 = arith.constant 0 : i32
          %dma_start3A_698 = tpu.memref_slice %arg6[%dma_start3A_695, %add3A_694, %dma_start3A_697] : memref<4x128x64xf32, #tpu.memory_space<vmem>> -> memref<1x1x64xf32, #tpu.memory_space<vmem>>
          %dma_start3A_699 = tpu.memref_squeeze %dma_start3A_698 : memref<1x1x64xf32, #tpu.memory_space<vmem>> -> memref<64xf32, #tpu.memory_space<vmem>>
          %dma_start3A_700 = arith.constant 0 : i32
          %dma_start3A_701 = tpu.memref_slice %arg2[%squeeze3A_692, %dma_start3A_700] : memref<1000000x64xf32, #tpu.memory_space<hbm>> -> memref<1x64xf32, #tpu.memory_space<hbm>>
          %dma_start3A_702 = tpu.memref_squeeze %dma_start3A_701 : memref<1x64xf32, #tpu.memory_space<hbm>> -> memref<64xf32, #tpu.memory_space<hbm>>
          %dma_start3A_703 = tpu.memref_slice %arg7[%dma_start3A_696] : memref<4x!tpu.dma_semaphore, #tpu.memory_space<semaphore_mem>> -> memref<1x!tpu.dma_semaphore, #tpu.memory_space<semaphore_mem>>
          %dma_start3A_704 = tpu.memref_squeeze %dma_start3A_703 : memref<1x!tpu.dma_semaphore, #tpu.memory_space<semaphore_mem>> -> memref<!tpu.dma_semaphore, #tpu.memory_space<semaphore_mem>>
          %dma_start3A_705 = arith.constant 0 : i32
          %dma_start3A_706 = tpu.memref_slice %arg6[%dma_start3A_695, %add3A_694, %dma_start3A_705] : memref<4x128x64xf32, #tpu.memory_space<vmem>> -> memref<1x1x64xf32, #tpu.memory_space<vmem>>
          %dma_start3A_707 = tpu.memref_squeeze %dma_start3A_706 : memref<1x1x64xf32, #tpu.memory_space<vmem>> -> memref<64xf32, #tpu.memory_space<vmem>>
          %dma_start3A_708 = arith.constant 0 : i32
          %dma_start3A_709 = tpu.memref_slice %arg2[%squeeze3A_692, %dma_start3A_708] : memref<1000000x64xf32, #tpu.memory_space<hbm>> -> memref<1x64xf32, #tpu.memory_space<hbm>>
          %dma_start3A_710 = tpu.memref_squeeze %dma_start3A_709 : memref<1x64xf32, #tpu.memory_space<hbm>> -> memref<64xf32, #tpu.memory_space<hbm>>
          tpu.enqueue_dma source(%dma_start3A_710 : memref<64xf32, #tpu.memory_space<hbm>>) target(%dma_start3A_707 : memref<64xf32, #tpu.memory_space<vmem>>) target_semaphore(%dma_start3A_704 : memref<!tpu.dma_semaphore, #tpu.memory_space<semaphore_mem>>)
          %slice3A_711 = vector.extract_strided_slice %get3A_452 {offsets = [13], sizes = [1], strides = [1]} : vector<16xi32> to vector<1xi32>
          %squeeze3A_712 = vector.extract %slice3A_711[0] : i32 from vector<1xi32>
          %add3A_713 = arith.constant 13 : i32
          %add3A_714 = arith.addi %add3A_448, %add3A_713 : i32
          %dma_start3A_715 = arith.constant 3 : i32
          %dma_start3A_716 = arith.constant 3 : i32
          %dma_start3A_717 = arith.constant 0 : i32
          %dma_start3A_718 = tpu.memref_slice %arg6[%dma_start3A_715, %add3A_714, %dma_start3A_717] : memref<4x128x64xf32, #tpu.memory_space<vmem>> -> memref<1x1x64xf32, #tpu.memory_space<vmem>>
          %dma_start3A_719 = tpu.memref_squeeze %dma_start3A_718 : memref<1x1x64xf32, #tpu.memory_space<vmem>> -> memref<64xf32, #tpu.memory_space<vmem>>
          %dma_start3A_720 = arith.constant 0 : i32
          %dma_start3A_721 = tpu.memref_slice %arg2[%squeeze3A_712, %dma_start3A_720] : memref<1000000x64xf32, #tpu.memory_space<hbm>> -> memref<1x64xf32, #tpu.memory_space<hbm>>
          %dma_start3A_722 = tpu.memref_squeeze %dma_start3A_721 : memref<1x64xf32, #tpu.memory_space<hbm>> -> memref<64xf32, #tpu.memory_space<hbm>>
          %dma_start3A_723 = tpu.memref_slice %arg7[%dma_start3A_716] : memref<4x!tpu.dma_semaphore, #tpu.memory_space<semaphore_mem>> -> memref<1x!tpu.dma_semaphore, #tpu.memory_space<semaphore_mem>>
          %dma_start3A_724 = tpu.memref_squeeze %dma_start3A_723 : memref<1x!tpu.dma_semaphore, #tpu.memory_space<semaphore_mem>> -> memref<!tpu.dma_semaphore, #tpu.memory_space<semaphore_mem>>
          %dma_start3A_725 = arith.constant 0 : i32
          %dma_start3A_726 = tpu.memref_slice %arg6[%dma_start3A_715, %add3A_714, %dma_start3A_725] : memref<4x128x64xf32, #tpu.memory_space<vmem>> -> memref<1x1x64xf32, #tpu.memory_space<vmem>>
          %dma_start3A_727 = tpu.memref_squeeze %dma_start3A_726 : memref<1x1x64xf32, #tpu.memory_space<vmem>> -> memref<64xf32, #tpu.memory_space<vmem>>
          %dma_start3A_728 = arith.constant 0 : i32
          %dma_start3A_729 = tpu.memref_slice %arg2[%squeeze3A_712, %dma_start3A_728] : memref<1000000x64xf32, #tpu.memory_space<hbm>> -> memref<1x64xf32, #tpu.memory_space<hbm>>
          %dma_start3A_730 = tpu.memref_squeeze %dma_start3A_729 : memref<1x64xf32, #tpu.memory_space<hbm>> -> memref<64xf32, #tpu.memory_space<hbm>>
          tpu.enqueue_dma source(%dma_start3A_730 : memref<64xf32, #tpu.memory_space<hbm>>) target(%dma_start3A_727 : memref<64xf32, #tpu.memory_space<vmem>>) target_semaphore(%dma_start3A_724 : memref<!tpu.dma_semaphore, #tpu.memory_space<semaphore_mem>>)
          %slice3A_731 = vector.extract_strided_slice %get3A_452 {offsets = [14], sizes = [1], strides = [1]} : vector<16xi32> to vector<1xi32>
          %squeeze3A_732 = vector.extract %slice3A_731[0] : i32 from vector<1xi32>
          %add3A_733 = arith.constant 14 : i32
          %add3A_734 = arith.addi %add3A_448, %add3A_733 : i32
          %dma_start3A_735 = arith.constant 3 : i32
          %dma_start3A_736 = arith.constant 3 : i32
          %dma_start3A_737 = arith.constant 0 : i32
          %dma_start3A_738 = tpu.memref_slice %arg6[%dma_start3A_735, %add3A_734, %dma_start3A_737] : memref<4x128x64xf32, #tpu.memory_space<vmem>> -> memref<1x1x64xf32, #tpu.memory_space<vmem>>
          %dma_start3A_739 = tpu.memref_squeeze %dma_start3A_738 : memref<1x1x64xf32, #tpu.memory_space<vmem>> -> memref<64xf32, #tpu.memory_space<vmem>>
          %dma_start3A_740 = arith.constant 0 : i32
          %dma_start3A_741 = tpu.memref_slice %arg2[%squeeze3A_732, %dma_start3A_740] : memref<1000000x64xf32, #tpu.memory_space<hbm>> -> memref<1x64xf32, #tpu.memory_space<hbm>>
          %dma_start3A_742 = tpu.memref_squeeze %dma_start3A_741 : memref<1x64xf32, #tpu.memory_space<hbm>> -> memref<64xf32, #tpu.memory_space<hbm>>
          %dma_start3A_743 = tpu.memref_slice %arg7[%dma_start3A_736] : memref<4x!tpu.dma_semaphore, #tpu.memory_space<semaphore_mem>> -> memref<1x!tpu.dma_semaphore, #tpu.memory_space<semaphore_mem>>
          %dma_start3A_744 = tpu.memref_squeeze %dma_start3A_743 : memref<1x!tpu.dma_semaphore, #tpu.memory_space<semaphore_mem>> -> memref<!tpu.dma_semaphore, #tpu.memory_space<semaphore_mem>>
          %dma_start3A_745 = arith.constant 0 : i32
          %dma_start3A_746 = tpu.memref_slice %arg6[%dma_start3A_735, %add3A_734, %dma_start3A_745] : memref<4x128x64xf32, #tpu.memory_space<vmem>> -> memref<1x1x64xf32, #tpu.memory_space<vmem>>
          %dma_start3A_747 = tpu.memref_squeeze %dma_start3A_746 : memref<1x1x64xf32, #tpu.memory_space<vmem>> -> memref<64xf32, #tpu.memory_space<vmem>>
          %dma_start3A_748 = arith.constant 0 : i32
          %dma_start3A_749 = tpu.memref_slice %arg2[%squeeze3A_732, %dma_start3A_748] : memref<1000000x64xf32, #tpu.memory_space<hbm>> -> memref<1x64xf32, #tpu.memory_space<hbm>>
          %dma_start3A_750 = tpu.memref_squeeze %dma_start3A_749 : memref<1x64xf32, #tpu.memory_space<hbm>> -> memref<64xf32, #tpu.memory_space<hbm>>
          tpu.enqueue_dma source(%dma_start3A_750 : memref<64xf32, #tpu.memory_space<hbm>>) target(%dma_start3A_747 : memref<64xf32, #tpu.memory_space<vmem>>) target_semaphore(%dma_start3A_744 : memref<!tpu.dma_semaphore, #tpu.memory_space<semaphore_mem>>)
          %slice3A_751 = vector.extract_strided_slice %get3A_452 {offsets = [15], sizes = [1], strides = [1]} : vector<16xi32> to vector<1xi32>
          %squeeze3A_752 = vector.extract %slice3A_751[0] : i32 from vector<1xi32>
          %add3A_753 = arith.constant 15 : i32
          %add3A_754 = arith.addi %add3A_448, %add3A_753 : i32
          %dma_start3A_755 = arith.constant 3 : i32
          %dma_start3A_756 = arith.constant 3 : i32
          %dma_start3A_757 = arith.constant 0 : i32
          %dma_start3A_758 = tpu.memref_slice %arg6[%dma_start3A_755, %add3A_754, %dma_start3A_757] : memref<4x128x64xf32, #tpu.memory_space<vmem>> -> memref<1x1x64xf32, #tpu.memory_space<vmem>>
          %dma_start3A_759 = tpu.memref_squeeze %dma_start3A_758 : memref<1x1x64xf32, #tpu.memory_space<vmem>> -> memref<64xf32, #tpu.memory_space<vmem>>
          %dma_start3A_760 = arith.constant 0 : i32
          %dma_start3A_761 = tpu.memref_slice %arg2[%squeeze3A_752, %dma_start3A_760] : memref<1000000x64xf32, #tpu.memory_space<hbm>> -> memref<1x64xf32, #tpu.memory_space<hbm>>
          %dma_start3A_762 = tpu.memref_squeeze %dma_start3A_761 : memref<1x64xf32, #tpu.memory_space<hbm>> -> memref<64xf32, #tpu.memory_space<hbm>>
          %dma_start3A_763 = tpu.memref_slice %arg7[%dma_start3A_756] : memref<4x!tpu.dma_semaphore, #tpu.memory_space<semaphore_mem>> -> memref<1x!tpu.dma_semaphore, #tpu.memory_space<semaphore_mem>>
          %dma_start3A_764 = tpu.memref_squeeze %dma_start3A_763 : memref<1x!tpu.dma_semaphore, #tpu.memory_space<semaphore_mem>> -> memref<!tpu.dma_semaphore, #tpu.memory_space<semaphore_mem>>
          %dma_start3A_765 = arith.constant 0 : i32
          %dma_start3A_766 = tpu.memref_slice %arg6[%dma_start3A_755, %add3A_754, %dma_start3A_765] : memref<4x128x64xf32, #tpu.memory_space<vmem>> -> memref<1x1x64xf32, #tpu.memory_space<vmem>>
          %dma_start3A_767 = tpu.memref_squeeze %dma_start3A_766 : memref<1x1x64xf32, #tpu.memory_space<vmem>> -> memref<64xf32, #tpu.memory_space<vmem>>
          %dma_start3A_768 = arith.constant 0 : i32
          %dma_start3A_769 = tpu.memref_slice %arg2[%squeeze3A_752, %dma_start3A_768] : memref<1000000x64xf32, #tpu.memory_space<hbm>> -> memref<1x64xf32, #tpu.memory_space<hbm>>
          %dma_start3A_770 = tpu.memref_squeeze %dma_start3A_769 : memref<1x64xf32, #tpu.memory_space<hbm>> -> memref<64xf32, #tpu.memory_space<hbm>>
          tpu.enqueue_dma source(%dma_start3A_770 : memref<64xf32, #tpu.memory_space<hbm>>) target(%dma_start3A_767 : memref<64xf32, #tpu.memory_space<vmem>>) target_semaphore(%dma_start3A_764 : memref<!tpu.dma_semaphore, #tpu.memory_space<semaphore_mem>>)
        }
        %scan3A_443 = arith.constant 8 : i32
      } else {
      }
      %add3A_355 = arith.constant 4 : i32
      %add3A_356 = arith.addi %add3A_282, %add3A_355 : i32
      %ge3A_357 = arith.constant 104 : i32
      %ge3A_358 = arith.cmpi sge, %add3A_356, %ge3A_357 : i32
      %convert_element_type3A_359 = arith.extui %ge3A_358 : i1 to i32
      %cond3A_360 = arith.constant 0 : i32
      %cond3A_361 = arith.cmpi ne, %convert_element_type3A_359, %cond3A_360 : i32
      scf.if %cond3A_361 {
        %jit3A_362 = arith.constant 4 : i32
        %div3A_363 = arith.divsi %add3A_282, %jit3A_362 : i32
        %sign3A_364 = arith.constant 0 : i32
        %sign3A_365 = arith.cmpi sgt, %add3A_282, %sign3A_364 : i32
        %sign3A_366 = arith.extui %sign3A_365 : i1 to i32
        %sign3A_367 = arith.constant 0 : i32
        %sign3A_368 = arith.cmpi slt, %add3A_282, %sign3A_367 : i32
        %sign3A_369 = arith.extui %sign3A_368 : i1 to i32
        %sign3A_370 = arith.subi %sign3A_366, %sign3A_369 : i32
        %sign3A_371 = arith.constant 0 : i32
        %sign3A_372 = arith.cmpi sgt, %jit3A_362, %sign3A_371 : i32
        %sign3A_373 = arith.extui %sign3A_372 : i1 to i32
        %sign3A_374 = arith.constant 0 : i32
        %sign3A_375 = arith.cmpi slt, %jit3A_362, %sign3A_374 : i32
        %sign3A_376 = arith.extui %sign3A_375 : i1 to i32
        %sign3A_377 = arith.subi %sign3A_373, %sign3A_376 : i32
        %ne3A_378 = arith.cmpi ne, %sign3A_370, %sign3A_377 : i32
        %rem3A_379 = arith.remsi %add3A_282, %jit3A_362 : i32
        %ne3A_380 = arith.constant 0 : i32
        %ne3A_381 = arith.cmpi ne, %rem3A_379, %ne3A_380 : i32
        %and3A_382 = arith.andi %ne3A_378, %ne3A_381 : i1
        %sub3A_383 = arith.constant 1 : i32
        %sub3A_384 = arith.subi %div3A_363, %sub3A_383 : i32
        %select_n3A_385 = arith.select %and3A_382, %sub3A_384, %div3A_363 : i32
        %rem3A_386 = arith.constant 4 : i32
        %rem3A_387 = arith.remsi %add3A_282, %rem3A_386 : i32
        %mul3A_388 = arith.constant 128 : i32
        %mul3A_389 = arith.muli %rem3A_387, %mul3A_388 : i32
        %add3A_390 = arith.addi %mul3A_2, %mul3A_389 : i32
        %dma_wait3A_391 = arith.constant 3 : i32
        %dma_wait3A_392 = arith.constant 3 : i32
        %dma_wait3A_393 = arith.constant 0 : i32
        %dma_wait3A_394 = arith.constant 0 : i32
        %dma_wait3A_395 = tpu.memref_slice %arg6[%dma_wait3A_391, %dma_wait3A_393, %dma_wait3A_394] : memref<4x128x64xf32, #tpu.memory_space<vmem>> -> memref<1x128x64xf32, #tpu.memory_space<vmem>>
        %dma_wait3A_396 = tpu.memref_squeeze %dma_wait3A_395 : memref<1x128x64xf32, #tpu.memory_space<vmem>> -> memref<128x64xf32, #tpu.memory_space<vmem>>
        %dma_wait3A_397 = arith.constant 0 : i32
        %dma_wait3A_398 = tpu.memref_slice %arg4[%add3A_390, %select_n3A_385, %dma_wait3A_397] : memref<16384x26x64xf32, #tpu.memory_space<hbm>> -> memref<128x1x64xf32, #tpu.memory_space<hbm>>
        %dma_wait3A_399 = tpu.memref_squeeze %dma_wait3A_398 : memref<128x1x64xf32, #tpu.memory_space<hbm>> -> memref<128x64xf32, #tpu.memory_space<hbm>>
        %dma_wait3A_400 = tpu.memref_slice %arg8[%dma_wait3A_392] : memref<4x!tpu.dma_semaphore, #tpu.memory_space<semaphore_mem>> -> memref<1x!tpu.dma_semaphore, #tpu.memory_space<semaphore_mem>>
        %dma_wait3A_401 = tpu.memref_squeeze %dma_wait3A_400 : memref<1x!tpu.dma_semaphore, #tpu.memory_space<semaphore_mem>> -> memref<!tpu.dma_semaphore, #tpu.memory_space<semaphore_mem>>
        %dma_wait3A_402 = arith.constant 0 : i32
        %dma_wait3A_403 = tpu.memref_slice %arg4[%add3A_390, %select_n3A_385, %dma_wait3A_402] : memref<16384x26x64xf32, #tpu.memory_space<hbm>> -> memref<128x1x64xf32, #tpu.memory_space<hbm>>
        %dma_wait3A_404 = tpu.memref_squeeze %dma_wait3A_403 : memref<128x1x64xf32, #tpu.memory_space<hbm>> -> memref<128x64xf32, #tpu.memory_space<hbm>>
        %dma_wait3A_405 = arith.constant 0 : i32
        %dma_wait3A_406 = arith.constant 0 : i32
        %dma_wait3A_407 = tpu.memref_slice %arg6[%dma_wait3A_391, %dma_wait3A_405, %dma_wait3A_406] : memref<4x128x64xf32, #tpu.memory_space<vmem>> -> memref<1x128x64xf32, #tpu.memory_space<vmem>>
        %dma_wait3A_408 = tpu.memref_squeeze %dma_wait3A_407 : memref<1x128x64xf32, #tpu.memory_space<vmem>> -> memref<128x64xf32, #tpu.memory_space<vmem>>
        tpu.wait_dma2 semaphore(%dma_wait3A_401 : memref<!tpu.dma_semaphore, #tpu.memory_space<semaphore_mem>>) src(%dma_wait3A_408 : memref<128x64xf32, #tpu.memory_space<vmem>>) dst(%dma_wait3A_404 : memref<128x64xf32, #tpu.memory_space<hbm>>)
      } else {
      }
    }
    %scan3A_45 = arith.constant 26 : i32
    return
  }
}

</mosaic_0001>

<sc_bundles>
// kernel: kernel.3.cloned.1.call-start
scs
__scs_entry_jumppad:
0x0: {  	(pc) =	sbr.rel $0x88, $3  }
0x1: {  	(tag) =	ssettag $0x0;
	lr =	simm.s32 $0x1  }
0x2: {  	[smem:$0x3F9F] =	sst lr;
	_ =	strace $0xD0000000  }
0x3: {  	_ = 	snop  }
0x4: {  	_ = 	snop  }
0x5: {  	_ = 	snop  }
0x6: {  	_ = 	snop  }
0x7: {  	_ = 	snop  }
__scs_overlays_trampoline_lowered:
0x8: {  	[smem:$0x3FAE] =	sst s0  }
0x9: {  	[smem:$0x3FAF] =	sst s1  }
0xa: {  	[smem:$0x3FB0] =	sst s2  }
0xb: {  	[smem:$0x3FB1] =	sst s3  }
0xc: {  	[smem:$0x3FB2] =	sst s4  }
0xd: {  	[smem:$0x3FB3] =	sst s5  }
0xe: {  	[smem:$0x3FB4] =	sst s6  }
0xf: {  	[smem:$0x3FB5] =	sst s7  }
0x10: {  	[smem:$0x3FB6] =	sst s8  }
0x11: {  	[smem:$0x3FB7] =	sst s9;
	s0 =	simm.s32 @!p0 $0x0  }
0x12: {  	s1 =	sld [smem:$0x3F9D];
	s0 =	simm.s32 @p0 $0x1  }
0x13: {  	[smem:$0x3FB8] =	sst s0;
	s0 =	simm.s32 @!p1 $0x0  }
0x14: {  	s2 =	sld [smem:$0x3F9C];
	s0 =	simm.s32 @p1 $0x1  }
0x15: {  	[smem:$0x3FB9] =	sst s0;
	s0 =	simm.s32 @!p2 $0x0  }
0x16: {  	s3 =	sld [smem:$0x3FDB];
	s0 =	simm.s32 @p2 $0x1  }
0x17: {  	s4 =	simm.s32 $0x1BF5;
	[smem:$0x3FBB] =	sst s0  }
0x18: {  	s0 =	sld [smem:$0x3F9E];
	_ =	swait.ge [sflag:s4], $0x0  }
0x19: {  	s7 =	sld [smem:$0x3F9F]  }
0x1a: {  	s8 =	sadd.s32 $0xFFFFE003, lr  }
0x1b: {  	s9 =	sadd.s32 $0xFFFFFEF7, lr;
	s5 =	simm.s32 $0xFFFFFFFF;
	p2 =	slt.u32 s8, $0xFFFFF086  }
0x1c: {  	p1 =	slt.u32 s9, $0xF7A;
	s5 =	simm.s32 @!p2 $0x0  }
0x1d: {  	s5 =	simm.s32 @p1 $0x1;
	p0 =	seq.s32 s7, s2  }
0x1e: {  	s7 =	smul.u32 @!p0 $0xF7A, s2;
	p2 =	seq.s32 @!p0 s5, $0x0  }
0x1f: {  	s9 =	smul.u32 $0xF7A, s1;
	s8 =	simm.s32 @!p0 $0x1BF5;
	p2 =	por !p2, p0  }
0x20: {  	[sflag:s8] =	ssyncset.s32 @!p0 $0xFFFFF086;
	s6 =	sadd.s32 @!p0 s3, s7;
	s7 =	simm.s32 @!p0 $0x108  }
0x21: {  	s3 =	sadd.s32 s3, s9;
	s6 =	sadd.s32 @!p0 $0x88, s6;
	s7 =	simm.s32 @p2 $0x1082  }
0x22: {  	[simem:s7], [sflag:s8] =	dma.local @!p0 [hbm:s6], $0xF7A  }
0x23: {  	s9 =	sor.u32 $0xD0000000, s2;
	s6 =	simm.s32 $0x108;
	_ =	swait.ge @!p0 [sflag:s8], $0x0  }
0x24: {  	s3 =	sadd.s32 $0x88, s3;
	s6 =	simm.s32 @!p1 $0x1082;
	[sflag:s4] =	ssyncset.s32 $0xFFFFF086  }
0x25: {  	[simem:s6], [sflag:s4] =	dma.local [hbm:s3], $0xF7A  }
0x26: {  	[smem:$0x3F9F] =	sst s1;
	(tag) =	ssettag s2;
	_ =	strace s9  }
0x27: {  	s1 =	sld [smem:$0x3FAF]  }
0x28: {  	s2 =	sld [smem:$0x3FB0]  }
0x29: {  	s4 =	sld [smem:$0x3FB2]  }
0x2a: {  	p0 =	seq.s32 s5, $0x0;
	s5 =	sld [smem:$0x3FB3]  }
0x2b: {  	s6 =	sld [smem:$0x3FB4]  }
0x2c: {  	s7 =	sld [smem:$0x3FB5]  }
0x2d: {  	s3 =	simm.s32 $0x108;
	s8 =	sld [smem:$0x3FB6]  }
0x2e: {  	s3 =	simm.s32 @!p0 $0x1082;
	s9 =	sld [smem:$0x3FB7]  }
0x2f: {  	lr =	sadd.s32 s0, s3;
	s0 =	sld [smem:$0x3FAE]  }
0x30: {  	s3 =	sld [smem:$0x3FB1]  }
0x31: {  	[smem:$0x3FBA] =	sst s10  }
0x32: {  	s10 =	sld [smem:$0x3FB8];
	_ =	sdelay $0x3  }
0x33: {  	p0 =	seq.s32 s10, $0x1;
	s10 =	sld [smem:$0x3FBA];
	_ =	sdelay $0x3  }
0x34: {  	[smem:$0x3FBA] =	sst s10  }
0x35: {  	s10 =	sld [smem:$0x3FB9];
	_ =	sdelay $0x3  }
0x36: {  	p1 =	seq.s32 s10, $0x1;
	s10 =	sld [smem:$0x3FBA];
	_ =	sdelay $0x3  }
0x37: {  	[smem:$0x3FBA] =	sst s10  }
0x38: {  	s10 =	sld [smem:$0x3FBB]  }
0x39: {  	_ = 	snop;
	(pc) =	sbr.ind lr, $3  }
0x3a: {  	_ = 	snop  }
0x3b: {  	_ = 	snop  }
0x3c: {  	p2 =	seq.s32 s10, $0x1;
	s10 =	sld [smem:$0x3FBA]  }
0x3d: {  	_ =	shalt  }
0x3e: {  	_ =	shalt  }
0x3f: {  	_ =	shalt  }
0x40: {  	_ =	shalt  }
0x41: {  	_ =	shalt  }
0x42: {  	_ =	shalt  }
0x43: {  	_ =	shalt  }
0x44: {  	_ =	shalt  }
0x45: {  	_ =	shalt  }
0x46: {  	_ =	shalt  }
0x47: {  	_ =	shalt  }
0x48: {  	_ =	shalt  }
0x49: {  	_ =	shalt  }
0x4a: {  	_ =	shalt  }
0x4b: {  	_ =	shalt  }
0x4c: {  	_ =	shalt  }
0x4d: {  	_ =	shalt  }
0x4e: {  	_ =	shalt  }
0x4f: {  	_ =	shalt  }
0x50: {  	_ =	shalt  }
0x51: {  	_ =	shalt  }
0x52: {  	_ =	shalt  }
0x53: {  	_ =	shalt  }
0x54: {  	_ =	shalt  }
0x55: {  	_ =	shalt  }
0x56: {  	_ =	shalt  }
0x57: {  	_ =	shalt  }
0x58: {  	_ =	shalt  }
0x59: {  	_ =	shalt  }
0x5a: {  	_ =	shalt  }
0x5b: {  	_ =	shalt  }
0x5c: {  	_ =	shalt  }
0x5d: {  	_ =	shalt  }
0x5e: {  	_ =	shalt  }
0x5f: {  	_ =	shalt  }
0x60: {  	_ =	shalt  }
0x61: {  	_ =	shalt  }
0x62: {  	_ =	shalt  }
0x63: {  	_ =	shalt  }
0x64: {  	_ =	shalt  }
0x65: {  	_ =	shalt  }
0x66: {  	_ =	shalt  }
0x67: {  	_ =	shalt  }
0x68: {  	_ =	shalt  }
0x69: {  	_ =	shalt  }
0x6a: {  	_ =	shalt  }
0x6b: {  	_ =	shalt  }
0x6c: {  	_ =	shalt  }
0x6d: {  	_ =	shalt  }
0x6e: {  	_ =	shalt  }
0x6f: {  	_ =	shalt  }
0x70: {  	_ =	shalt  }
0x71: {  	_ =	shalt  }
0x72: {  	_ =	shalt  }
0x73: {  	_ =	shalt  }
0x74: {  	_ =	shalt  }
0x75: {  	_ =	shalt  }
0x76: {  	_ =	shalt  }
0x77: {  	_ =	shalt  }
0x78: {  	_ =	shalt  }
0x79: {  	_ =	shalt  }
0x7a: {  	_ =	shalt  }
0x7b: {  	_ =	shalt  }
0x7c: {  	_ =	shalt  }
0x7d: {  	_ =	shalt  }
0x7e: {  	_ =	shalt  }
0x7f: {  	_ =	shalt  }
0x80: {  	_ =	shalt  }
0x81: {  	_ =	shalt  }
0x82: {  	_ =	shalt  }
0x83: {  	_ =	shalt  }
0x84: {  	_ =	shalt  }
0x85: {  	_ =	shalt  }
0x86: {  	_ =	shalt  }
0x87: {  	_ =	shalt  }
.Lfunc_end0:
.L_simem_size_0:
called_computation.1_lowered:
.L_overlay_start_0:
0x88: {  	s2 =	sld [smem:$0x3FD9]  }
0x89: {  	s3 =	sld [smem:$0x3FFE];
	_ =	sdelay $0x1  }
0x8a: {  	s1 =	srdreg.scid  }
0x8b: {  	s0 =	sand.u32 $0x1, s1  }
0x8c: {  	s17 =	sshll.u32 s0, $0xA;
	s2 =	sadd.s32 s3, s2  }
0x8d: {  	s2 =	sadd.s32 s2, s17  }
0x8e: {  	[smem:$0x3FC6] =	sst s2  }
0x8f: {  	_ = 	snop  }
0x90: {  	s2 =	sld [smem:$0x3FC9];
	(tm) =	ssettm $0x1  }
0x91: {  	s18 =	sld [smem:$0x3FFB];
	_ =	sdelay $0x3  }
0x92: {  	_ =	strace s18  }
0x93: {  	s3 =	sld [smem:$0x3FFC];
	_ =	sdelay $0x3  }
0x94: {  	_ =	strace s3  }
0x95: {  	s3 =	sld [smem:$0x3FFD];
	_ =	sdelay $0x3  }
0x96: {  	_ =	strace s3  }
0x97: {  	_ =	strace $0x8FFFFFFF  }
0x98: {  	s19 =	sld [smem:$0x3FDB];
	_ =	sdelay $0x1  }
0x99: {  	s4 =	simm.s32 $_scs_section_size  }
0x9a: {  	s5 =	simm.s32 $_size__tile_overlayer_lowered;
	s6 =	simm.s32 $_tile_overlayer_lowered  }
0x9b: {  	s22 =	simm.s32 $0x1BFF;
	s21 =	sshll.u32 s6, $0x1;
	s3 =	sadd.s32 s4, s19  }
0x9c: {  	s7 =	simm.s32 $0x0;
	s20 =	sshll.u32 s5, $0x1;
	s5 =	sadd.s32 s21, s3  }
0x9d: {  	[timem:s7], [sflag:s22] =	dma.local [hbm:s5], s20  }
0x9e: {  	_ =	swait.ge [sflag:s22], s20  }
0x9f: {  	s4 =	ssub.s32 $0x0, s20;
	[sflag:s22] =	ssyncset.done $0x0  }
0xa0: {  	[sflag:s22] =	ssyncadd.s32 s4;
	_ =	sdelay $0x1  }
0xa1: {  	s23 =	simm.s32 $0x1B8B  }
0xa2: {  	_ =	swait.ge [sflag:s23], $0x1  }
0xa3: {  	[sflag:s23] =	ssyncset.done $0x0  }
0xa4: {  	s25 =	simm.s32 $0x1B8E;
	s24 =	sld [smem:$0x3FFE];
	[sflag:s23] =	ssyncadd.s32 $0xFFFFFFFF  }
0xa5: {  	s26 =	simm.s32 $execute0_lowered;
	[smem:$0x3FD2] =	sst s25  }
0xa6: {  	s5 =	sshll.u32 s26, $0x1;
	_ =	strace $0x80000046;
	[dreg:$0x1] =	wrdreg $0xFFFFFFFF  }
0xa7: {  	s28 =	simm.s32 $_size_execute0_lowered;
	s3 =	sadd.s32 s3, s5;
	[dreg:$0x0] =	wrdreg $0x0  }
0xa8: {  	s5 =	sshll.u32 s28, $0x1;
	[dreg:$0x2] =	wrdreg s3  }
0xa9: {  	[dreg:$0x3] =	wrdreg s5  }
0xaa: {  	[dreg:$0x4] =	wrdreg $0xC0  }
0xab: {  	_ =	task [dreg:s7], $0x5FFFF  }
0xac: {  	[dreg:$0x1] =	wrdreg $0xFFFFFFFF  }
0xad: {  	[dreg:$0x0] =	wrdreg $0x60  }
0xae: {  	[dreg:$0x2] =	wrdreg s24  }
0xaf: {  	[dreg:$0x3] =	wrdreg s2  }
0xb0: {  	[dreg:$0x4] =	wrdreg $0x9  }
0xb1: {  	_ =	task.clear_ibuf [dreg:s7], $0x5FFFF;
	_ =	strace $0x90000046  }
0xb2: {  	s29 =	simm.s32 $0x9;
	_ =	strace $0x80000048  }
0xb3: {  	_ =	swait.ge [sflag:s29], $0x1  }
0xb4: {  	[sflag:s29] =	ssyncadd.s32 $0xFFFFFFFF  }
0xb5: {  	_ =	strace $0x90000048  }
0xb6: {  	_ =	sfence  }
0xb7: {  	s30 =	sld [smem:$0x0];
	_ =	sdelay $0x2  }
0xb8: {  	s31 =	sshll.u32 s1, $0xD;
	s1 =	sshrl.u32 s1, $0x2  }
0xb9: {  	s3 =	sand.u32 $0x4000, s31;
	s1 =	sadd.s32 s1, s30  }
0xba: {  	s0 =	sor.u32 s3, s0;
	s1 =	sshll.u32 s1, $0x11  }
0xbb: {  	s0 =	sor.u32 s1, s0  }
0xbc: {  	s0 =	sadd.s32 $0x8F2B, s0  }
0xbd: {  	[sflag:s0] =	ssyncadd.remote.s32 $0x1  }
0xbe: {  	_ =	sfence.sel $0xFFFF  }
0xbf: {  	[dreg:$0x0] =	wrdreg $0xFFFFFFFF;
	(pc) =	sbr.abs _section_cstart, $3  }
0xc0: {  	[dreg:$0x1] =	wrdreg $0xFFFFFFFF  }
0xc1: {  	_ =	task.clear_ibuf [dreg:s7], $0x2FFFF;
	_ =	strace $0x9FFFFFFF  }
0xc2: {  	(tm) =	ssettm $0x7FFFFFFF  }
0xc3: {  	_ =	shalt  }
tec
execute0_lowered:
.L_overlay_start_1:
0x0: {  	(tag) =	ssettag $0x1  }
0x1: {  	s0 =	rddreg [dreg:$0x0]  }
0x2: {  	s2 =	rddreg [dreg:$0x1]  }
0x3: {  	s1 =	simm.s32 $0x0;
	s4 =	srdreg.scid;
	s6 =	stileid.u32  }
0x4: {  	s11 =	simm.s32 $0x1000;
	s15 =	simm.s32 $0x80;
	[smem:$0x7FF] =	sst s1  }
0x5: {  	s3 =	sadd.s32 $0x800, s0;
	s6 =	sshll.u32 s6, $0xA;
	s7 =	sadd.s32 $0xF42C00, s0  }
0x6: {  	s4 =	sand.u32 $0x1, s4;
	s29 =	sadd.s32 $0xF52C00, s0;
	s30 =	sadd.s32 $0xF62C00, s0  }
0x7: {  	s0 =	sadd.s32 $0xF72C00, s0;
	_ =	strace $0x80000047;
	[dreg:$0x3] =	wrdreg s7  }
0x8: {  	s5 =	ssub.s32 $0x2, s4;
	s4 =	sshll.u32 s4, $0x9;
	[dreg:$0x5] =	wrdreg s29  }
.Ltmp0:
0x9: {  	[dreg:$0x7] =	wrdreg s30;
	s4 =	sor.u32 s4, s6;
	(pc) =	sbr.rel .LBB2_1-.Ltmp0, $4  }
0xa: {  	[dreg:$0x8] =	wrdreg s0;
	s28 =	sshrl.u32 s5, $0x1;
	s6 =	sshll.u32 s4, $0x9  }
0xb: {  	s5 =	ssub.s32 s5, s28;
	s2 =	sadd.s32 s2, s4;
	[dreg:$0x4] =	wrdreg s6  }
0xc: {  	s24 =	simm.s32 $0x4;
	[dreg:$0x6] =	wrdreg s2;
	s31 =	smax.u32 s5, $0x1  }
0xd: {  	s26 =	simm.s32 $0x8;
	s2 =	simm.s32 $0x0;
	[dreg:$0x9] =	wrdreg s31  }
.LBB2_28:
0xe: {  	s2 =	rddreg [dreg:$0xa]  }
0xf: {  	s0 =	rddreg [dreg:$0x9];
	s2 =	sadd.s32 $0x1, s2  }
0x10: {  	p0 =	sne.s32 s2, s0  }
.Ltmp1:
0x11: {  	_ = 	snop;
	(pc) =	sbr.rel @!p0 .LBB2_29-.Ltmp1, $1  }
0x12: {  	_ =	sdelay $0x3  }
.LBB2_1:
0x13: {  	[dreg:$0xa] =	wrdreg s2  }
0x14: {  	s0 =	rddreg [dreg:$0x6];
	s30 =	simm.s32 $0x20000;
	s31 =	simm.s32 $0x9  }
0x15: {  	[tilespmem:s1], [sflag:$0x9] =	stream.strided.gather [hbm4b:s0+s11], $0x4000, s30, s11, $0x38;
	[tilespmem:$0x14000] =	vst v63  }
0x16: {  	_ =	swait.ge [sflag:s31], $0x4000  }
0x17: {  	[sflag:s31] =	ssyncset.done $0x0  }
0x18: {  	[sflag:s31] =	ssyncadd.s32 $0xFFFFC000  }
0x19: {  	v0 =	vld [tilespmem:s1+$0x0];
	_ =	sdelay $0x4  }
0x1a: {  	v0 =	vshll.u32 v0, $0x4  }
0x1b: {  	(v2sf) =	vpush v0, $0x0  }
0x1c: {  	(v2sf) =	vpush v0, $0x1  }
0x1d: {  	(v2sf) =	vpush v0, $0x2;
	_ =	sdelay $0x1  }
0x1e: {  	(v2sf) =	vpush v0, $0x4;
	_ =	sdelay $0x1  }
0x1f: {  	(v2sf) =	vpush v0, $0x3  }
0x20: {  	(v2sf) =	vpush v0, $0x5  }
0x21: {  	s7 =	simm.s32 $0x2000;
	s2 =	simm.s32 $0x0;
	s10 =	simm.s32 $0x0;
	(v2sf) =	vpush v0, $0x6  }
.LBB2_2:
0x22: {  	p0 =	sne.s32 s7, $0xE000  }
0x23: {  	s6 =	sadd.s32 $0x4080, s2;
	s30 =	sadd.s32 $0x4580, s2;
	s12 =	smov.u32 s7  }
0x24: {  	s7 =	sadd.s32 $0x2000, s7;
	s22 =	sadd.s32 $0x4380, s2;
	s13 =	sadd.s32 $0x4600, s2;
	(v2sf) =	vpush v0, $0x7  }
0x25: {  	s5 =	sadd.s32 $0x4280, s2;
	s16 =	sadd.s32 $0x4400, s2;
	s29 =	sadd.s32 $0x4680, s2  }
0x26: {  	s25 =	sadd.s32 $0x4000, s2;
	s28 =	sadd.s32 $0x4200, s2;
	(v2sf) =	vpush v0, $0x8  }
0x27: {  	s0 =	simm.s32 $0x0;
	s31 =	sadd.s32 $0x4300, s2;
	s10 =	sadd.s32 $0x10, s10  }
0x28: {  	s8 =	sadd.s32 $0x4100, s2;
	s19 =	sadd.s32 $0x4500, s2;
	s4 =	spop (v2sf);
	(v2sf) =	vpush v0, $0x9  }
0x29: {  	s9 =	sand.u32 $0x1FFFFFF0, s4;
	s4 =	sadd.s32 $0x4480, s2;
	s14 =	spop (v2sf)  }
0x2a: {  	s9 =	sadd.s32 s3, s9;
	s14 =	sand.u32 $0x1FFFFFF0, s14;
	s17 =	spop (v2sf);
	(v2sf) =	vpush v0, $0xA  }
0x2b: {  	[tilespmem:s25], [sflag:$0x1] =	stream.linear.gather [hbm4b:s9+s0], $0x80, $0x38;
	[tilespmem:$0x14000] =	vst v63  }
0x2c: {  	s9 =	sadd.s32 s3, s14;
	s14 =	sadd.s32 $0x4180, s2;
	s25 =	spop (v2sf);
	(v2sf) =	vpush v0, $0xB  }
0x2d: {  	[tilespmem:s6], [sflag:$0x1] =	stream.linear.gather [hbm4b:s9+s0], $0x80, $0x38;
	[tilespmem:$0x14000] =	vst v63  }
0x2e: {  	s6 =	sand.u32 $0x1FFFFFF0, s17;
	s9 =	sand.u32 $0x1FFFFFF0, s25;
	s17 =	spop (v2sf);
	(v2sf) =	vpush v0, $0xC  }
0x2f: {  	s6 =	sadd.s32 s3, s6;
	s17 =	sand.u32 $0x1FFFFFF0, s17;
	s25 =	spop (v2sf)  }
0x30: {  	[tilespmem:s8], [sflag:$0x1] =	stream.linear.gather [hbm4b:s6+s0], $0x80, $0x38;
	(v2sf) =	vpush v0, $0xD;
	[tilespmem:$0x14000] =	vst v63  }
0x31: {  	s6 =	sadd.s32 s3, s17;
	s8 =	sand.u32 $0x1FFFFFF0, s25;
	s17 =	spop (v2sf)  }
0x32: {  	[tilespmem:s14], [sflag:$0x1] =	stream.linear.gather [hbm4b:s6+s0], $0x80, $0x38;
	(v2sf) =	vpush v0, $0xE;
	[tilespmem:$0x14000] =	vst v63  }
0x33: {  	s6 =	sadd.s32 s3, s9;
	s9 =	sand.u32 $0x1FFFFFF0, s17;
	s14 =	spop (v2sf)  }
0x34: {  	[tilespmem:s28], [sflag:$0x1] =	stream.linear.gather [hbm4b:s6+s0], $0x80, $0x38;
	(v2sf) =	vpush v0, $0xF;
	[tilespmem:$0x14000] =	vst v63  }
0x35: {  	s6 =	sadd.s32 s3, s8;
	s8 =	sand.u32 $0x1FFFFFF0, s14;
	s14 =	spop (v2sf)  }
0x36: {  	[tilespmem:s5], [sflag:$0x1] =	stream.linear.gather [hbm4b:s6+s0], $0x80, $0x38;
	[tilespmem:$0x14000] =	vst v63  }
0x37: {  	s5 =	sadd.s32 s3, s9;
	s6 =	sand.u32 $0x1FFFFFF0, s14;
	s9 =	spop (v2sf)  }
0x38: {  	[tilespmem:s31], [sflag:$0x1] =	stream.linear.gather [hbm4b:s5+s0], $0x80, $0x38;
	[tilespmem:$0x14000] =	vst v63  }
0x39: {  	s5 =	sadd.s32 s3, s8;
	s8 =	sand.u32 $0x1FFFFFF0, s9;
	s9 =	spop (v2sf)  }
0x3a: {  	[tilespmem:s22], [sflag:$0x1] =	stream.linear.gather [hbm4b:s5+s0], $0x80, $0x38;
	[tilespmem:$0x14000] =	vst v63  }
0x3b: {  	s5 =	sadd.s32 s3, s6;
	s6 =	sand.u32 $0x1FFFFFF0, s9;
	s9 =	spop (v2sf)  }
0x3c: {  	[tilespmem:s16], [sflag:$0x1] =	stream.linear.gather [hbm4b:s5+s0], $0x80, $0x38;
	[tilespmem:$0x14000] =	vst v63  }
0x3d: {  	s5 =	sadd.s32 s3, s8;
	s8 =	sand.u32 $0x1FFFFFF0, s9;
	s9 =	spop (v2sf)  }
0x3e: {  	[tilespmem:s4], [sflag:$0x1] =	stream.linear.gather [hbm4b:s5+s0], $0x80, $0x38;
	[tilespmem:$0x14000] =	vst v63  }
0x3f: {  	s4 =	sadd.s32 s3, s6;
	s5 =	sand.u32 $0x1FFFFFF0, s9;
	s6 =	spop (v2sf)  }
0x40: {  	[tilespmem:s19], [sflag:$0x1] =	stream.linear.gather [hbm4b:s4+s0], $0x80, $0x38;
	[tilespmem:$0x14000] =	vst v63  }
0x41: {  	s4 =	sadd.s32 s3, s8;
	s6 =	sand.u32 $0x1FFFFFF0, s6;
	s8 =	spop (v2sf)  }
0x42: {  	[tilespmem:s30], [sflag:$0x1] =	stream.linear.gather [hbm4b:s4+s0], $0x80, $0x38;
	[tilespmem:$0x14000] =	vst v63  }
0x43: {  	s4 =	sadd.s32 s3, s5;
	s5 =	sand.u32 $0x1FFFFFF0, s8;
	s8 =	spop (v2sf)  }
0x44: {  	[tilespmem:s13], [sflag:$0x1] =	stream.linear.gather [hbm4b:s4+s0], $0x80, $0x38;
	[tilespmem:$0x14000] =	vst v63  }
0x45: {  	s4 =	sadd.s32 s3, s6;
	s6 =	sand.u32 $0x1FFFFFF0, s8  }
0x46: {  	[tilespmem:s29], [sflag:$0x1] =	stream.linear.gather [hbm4b:s4+s0], $0x80, $0x38;
	[tilespmem:$0x14000] =	vst v63  }
0x47: {  	s5 =	sadd.s32 s3, s5;
	s4 =	sadd.s32 $0x4700, s2  }
0x48: {  	[tilespmem:s4], [sflag:$0x1] =	stream.linear.gather [hbm4b:s5+s0], $0x80, $0x38;
	[tilespmem:$0x14000] =	vst v63  }
0x49: {  	s2 =	sadd.s32 $0x4780, s2;
	s4 =	sadd.s32 s3, s6  }
0x4a: {  	[tilespmem:s2], [sflag:$0x1] =	stream.linear.gather [hbm4b:s4+s0], $0x80, $0x38;
	[tilespmem:$0x14000] =	vst v63  }
0x4b: {  	v0 =	vld [tilespmem:s10+$0x0];
	_ =	sdelay $0x4  }
0x4c: {  	v0 =	vshll.u32 v0, $0x4  }
0x4d: {  	(v2sf) =	vpush v0, $0x0  }
0x4e: {  	(v2sf) =	vpush v0, $0x1  }
0x4f: {  	(v2sf) =	vpush v0, $0x2;
	_ =	sdelay $0x1  }
0x50: {  	(v2sf) =	vpush v0, $0x4  }
.Ltmp2:
0x51: {  	(pc) =	sbr.rel @p0 .LBB2_2-.Ltmp2, $3  }
0x52: {  	(v2sf) =	vpush v0, $0x3  }
0x53: {  	(v2sf) =	vpush v0, $0x5;
	_ =	sdelay $0x1  }
0x54: {  	s2 =	sshra.s32 s12, $0x2;
	(v2sf) =	vpush v0, $0x6  }
0x55: {  	_ =	sdelay $0x1  }
0x56: {  	s5 =	sadd.s32 $0x4080, s2;
	s10 =	sadd.s32 $0x4580, s2  }
0x57: {  	s6 =	sadd.s32 $0x4380, s2;
	s4 =	sadd.s32 $0x4600, s2;
	(v2sf) =	vpush v0, $0x7;
	s8 =	sadd.s32 $0x4280, s2  }
0x58: {  	s9 =	sadd.s32 $0x4400, s2;
	s7 =	sadd.s32 $0x4680, s2;
	s12 =	sadd.s32 $0x4000, s2  }
0x59: {  	s13 =	sadd.s32 $0x4200, s2;
	s14 =	sadd.s32 $0x4300, s2;
	(v2sf) =	vpush v0, $0x8;
	s16 =	spop (v2sf)  }
0x5a: {  	s17 =	sadd.s32 $0x4100, s2;
	s16 =	sand.u32 $0x1FFFFFF0, s16;
	s19 =	spop (v2sf)  }
0x5b: {  	(v2sf) =	vpush v0, $0x9;
	s16 =	sadd.s32 s3, s16;
	s19 =	sand.u32 $0x1FFFFFF0, s19;
	s22 =	spop (v2sf)  }
0x5c: {  	[tilespmem:s12], [sflag:$0x1] =	stream.linear.gather [hbm4b:s16+s0], $0x80, $0x38;
	[tilespmem:$0x14000] =	vst v63  }
0x5d: {  	s25 =	sadd.s32 $0x4180, s2;
	(v2sf) =	vpush v0, $0xA;
	s28 =	sadd.s32 s3, s19;
	s29 =	spop (v2sf)  }
0x5e: {  	[tilespmem:s5], [sflag:$0x1] =	stream.linear.gather [hbm4b:s28+s0], $0x80, $0x38;
	[tilespmem:$0x14000] =	vst v63  }
0x5f: {  	s12 =	sadd.s32 $0x4500, s2;
	s30 =	sand.u32 $0x1FFFFFF0, s22;
	(v2sf) =	vpush v0, $0xB;
	s31 =	spop (v2sf)  }
0x60: {  	s16 =	sadd.s32 s3, s30;
	s5 =	sadd.s32 $0x4480, s2;
	s22 =	sand.u32 $0x1FFFFFF0, s31  }
0x61: {  	(v2sf) =	vpush v0, $0xC;
	[tilespmem:s17], [sflag:$0x1] =	stream.linear.gather [hbm4b:s16+s0], $0x80, $0x38;
	[tilespmem:$0x14000] =	vst v63  }
0x62: {  	s18 =	sand.u32 $0x1FFFFFF0, s29;
	s20 =	spop (v2sf);
	s21 =	sadd.s32 s3, s22  }
0x63: {  	(v2sf) =	vpush v0, $0xD;
	[tilespmem:s25], [sflag:$0x1] =	stream.linear.gather [hbm4b:s21+s0], $0x80, $0x38;
	[tilespmem:$0x14000] =	vst v63  }
0x64: {  	s16 =	sadd.s32 s3, s18;
	s17 =	sand.u32 $0x1FFFFFF0, s20;
	s22 =	spop (v2sf)  }
0x65: {  	(v2sf) =	vpush v0, $0xE;
	[tilespmem:s13], [sflag:$0x1] =	stream.linear.gather [hbm4b:s16+s0], $0x80, $0x38;
	[tilespmem:$0x14000] =	vst v63  }
0x66: {  	s17 =	sadd.s32 s3, s17;
	s23 =	sand.u32 $0x1FFFFFF0, s22;
	s25 =	spop (v2sf)  }
0x67: {  	(v2sf) =	vpush v0, $0xF;
	[tilespmem:s8], [sflag:$0x1] =	stream.linear.gather [hbm4b:s17+s0], $0x80, $0x38;
	[tilespmem:$0x14000] =	vst v63  }
0x68: {  	s28 =	sand.u32 $0x1FFFFFF0, s25;
	s29 =	spop (v2sf);
	s13 =	sadd.s32 s3, s23  }
0x69: {  	[tilespmem:s14], [sflag:$0x1] =	stream.linear.gather [hbm4b:s13+s0], $0x80, $0x38;
	[tilespmem:$0x14000] =	vst v63  }
0x6a: {  	s30 =	sand.u32 $0x1FFFFFF0, s29;
	s8 =	sadd.s32 s3, s28;
	s31 =	spop (v2sf)  }
0x6b: {  	[tilespmem:s6], [sflag:$0x1] =	stream.linear.gather [hbm4b:s8+s0], $0x80, $0x38;
	[tilespmem:$0x14000] =	vst v63  }
0x6c: {  	s13 =	sadd.s32 s3, s30;
	s14 =	sand.u32 $0x1FFFFFF0, s31;
	s16 =	spop (v2sf)  }
0x6d: {  	[tilespmem:s9], [sflag:$0x1] =	stream.linear.gather [hbm4b:s13+s0], $0x80, $0x38;
	[tilespmem:$0x14000] =	vst v63  }
0x6e: {  	s8 =	sand.u32 $0x1FFFFFF0, s16;
	s6 =	sadd.s32 s3, s14;
	s17 =	spop (v2sf)  }
0x6f: {  	[tilespmem:s5], [sflag:$0x1] =	stream.linear.gather [hbm4b:s6+s0], $0x80, $0x38;
	[tilespmem:$0x14000] =	vst v63  }
0x70: {  	s8 =	sadd.s32 s3, s8;
	s18 =	sand.u32 $0x1FFFFFF0, s17;
	s19 =	spop (v2sf)  }
0x71: {  	[tilespmem:s12], [sflag:$0x1] =	stream.linear.gather [hbm4b:s8+s0], $0x80, $0x38;
	[tilespmem:$0x14000] =	vst v63  }
0x72: {  	s5 =	sadd.s32 s3, s18;
	s6 =	sand.u32 $0x1FFFFFF0, s19;
	s20 =	spop (v2sf)  }
0x73: {  	[tilespmem:s10], [sflag:$0x1] =	stream.linear.gather [hbm4b:s5+s0], $0x80, $0x38;
	[tilespmem:$0x14000] =	vst v63  }
0x74: {  	s21 =	sand.u32 $0x1FFFFFF0, s20;
	s6 =	sadd.s32 s3, s6;
	s22 =	spop (v2sf)  }
0x75: {  	[tilespmem:s4], [sflag:$0x1] =	stream.linear.gather [hbm4b:s6+s0], $0x80, $0x38;
	[tilespmem:$0x14000] =	vst v63  }
0x76: {  	s23 =	sand.u32 $0x1FFFFFF0, s22;
	s25 =	spop (v2sf);
	s5 =	sadd.s32 s3, s21  }
0x77: {  	[tilespmem:s7], [sflag:$0x1] =	stream.linear.gather [hbm4b:s5+s0], $0x80, $0x38;
	[tilespmem:$0x14000] =	vst v63  }
0x78: {  	s29 =	sadd.s32 $0x4700, s2;
	s28 =	sand.u32 $0x1FFFFFF0, s25;
	s4 =	sadd.s32 s3, s23  }
0x79: {  	[tilespmem:s29], [sflag:$0x1] =	stream.linear.gather [hbm4b:s4+s0], $0x80, $0x38;
	[tilespmem:$0x14000] =	vst v63  }
0x7a: {  	s30 =	sadd.s32 $0x4780, s2;
	s31 =	sadd.s32 s3, s28;
	s7 =	simm.s32 $0x400  }
0x7b: {  	[tilespmem:s30], [sflag:$0x1] =	stream.linear.gather [hbm4b:s31+s0], $0x80, $0x38;
	[tilespmem:$0x14000] =	vst v63  }
0x7c: {  	v0 =	vld [tilespmem:s7+$0x0];
	_ =	sdelay $0x4  }
0x7d: {  	v0 =	vshll.u32 v0, $0x4  }
0x7e: {  	(v2sf) =	vpush v0, $0x0  }
0x7f: {  	(v2sf) =	vpush v0, $0x1  }
0x80: {  	(v2sf) =	vpush v0, $0x2;
	_ =	sdelay $0x1  }
0x81: {  	(v2sf) =	vpush v0, $0x4;
	_ =	sdelay $0x1  }
0x82: {  	(v2sf) =	vpush v0, $0x3  }
0x83: {  	(v2sf) =	vpush v0, $0x5  }
0x84: {  	s2 =	simm.s32 $0x0;
	s10 =	simm.s32 $0x2000;
	(v2sf) =	vpush v0, $0x6  }
.LBB2_4:
0x85: {  	p0 =	sne.s32 s10, $0xE000  }
0x86: {  	s6 =	sadd.s32 $0x8080, s2;
	s16 =	sadd.s32 $0x8580, s2;
	s12 =	smov.u32 s10  }
0x87: {  	s10 =	sadd.s32 $0x2000, s10;
	s25 =	sadd.s32 $0x8380, s2;
	s13 =	sadd.s32 $0x8600, s2;
	(v2sf) =	vpush v0, $0x7  }
0x88: {  	s5 =	sadd.s32 $0x8280, s2;
	s22 =	sadd.s32 $0x8400, s2;
	s29 =	sadd.s32 $0x8680, s2  }
0x89: {  	s8 =	sadd.s32 $0x8000, s2;
	s9 =	sadd.s32 $0x8200, s2;
	(v2sf) =	vpush v0, $0x8  }
0x8a: {  	s14 =	sadd.s32 $0x8300, s2;
	s7 =	sadd.s32 $0x10, s7  }
0x8b: {  	s17 =	sadd.s32 $0x8100, s2;
	s19 =	sadd.s32 $0x8500, s2;
	s4 =	spop (v2sf);
	(v2sf) =	vpush v0, $0x9  }
0x8c: {  	s28 =	sand.u32 $0x1FFFFFF0, s4;
	s4 =	sadd.s32 $0x8480, s2;
	s30 =	spop (v2sf)  }
0x8d: {  	s28 =	sadd.s32 s3, s28;
	s30 =	sand.u32 $0x1FFFFFF0, s30;
	s31 =	spop (v2sf);
	(v2sf) =	vpush v0, $0xA  }
0x8e: {  	[tilespmem:s8], [sflag:$0x2] =	stream.linear.gather [hbm4b:s28+s0], $0x80, $0x38;
	[tilespmem:$0x14000] =	vst v63  }
0x8f: {  	s8 =	sadd.s32 s3, s30;
	s28 =	sadd.s32 $0x8180, s2;
	s30 =	spop (v2sf);
	(v2sf) =	vpush v0, $0xB  }
0x90: {  	[tilespmem:s6], [sflag:$0x2] =	stream.linear.gather [hbm4b:s8+s0], $0x80, $0x38;
	[tilespmem:$0x14000] =	vst v63  }
0x91: {  	s6 =	sand.u32 $0x1FFFFFF0, s31;
	s8 =	sand.u32 $0x1FFFFFF0, s30;
	s30 =	spop (v2sf);
	(v2sf) =	vpush v0, $0xC  }
0x92: {  	s6 =	sadd.s32 s3, s6;
	s30 =	sand.u32 $0x1FFFFFF0, s30;
	s31 =	spop (v2sf)  }
0x93: {  	[tilespmem:s17], [sflag:$0x2] =	stream.linear.gather [hbm4b:s6+s0], $0x80, $0x38;
	(v2sf) =	vpush v0, $0xD;
	[tilespmem:$0x14000] =	vst v63  }
0x94: {  	s6 =	sadd.s32 s3, s30;
	s17 =	sand.u32 $0x1FFFFFF0, s31;
	s30 =	spop (v2sf)  }
0x95: {  	[tilespmem:s28], [sflag:$0x2] =	stream.linear.gather [hbm4b:s6+s0], $0x80, $0x38;
	(v2sf) =	vpush v0, $0xE;
	[tilespmem:$0x14000] =	vst v63  }
0x96: {  	s6 =	sadd.s32 s3, s8;
	s8 =	sand.u32 $0x1FFFFFF0, s30;
	s28 =	spop (v2sf)  }
0x97: {  	[tilespmem:s9], [sflag:$0x2] =	stream.linear.gather [hbm4b:s6+s0], $0x80, $0x38;
	(v2sf) =	vpush v0, $0xF;
	[tilespmem:$0x14000] =	vst v63  }
0x98: {  	s6 =	sadd.s32 s3, s17;
	s9 =	sand.u32 $0x1FFFFFF0, s28;
	s17 =	spop (v2sf)  }
0x99: {  	[tilespmem:s5], [sflag:$0x2] =	stream.linear.gather [hbm4b:s6+s0], $0x80, $0x38;
	[tilespmem:$0x14000] =	vst v63  }
0x9a: {  	s5 =	sadd.s32 s3, s8;
	s6 =	sand.u32 $0x1FFFFFF0, s17;
	s8 =	spop (v2sf)  }
0x9b: {  	[tilespmem:s14], [sflag:$0x2] =	stream.linear.gather [hbm4b:s5+s0], $0x80, $0x38;
	[tilespmem:$0x14000] =	vst v63  }
0x9c: {  	s5 =	sadd.s32 s3, s9;
	s8 =	sand.u32 $0x1FFFFFF0, s8;
	s9 =	spop (v2sf)  }
0x9d: {  	[tilespmem:s25], [sflag:$0x2] =	stream.linear.gather [hbm4b:s5+s0], $0x80, $0x38;
	[tilespmem:$0x14000] =	vst v63  }
0x9e: {  	s5 =	sadd.s32 s3, s6;
	s6 =	sand.u32 $0x1FFFFFF0, s9;
	s9 =	spop (v2sf)  }
0x9f: {  	[tilespmem:s22], [sflag:$0x2] =	stream.linear.gather [hbm4b:s5+s0], $0x80, $0x38;
	[tilespmem:$0x14000] =	vst v63  }
0xa0: {  	s5 =	sadd.s32 s3, s8;
	s8 =	sand.u32 $0x1FFFFFF0, s9;
	s9 =	spop (v2sf)  }
0xa1: {  	[tilespmem:s4], [sflag:$0x2] =	stream.linear.gather [hbm4b:s5+s0], $0x80, $0x38;
	[tilespmem:$0x14000] =	vst v63  }
0xa2: {  	s4 =	sadd.s32 s3, s6;
	s5 =	sand.u32 $0x1FFFFFF0, s9;
	s6 =	spop (v2sf)  }
0xa3: {  	[tilespmem:s19], [sflag:$0x2] =	stream.linear.gather [hbm4b:s4+s0], $0x80, $0x38;
	[tilespmem:$0x14000] =	vst v63  }
0xa4: {  	s4 =	sadd.s32 s3, s8;
	s6 =	sand.u32 $0x1FFFFFF0, s6;
	s8 =	spop (v2sf)  }
0xa5: {  	[tilespmem:s16], [sflag:$0x2] =	stream.linear.gather [hbm4b:s4+s0], $0x80, $0x38;
	[tilespmem:$0x14000] =	vst v63  }
0xa6: {  	s4 =	sadd.s32 s3, s5;
	s5 =	sand.u32 $0x1FFFFFF0, s8;
	s8 =	spop (v2sf)  }
0xa7: {  	[tilespmem:s13], [sflag:$0x2] =	stream.linear.gather [hbm4b:s4+s0], $0x80, $0x38;
	[tilespmem:$0x14000] =	vst v63  }
0xa8: {  	s4 =	sadd.s32 s3, s6;
	s6 =	sand.u32 $0x1FFFFFF0, s8  }
0xa9: {  	[tilespmem:s29], [sflag:$0x2] =	stream.linear.gather [hbm4b:s4+s0], $0x80, $0x38;
	[tilespmem:$0x14000] =	vst v63  }
0xaa: {  	s5 =	sadd.s32 s3, s5;
	s4 =	sadd.s32 $0x8700, s2  }
0xab: {  	[tilespmem:s4], [sflag:$0x2] =	stream.linear.gather [hbm4b:s5+s0], $0x80, $0x38;
	[tilespmem:$0x14000] =	vst v63  }
0xac: {  	s2 =	sadd.s32 $0x8780, s2;
	s4 =	sadd.s32 s3, s6  }
0xad: {  	[tilespmem:s2], [sflag:$0x2] =	stream.linear.gather [hbm4b:s4+s0], $0x80, $0x38;
	[tilespmem:$0x14000] =	vst v63  }
0xae: {  	v0 =	vld [tilespmem:s7+$0x0];
	_ =	sdelay $0x4  }
0xaf: {  	v0 =	vshll.u32 v0, $0x4  }
0xb0: {  	(v2sf) =	vpush v0, $0x0  }
0xb1: {  	(v2sf) =	vpush v0, $0x1  }
0xb2: {  	(v2sf) =	vpush v0, $0x2;
	_ =	sdelay $0x1  }
0xb3: {  	(v2sf) =	vpush v0, $0x4  }
.Ltmp3:
0xb4: {  	(pc) =	sbr.rel @p0 .LBB2_4-.Ltmp3, $3  }
0xb5: {  	(v2sf) =	vpush v0, $0x3  }
0xb6: {  	(v2sf) =	vpush v0, $0x5;
	_ =	sdelay $0x1  }
0xb7: {  	s2 =	sshra.s32 s12, $0x2;
	(v2sf) =	vpush v0, $0x6  }
0xb8: {  	_ =	sdelay $0x1  }
0xb9: {  	s5 =	sadd.s32 $0x8080, s2;
	s10 =	sadd.s32 $0x8580, s2  }
0xba: {  	s6 =	sadd.s32 $0x8380, s2;
	s4 =	sadd.s32 $0x8600, s2;
	(v2sf) =	vpush v0, $0x7;
	s8 =	sadd.s32 $0x8280, s2  }
0xbb: {  	s9 =	sadd.s32 $0x8400, s2;
	s7 =	sadd.s32 $0x8680, s2;
	s12 =	sadd.s32 $0x8000, s2  }
0xbc: {  	s13 =	sadd.s32 $0x8200, s2;
	s14 =	sadd.s32 $0x8300, s2;
	(v2sf) =	vpush v0, $0x8;
	s16 =	spop (v2sf)  }
0xbd: {  	s17 =	sadd.s32 $0x8100, s2;
	s16 =	sand.u32 $0x1FFFFFF0, s16;
	s19 =	spop (v2sf)  }
0xbe: {  	(v2sf) =	vpush v0, $0x9;
	s16 =	sadd.s32 s3, s16;
	s19 =	sand.u32 $0x1FFFFFF0, s19;
	s22 =	spop (v2sf)  }
0xbf: {  	[tilespmem:s12], [sflag:$0x2] =	stream.linear.gather [hbm4b:s16+s0], $0x80, $0x38;
	[tilespmem:$0x14000] =	vst v63  }
0xc0: {  	s25 =	sadd.s32 $0x8180, s2;
	(v2sf) =	vpush v0, $0xA;
	s28 =	sadd.s32 s3, s19;
	s29 =	spop (v2sf)  }
0xc1: {  	[tilespmem:s5], [sflag:$0x2] =	stream.linear.gather [hbm4b:s28+s0], $0x80, $0x38;
	[tilespmem:$0x14000] =	vst v63  }
0xc2: {  	s12 =	sadd.s32 $0x8500, s2;
	s30 =	sand.u32 $0x1FFFFFF0, s22;
	(v2sf) =	vpush v0, $0xB;
	s31 =	spop (v2sf)  }
0xc3: {  	s16 =	sadd.s32 s3, s30;
	s5 =	sadd.s32 $0x8480, s2;
	s22 =	sand.u32 $0x1FFFFFF0, s31  }
0xc4: {  	(v2sf) =	vpush v0, $0xC;
	[tilespmem:s17], [sflag:$0x2] =	stream.linear.gather [hbm4b:s16+s0], $0x80, $0x38;
	[tilespmem:$0x14000] =	vst v63  }
0xc5: {  	s18 =	sand.u32 $0x1FFFFFF0, s29;
	s20 =	spop (v2sf);
	s21 =	sadd.s32 s3, s22  }
0xc6: {  	(v2sf) =	vpush v0, $0xD;
	[tilespmem:s25], [sflag:$0x2] =	stream.linear.gather [hbm4b:s21+s0], $0x80, $0x38;
	[tilespmem:$0x14000] =	vst v63  }
0xc7: {  	s16 =	sadd.s32 s3, s18;
	s17 =	sand.u32 $0x1FFFFFF0, s20;
	s22 =	spop (v2sf)  }
0xc8: {  	(v2sf) =	vpush v0, $0xE;
	[tilespmem:s13], [sflag:$0x2] =	stream.linear.gather [hbm4b:s16+s0], $0x80, $0x38;
	[tilespmem:$0x14000] =	vst v63  }
0xc9: {  	s17 =	sadd.s32 s3, s17;
	s23 =	sand.u32 $0x1FFFFFF0, s22;
	s25 =	spop (v2sf)  }
0xca: {  	(v2sf) =	vpush v0, $0xF;
	[tilespmem:s8], [sflag:$0x2] =	stream.linear.gather [hbm4b:s17+s0], $0x80, $0x38;
	[tilespmem:$0x14000] =	vst v63  }
0xcb: {  	s28 =	sand.u32 $0x1FFFFFF0, s25;
	s29 =	spop (v2sf);
	s13 =	sadd.s32 s3, s23  }
0xcc: {  	[tilespmem:s14], [sflag:$0x2] =	stream.linear.gather [hbm4b:s13+s0], $0x80, $0x38;
	[tilespmem:$0x14000] =	vst v63  }
0xcd: {  	s30 =	sand.u32 $0x1FFFFFF0, s29;
	s8 =	sadd.s32 s3, s28;
	s31 =	spop (v2sf)  }
0xce: {  	[tilespmem:s6], [sflag:$0x2] =	stream.linear.gather [hbm4b:s8+s0], $0x80, $0x38;
	[tilespmem:$0x14000] =	vst v63  }
0xcf: {  	s13 =	sadd.s32 s3, s30;
	s14 =	sand.u32 $0x1FFFFFF0, s31;
	s16 =	spop (v2sf)  }
0xd0: {  	[tilespmem:s9], [sflag:$0x2] =	stream.linear.gather [hbm4b:s13+s0], $0x80, $0x38;
	[tilespmem:$0x14000] =	vst v63  }
0xd1: {  	s8 =	sand.u32 $0x1FFFFFF0, s16;
	s6 =	sadd.s32 s3, s14;
	s17 =	spop (v2sf)  }
0xd2: {  	[tilespmem:s5], [sflag:$0x2] =	stream.linear.gather [hbm4b:s6+s0], $0x80, $0x38;
	[tilespmem:$0x14000] =	vst v63  }
0xd3: {  	s8 =	sadd.s32 s3, s8;
	s18 =	sand.u32 $0x1FFFFFF0, s17;
	s19 =	spop (v2sf)  }
0xd4: {  	[tilespmem:s12], [sflag:$0x2] =	stream.linear.gather [hbm4b:s8+s0], $0x80, $0x38;
	[tilespmem:$0x14000] =	vst v63  }
0xd5: {  	s5 =	sadd.s32 s3, s18;
	s6 =	sand.u32 $0x1FFFFFF0, s19;
	s20 =	spop (v2sf)  }
0xd6: {  	[tilespmem:s10], [sflag:$0x2] =	stream.linear.gather [hbm4b:s5+s0], $0x80, $0x38;
	[tilespmem:$0x14000] =	vst v63  }
0xd7: {  	s21 =	sand.u32 $0x1FFFFFF0, s20;
	s6 =	sadd.s32 s3, s6;
	s22 =	spop (v2sf)  }
0xd8: {  	[tilespmem:s4], [sflag:$0x2] =	stream.linear.gather [hbm4b:s6+s0], $0x80, $0x38;
	[tilespmem:$0x14000] =	vst v63  }
0xd9: {  	s23 =	sand.u32 $0x1FFFFFF0, s22;
	s25 =	spop (v2sf);
	s5 =	sadd.s32 s3, s21  }
0xda: {  	[tilespmem:s7], [sflag:$0x2] =	stream.linear.gather [hbm4b:s5+s0], $0x80, $0x38;
	[tilespmem:$0x14000] =	vst v63  }
0xdb: {  	s29 =	sadd.s32 $0x8700, s2;
	s28 =	sand.u32 $0x1FFFFFF0, s25;
	s4 =	sadd.s32 s3, s23  }
0xdc: {  	[tilespmem:s29], [sflag:$0x2] =	stream.linear.gather [hbm4b:s4+s0], $0x80, $0x38;
	[tilespmem:$0x14000] =	vst v63  }
0xdd: {  	s30 =	sadd.s32 $0x8780, s2;
	s2 =	simm.s32 $0x800;
	s31 =	sadd.s32 s3, s28  }
0xde: {  	[tilespmem:s30], [sflag:$0x2] =	stream.linear.gather [hbm4b:s31+s0], $0x80, $0x38;
	[tilespmem:$0x14000] =	vst v63  }
0xdf: {  	v0 =	vld [tilespmem:s2+$0x0];
	_ =	sdelay $0x4  }
0xe0: {  	v0 =	vshll.u32 v0, $0x4  }
0xe1: {  	(v2sf) =	vpush v0, $0x0  }
0xe2: {  	(v2sf) =	vpush v0, $0x1  }
0xe3: {  	(v2sf) =	vpush v0, $0x2;
	_ =	sdelay $0x1  }
0xe4: {  	(v2sf) =	vpush v0, $0x4;
	_ =	sdelay $0x1  }
0xe5: {  	(v2sf) =	vpush v0, $0x3  }
0xe6: {  	(v2sf) =	vpush v0, $0x5  }
0xe7: {  	s7 =	simm.s32 $0x2000;
	s0 =	simm.s32 $0x0;
	(v2sf) =	vpush v0, $0x6  }
.LBB2_6:
0xe8: {  	p0 =	sne.s32 s7, $0xE000  }
0xe9: {  	s6 =	sadd.s32 $0xC080, s0;
	s30 =	sadd.s32 $0xC580, s0;
	s10 =	smov.u32 s7  }
0xea: {  	s7 =	sadd.s32 $0x2000, s7;
	s22 =	sadd.s32 $0xC380, s0;
	s12 =	sadd.s32 $0xC600, s0;
	(v2sf) =	vpush v0, $0x7  }
0xeb: {  	s5 =	sadd.s32 $0xC280, s0;
	s16 =	sadd.s32 $0xC400, s0;
	s13 =	sadd.s32 $0xC680, s0  }
0xec: {  	s8 =	sadd.s32 $0xC000, s0;
	s9 =	sadd.s32 $0xC200, s0;
	(v2sf) =	vpush v0, $0x8  }
0xed: {  	s29 =	simm.s32 $0x0;
	s14 =	sadd.s32 $0xC300, s0;
	s2 =	sadd.s32 $0x10, s2  }
0xee: {  	s17 =	sadd.s32 $0xC100, s0;
	s19 =	sadd.s32 $0xC500, s0;
	s4 =	spop (v2sf);
	(v2sf) =	vpush v0, $0x9  }
0xef: {  	s25 =	sand.u32 $0x1FFFFFF0, s4;
	s4 =	sadd.s32 $0xC480, s0;
	s28 =	spop (v2sf)  }
0xf0: {  	s25 =	sadd.s32 s3, s25;
	s28 =	sand.u32 $0x1FFFFFF0, s28;
	s31 =	spop (v2sf);
	(v2sf) =	vpush v0, $0xA  }
0xf1: {  	[tilespmem:s8], [sflag:$0x3] =	stream.linear.gather [hbm4b:s25+s29], $0x80, $0x38;
	[tilespmem:$0x14000] =	vst v63  }
0xf2: {  	s8 =	sadd.s32 s3, s28;
	s25 =	sadd.s32 $0xC180, s0;
	s28 =	spop (v2sf);
	(v2sf) =	vpush v0, $0xB  }
0xf3: {  	[tilespmem:s6], [sflag:$0x3] =	stream.linear.gather [hbm4b:s8+s29], $0x80, $0x38;
	[tilespmem:$0x14000] =	vst v63  }
0xf4: {  	s6 =	sand.u32 $0x1FFFFFF0, s31;
	s8 =	sand.u32 $0x1FFFFFF0, s28;
	s28 =	spop (v2sf);
	(v2sf) =	vpush v0, $0xC  }
0xf5: {  	s6 =	sadd.s32 s3, s6;
	s28 =	sand.u32 $0x1FFFFFF0, s28;
	s31 =	spop (v2sf)  }
0xf6: {  	[tilespmem:s17], [sflag:$0x3] =	stream.linear.gather [hbm4b:s6+s29], $0x80, $0x38;
	(v2sf) =	vpush v0, $0xD;
	[tilespmem:$0x14000] =	vst v63  }
0xf7: {  	s6 =	sadd.s32 s3, s28;
	s17 =	sand.u32 $0x1FFFFFF0, s31;
	s28 =	spop (v2sf)  }
0xf8: {  	[tilespmem:s25], [sflag:$0x3] =	stream.linear.gather [hbm4b:s6+s29], $0x80, $0x38;
	(v2sf) =	vpush v0, $0xE;
	[tilespmem:$0x14000] =	vst v63  }
0xf9: {  	s6 =	sadd.s32 s3, s8;
	s8 =	sand.u32 $0x1FFFFFF0, s28;
	s25 =	spop (v2sf)  }
0xfa: {  	[tilespmem:s9], [sflag:$0x3] =	stream.linear.gather [hbm4b:s6+s29], $0x80, $0x38;
	(v2sf) =	vpush v0, $0xF;
	[tilespmem:$0x14000] =	vst v63  }
0xfb: {  	s6 =	sadd.s32 s3, s17;
	s9 =	sand.u32 $0x1FFFFFF0, s25;
	s17 =	spop (v2sf)  }
0xfc: {  	[tilespmem:s5], [sflag:$0x3] =	stream.linear.gather [hbm4b:s6+s29], $0x80, $0x38;
	[tilespmem:$0x14000] =	vst v63  }
0xfd: {  	s5 =	sadd.s32 s3, s8;
	s6 =	sand.u32 $0x1FFFFFF0, s17;
	s8 =	spop (v2sf)  }
0xfe: {  	[tilespmem:s14], [sflag:$0x3] =	stream.linear.gather [hbm4b:s5+s29], $0x80, $0x38;
	[tilespmem:$0x14000] =	vst v63  }
0xff: {  	s5 =	sadd.s32 s3, s9;
	s8 =	sand.u32 $0x1FFFFFF0, s8;
	s9 =	spop (v2sf)  }
0x100: {  	[tilespmem:s22], [sflag:$0x3] =	stream.linear.gather [hbm4b:s5+s29], $0x80, $0x38;
	[tilespmem:$0x14000] =	vst v63  }
0x101: {  	s5 =	sadd.s32 s3, s6;
	s6 =	sand.u32 $0x1FFFFFF0, s9;
	s9 =	spop (v2sf)  }
0x102: {  	[tilespmem:s16], [sflag:$0x3] =	stream.linear.gather [hbm4b:s5+s29], $0x80, $0x38;
	[tilespmem:$0x14000] =	vst v63  }
0x103: {  	s5 =	sadd.s32 s3, s8;
	s8 =	sand.u32 $0x1FFFFFF0, s9;
	s9 =	spop (v2sf)  }
0x104: {  	[tilespmem:s4], [sflag:$0x3] =	stream.linear.gather [hbm4b:s5+s29], $0x80, $0x38;
	[tilespmem:$0x14000] =	vst v63  }
0x105: {  	s4 =	sadd.s32 s3, s6;
	s5 =	sand.u32 $0x1FFFFFF0, s9;
	s6 =	spop (v2sf)  }
0x106: {  	[tilespmem:s19], [sflag:$0x3] =	stream.linear.gather [hbm4b:s4+s29], $0x80, $0x38;
	[tilespmem:$0x14000] =	vst v63  }
0x107: {  	s4 =	sadd.s32 s3, s8;
	s6 =	sand.u32 $0x1FFFFFF0, s6;
	s8 =	spop (v2sf)  }
0x108: {  	[tilespmem:s30], [sflag:$0x3] =	stream.linear.gather [hbm4b:s4+s29], $0x80, $0x38;
	[tilespmem:$0x14000] =	vst v63  }
0x109: {  	s4 =	sadd.s32 s3, s5;
	s5 =	sand.u32 $0x1FFFFFF0, s8;
	s8 =	spop (v2sf)  }
0x10a: {  	[tilespmem:s12], [sflag:$0x3] =	stream.linear.gather [hbm4b:s4+s29], $0x80, $0x38;
	[tilespmem:$0x14000] =	vst v63  }
0x10b: {  	s4 =	sadd.s32 s3, s6;
	s6 =	sand.u32 $0x1FFFFFF0, s8  }
0x10c: {  	[tilespmem:s13], [sflag:$0x3] =	stream.linear.gather [hbm4b:s4+s29], $0x80, $0x38;
	[tilespmem:$0x14000] =	vst v63  }
0x10d: {  	s5 =	sadd.s32 s3, s5;
	s4 =	sadd.s32 $0xC700, s0  }
0x10e: {  	[tilespmem:s4], [sflag:$0x3] =	stream.linear.gather [hbm4b:s5+s29], $0x80, $0x38;
	[tilespmem:$0x14000] =	vst v63  }
0x10f: {  	s0 =	sadd.s32 $0xC780, s0;
	s4 =	sadd.s32 s3, s6  }
0x110: {  	[tilespmem:s0], [sflag:$0x3] =	stream.linear.gather [hbm4b:s4+s29], $0x80, $0x38;
	[tilespmem:$0x14000] =	vst v63  }
0x111: {  	v0 =	vld [tilespmem:s2+$0x0];
	_ =	sdelay $0x4  }
0x112: {  	v0 =	vshll.u32 v0, $0x4  }
0x113: {  	(v2sf) =	vpush v0, $0x0  }
0x114: {  	(v2sf) =	vpush v0, $0x1  }
0x115: {  	(v2sf) =	vpush v0, $0x2;
	_ =	sdelay $0x1  }
0x116: {  	(v2sf) =	vpush v0, $0x4  }
.Ltmp4:
0x117: {  	(pc) =	sbr.rel @p0 .LBB2_6-.Ltmp4, $3  }
0x118: {  	(v2sf) =	vpush v0, $0x3  }
0x119: {  	(v2sf) =	vpush v0, $0x5;
	_ =	sdelay $0x1  }
0x11a: {  	s0 =	sshra.s32 s10, $0x2;
	(v2sf) =	vpush v0, $0x6  }
0x11b: {  	_ =	sdelay $0x1  }
0x11c: {  	s5 =	sadd.s32 $0xC080, s0;
	s7 =	sadd.s32 $0xC580, s0  }
0x11d: {  	s6 =	sadd.s32 $0xC380, s0;
	s2 =	sadd.s32 $0xC600, s0;
	(v2sf) =	vpush v0, $0x7;
	s8 =	sadd.s32 $0xC280, s0  }
0x11e: {  	s9 =	sadd.s32 $0xC400, s0;
	s4 =	sadd.s32 $0xC680, s0;
	s10 =	sadd.s32 $0xC000, s0  }
0x11f: {  	s12 =	sadd.s32 $0xC200, s0;
	s13 =	sadd.s32 $0xC300, s0;
	(v2sf) =	vpush v0, $0x8;
	s14 =	spop (v2sf)  }
0x120: {  	s16 =	sadd.s32 $0xC100, s0;
	s14 =	sand.u32 $0x1FFFFFF0, s14;
	s17 =	spop (v2sf)  }
0x121: {  	(v2sf) =	vpush v0, $0x9;
	s14 =	sadd.s32 s3, s14;
	s17 =	sand.u32 $0x1FFFFFF0, s17;
	s19 =	spop (v2sf)  }
0x122: {  	[tilespmem:s10], [sflag:$0x3] =	stream.linear.gather [hbm4b:s14+s29], $0x80, $0x38;
	[tilespmem:$0x14000] =	vst v63  }
0x123: {  	s22 =	sadd.s32 $0xC180, s0;
	(v2sf) =	vpush v0, $0xA;
	s23 =	sadd.s32 s3, s17;
	s25 =	spop (v2sf)  }
0x124: {  	[tilespmem:s5], [sflag:$0x3] =	stream.linear.gather [hbm4b:s23+s29], $0x80, $0x38;
	[tilespmem:$0x14000] =	vst v63  }
0x125: {  	s10 =	sadd.s32 $0xC500, s0;
	s28 =	sand.u32 $0x1FFFFFF0, s19;
	(v2sf) =	vpush v0, $0xB;
	s30 =	spop (v2sf)  }
0x126: {  	s14 =	sadd.s32 s3, s28;
	s5 =	sadd.s32 $0xC480, s0;
	s19 =	sand.u32 $0x1FFFFFF0, s30  }
0x127: {  	(v2sf) =	vpush v0, $0xC;
	[tilespmem:s16], [sflag:$0x3] =	stream.linear.gather [hbm4b:s14+s29], $0x80, $0x38;
	[tilespmem:$0x14000] =	vst v63  }
0x128: {  	s31 =	sand.u32 $0x1FFFFFF0, s25;
	s18 =	spop (v2sf);
	s20 =	sadd.s32 s3, s19  }
0x129: {  	(v2sf) =	vpush v0, $0xD;
	[tilespmem:s22], [sflag:$0x3] =	stream.linear.gather [hbm4b:s20+s29], $0x80, $0x38;
	[tilespmem:$0x14000] =	vst v63  }
0x12a: {  	s14 =	sadd.s32 s3, s31;
	s16 =	sand.u32 $0x1FFFFFF0, s18;
	s21 =	spop (v2sf)  }
0x12b: {  	(v2sf) =	vpush v0, $0xE;
	[tilespmem:s12], [sflag:$0x3] =	stream.linear.gather [hbm4b:s14+s29], $0x80, $0x38;
	[tilespmem:$0x14000] =	vst v63  }
0x12c: {  	s16 =	sadd.s32 s3, s16;
	s22 =	sand.u32 $0x1FFFFFF0, s21;
	s23 =	spop (v2sf)  }
0x12d: {  	(v2sf) =	vpush v0, $0xF;
	[tilespmem:s8], [sflag:$0x3] =	stream.linear.gather [hbm4b:s16+s29], $0x80, $0x38;
	[tilespmem:$0x14000] =	vst v63  }
0x12e: {  	s25 =	sand.u32 $0x1FFFFFF0, s23;
	s28 =	spop (v2sf);
	s12 =	sadd.s32 s3, s22  }
0x12f: {  	[tilespmem:s13], [sflag:$0x3] =	stream.linear.gather [hbm4b:s12+s29], $0x80, $0x38;
	[tilespmem:$0x14000] =	vst v63  }
0x130: {  	s30 =	sand.u32 $0x1FFFFFF0, s28;
	s8 =	sadd.s32 s3, s25;
	s31 =	spop (v2sf)  }
0x131: {  	[tilespmem:s6], [sflag:$0x3] =	stream.linear.gather [hbm4b:s8+s29], $0x80, $0x38;
	[tilespmem:$0x14000] =	vst v63  }
0x132: {  	s12 =	sadd.s32 s3, s30;
	s13 =	sand.u32 $0x1FFFFFF0, s31;
	s14 =	spop (v2sf)  }
0x133: {  	[tilespmem:s9], [sflag:$0x3] =	stream.linear.gather [hbm4b:s12+s29], $0x80, $0x38;
	[tilespmem:$0x14000] =	vst v63  }
0x134: {  	s8 =	sand.u32 $0x1FFFFFF0, s14;
	s6 =	sadd.s32 s3, s13;
	s16 =	spop (v2sf)  }
0x135: {  	[tilespmem:s5], [sflag:$0x3] =	stream.linear.gather [hbm4b:s6+s29], $0x80, $0x38;
	[tilespmem:$0x14000] =	vst v63  }
0x136: {  	s8 =	sadd.s32 s3, s8;
	s17 =	sand.u32 $0x1FFFFFF0, s16;
	s18 =	spop (v2sf)  }
0x137: {  	[tilespmem:s10], [sflag:$0x3] =	stream.linear.gather [hbm4b:s8+s29], $0x80, $0x38;
	[tilespmem:$0x14000] =	vst v63  }
0x138: {  	s5 =	sadd.s32 s3, s17;
	s6 =	sand.u32 $0x1FFFFFF0, s18;
	s19 =	spop (v2sf)  }
0x139: {  	[tilespmem:s7], [sflag:$0x3] =	stream.linear.gather [hbm4b:s5+s29], $0x80, $0x38;
	[tilespmem:$0x14000] =	vst v63  }
0x13a: {  	s20 =	sand.u32 $0x1FFFFFF0, s19;
	s6 =	sadd.s32 s3, s6;
	s21 =	spop (v2sf)  }
0x13b: {  	[tilespmem:s2], [sflag:$0x3] =	stream.linear.gather [hbm4b:s6+s29], $0x80, $0x38;
	[tilespmem:$0x14000] =	vst v63  }
0x13c: {  	s22 =	sand.u32 $0x1FFFFFF0, s21;
	s23 =	spop (v2sf);
	s5 =	sadd.s32 s3, s20  }
0x13d: {  	[tilespmem:s4], [sflag:$0x3] =	stream.linear.gather [hbm4b:s5+s29], $0x80, $0x38;
	[tilespmem:$0x14000] =	vst v63  }
0x13e: {  	s28 =	sadd.s32 $0xC700, s0;
	s25 =	sand.u32 $0x1FFFFFF0, s23;
	s2 =	sadd.s32 s3, s22  }
0x13f: {  	[tilespmem:s28], [sflag:$0x3] =	stream.linear.gather [hbm4b:s2+s29], $0x80, $0x38;
	[tilespmem:$0x14000] =	vst v63  }
0x140: {  	s30 =	sadd.s32 $0xC780, s0;
	s31 =	sadd.s32 s3, s25;
	s2 =	simm.s32 $0xC00  }
0x141: {  	[tilespmem:s30], [sflag:$0x3] =	stream.linear.gather [hbm4b:s31+s29], $0x80, $0x38;
	[tilespmem:$0x14000] =	vst v63  }
0x142: {  	v0 =	vld [tilespmem:s2+$0x0];
	_ =	sdelay $0x4  }
0x143: {  	v0 =	vshll.u32 v0, $0x4  }
0x144: {  	(v2sf) =	vpush v0, $0x0  }
0x145: {  	(v2sf) =	vpush v0, $0x1  }
0x146: {  	(v2sf) =	vpush v0, $0x2  }
0x147: {  	p0 =	por $0x0, $0x0  }
.Ltmp5:
0x148: {  	(v2sf) =	vpush v0, $0x4;
	(pc) =	sbr.rel @p0 .LBB2_9-.Ltmp5, $4  }
0x149: {  	_ = 	snop  }
0x14a: {  	(v2sf) =	vpush v0, $0x3  }
0x14b: {  	(v2sf) =	vpush v0, $0x5  }
0x14c: {  	s0 =	simm.s32 $0x0;
	s7 =	simm.s32 $0x2000;
	(v2sf) =	vpush v0, $0x6  }
.LBB2_8:
0x14d: {  	p0 =	seq.s32 s7, $0xE000  }
0x14e: {  	s6 =	sadd.s32 $0x10080, s0;
	s16 =	sadd.s32 $0x10580, s0;
	s10 =	smov.u32 s7  }
0x14f: {  	s7 =	sadd.s32 $0x2000, s7;
	s25 =	sadd.s32 $0x10380, s0;
	s12 =	sadd.s32 $0x10600, s0;
	(v2sf) =	vpush v0, $0x7  }
0x150: {  	s5 =	sadd.s32 $0x10280, s0;
	s22 =	sadd.s32 $0x10400, s0;
	s13 =	sadd.s32 $0x10680, s0  }
0x151: {  	s8 =	sadd.s32 $0x10000, s0;
	s9 =	sadd.s32 $0x10200, s0;
	(v2sf) =	vpush v0, $0x8  }
0x152: {  	s14 =	sadd.s32 $0x10300, s0;
	s2 =	sadd.s32 $0x10, s2  }
0x153: {  	s17 =	sadd.s32 $0x10100, s0;
	s19 =	sadd.s32 $0x10500, s0;
	s4 =	spop (v2sf);
	(v2sf) =	vpush v0, $0x9  }
0x154: {  	s28 =	sand.u32 $0x1FFFFFF0, s4;
	s4 =	sadd.s32 $0x10480, s0;
	s30 =	spop (v2sf)  }
0x155: {  	s28 =	sadd.s32 s3, s28;
	s30 =	sand.u32 $0x1FFFFFF0, s30;
	s31 =	spop (v2sf);
	(v2sf) =	vpush v0, $0xA  }
0x156: {  	[tilespmem:s8], [sflag:$0x4] =	stream.linear.gather [hbm4b:s28+s29], $0x80, $0x38;
	[tilespmem:$0x14000] =	vst v63  }
0x157: {  	s8 =	sadd.s32 s3, s30;
	s28 =	sadd.s32 $0x10180, s0;
	s30 =	spop (v2sf);
	(v2sf) =	vpush v0, $0xB  }
0x158: {  	[tilespmem:s6], [sflag:$0x4] =	stream.linear.gather [hbm4b:s8+s29], $0x80, $0x38;
	[tilespmem:$0x14000] =	vst v63  }
0x159: {  	s6 =	sand.u32 $0x1FFFFFF0, s31;
	s8 =	sand.u32 $0x1FFFFFF0, s30;
	s30 =	spop (v2sf);
	(v2sf) =	vpush v0, $0xC  }
0x15a: {  	s6 =	sadd.s32 s3, s6;
	s30 =	sand.u32 $0x1FFFFFF0, s30;
	s31 =	spop (v2sf)  }
0x15b: {  	[tilespmem:s17], [sflag:$0x4] =	stream.linear.gather [hbm4b:s6+s29], $0x80, $0x38;
	(v2sf) =	vpush v0, $0xD;
	[tilespmem:$0x14000] =	vst v63  }
0x15c: {  	s6 =	sadd.s32 s3, s30;
	s17 =	sand.u32 $0x1FFFFFF0, s31;
	s30 =	spop (v2sf)  }
0x15d: {  	[tilespmem:s28], [sflag:$0x4] =	stream.linear.gather [hbm4b:s6+s29], $0x80, $0x38;
	(v2sf) =	vpush v0, $0xE;
	[tilespmem:$0x14000] =	vst v63  }
0x15e: {  	s6 =	sadd.s32 s3, s8;
	s8 =	sand.u32 $0x1FFFFFF0, s30;
	s28 =	spop (v2sf)  }
0x15f: {  	[tilespmem:s9], [sflag:$0x4] =	stream.linear.gather [hbm4b:s6+s29], $0x80, $0x38;
	(v2sf) =	vpush v0, $0xF;
	[tilespmem:$0x14000] =	vst v63  }
0x160: {  	s6 =	sadd.s32 s3, s17;
	s9 =	sand.u32 $0x1FFFFFF0, s28;
	s17 =	spop (v2sf)  }
0x161: {  	[tilespmem:s5], [sflag:$0x4] =	stream.linear.gather [hbm4b:s6+s29], $0x80, $0x38;
	[tilespmem:$0x14000] =	vst v63  }
0x162: {  	s5 =	sadd.s32 s3, s8;
	s6 =	sand.u32 $0x1FFFFFF0, s17;
	s8 =	spop (v2sf)  }
0x163: {  	[tilespmem:s14], [sflag:$0x4] =	stream.linear.gather [hbm4b:s5+s29], $0x80, $0x38;
	[tilespmem:$0x14000] =	vst v63  }
0x164: {  	s5 =	sadd.s32 s3, s9;
	s8 =	sand.u32 $0x1FFFFFF0, s8;
	s9 =	spop (v2sf)  }
0x165: {  	[tilespmem:s25], [sflag:$0x4] =	stream.linear.gather [hbm4b:s5+s29], $0x80, $0x38;
	[tilespmem:$0x14000] =	vst v63  }
0x166: {  	s5 =	sadd.s32 s3, s6;
	s6 =	sand.u32 $0x1FFFFFF0, s9;
	s9 =	spop (v2sf)  }
0x167: {  	[tilespmem:s22], [sflag:$0x4] =	stream.linear.gather [hbm4b:s5+s29], $0x80, $0x38;
	[tilespmem:$0x14000] =	vst v63  }
0x168: {  	s5 =	sadd.s32 s3, s8;
	s8 =	sand.u32 $0x1FFFFFF0, s9;
	s9 =	spop (v2sf)  }
0x169: {  	[tilespmem:s4], [sflag:$0x4] =	stream.linear.gather [hbm4b:s5+s29], $0x80, $0x38;
	[tilespmem:$0x14000] =	vst v63  }
0x16a: {  	s4 =	sadd.s32 s3, s6;
	s5 =	sand.u32 $0x1FFFFFF0, s9;
	s6 =	spop (v2sf)  }
0x16b: {  	[tilespmem:s19], [sflag:$0x4] =	stream.linear.gather [hbm4b:s4+s29], $0x80, $0x38;
	[tilespmem:$0x14000] =	vst v63  }
0x16c: {  	s4 =	sadd.s32 s3, s8;
	s6 =	sand.u32 $0x1FFFFFF0, s6;
	s8 =	spop (v2sf)  }
0x16d: {  	[tilespmem:s16], [sflag:$0x4] =	stream.linear.gather [hbm4b:s4+s29], $0x80, $0x38;
	[tilespmem:$0x14000] =	vst v63  }
0x16e: {  	s4 =	sadd.s32 s3, s5;
	s5 =	sand.u32 $0x1FFFFFF0, s8;
	s8 =	spop (v2sf)  }
0x16f: {  	[tilespmem:s12], [sflag:$0x4] =	stream.linear.gather [hbm4b:s4+s29], $0x80, $0x38;
	[tilespmem:$0x14000] =	vst v63  }
0x170: {  	s4 =	sadd.s32 s3, s6;
	s6 =	sand.u32 $0x1FFFFFF0, s8  }
0x171: {  	[tilespmem:s13], [sflag:$0x4] =	stream.linear.gather [hbm4b:s4+s29], $0x80, $0x38;
	[tilespmem:$0x14000] =	vst v63  }
0x172: {  	s5 =	sadd.s32 s3, s5;
	s4 =	sadd.s32 $0x10700, s0  }
0x173: {  	[tilespmem:s4], [sflag:$0x4] =	stream.linear.gather [hbm4b:s5+s29], $0x80, $0x38;
	[tilespmem:$0x14000] =	vst v63  }
0x174: {  	s0 =	sadd.s32 $0x10780, s0;
	s4 =	sadd.s32 s3, s6  }
0x175: {  	[tilespmem:s0], [sflag:$0x4] =	stream.linear.gather [hbm4b:s4+s29], $0x80, $0x38;
	[tilespmem:$0x14000] =	vst v63  }
0x176: {  	v0 =	vld [tilespmem:s2+$0x0];
	_ =	sdelay $0x4  }
0x177: {  	v0 =	vshll.u32 v0, $0x4  }
0x178: {  	(v2sf) =	vpush v0, $0x0  }
0x179: {  	(v2sf) =	vpush v0, $0x1  }
0x17a: {  	(v2sf) =	vpush v0, $0x2;
	_ =	sdelay $0x1  }
0x17b: {  	(v2sf) =	vpush v0, $0x4  }
.Ltmp6:
0x17c: {  	(pc) =	sbr.rel @!p0 .LBB2_8-.Ltmp6, $3  }
0x17d: {  	(v2sf) =	vpush v0, $0x3  }
0x17e: {  	(v2sf) =	vpush v0, $0x5;
	_ =	sdelay $0x1  }
0x17f: {  	s0 =	sshra.s32 s10, $0x2;
	(v2sf) =	vpush v0, $0x6  }
.LBB2_9:
0x180: {  	_ =	sdelay $0x2  }
0x181: {  	s5 =	sadd.s32 $0x10080, s0;
	s7 =	sadd.s32 $0x10580, s0;
	s6 =	sadd.s32 $0x10380, s0  }
0x182: {  	s2 =	sadd.s32 $0x10600, s0;
	(v2sf) =	vpush v0, $0x7;
	s8 =	sadd.s32 $0x10280, s0;
	s9 =	sadd.s32 $0x10400, s0  }
0x183: {  	s4 =	sadd.s32 $0x10680, s0;
	s10 =	sadd.s32 $0x10000, s0;
	s12 =	sadd.s32 $0x10200, s0  }
0x184: {  	s13 =	sadd.s32 $0x10300, s0;
	s16 =	sadd.s32 $0x10100, s0;
	(v2sf) =	vpush v0, $0x8;
	s14 =	spop (v2sf)  }
0x185: {  	s22 =	sadd.s32 $0x10180, s0;
	s14 =	sand.u32 $0x1FFFFFF0, s14;
	s17 =	spop (v2sf)  }
0x186: {  	(v2sf) =	vpush v0, $0x9;
	s14 =	sadd.s32 s3, s14;
	s17 =	sand.u32 $0x1FFFFFF0, s17;
	s19 =	spop (v2sf)  }
0x187: {  	[tilespmem:s10], [sflag:$0x4] =	stream.linear.gather [hbm4b:s14+s29], $0x80, $0x38;
	[tilespmem:$0x14000] =	vst v63  }
0x188: {  	s30 =	simm.s32 $0x200;
	(v2sf) =	vpush v0, $0xA;
	s17 =	sadd.s32 s3, s17;
	s18 =	spop (v2sf)  }
0x189: {  	[tilespmem:s5], [sflag:$0x4] =	stream.linear.gather [hbm4b:s17+s29], $0x80, $0x38;
	[tilespmem:$0x14000] =	vst v63  }
0x18a: {  	s10 =	sadd.s32 $0x10500, s0;
	s19 =	sand.u32 $0x1FFFFFF0, s19;
	(v2sf) =	vpush v0, $0xB;
	s20 =	spop (v2sf)  }
0x18b: {  	s14 =	sadd.s32 s3, s19;
	s5 =	sadd.s32 $0x10480, s0;
	s19 =	sand.u32 $0x1FFFFFF0, s20  }
0x18c: {  	(v2sf) =	vpush v0, $0xC;
	[tilespmem:s16], [sflag:$0x4] =	stream.linear.gather [hbm4b:s14+s29], $0x80, $0x38;
	[tilespmem:$0x14000] =	vst v63  }
0x18d: {  	s21 =	sand.u32 $0x1FFFFFF0, s18;
	s23 =	spop (v2sf);
	s25 =	sadd.s32 s3, s19  }
0x18e: {  	(v2sf) =	vpush v0, $0xD;
	[tilespmem:s22], [sflag:$0x4] =	stream.linear.gather [hbm4b:s25+s29], $0x80, $0x38;
	[tilespmem:$0x14000] =	vst v63  }
0x18f: {  	s14 =	sadd.s32 s3, s21;
	s16 =	sand.u32 $0x1FFFFFF0, s23;
	s28 =	spop (v2sf)  }
0x190: {  	(v2sf) =	vpush v0, $0xE;
	[tilespmem:s12], [sflag:$0x4] =	stream.linear.gather [hbm4b:s14+s29], $0x80, $0x38;
	[tilespmem:$0x14000] =	vst v63  }
0x191: {  	s18 =	sand.u32 $0x1FFFFFF0, s28;
	s19 =	spop (v2sf);
	s16 =	sadd.s32 s3, s16  }
0x192: {  	(v2sf) =	vpush v0, $0xF;
	[tilespmem:s8], [sflag:$0x4] =	stream.linear.gather [hbm4b:s16+s29], $0x80, $0x38;
	[tilespmem:$0x14000] =	vst v63  }
0x193: {  	s20 =	sand.u32 $0x1FFFFFF0, s19;
	s21 =	spop (v2sf);
	s12 =	sadd.s32 s3, s18  }
0x194: {  	[tilespmem:s13], [sflag:$0x4] =	stream.linear.gather [hbm4b:s12+s29], $0x80, $0x38;
	[tilespmem:$0x14000] =	vst v63  }
0x195: {  	s22 =	sand.u32 $0x1FFFFFF0, s21;
	s8 =	sadd.s32 s3, s20;
	s23 =	spop (v2sf)  }
0x196: {  	[tilespmem:s6], [sflag:$0x4] =	stream.linear.gather [hbm4b:s8+s29], $0x80, $0x38;
	[tilespmem:$0x14000] =	vst v63  }
0x197: {  	s12 =	sadd.s32 s3, s22;
	s25 =	sand.u32 $0x1FFFFFF0, s23;
	s28 =	spop (v2sf)  }
0x198: {  	[tilespmem:s9], [sflag:$0x4] =	stream.linear.gather [hbm4b:s12+s29], $0x80, $0x38;
	[tilespmem:$0x14000] =	vst v63  }
0x199: {  	s8 =	sand.u32 $0x1FFFFFF0, s28;
	s6 =	sadd.s32 s3, s25;
	s13 =	spop (v2sf)  }
0x19a: {  	[tilespmem:s5], [sflag:$0x4] =	stream.linear.gather [hbm4b:s6+s29], $0x80, $0x38;
	[tilespmem:$0x14000] =	vst v63  }
0x19b: {  	s8 =	sadd.s32 s3, s8;
	s14 =	sand.u32 $0x1FFFFFF0, s13;
	s16 =	spop (v2sf)  }
0x19c: {  	[tilespmem:s10], [sflag:$0x4] =	stream.linear.gather [hbm4b:s8+s29], $0x80, $0x38;
	[tilespmem:$0x14000] =	vst v63  }
0x19d: {  	s5 =	sadd.s32 s3, s14;
	s6 =	sand.u32 $0x1FFFFFF0, s16;
	s17 =	spop (v2sf)  }
0x19e: {  	[tilespmem:s7], [sflag:$0x4] =	stream.linear.gather [hbm4b:s5+s29], $0x80, $0x38;
	[tilespmem:$0x14000] =	vst v63  }
0x19f: {  	s18 =	sand.u32 $0x1FFFFFF0, s17;
	s19 =	spop (v2sf);
	s6 =	sadd.s32 s3, s6  }
0x1a0: {  	[tilespmem:s2], [sflag:$0x4] =	stream.linear.gather [hbm4b:s6+s29], $0x80, $0x38;
	[tilespmem:$0x14000] =	vst v63  }
0x1a1: {  	s20 =	sand.u32 $0x1FFFFFF0, s19;
	s21 =	spop (v2sf);
	s5 =	sadd.s32 s3, s18  }
0x1a2: {  	[tilespmem:s4], [sflag:$0x4] =	stream.linear.gather [hbm4b:s5+s29], $0x80, $0x38;
	[tilespmem:$0x14000] =	vst v63  }
0x1a3: {  	s23 =	sadd.s32 $0x10700, s0;
	s22 =	sand.u32 $0x1FFFFFF0, s21;
	s2 =	sadd.s32 s3, s20  }
0x1a4: {  	[tilespmem:s23], [sflag:$0x4] =	stream.linear.gather [hbm4b:s2+s29], $0x80, $0x38;
	[tilespmem:$0x14000] =	vst v63  }
0x1a5: {  	s31 =	simm.s32 $0x1;
	s25 =	sadd.s32 $0x10780, s0;
	s28 =	sadd.s32 s3, s22  }
0x1a6: {  	[tilespmem:s25], [sflag:$0x4] =	stream.linear.gather [hbm4b:s28+s29], $0x80, $0x38;
	[tilespmem:$0x14000] =	vst v63  }
.LBB2_11:
0x1a7: {  	s0 =	sshll.u32 s30, $0x2  }
0x1a8: {  	s6 =	simm.s32 $0x1;
	s2 =	sshll.u32 s29, $0x4;
	s4 =	sand.u32 $0x7, s31  }
0x1a9: {  	s28 =	simm.s32 $0x4000;
	p0 =	seq.s32 s29, $0x19;
	_ =	swait.ge [sflag:s6], $0x4000  }
.Ltmp7:
0x1aa: {  	s0 =	sand.u32 $0xFFFFC000, s0;
	s5 =	rddreg [dreg:$0x4];
	(pc) =	sbr.rel @!p0 .LBB2_12-.Ltmp7, $4  }
0x1ab: {  	s4 =	sshll.u32 s4, $0x9;
	[sflag:s6] =	ssyncset.done $0x0;
	s25 =	rddreg [dreg:$0x3]  }
0x1ac: {  	s0 =	sor.u32 s4, s0;
	s4 =	simm.s32 $0x5;
	s2 =	sadd.s32 s5, s2  }
0x1ad: {  	[sflag:s6] =	ssyncadd.s32 $0xFFFFC000;
	s0 =	sshrl.u32 s0, $0x2;
	s5 =	sadd.s32 s25, s2  }
0x1ae: {  	[hbm4b:s5+s15] =	stream.strided.scatter [tilespmem:s28], [sflag:$0x5], $0x4000, s11, s15, $0x38;
	[tilespmem:$0x14000] =	vst v63  }
.Ltmp8:
0x1af: {  	(pc) =	sbr.rel .LBB2_16-.Ltmp8, $4  }
0x1b0: {  	_ = 	snop  }
0x1b1: {  	_ =	swait.ge [sflag:s4], $0x4000  }
0x1b2: {  	[sflag:s4] =	ssyncset.done $0x0  }
0x1b3: {  	[sflag:s4] =	ssyncadd.s32 $0xFFFFC000  }
.LBB2_12:
0x1b4: {  	_ =	swait.ge [sflag:s4], $0x4000  }
0x1b5: {  	[sflag:s4] =	ssyncset.done $0x0  }
0x1b6: {  	[sflag:s4] =	ssyncadd.s32 $0xFFFFC000  }
0x1b7: {  	v0 =	vld [tilespmem:s0+$0x0];
	_ =	sdelay $0x4  }
0x1b8: {  	v0 =	vshll.u32 v0, $0x4  }
0x1b9: {  	(v2sf) =	vpush v0, $0x0  }
0x1ba: {  	(v2sf) =	vpush v0, $0x1  }
0x1bb: {  	(v2sf) =	vpush v0, $0x2;
	_ =	sdelay $0x1  }
0x1bc: {  	(v2sf) =	vpush v0, $0x4;
	_ =	sdelay $0x1  }
0x1bd: {  	(v2sf) =	vpush v0, $0x3  }
0x1be: {  	(v2sf) =	vpush v0, $0x5  }
0x1bf: {  	s7 =	simm.s32 $0x2000;
	s12 =	simm.s32 $0x0;
	s10 =	smov.u32 s0;
	(v2sf) =	vpush v0, $0x6  }
.LBB2_13:
0x1c0: {  	p1 =	seq.s32 s7, $0xE000  }
0x1c1: {  	s8 =	sadd.s32 $0x4080, s12;
	s19 =	sadd.s32 $0x4580, s12;
	s13 =	smov.u32 s7  }
0x1c2: {  	s7 =	sadd.s32 $0x2000, s7;
	s4 =	sadd.s32 $0x4380, s12;
	s28 =	sadd.s32 $0x4600, s12;
	(v2sf) =	vpush v0, $0x7  }
0x1c3: {  	s6 =	sadd.s32 $0x4280, s12;
	s25 =	sadd.s32 $0x4400, s12;
	s16 =	sadd.s32 $0x4680, s12  }
0x1c4: {  	s9 =	sadd.s32 $0x4000, s12;
	s14 =	sadd.s32 $0x4200, s12;
	(v2sf) =	vpush v0, $0x8  }
0x1c5: {  	s17 =	sadd.s32 $0x4300, s12;
	s10 =	sadd.s32 $0x10, s10  }
0x1c6: {  	s18 =	sadd.s32 $0x4100, s12;
	s22 =	sadd.s32 $0x4500, s12;
	s5 =	spop (v2sf);
	(v2sf) =	vpush v0, $0x9  }
0x1c7: {  	s20 =	sand.u32 $0x1FFFFFF0, s5;
	s5 =	sadd.s32 $0x4480, s12;
	s21 =	spop (v2sf)  }
0x1c8: {  	s20 =	sadd.s32 s3, s20;
	s21 =	sand.u32 $0x1FFFFFF0, s21;
	s23 =	spop (v2sf);
	(v2sf) =	vpush v0, $0xA  }
0x1c9: {  	[tilespmem:s9], [sflag:$0x1] =	stream.linear.gather [hbm4b:s20+s1], $0x80, $0x38;
	[tilespmem:$0x14000] =	vst v63  }
0x1ca: {  	s9 =	sadd.s32 s3, s21;
	s20 =	sadd.s32 $0x4180, s12;
	s21 =	spop (v2sf);
	(v2sf) =	vpush v0, $0xB  }
0x1cb: {  	[tilespmem:s8], [sflag:$0x1] =	stream.linear.gather [hbm4b:s9+s1], $0x80, $0x38;
	[tilespmem:$0x14000] =	vst v63  }
0x1cc: {  	s8 =	sand.u32 $0x1FFFFFF0, s23;
	s9 =	sand.u32 $0x1FFFFFF0, s21;
	s21 =	spop (v2sf);
	(v2sf) =	vpush v0, $0xC  }
0x1cd: {  	s8 =	sadd.s32 s3, s8;
	s21 =	sand.u32 $0x1FFFFFF0, s21;
	s23 =	spop (v2sf)  }
0x1ce: {  	[tilespmem:s18], [sflag:$0x1] =	stream.linear.gather [hbm4b:s8+s1], $0x80, $0x38;
	(v2sf) =	vpush v0, $0xD;
	[tilespmem:$0x14000] =	vst v63  }
0x1cf: {  	s8 =	sadd.s32 s3, s21;
	s18 =	sand.u32 $0x1FFFFFF0, s23;
	s21 =	spop (v2sf)  }
0x1d0: {  	[tilespmem:s20], [sflag:$0x1] =	stream.linear.gather [hbm4b:s8+s1], $0x80, $0x38;
	(v2sf) =	vpush v0, $0xE;
	[tilespmem:$0x14000] =	vst v63  }
0x1d1: {  	s8 =	sadd.s32 s3, s9;
	s9 =	sand.u32 $0x1FFFFFF0, s21;
	s20 =	spop (v2sf)  }
0x1d2: {  	[tilespmem:s14], [sflag:$0x1] =	stream.linear.gather [hbm4b:s8+s1], $0x80, $0x38;
	(v2sf) =	vpush v0, $0xF;
	[tilespmem:$0x14000] =	vst v63  }
0x1d3: {  	s8 =	sadd.s32 s3, s18;
	s14 =	sand.u32 $0x1FFFFFF0, s20;
	s18 =	spop (v2sf)  }
0x1d4: {  	[tilespmem:s6], [sflag:$0x1] =	stream.linear.gather [hbm4b:s8+s1], $0x80, $0x38;
	[tilespmem:$0x14000] =	vst v63  }
0x1d5: {  	s6 =	sadd.s32 s3, s9;
	s8 =	sand.u32 $0x1FFFFFF0, s18;
	s9 =	spop (v2sf)  }
0x1d6: {  	[tilespmem:s17], [sflag:$0x1] =	stream.linear.gather [hbm4b:s6+s1], $0x80, $0x38;
	[tilespmem:$0x14000] =	vst v63  }
0x1d7: {  	s6 =	sadd.s32 s3, s14;
	s9 =	sand.u32 $0x1FFFFFF0, s9;
	s14 =	spop (v2sf)  }
0x1d8: {  	[tilespmem:s4], [sflag:$0x1] =	stream.linear.gather [hbm4b:s6+s1], $0x80, $0x38;
	[tilespmem:$0x14000] =	vst v63  }
0x1d9: {  	s4 =	sadd.s32 s3, s8;
	s6 =	sand.u32 $0x1FFFFFF0, s14;
	s8 =	spop (v2sf)  }
0x1da: {  	[tilespmem:s25], [sflag:$0x1] =	stream.linear.gather [hbm4b:s4+s1], $0x80, $0x38;
	[tilespmem:$0x14000] =	vst v63  }
0x1db: {  	s4 =	sadd.s32 s3, s9;
	s8 =	sand.u32 $0x1FFFFFF0, s8;
	s9 =	spop (v2sf)  }
0x1dc: {  	[tilespmem:s5], [sflag:$0x1] =	stream.linear.gather [hbm4b:s4+s1], $0x80, $0x38;
	[tilespmem:$0x14000] =	vst v63  }
0x1dd: {  	s4 =	sadd.s32 s3, s6;
	s5 =	sand.u32 $0x1FFFFFF0, s9;
	s6 =	spop (v2sf)  }
0x1de: {  	[tilespmem:s22], [sflag:$0x1] =	stream.linear.gather [hbm4b:s4+s1], $0x80, $0x38;
	[tilespmem:$0x14000] =	vst v63  }
0x1df: {  	s4 =	sadd.s32 s3, s8;
	s6 =	sand.u32 $0x1FFFFFF0, s6;
	s8 =	spop (v2sf)  }
0x1e0: {  	[tilespmem:s19], [sflag:$0x1] =	stream.linear.gather [hbm4b:s4+s1], $0x80, $0x38;
	[tilespmem:$0x14000] =	vst v63  }
0x1e1: {  	s4 =	sadd.s32 s3, s5;
	s5 =	sand.u32 $0x1FFFFFF0, s8;
	s8 =	spop (v2sf)  }
0x1e2: {  	[tilespmem:s28], [sflag:$0x1] =	stream.linear.gather [hbm4b:s4+s1], $0x80, $0x38;
	[tilespmem:$0x14000] =	vst v63  }
0x1e3: {  	s4 =	sadd.s32 s3, s6;
	s6 =	sand.u32 $0x1FFFFFF0, s8  }
0x1e4: {  	[tilespmem:s16], [sflag:$0x1] =	stream.linear.gather [hbm4b:s4+s1], $0x80, $0x38;
	[tilespmem:$0x14000] =	vst v63  }
0x1e5: {  	s5 =	sadd.s32 s3, s5;
	s4 =	sadd.s32 $0x4700, s12  }
0x1e6: {  	[tilespmem:s4], [sflag:$0x1] =	stream.linear.gather [hbm4b:s5+s1], $0x80, $0x38;
	[tilespmem:$0x14000] =	vst v63  }
0x1e7: {  	s4 =	sadd.s32 $0x4780, s12;
	s5 =	sadd.s32 s3, s6  }
0x1e8: {  	[tilespmem:s4], [sflag:$0x1] =	stream.linear.gather [hbm4b:s5+s1], $0x80, $0x38;
	[tilespmem:$0x14000] =	vst v63  }
0x1e9: {  	v0 =	vld [tilespmem:s10+$0x0];
	_ =	sdelay $0x4  }
0x1ea: {  	v0 =	vshll.u32 v0, $0x4  }
0x1eb: {  	(v2sf) =	vpush v0, $0x0  }
0x1ec: {  	(v2sf) =	vpush v0, $0x1  }
0x1ed: {  	(v2sf) =	vpush v0, $0x2;
	_ =	sdelay $0x1  }
0x1ee: {  	(v2sf) =	vpush v0, $0x4  }
.Ltmp9:
0x1ef: {  	(pc) =	sbr.rel @!p1 .LBB2_13-.Ltmp9, $3  }
0x1f0: {  	(v2sf) =	vpush v0, $0x3  }
0x1f1: {  	(v2sf) =	vpush v0, $0x5;
	_ =	sdelay $0x1  }
0x1f2: {  	s12 =	sshra.s32 s13, $0x2;
	(v2sf) =	vpush v0, $0x6  }
0x1f3: {  	_ =	sdelay $0x1  }
0x1f4: {  	s5 =	sadd.s32 $0x4080, s12;
	s10 =	sadd.s32 $0x4580, s12  }
0x1f5: {  	s6 =	sadd.s32 $0x4380, s12;
	s4 =	sadd.s32 $0x4600, s12;
	(v2sf) =	vpush v0, $0x7;
	s8 =	sadd.s32 $0x4280, s12  }
0x1f6: {  	s9 =	sadd.s32 $0x4400, s12;
	s7 =	sadd.s32 $0x4680, s12;
	s13 =	sadd.s32 $0x4000, s12  }
0x1f7: {  	s14 =	sadd.s32 $0x4200, s12;
	s16 =	sadd.s32 $0x4300, s12;
	(v2sf) =	vpush v0, $0x8;
	s17 =	spop (v2sf)  }
0x1f8: {  	s18 =	sadd.s32 $0x4100, s12;
	s17 =	sand.u32 $0x1FFFFFF0, s17;
	s19 =	spop (v2sf)  }
0x1f9: {  	(v2sf) =	vpush v0, $0x9;
	s17 =	sadd.s32 s3, s17;
	s19 =	sand.u32 $0x1FFFFFF0, s19;
	s20 =	spop (v2sf)  }
0x1fa: {  	[tilespmem:s13], [sflag:$0x1] =	stream.linear.gather [hbm4b:s17+s1], $0x80, $0x38;
	[tilespmem:$0x14000] =	vst v63  }
0x1fb: {  	(v2sf) =	vpush v0, $0xA;
	s21 =	sadd.s32 s3, s19;
	s23 =	sand.u32 $0x1FFFFFF0, s20;
	s22 =	spop (v2sf)  }
0x1fc: {  	[tilespmem:s5], [sflag:$0x1] =	stream.linear.gather [hbm4b:s21+s1], $0x80, $0x38;
	[tilespmem:$0x14000] =	vst v63  }
0x1fd: {  	s13 =	sadd.s32 $0x4500, s12;
	(v2sf) =	vpush v0, $0xB;
	s17 =	sadd.s32 s3, s23;
	s25 =	spop (v2sf)  }
0x1fe: {  	s5 =	sadd.s32 $0x4480, s12;
	s21 =	sadd.s32 $0x4180, s12;
	s20 =	sand.u32 $0x1FFFFFF0, s25  }
0x1ff: {  	(v2sf) =	vpush v0, $0xC;
	[tilespmem:s18], [sflag:$0x1] =	stream.linear.gather [hbm4b:s17+s1], $0x80, $0x38;
	[tilespmem:$0x14000] =	vst v63  }
0x200: {  	s28 =	sand.u32 $0x1FFFFFF0, s22;
	s22 =	spop (v2sf);
	s23 =	sadd.s32 s3, s20  }
0x201: {  	(v2sf) =	vpush v0, $0xD;
	[tilespmem:s21], [sflag:$0x1] =	stream.linear.gather [hbm4b:s23+s1], $0x80, $0x38;
	[tilespmem:$0x14000] =	vst v63  }
0x202: {  	s17 =	sadd.s32 s3, s28;
	s18 =	sand.u32 $0x1FFFFFF0, s22;
	s25 =	spop (v2sf)  }
0x203: {  	(v2sf) =	vpush v0, $0xE;
	[tilespmem:s14], [sflag:$0x1] =	stream.linear.gather [hbm4b:s17+s1], $0x80, $0x38;
	[tilespmem:$0x14000] =	vst v63  }
0x204: {  	s18 =	sadd.s32 s3, s18;
	s28 =	sand.u32 $0x1FFFFFF0, s25;
	s19 =	spop (v2sf)  }
0x205: {  	(v2sf) =	vpush v0, $0xF;
	[tilespmem:s8], [sflag:$0x1] =	stream.linear.gather [hbm4b:s18+s1], $0x80, $0x38;
	[tilespmem:$0x14000] =	vst v63  }
0x206: {  	s20 =	sand.u32 $0x1FFFFFF0, s19;
	s21 =	spop (v2sf);
	s14 =	sadd.s32 s3, s28  }
0x207: {  	[tilespmem:s16], [sflag:$0x1] =	stream.linear.gather [hbm4b:s14+s1], $0x80, $0x38;
	[tilespmem:$0x14000] =	vst v63  }
0x208: {  	s22 =	sand.u32 $0x1FFFFFF0, s21;
	s8 =	sadd.s32 s3, s20;
	s23 =	spop (v2sf)  }
0x209: {  	[tilespmem:s6], [sflag:$0x1] =	stream.linear.gather [hbm4b:s8+s1], $0x80, $0x38;
	[tilespmem:$0x14000] =	vst v63  }
0x20a: {  	s14 =	sadd.s32 s3, s22;
	s25 =	sand.u32 $0x1FFFFFF0, s23;
	s28 =	spop (v2sf)  }
0x20b: {  	[tilespmem:s9], [sflag:$0x1] =	stream.linear.gather [hbm4b:s14+s1], $0x80, $0x38;
	[tilespmem:$0x14000] =	vst v63  }
0x20c: {  	s8 =	sand.u32 $0x1FFFFFF0, s28;
	s6 =	sadd.s32 s3, s25;
	s14 =	spop (v2sf)  }
0x20d: {  	[tilespmem:s5], [sflag:$0x1] =	stream.linear.gather [hbm4b:s6+s1], $0x80, $0x38;
	[tilespmem:$0x14000] =	vst v63  }
0x20e: {  	s8 =	sadd.s32 s3, s8;
	s16 =	sand.u32 $0x1FFFFFF0, s14;
	s17 =	spop (v2sf)  }
0x20f: {  	[tilespmem:s13], [sflag:$0x1] =	stream.linear.gather [hbm4b:s8+s1], $0x80, $0x38;
	[tilespmem:$0x14000] =	vst v63  }
0x210: {  	s5 =	sadd.s32 s3, s16;
	s6 =	sand.u32 $0x1FFFFFF0, s17;
	s18 =	spop (v2sf)  }
0x211: {  	[tilespmem:s10], [sflag:$0x1] =	stream.linear.gather [hbm4b:s5+s1], $0x80, $0x38;
	[tilespmem:$0x14000] =	vst v63  }
0x212: {  	s19 =	sand.u32 $0x1FFFFFF0, s18;
	s6 =	sadd.s32 s3, s6;
	s20 =	spop (v2sf)  }
0x213: {  	[tilespmem:s4], [sflag:$0x1] =	stream.linear.gather [hbm4b:s6+s1], $0x80, $0x38;
	[tilespmem:$0x14000] =	vst v63  }
0x214: {  	s21 =	sand.u32 $0x1FFFFFF0, s20;
	s22 =	spop (v2sf);
	s5 =	sadd.s32 s3, s19  }
0x215: {  	[tilespmem:s7], [sflag:$0x1] =	stream.linear.gather [hbm4b:s5+s1], $0x80, $0x38;
	[tilespmem:$0x14000] =	vst v63  }
0x216: {  	s25 =	sadd.s32 $0x4700, s12;
	s23 =	sand.u32 $0x1FFFFFF0, s22;
	s4 =	sadd.s32 s3, s21  }
0x217: {  	[tilespmem:s25], [sflag:$0x1] =	stream.linear.gather [hbm4b:s4+s1], $0x80, $0x38;
	[tilespmem:$0x14000] =	vst v63  }
0x218: {  	s28 =	sadd.s32 $0x4780, s12;
	s5 =	sadd.s32 s3, s23  }
0x219: {  	[tilespmem:s28], [sflag:$0x1] =	stream.linear.gather [hbm4b:s5+s1], $0x80, $0x38;
	[tilespmem:$0x14000] =	vst v63  }
.LBB2_16:
0x21a: {  	s4 =	simm.s32 $0x2  }
0x21b: {  	s5 =	simm.s32 $0x8000;
	_ =	swait.ge [sflag:s4], $0x4000  }
0x21c: {  	s28 =	simm.s32 $0x6;
	[sflag:s4] =	ssyncset.done $0x0;
	s25 =	rddreg [dreg:$0x5]  }
.Ltmp10:
0x21d: {  	[sflag:s4] =	ssyncadd.s32 $0xFFFFC000;
	s4 =	sadd.s32 s2, s25;
	(pc) =	sbr.rel @p0 .LBB2_20-.Ltmp10, $4  }
0x21e: {  	[hbm4b:s4+s15] =	stream.strided.scatter [tilespmem:s5], [sflag:$0x6], $0x4000, s11, s15, $0x38;
	[tilespmem:$0x14000] =	vst v63  }
0x21f: {  	_ =	swait.ge [sflag:s28], $0x4000  }
0x220: {  	[sflag:s28] =	ssyncset.done $0x0  }
0x221: {  	[sflag:s28] =	ssyncadd.s32 $0xFFFFC000  }
0x222: {  	s7 =	sor.u32 $0x400, s0  }
0x223: {  	v0 =	vld [tilespmem:s7+$0x0];
	_ =	sdelay $0x4  }
0x224: {  	v0 =	vshll.u32 v0, $0x4  }
0x225: {  	(v2sf) =	vpush v0, $0x0  }
0x226: {  	(v2sf) =	vpush v0, $0x1  }
0x227: {  	(v2sf) =	vpush v0, $0x2;
	_ =	sdelay $0x1  }
0x228: {  	(v2sf) =	vpush v0, $0x4;
	_ =	sdelay $0x1  }
0x229: {  	(v2sf) =	vpush v0, $0x3  }
0x22a: {  	(v2sf) =	vpush v0, $0x5  }
0x22b: {  	s10 =	simm.s32 $0x2000;
	s12 =	simm.s32 $0x0;
	(v2sf) =	vpush v0, $0x6  }
.LBB2_18:
0x22c: {  	p1 =	sne.s32 s10, $0xE000  }
0x22d: {  	s8 =	sadd.s32 $0x8080, s12;
	s19 =	sadd.s32 $0x8580, s12;
	s13 =	smov.u32 s10  }
0x22e: {  	s10 =	sadd.s32 $0x2000, s10;
	s4 =	sadd.s32 $0x8380, s12;
	s16 =	sadd.s32 $0x8600, s12;
	(v2sf) =	vpush v0, $0x7  }
0x22f: {  	s6 =	sadd.s32 $0x8280, s12;
	s25 =	sadd.s32 $0x8400, s12;
	s28 =	sadd.s32 $0x8680, s12  }
0x230: {  	s9 =	sadd.s32 $0x8000, s12;
	s14 =	sadd.s32 $0x8200, s12;
	(v2sf) =	vpush v0, $0x8  }
0x231: {  	s17 =	sadd.s32 $0x8300, s12;
	s7 =	sadd.s32 $0x10, s7  }
0x232: {  	s18 =	sadd.s32 $0x8100, s12;
	s22 =	sadd.s32 $0x8500, s12;
	s5 =	spop (v2sf);
	(v2sf) =	vpush v0, $0x9  }
0x233: {  	s20 =	sand.u32 $0x1FFFFFF0, s5;
	s5 =	sadd.s32 $0x8480, s12;
	s21 =	spop (v2sf)  }
0x234: {  	s20 =	sadd.s32 s3, s20;
	s21 =	sand.u32 $0x1FFFFFF0, s21;
	s23 =	spop (v2sf);
	(v2sf) =	vpush v0, $0xA  }
0x235: {  	[tilespmem:s9], [sflag:$0x2] =	stream.linear.gather [hbm4b:s20+s1], $0x80, $0x38;
	[tilespmem:$0x14000] =	vst v63  }
0x236: {  	s9 =	sadd.s32 s3, s21;
	s20 =	sadd.s32 $0x8180, s12;
	s21 =	spop (v2sf);
	(v2sf) =	vpush v0, $0xB  }
0x237: {  	[tilespmem:s8], [sflag:$0x2] =	stream.linear.gather [hbm4b:s9+s1], $0x80, $0x38;
	[tilespmem:$0x14000] =	vst v63  }
0x238: {  	s8 =	sand.u32 $0x1FFFFFF0, s23;
	s9 =	sand.u32 $0x1FFFFFF0, s21;
	s21 =	spop (v2sf);
	(v2sf) =	vpush v0, $0xC  }
0x239: {  	s8 =	sadd.s32 s3, s8;
	s21 =	sand.u32 $0x1FFFFFF0, s21;
	s23 =	spop (v2sf)  }
0x23a: {  	[tilespmem:s18], [sflag:$0x2] =	stream.linear.gather [hbm4b:s8+s1], $0x80, $0x38;
	(v2sf) =	vpush v0, $0xD;
	[tilespmem:$0x14000] =	vst v63  }
0x23b: {  	s8 =	sadd.s32 s3, s21;
	s18 =	sand.u32 $0x1FFFFFF0, s23;
	s21 =	spop (v2sf)  }
0x23c: {  	[tilespmem:s20], [sflag:$0x2] =	stream.linear.gather [hbm4b:s8+s1], $0x80, $0x38;
	(v2sf) =	vpush v0, $0xE;
	[tilespmem:$0x14000] =	vst v63  }
0x23d: {  	s8 =	sadd.s32 s3, s9;
	s9 =	sand.u32 $0x1FFFFFF0, s21;
	s20 =	spop (v2sf)  }
0x23e: {  	[tilespmem:s14], [sflag:$0x2] =	stream.linear.gather [hbm4b:s8+s1], $0x80, $0x38;
	(v2sf) =	vpush v0, $0xF;
	[tilespmem:$0x14000] =	vst v63  }
0x23f: {  	s8 =	sadd.s32 s3, s18;
	s14 =	sand.u32 $0x1FFFFFF0, s20;
	s18 =	spop (v2sf)  }
0x240: {  	[tilespmem:s6], [sflag:$0x2] =	stream.linear.gather [hbm4b:s8+s1], $0x80, $0x38;
	[tilespmem:$0x14000] =	vst v63  }
0x241: {  	s6 =	sadd.s32 s3, s9;
	s8 =	sand.u32 $0x1FFFFFF0, s18;
	s9 =	spop (v2sf)  }
0x242: {  	[tilespmem:s17], [sflag:$0x2] =	stream.linear.gather [hbm4b:s6+s1], $0x80, $0x38;
	[tilespmem:$0x14000] =	vst v63  }
0x243: {  	s6 =	sadd.s32 s3, s14;
	s9 =	sand.u32 $0x1FFFFFF0, s9;
	s14 =	spop (v2sf)  }
0x244: {  	[tilespmem:s4], [sflag:$0x2] =	stream.linear.gather [hbm4b:s6+s1], $0x80, $0x38;
	[tilespmem:$0x14000] =	vst v63  }
0x245: {  	s4 =	sadd.s32 s3, s8;
	s6 =	sand.u32 $0x1FFFFFF0, s14;
	s8 =	spop (v2sf)  }
0x246: {  	[tilespmem:s25], [sflag:$0x2] =	stream.linear.gather [hbm4b:s4+s1], $0x80, $0x38;
	[tilespmem:$0x14000] =	vst v63  }
0x247: {  	s4 =	sadd.s32 s3, s9;
	s8 =	sand.u32 $0x1FFFFFF0, s8;
	s9 =	spop (v2sf)  }
0x248: {  	[tilespmem:s5], [sflag:$0x2] =	stream.linear.gather [hbm4b:s4+s1], $0x80, $0x38;
	[tilespmem:$0x14000] =	vst v63  }
0x249: {  	s4 =	sadd.s32 s3, s6;
	s5 =	sand.u32 $0x1FFFFFF0, s9;
	s6 =	spop (v2sf)  }
0x24a: {  	[tilespmem:s22], [sflag:$0x2] =	stream.linear.gather [hbm4b:s4+s1], $0x80, $0x38;
	[tilespmem:$0x14000] =	vst v63  }
0x24b: {  	s4 =	sadd.s32 s3, s8;
	s6 =	sand.u32 $0x1FFFFFF0, s6;
	s8 =	spop (v2sf)  }
0x24c: {  	[tilespmem:s19], [sflag:$0x2] =	stream.linear.gather [hbm4b:s4+s1], $0x80, $0x38;
	[tilespmem:$0x14000] =	vst v63  }
0x24d: {  	s4 =	sadd.s32 s3, s5;
	s5 =	sand.u32 $0x1FFFFFF0, s8;
	s8 =	spop (v2sf)  }
0x24e: {  	[tilespmem:s16], [sflag:$0x2] =	stream.linear.gather [hbm4b:s4+s1], $0x80, $0x38;
	[tilespmem:$0x14000] =	vst v63  }
0x24f: {  	s4 =	sadd.s32 s3, s6;
	s6 =	sand.u32 $0x1FFFFFF0, s8  }
0x250: {  	[tilespmem:s28], [sflag:$0x2] =	stream.linear.gather [hbm4b:s4+s1], $0x80, $0x38;
	[tilespmem:$0x14000] =	vst v63  }
0x251: {  	s5 =	sadd.s32 s3, s5;
	s4 =	sadd.s32 $0x8700, s12  }
0x252: {  	[tilespmem:s4], [sflag:$0x2] =	stream.linear.gather [hbm4b:s5+s1], $0x80, $0x38;
	[tilespmem:$0x14000] =	vst v63  }
0x253: {  	s4 =	sadd.s32 $0x8780, s12;
	s5 =	sadd.s32 s3, s6  }
0x254: {  	[tilespmem:s4], [sflag:$0x2] =	stream.linear.gather [hbm4b:s5+s1], $0x80, $0x38;
	[tilespmem:$0x14000] =	vst v63  }
0x255: {  	v0 =	vld [tilespmem:s7+$0x0];
	_ =	sdelay $0x4  }
0x256: {  	v0 =	vshll.u32 v0, $0x4  }
0x257: {  	(v2sf) =	vpush v0, $0x0  }
0x258: {  	(v2sf) =	vpush v0, $0x1  }
0x259: {  	(v2sf) =	vpush v0, $0x2;
	_ =	sdelay $0x1  }
0x25a: {  	(v2sf) =	vpush v0, $0x4  }
.Ltmp11:
0x25b: {  	(pc) =	sbr.rel @p1 .LBB2_18-.Ltmp11, $3  }
0x25c: {  	(v2sf) =	vpush v0, $0x3  }
0x25d: {  	(v2sf) =	vpush v0, $0x5;
	_ =	sdelay $0x1  }
0x25e: {  	s12 =	sshra.s32 s13, $0x2;
	(v2sf) =	vpush v0, $0x6  }
0x25f: {  	_ =	sdelay $0x1  }
0x260: {  	s5 =	sadd.s32 $0x8080, s12;
	s10 =	sadd.s32 $0x8580, s12  }
0x261: {  	s6 =	sadd.s32 $0x8380, s12;
	s4 =	sadd.s32 $0x8600, s12;
	(v2sf) =	vpush v0, $0x7;
	s8 =	sadd.s32 $0x8280, s12  }
0x262: {  	s9 =	sadd.s32 $0x8400, s12;
	s7 =	sadd.s32 $0x8680, s12;
	s13 =	sadd.s32 $0x8000, s12  }
0x263: {  	s14 =	sadd.s32 $0x8200, s12;
	s16 =	sadd.s32 $0x8300, s12;
	(v2sf) =	vpush v0, $0x8;
	s17 =	spop (v2sf)  }
0x264: {  	s18 =	sadd.s32 $0x8100, s12;
	s17 =	sand.u32 $0x1FFFFFF0, s17;
	s19 =	spop (v2sf)  }
0x265: {  	(v2sf) =	vpush v0, $0x9;
	s17 =	sadd.s32 s3, s17;
	s19 =	sand.u32 $0x1FFFFFF0, s19;
	s20 =	spop (v2sf)  }
0x266: {  	[tilespmem:s13], [sflag:$0x2] =	stream.linear.gather [hbm4b:s17+s1], $0x80, $0x38;
	[tilespmem:$0x14000] =	vst v63  }
0x267: {  	(v2sf) =	vpush v0, $0xA;
	s21 =	sadd.s32 s3, s19;
	s23 =	sand.u32 $0x1FFFFFF0, s20;
	s22 =	spop (v2sf)  }
0x268: {  	[tilespmem:s5], [sflag:$0x2] =	stream.linear.gather [hbm4b:s21+s1], $0x80, $0x38;
	[tilespmem:$0x14000] =	vst v63  }
0x269: {  	s13 =	sadd.s32 $0x8500, s12;
	(v2sf) =	vpush v0, $0xB;
	s17 =	sadd.s32 s3, s23;
	s25 =	spop (v2sf)  }
0x26a: {  	s5 =	sadd.s32 $0x8480, s12;
	s21 =	sadd.s32 $0x8180, s12;
	s20 =	sand.u32 $0x1FFFFFF0, s25  }
0x26b: {  	(v2sf) =	vpush v0, $0xC;
	[tilespmem:s18], [sflag:$0x2] =	stream.linear.gather [hbm4b:s17+s1], $0x80, $0x38;
	[tilespmem:$0x14000] =	vst v63  }
0x26c: {  	s28 =	sand.u32 $0x1FFFFFF0, s22;
	s22 =	spop (v2sf);
	s23 =	sadd.s32 s3, s20  }
0x26d: {  	(v2sf) =	vpush v0, $0xD;
	[tilespmem:s21], [sflag:$0x2] =	stream.linear.gather [hbm4b:s23+s1], $0x80, $0x38;
	[tilespmem:$0x14000] =	vst v63  }
0x26e: {  	s17 =	sadd.s32 s3, s28;
	s18 =	sand.u32 $0x1FFFFFF0, s22;
	s25 =	spop (v2sf)  }
0x26f: {  	(v2sf) =	vpush v0, $0xE;
	[tilespmem:s14], [sflag:$0x2] =	stream.linear.gather [hbm4b:s17+s1], $0x80, $0x38;
	[tilespmem:$0x14000] =	vst v63  }
0x270: {  	s18 =	sadd.s32 s3, s18;
	s28 =	sand.u32 $0x1FFFFFF0, s25;
	s19 =	spop (v2sf)  }
0x271: {  	(v2sf) =	vpush v0, $0xF;
	[tilespmem:s8], [sflag:$0x2] =	stream.linear.gather [hbm4b:s18+s1], $0x80, $0x38;
	[tilespmem:$0x14000] =	vst v63  }
0x272: {  	s20 =	sand.u32 $0x1FFFFFF0, s19;
	s21 =	spop (v2sf);
	s14 =	sadd.s32 s3, s28  }
0x273: {  	[tilespmem:s16], [sflag:$0x2] =	stream.linear.gather [hbm4b:s14+s1], $0x80, $0x38;
	[tilespmem:$0x14000] =	vst v63  }
0x274: {  	s22 =	sand.u32 $0x1FFFFFF0, s21;
	s8 =	sadd.s32 s3, s20;
	s23 =	spop (v2sf)  }
0x275: {  	[tilespmem:s6], [sflag:$0x2] =	stream.linear.gather [hbm4b:s8+s1], $0x80, $0x38;
	[tilespmem:$0x14000] =	vst v63  }
0x276: {  	s14 =	sadd.s32 s3, s22;
	s25 =	sand.u32 $0x1FFFFFF0, s23;
	s28 =	spop (v2sf)  }
0x277: {  	[tilespmem:s9], [sflag:$0x2] =	stream.linear.gather [hbm4b:s14+s1], $0x80, $0x38;
	[tilespmem:$0x14000] =	vst v63  }
0x278: {  	s8 =	sand.u32 $0x1FFFFFF0, s28;
	s6 =	sadd.s32 s3, s25;
	s14 =	spop (v2sf)  }
0x279: {  	[tilespmem:s5], [sflag:$0x2] =	stream.linear.gather [hbm4b:s6+s1], $0x80, $0x38;
	[tilespmem:$0x14000] =	vst v63  }
0x27a: {  	s8 =	sadd.s32 s3, s8;
	s16 =	sand.u32 $0x1FFFFFF0, s14;
	s17 =	spop (v2sf)  }
0x27b: {  	[tilespmem:s13], [sflag:$0x2] =	stream.linear.gather [hbm4b:s8+s1], $0x80, $0x38;
	[tilespmem:$0x14000] =	vst v63  }
0x27c: {  	s5 =	sadd.s32 s3, s16;
	s6 =	sand.u32 $0x1FFFFFF0, s17;
	s18 =	spop (v2sf)  }
0x27d: {  	[tilespmem:s10], [sflag:$0x2] =	stream.linear.gather [hbm4b:s5+s1], $0x80, $0x38;
	[tilespmem:$0x14000] =	vst v63  }
0x27e: {  	s19 =	sand.u32 $0x1FFFFFF0, s18;
	s6 =	sadd.s32 s3, s6;
	s20 =	spop (v2sf)  }
0x27f: {  	[tilespmem:s4], [sflag:$0x2] =	stream.linear.gather [hbm4b:s6+s1], $0x80, $0x38;
	[tilespmem:$0x14000] =	vst v63  }
0x280: {  	s21 =	sand.u32 $0x1FFFFFF0, s20;
	s22 =	spop (v2sf);
	s5 =	sadd.s32 s3, s19  }
0x281: {  	[tilespmem:s7], [sflag:$0x2] =	stream.linear.gather [hbm4b:s5+s1], $0x80, $0x38;
	[tilespmem:$0x14000] =	vst v63  }
0x282: {  	s25 =	sadd.s32 $0x8700, s12;
	s23 =	sand.u32 $0x1FFFFFF0, s22;
	s4 =	sadd.s32 s3, s21  }
0x283: {  	[tilespmem:s25], [sflag:$0x2] =	stream.linear.gather [hbm4b:s4+s1], $0x80, $0x38;
	[tilespmem:$0x14000] =	vst v63  }
0x284: {  	s28 =	sadd.s32 $0x8780, s12;
	s5 =	sadd.s32 s3, s23  }
0x285: {  	[tilespmem:s28], [sflag:$0x2] =	stream.linear.gather [hbm4b:s5+s1], $0x80, $0x38;
	[tilespmem:$0x14000] =	vst v63  }
.LBB2_20:
0x286: {  	s4 =	simm.s32 $0x3  }
0x287: {  	s5 =	simm.s32 $0xC000;
	_ =	swait.ge [sflag:s4], $0x4000  }
0x288: {  	s28 =	simm.s32 $0x7;
	[sflag:s4] =	ssyncset.done $0x0;
	s25 =	rddreg [dreg:$0x7]  }
.Ltmp12:
0x289: {  	[sflag:s4] =	ssyncadd.s32 $0xFFFFC000;
	s4 =	sadd.s32 s2, s25;
	(pc) =	sbr.rel @p0 .LBB2_24-.Ltmp12, $4  }
0x28a: {  	[hbm4b:s4+s15] =	stream.strided.scatter [tilespmem:s5], [sflag:$0x7], $0x4000, s11, s15, $0x38;
	[tilespmem:$0x14000] =	vst v63  }
0x28b: {  	_ =	swait.ge [sflag:s28], $0x4000  }
0x28c: {  	[sflag:s28] =	ssyncset.done $0x0  }
0x28d: {  	[sflag:s28] =	ssyncadd.s32 $0xFFFFC000  }
0x28e: {  	s7 =	sor.u32 $0x800, s0  }
0x28f: {  	v0 =	vld [tilespmem:s7+$0x0];
	_ =	sdelay $0x4  }
0x290: {  	v0 =	vshll.u32 v0, $0x4  }
0x291: {  	(v2sf) =	vpush v0, $0x0  }
0x292: {  	(v2sf) =	vpush v0, $0x1  }
0x293: {  	(v2sf) =	vpush v0, $0x2;
	_ =	sdelay $0x1  }
0x294: {  	(v2sf) =	vpush v0, $0x4;
	_ =	sdelay $0x1  }
0x295: {  	(v2sf) =	vpush v0, $0x3  }
0x296: {  	(v2sf) =	vpush v0, $0x5  }
0x297: {  	s10 =	simm.s32 $0x2000;
	s12 =	simm.s32 $0x0;
	(v2sf) =	vpush v0, $0x6  }
.LBB2_22:
0x298: {  	p1 =	sne.s32 s10, $0xE000  }
0x299: {  	s8 =	sadd.s32 $0xC080, s12;
	s19 =	sadd.s32 $0xC580, s12;
	s13 =	smov.u32 s10  }
0x29a: {  	s10 =	sadd.s32 $0x2000, s10;
	s4 =	sadd.s32 $0xC380, s12;
	s16 =	sadd.s32 $0xC600, s12;
	(v2sf) =	vpush v0, $0x7  }
0x29b: {  	s6 =	sadd.s32 $0xC280, s12;
	s25 =	sadd.s32 $0xC400, s12;
	s28 =	sadd.s32 $0xC680, s12  }
0x29c: {  	s9 =	sadd.s32 $0xC000, s12;
	s14 =	sadd.s32 $0xC200, s12;
	(v2sf) =	vpush v0, $0x8  }
0x29d: {  	s17 =	sadd.s32 $0xC300, s12;
	s7 =	sadd.s32 $0x10, s7  }
0x29e: {  	s18 =	sadd.s32 $0xC100, s12;
	s22 =	sadd.s32 $0xC500, s12;
	s5 =	spop (v2sf);
	(v2sf) =	vpush v0, $0x9  }
0x29f: {  	s20 =	sand.u32 $0x1FFFFFF0, s5;
	s5 =	sadd.s32 $0xC480, s12;
	s21 =	spop (v2sf)  }
0x2a0: {  	s20 =	sadd.s32 s3, s20;
	s21 =	sand.u32 $0x1FFFFFF0, s21;
	s23 =	spop (v2sf);
	(v2sf) =	vpush v0, $0xA  }
0x2a1: {  	[tilespmem:s9], [sflag:$0x3] =	stream.linear.gather [hbm4b:s20+s1], $0x80, $0x38;
	[tilespmem:$0x14000] =	vst v63  }
0x2a2: {  	s9 =	sadd.s32 s3, s21;
	s20 =	sadd.s32 $0xC180, s12;
	s21 =	spop (v2sf);
	(v2sf) =	vpush v0, $0xB  }
0x2a3: {  	[tilespmem:s8], [sflag:$0x3] =	stream.linear.gather [hbm4b:s9+s1], $0x80, $0x38;
	[tilespmem:$0x14000] =	vst v63  }
0x2a4: {  	s8 =	sand.u32 $0x1FFFFFF0, s23;
	s9 =	sand.u32 $0x1FFFFFF0, s21;
	s21 =	spop (v2sf);
	(v2sf) =	vpush v0, $0xC  }
0x2a5: {  	s8 =	sadd.s32 s3, s8;
	s21 =	sand.u32 $0x1FFFFFF0, s21;
	s23 =	spop (v2sf)  }
0x2a6: {  	[tilespmem:s18], [sflag:$0x3] =	stream.linear.gather [hbm4b:s8+s1], $0x80, $0x38;
	(v2sf) =	vpush v0, $0xD;
	[tilespmem:$0x14000] =	vst v63  }
0x2a7: {  	s8 =	sadd.s32 s3, s21;
	s18 =	sand.u32 $0x1FFFFFF0, s23;
	s21 =	spop (v2sf)  }
0x2a8: {  	[tilespmem:s20], [sflag:$0x3] =	stream.linear.gather [hbm4b:s8+s1], $0x80, $0x38;
	(v2sf) =	vpush v0, $0xE;
	[tilespmem:$0x14000] =	vst v63  }
0x2a9: {  	s8 =	sadd.s32 s3, s9;
	s9 =	sand.u32 $0x1FFFFFF0, s21;
	s20 =	spop (v2sf)  }
0x2aa: {  	[tilespmem:s14], [sflag:$0x3] =	stream.linear.gather [hbm4b:s8+s1], $0x80, $0x38;
	(v2sf) =	vpush v0, $0xF;
	[tilespmem:$0x14000] =	vst v63  }
0x2ab: {  	s8 =	sadd.s32 s3, s18;
	s14 =	sand.u32 $0x1FFFFFF0, s20;
	s18 =	spop (v2sf)  }
0x2ac: {  	[tilespmem:s6], [sflag:$0x3] =	stream.linear.gather [hbm4b:s8+s1], $0x80, $0x38;
	[tilespmem:$0x14000] =	vst v63  }
0x2ad: {  	s6 =	sadd.s32 s3, s9;
	s8 =	sand.u32 $0x1FFFFFF0, s18;
	s9 =	spop (v2sf)  }
0x2ae: {  	[tilespmem:s17], [sflag:$0x3] =	stream.linear.gather [hbm4b:s6+s1], $0x80, $0x38;
	[tilespmem:$0x14000] =	vst v63  }
0x2af: {  	s6 =	sadd.s32 s3, s14;
	s9 =	sand.u32 $0x1FFFFFF0, s9;
	s14 =	spop (v2sf)  }
0x2b0: {  	[tilespmem:s4], [sflag:$0x3] =	stream.linear.gather [hbm4b:s6+s1], $0x80, $0x38;
	[tilespmem:$0x14000] =	vst v63  }
0x2b1: {  	s4 =	sadd.s32 s3, s8;
	s6 =	sand.u32 $0x1FFFFFF0, s14;
	s8 =	spop (v2sf)  }
0x2b2: {  	[tilespmem:s25], [sflag:$0x3] =	stream.linear.gather [hbm4b:s4+s1], $0x80, $0x38;
	[tilespmem:$0x14000] =	vst v63  }
0x2b3: {  	s4 =	sadd.s32 s3, s9;
	s8 =	sand.u32 $0x1FFFFFF0, s8;
	s9 =	spop (v2sf)  }
0x2b4: {  	[tilespmem:s5], [sflag:$0x3] =	stream.linear.gather [hbm4b:s4+s1], $0x80, $0x38;
	[tilespmem:$0x14000] =	vst v63  }
0x2b5: {  	s4 =	sadd.s32 s3, s6;
	s5 =	sand.u32 $0x1FFFFFF0, s9;
	s6 =	spop (v2sf)  }
0x2b6: {  	[tilespmem:s22], [sflag:$0x3] =	stream.linear.gather [hbm4b:s4+s1], $0x80, $0x38;
	[tilespmem:$0x14000] =	vst v63  }
0x2b7: {  	s4 =	sadd.s32 s3, s8;
	s6 =	sand.u32 $0x1FFFFFF0, s6;
	s8 =	spop (v2sf)  }
0x2b8: {  	[tilespmem:s19], [sflag:$0x3] =	stream.linear.gather [hbm4b:s4+s1], $0x80, $0x38;
	[tilespmem:$0x14000] =	vst v63  }
0x2b9: {  	s4 =	sadd.s32 s3, s5;
	s5 =	sand.u32 $0x1FFFFFF0, s8;
	s8 =	spop (v2sf)  }
0x2ba: {  	[tilespmem:s16], [sflag:$0x3] =	stream.linear.gather [hbm4b:s4+s1], $0x80, $0x38;
	[tilespmem:$0x14000] =	vst v63  }
0x2bb: {  	s4 =	sadd.s32 s3, s6;
	s6 =	sand.u32 $0x1FFFFFF0, s8  }
0x2bc: {  	[tilespmem:s28], [sflag:$0x3] =	stream.linear.gather [hbm4b:s4+s1], $0x80, $0x38;
	[tilespmem:$0x14000] =	vst v63  }
0x2bd: {  	s5 =	sadd.s32 s3, s5;
	s4 =	sadd.s32 $0xC700, s12  }
0x2be: {  	[tilespmem:s4], [sflag:$0x3] =	stream.linear.gather [hbm4b:s5+s1], $0x80, $0x38;
	[tilespmem:$0x14000] =	vst v63  }
0x2bf: {  	s4 =	sadd.s32 $0xC780, s12;
	s5 =	sadd.s32 s3, s6  }
0x2c0: {  	[tilespmem:s4], [sflag:$0x3] =	stream.linear.gather [hbm4b:s5+s1], $0x80, $0x38;
	[tilespmem:$0x14000] =	vst v63  }
0x2c1: {  	v0 =	vld [tilespmem:s7+$0x0];
	_ =	sdelay $0x4  }
0x2c2: {  	v0 =	vshll.u32 v0, $0x4  }
0x2c3: {  	(v2sf) =	vpush v0, $0x0  }
0x2c4: {  	(v2sf) =	vpush v0, $0x1  }
0x2c5: {  	(v2sf) =	vpush v0, $0x2;
	_ =	sdelay $0x1  }
0x2c6: {  	(v2sf) =	vpush v0, $0x4  }
.Ltmp13:
0x2c7: {  	(pc) =	sbr.rel @p1 .LBB2_22-.Ltmp13, $3  }
0x2c8: {  	(v2sf) =	vpush v0, $0x3  }
0x2c9: {  	(v2sf) =	vpush v0, $0x5;
	_ =	sdelay $0x1  }
0x2ca: {  	s12 =	sshra.s32 s13, $0x2;
	(v2sf) =	vpush v0, $0x6  }
0x2cb: {  	_ =	sdelay $0x1  }
0x2cc: {  	s5 =	sadd.s32 $0xC080, s12;
	s10 =	sadd.s32 $0xC580, s12  }
0x2cd: {  	s6 =	sadd.s32 $0xC380, s12;
	s4 =	sadd.s32 $0xC600, s12;
	(v2sf) =	vpush v0, $0x7;
	s8 =	sadd.s32 $0xC280, s12  }
0x2ce: {  	s9 =	sadd.s32 $0xC400, s12;
	s7 =	sadd.s32 $0xC680, s12;
	s13 =	sadd.s32 $0xC000, s12  }
0x2cf: {  	s14 =	sadd.s32 $0xC200, s12;
	s16 =	sadd.s32 $0xC300, s12;
	(v2sf) =	vpush v0, $0x8;
	s17 =	spop (v2sf)  }
0x2d0: {  	s18 =	sadd.s32 $0xC100, s12;
	s17 =	sand.u32 $0x1FFFFFF0, s17;
	s19 =	spop (v2sf)  }
0x2d1: {  	(v2sf) =	vpush v0, $0x9;
	s17 =	sadd.s32 s3, s17;
	s19 =	sand.u32 $0x1FFFFFF0, s19;
	s20 =	spop (v2sf)  }
0x2d2: {  	[tilespmem:s13], [sflag:$0x3] =	stream.linear.gather [hbm4b:s17+s1], $0x80, $0x38;
	[tilespmem:$0x14000] =	vst v63  }
0x2d3: {  	(v2sf) =	vpush v0, $0xA;
	s21 =	sadd.s32 s3, s19;
	s23 =	sand.u32 $0x1FFFFFF0, s20;
	s22 =	spop (v2sf)  }
0x2d4: {  	[tilespmem:s5], [sflag:$0x3] =	stream.linear.gather [hbm4b:s21+s1], $0x80, $0x38;
	[tilespmem:$0x14000] =	vst v63  }
0x2d5: {  	s13 =	sadd.s32 $0xC500, s12;
	(v2sf) =	vpush v0, $0xB;
	s17 =	sadd.s32 s3, s23;
	s25 =	spop (v2sf)  }
0x2d6: {  	s5 =	sadd.s32 $0xC480, s12;
	s21 =	sadd.s32 $0xC180, s12;
	s20 =	sand.u32 $0x1FFFFFF0, s25  }
0x2d7: {  	(v2sf) =	vpush v0, $0xC;
	[tilespmem:s18], [sflag:$0x3] =	stream.linear.gather [hbm4b:s17+s1], $0x80, $0x38;
	[tilespmem:$0x14000] =	vst v63  }
0x2d8: {  	s28 =	sand.u32 $0x1FFFFFF0, s22;
	s22 =	spop (v2sf);
	s23 =	sadd.s32 s3, s20  }
0x2d9: {  	(v2sf) =	vpush v0, $0xD;
	[tilespmem:s21], [sflag:$0x3] =	stream.linear.gather [hbm4b:s23+s1], $0x80, $0x38;
	[tilespmem:$0x14000] =	vst v63  }
0x2da: {  	s17 =	sadd.s32 s3, s28;
	s18 =	sand.u32 $0x1FFFFFF0, s22;
	s25 =	spop (v2sf)  }
0x2db: {  	(v2sf) =	vpush v0, $0xE;
	[tilespmem:s14], [sflag:$0x3] =	stream.linear.gather [hbm4b:s17+s1], $0x80, $0x38;
	[tilespmem:$0x14000] =	vst v63  }
0x2dc: {  	s18 =	sadd.s32 s3, s18;
	s28 =	sand.u32 $0x1FFFFFF0, s25;
	s19 =	spop (v2sf)  }
0x2dd: {  	(v2sf) =	vpush v0, $0xF;
	[tilespmem:s8], [sflag:$0x3] =	stream.linear.gather [hbm4b:s18+s1], $0x80, $0x38;
	[tilespmem:$0x14000] =	vst v63  }
0x2de: {  	s20 =	sand.u32 $0x1FFFFFF0, s19;
	s21 =	spop (v2sf);
	s14 =	sadd.s32 s3, s28  }
0x2df: {  	[tilespmem:s16], [sflag:$0x3] =	stream.linear.gather [hbm4b:s14+s1], $0x80, $0x38;
	[tilespmem:$0x14000] =	vst v63  }
0x2e0: {  	s22 =	sand.u32 $0x1FFFFFF0, s21;
	s8 =	sadd.s32 s3, s20;
	s23 =	spop (v2sf)  }
0x2e1: {  	[tilespmem:s6], [sflag:$0x3] =	stream.linear.gather [hbm4b:s8+s1], $0x80, $0x38;
	[tilespmem:$0x14000] =	vst v63  }
0x2e2: {  	s14 =	sadd.s32 s3, s22;
	s25 =	sand.u32 $0x1FFFFFF0, s23;
	s28 =	spop (v2sf)  }
0x2e3: {  	[tilespmem:s9], [sflag:$0x3] =	stream.linear.gather [hbm4b:s14+s1], $0x80, $0x38;
	[tilespmem:$0x14000] =	vst v63  }
0x2e4: {  	s8 =	sand.u32 $0x1FFFFFF0, s28;
	s6 =	sadd.s32 s3, s25;
	s14 =	spop (v2sf)  }
0x2e5: {  	[tilespmem:s5], [sflag:$0x3] =	stream.linear.gather [hbm4b:s6+s1], $0x80, $0x38;
	[tilespmem:$0x14000] =	vst v63  }
0x2e6: {  	s8 =	sadd.s32 s3, s8;
	s16 =	sand.u32 $0x1FFFFFF0, s14;
	s17 =	spop (v2sf)  }
0x2e7: {  	[tilespmem:s13], [sflag:$0x3] =	stream.linear.gather [hbm4b:s8+s1], $0x80, $0x38;
	[tilespmem:$0x14000] =	vst v63  }
0x2e8: {  	s5 =	sadd.s32 s3, s16;
	s6 =	sand.u32 $0x1FFFFFF0, s17;
	s18 =	spop (v2sf)  }
0x2e9: {  	[tilespmem:s10], [sflag:$0x3] =	stream.linear.gather [hbm4b:s5+s1], $0x80, $0x38;
	[tilespmem:$0x14000] =	vst v63  }
0x2ea: {  	s19 =	sand.u32 $0x1FFFFFF0, s18;
	s6 =	sadd.s32 s3, s6;
	s20 =	spop (v2sf)  }
0x2eb: {  	[tilespmem:s4], [sflag:$0x3] =	stream.linear.gather [hbm4b:s6+s1], $0x80, $0x38;
	[tilespmem:$0x14000] =	vst v63  }
0x2ec: {  	s21 =	sand.u32 $0x1FFFFFF0, s20;
	s22 =	spop (v2sf);
	s5 =	sadd.s32 s3, s19  }
0x2ed: {  	[tilespmem:s7], [sflag:$0x3] =	stream.linear.gather [hbm4b:s5+s1], $0x80, $0x38;
	[tilespmem:$0x14000] =	vst v63  }
0x2ee: {  	s25 =	sadd.s32 $0xC700, s12;
	s23 =	sand.u32 $0x1FFFFFF0, s22;
	s4 =	sadd.s32 s3, s21  }
0x2ef: {  	[tilespmem:s25], [sflag:$0x3] =	stream.linear.gather [hbm4b:s4+s1], $0x80, $0x38;
	[tilespmem:$0x14000] =	vst v63  }
0x2f0: {  	s28 =	sadd.s32 $0xC780, s12;
	s5 =	sadd.s32 s3, s23  }
0x2f1: {  	[tilespmem:s28], [sflag:$0x3] =	stream.linear.gather [hbm4b:s5+s1], $0x80, $0x38;
	[tilespmem:$0x14000] =	vst v63  }
.LBB2_24:
0x2f2: {  	_ =	swait.ge [sflag:s24], $0x4000  }
0x2f3: {  	s28 =	simm.s32 $0x10000;
	[sflag:s24] =	ssyncset.done $0x0;
	s4 =	rddreg [dreg:$0x8]  }
.Ltmp14:
0x2f4: {  	[sflag:s24] =	ssyncadd.s32 $0xFFFFC000;
	s2 =	sadd.s32 s2, s4;
	(pc) =	sbr.rel @p0 .LBB2_28-.Ltmp14, $4  }
0x2f5: {  	[hbm4b:s2+s15] =	stream.strided.scatter [tilespmem:s28], [sflag:$0x8], $0x4000, s11, s15, $0x38;
	[tilespmem:$0x14000] =	vst v63  }
0x2f6: {  	_ =	swait.ge [sflag:s26], $0x4000  }
0x2f7: {  	[sflag:s26] =	ssyncset.done $0x0  }
0x2f8: {  	[sflag:s26] =	ssyncadd.s32 $0xFFFFC000  }
0x2f9: {  	s2 =	sor.u32 $0xC00, s0  }
0x2fa: {  	v0 =	vld [tilespmem:s2+$0x0];
	_ =	sdelay $0x4  }
0x2fb: {  	v0 =	vshll.u32 v0, $0x4  }
0x2fc: {  	(v2sf) =	vpush v0, $0x0  }
0x2fd: {  	(v2sf) =	vpush v0, $0x1  }
0x2fe: {  	(v2sf) =	vpush v0, $0x2;
	_ =	sdelay $0x1  }
0x2ff: {  	(v2sf) =	vpush v0, $0x4;
	_ =	sdelay $0x1  }
0x300: {  	(v2sf) =	vpush v0, $0x3  }
0x301: {  	(v2sf) =	vpush v0, $0x5  }
0x302: {  	s29 =	sadd.s32 $0x1, s29;
	s7 =	simm.s32 $0x2000;
	s0 =	simm.s32 $0x0;
	(v2sf) =	vpush v0, $0x6  }
.LBB2_26:
0x303: {  	p0 =	seq.s32 s7, $0xE000  }
0x304: {  	s8 =	sadd.s32 $0x10080, s0;
	s16 =	sadd.s32 $0x10580, s0;
	s10 =	smov.u32 s7  }
0x305: {  	s7 =	sadd.s32 $0x2000, s7;
	s4 =	sadd.s32 $0x10380, s0;
	s12 =	sadd.s32 $0x10600, s0;
	(v2sf) =	vpush v0, $0x7  }
0x306: {  	s6 =	sadd.s32 $0x10280, s0;
	s22 =	sadd.s32 $0x10400, s0;
	s13 =	sadd.s32 $0x10680, s0  }
0x307: {  	s9 =	sadd.s32 $0x10000, s0;
	s14 =	sadd.s32 $0x10200, s0;
	(v2sf) =	vpush v0, $0x8  }
0x308: {  	s17 =	sadd.s32 $0x10300, s0;
	s2 =	sadd.s32 $0x10, s2  }
0x309: {  	s18 =	sadd.s32 $0x10100, s0;
	s19 =	sadd.s32 $0x10500, s0;
	s5 =	spop (v2sf);
	(v2sf) =	vpush v0, $0x9  }
0x30a: {  	s20 =	sand.u32 $0x1FFFFFF0, s5;
	s5 =	sadd.s32 $0x10480, s0;
	s21 =	spop (v2sf)  }
0x30b: {  	s20 =	sadd.s32 s3, s20;
	s21 =	sand.u32 $0x1FFFFFF0, s21;
	s23 =	spop (v2sf);
	(v2sf) =	vpush v0, $0xA  }
0x30c: {  	[tilespmem:s9], [sflag:$0x4] =	stream.linear.gather [hbm4b:s20+s1], $0x80, $0x38;
	[tilespmem:$0x14000] =	vst v63  }
0x30d: {  	s9 =	sadd.s32 s3, s21;
	s20 =	sadd.s32 $0x10180, s0;
	s21 =	spop (v2sf);
	(v2sf) =	vpush v0, $0xB  }
0x30e: {  	[tilespmem:s8], [sflag:$0x4] =	stream.linear.gather [hbm4b:s9+s1], $0x80, $0x38;
	[tilespmem:$0x14000] =	vst v63  }
0x30f: {  	s8 =	sand.u32 $0x1FFFFFF0, s23;
	s9 =	sand.u32 $0x1FFFFFF0, s21;
	s21 =	spop (v2sf);
	(v2sf) =	vpush v0, $0xC  }
0x310: {  	s8 =	sadd.s32 s3, s8;
	s21 =	sand.u32 $0x1FFFFFF0, s21;
	s23 =	spop (v2sf)  }
0x311: {  	[tilespmem:s18], [sflag:$0x4] =	stream.linear.gather [hbm4b:s8+s1], $0x80, $0x38;
	(v2sf) =	vpush v0, $0xD;
	[tilespmem:$0x14000] =	vst v63  }
0x312: {  	s8 =	sadd.s32 s3, s21;
	s18 =	sand.u32 $0x1FFFFFF0, s23;
	s21 =	spop (v2sf)  }
0x313: {  	[tilespmem:s20], [sflag:$0x4] =	stream.linear.gather [hbm4b:s8+s1], $0x80, $0x38;
	(v2sf) =	vpush v0, $0xE;
	[tilespmem:$0x14000] =	vst v63  }
0x314: {  	s8 =	sadd.s32 s3, s9;
	s9 =	sand.u32 $0x1FFFFFF0, s21;
	s20 =	spop (v2sf)  }
0x315: {  	[tilespmem:s14], [sflag:$0x4] =	stream.linear.gather [hbm4b:s8+s1], $0x80, $0x38;
	(v2sf) =	vpush v0, $0xF;
	[tilespmem:$0x14000] =	vst v63  }
0x316: {  	s8 =	sadd.s32 s3, s18;
	s14 =	sand.u32 $0x1FFFFFF0, s20;
	s18 =	spop (v2sf)  }
0x317: {  	[tilespmem:s6], [sflag:$0x4] =	stream.linear.gather [hbm4b:s8+s1], $0x80, $0x38;
	[tilespmem:$0x14000] =	vst v63  }
0x318: {  	s6 =	sadd.s32 s3, s9;
	s8 =	sand.u32 $0x1FFFFFF0, s18;
	s9 =	spop (v2sf)  }
0x319: {  	[tilespmem:s17], [sflag:$0x4] =	stream.linear.gather [hbm4b:s6+s1], $0x80, $0x38;
	[tilespmem:$0x14000] =	vst v63  }
0x31a: {  	s6 =	sadd.s32 s3, s14;
	s9 =	sand.u32 $0x1FFFFFF0, s9;
	s14 =	spop (v2sf)  }
0x31b: {  	[tilespmem:s4], [sflag:$0x4] =	stream.linear.gather [hbm4b:s6+s1], $0x80, $0x38;
	[tilespmem:$0x14000] =	vst v63  }
0x31c: {  	s4 =	sadd.s32 s3, s8;
	s6 =	sand.u32 $0x1FFFFFF0, s14;
	s8 =	spop (v2sf)  }
0x31d: {  	[tilespmem:s22], [sflag:$0x4] =	stream.linear.gather [hbm4b:s4+s1], $0x80, $0x38;
	[tilespmem:$0x14000] =	vst v63  }
0x31e: {  	s4 =	sadd.s32 s3, s9;
	s8 =	sand.u32 $0x1FFFFFF0, s8;
	s9 =	spop (v2sf)  }
0x31f: {  	[tilespmem:s5], [sflag:$0x4] =	stream.linear.gather [hbm4b:s4+s1], $0x80, $0x38;
	[tilespmem:$0x14000] =	vst v63  }
0x320: {  	s4 =	sadd.s32 s3, s6;
	s5 =	sand.u32 $0x1FFFFFF0, s9;
	s6 =	spop (v2sf)  }
0x321: {  	[tilespmem:s19], [sflag:$0x4] =	stream.linear.gather [hbm4b:s4+s1], $0x80, $0x38;
	[tilespmem:$0x14000] =	vst v63  }
0x322: {  	s4 =	sadd.s32 s3, s8;
	s6 =	sand.u32 $0x1FFFFFF0, s6;
	s8 =	spop (v2sf)  }
0x323: {  	[tilespmem:s16], [sflag:$0x4] =	stream.linear.gather [hbm4b:s4+s1], $0x80, $0x38;
	[tilespmem:$0x14000] =	vst v63  }
0x324: {  	s4 =	sadd.s32 s3, s5;
	s5 =	sand.u32 $0x1FFFFFF0, s8;
	s8 =	spop (v2sf)  }
0x325: {  	[tilespmem:s12], [sflag:$0x4] =	stream.linear.gather [hbm4b:s4+s1], $0x80, $0x38;
	[tilespmem:$0x14000] =	vst v63  }
0x326: {  	s4 =	sadd.s32 s3, s6;
	s6 =	sand.u32 $0x1FFFFFF0, s8  }
0x327: {  	[tilespmem:s13], [sflag:$0x4] =	stream.linear.gather [hbm4b:s4+s1], $0x80, $0x38;
	[tilespmem:$0x14000] =	vst v63  }
0x328: {  	s5 =	sadd.s32 s3, s5;
	s4 =	sadd.s32 $0x10700, s0  }
0x329: {  	[tilespmem:s4], [sflag:$0x4] =	stream.linear.gather [hbm4b:s5+s1], $0x80, $0x38;
	[tilespmem:$0x14000] =	vst v63  }
0x32a: {  	s0 =	sadd.s32 $0x10780, s0;
	s4 =	sadd.s32 s3, s6  }
0x32b: {  	[tilespmem:s0], [sflag:$0x4] =	stream.linear.gather [hbm4b:s4+s1], $0x80, $0x38;
	[tilespmem:$0x14000] =	vst v63  }
0x32c: {  	v0 =	vld [tilespmem:s2+$0x0];
	_ =	sdelay $0x4  }
0x32d: {  	v0 =	vshll.u32 v0, $0x4  }
0x32e: {  	(v2sf) =	vpush v0, $0x0  }
0x32f: {  	(v2sf) =	vpush v0, $0x1  }
0x330: {  	(v2sf) =	vpush v0, $0x2;
	_ =	sdelay $0x1  }
0x331: {  	(v2sf) =	vpush v0, $0x4  }
.Ltmp15:
0x332: {  	(pc) =	sbr.rel @!p0 .LBB2_26-.Ltmp15, $3  }
0x333: {  	(v2sf) =	vpush v0, $0x3  }
0x334: {  	(v2sf) =	vpush v0, $0x5;
	_ =	sdelay $0x1  }
0x335: {  	s0 =	sshra.s32 s10, $0x2;
	(v2sf) =	vpush v0, $0x6  }
0x336: {  	_ =	sdelay $0x1  }
0x337: {  	s5 =	sadd.s32 $0x10080, s0;
	s7 =	sadd.s32 $0x10580, s0  }
0x338: {  	s6 =	sadd.s32 $0x10380, s0;
	s2 =	sadd.s32 $0x10600, s0;
	(v2sf) =	vpush v0, $0x7;
	s8 =	sadd.s32 $0x10280, s0  }
0x339: {  	s9 =	sadd.s32 $0x10400, s0;
	s4 =	sadd.s32 $0x10680, s0;
	s10 =	sadd.s32 $0x10000, s0  }
0x33a: {  	s12 =	sadd.s32 $0x10200, s0;
	s13 =	sadd.s32 $0x10300, s0;
	(v2sf) =	vpush v0, $0x8;
	s14 =	spop (v2sf)  }
0x33b: {  	s16 =	sadd.s32 $0x10100, s0;
	s14 =	sand.u32 $0x1FFFFFF0, s14;
	s17 =	spop (v2sf)  }
0x33c: {  	(v2sf) =	vpush v0, $0x9;
	s14 =	sadd.s32 s3, s14;
	s17 =	sand.u32 $0x1FFFFFF0, s17;
	s18 =	spop (v2sf)  }
0x33d: {  	[tilespmem:s10], [sflag:$0x4] =	stream.linear.gather [hbm4b:s14+s1], $0x80, $0x38;
	[tilespmem:$0x14000] =	vst v63  }
0x33e: {  	s19 =	sadd.s32 $0x10180, s0;
	(v2sf) =	vpush v0, $0xA;
	s25 =	sadd.s32 s3, s17;
	s28 =	spop (v2sf)  }
0x33f: {  	[tilespmem:s5], [sflag:$0x4] =	stream.linear.gather [hbm4b:s25+s1], $0x80, $0x38;
	[tilespmem:$0x14000] =	vst v63  }
0x340: {  	s10 =	sadd.s32 $0x10500, s0;
	s20 =	sand.u32 $0x1FFFFFF0, s18;
	(v2sf) =	vpush v0, $0xB;
	s21 =	spop (v2sf)  }
0x341: {  	s14 =	sadd.s32 s3, s20;
	s5 =	sadd.s32 $0x10480, s0;
	s18 =	sand.u32 $0x1FFFFFF0, s21  }
0x342: {  	(v2sf) =	vpush v0, $0xC;
	[tilespmem:s16], [sflag:$0x4] =	stream.linear.gather [hbm4b:s14+s1], $0x80, $0x38;
	[tilespmem:$0x14000] =	vst v63  }
0x343: {  	s22 =	sand.u32 $0x1FFFFFF0, s28;
	s23 =	spop (v2sf);
	s25 =	sadd.s32 s3, s18  }
0x344: {  	(v2sf) =	vpush v0, $0xD;
	[tilespmem:s19], [sflag:$0x4] =	stream.linear.gather [hbm4b:s25+s1], $0x80, $0x38;
	[tilespmem:$0x14000] =	vst v63  }
0x345: {  	s14 =	sadd.s32 s3, s22;
	s16 =	sand.u32 $0x1FFFFFF0, s23;
	s28 =	spop (v2sf)  }
0x346: {  	(v2sf) =	vpush v0, $0xE;
	[tilespmem:s12], [sflag:$0x4] =	stream.linear.gather [hbm4b:s14+s1], $0x80, $0x38;
	[tilespmem:$0x14000] =	vst v63  }
0x347: {  	s16 =	sadd.s32 s3, s16;
	s18 =	sand.u32 $0x1FFFFFF0, s28;
	s19 =	spop (v2sf)  }
0x348: {  	(v2sf) =	vpush v0, $0xF;
	[tilespmem:s8], [sflag:$0x4] =	stream.linear.gather [hbm4b:s16+s1], $0x80, $0x38;
	[tilespmem:$0x14000] =	vst v63  }
0x349: {  	s20 =	sand.u32 $0x1FFFFFF0, s19;
	s21 =	spop (v2sf);
	s12 =	sadd.s32 s3, s18  }
0x34a: {  	[tilespmem:s13], [sflag:$0x4] =	stream.linear.gather [hbm4b:s12+s1], $0x80, $0x38;
	[tilespmem:$0x14000] =	vst v63  }
0x34b: {  	s22 =	sand.u32 $0x1FFFFFF0, s21;
	s8 =	sadd.s32 s3, s20;
	s23 =	spop (v2sf)  }
0x34c: {  	[tilespmem:s6], [sflag:$0x4] =	stream.linear.gather [hbm4b:s8+s1], $0x80, $0x38;
	[tilespmem:$0x14000] =	vst v63  }
0x34d: {  	s12 =	sadd.s32 s3, s22;
	s25 =	sand.u32 $0x1FFFFFF0, s23;
	s28 =	spop (v2sf)  }
0x34e: {  	[tilespmem:s9], [sflag:$0x4] =	stream.linear.gather [hbm4b:s12+s1], $0x80, $0x38;
	[tilespmem:$0x14000] =	vst v63  }
0x34f: {  	s8 =	sand.u32 $0x1FFFFFF0, s28;
	s6 =	sadd.s32 s3, s25;
	s13 =	spop (v2sf)  }
0x350: {  	[tilespmem:s5], [sflag:$0x4] =	stream.linear.gather [hbm4b:s6+s1], $0x80, $0x38;
	[tilespmem:$0x14000] =	vst v63  }
0x351: {  	s8 =	sadd.s32 s3, s8;
	s14 =	sand.u32 $0x1FFFFFF0, s13;
	s16 =	spop (v2sf)  }
0x352: {  	[tilespmem:s10], [sflag:$0x4] =	stream.linear.gather [hbm4b:s8+s1], $0x80, $0x38;
	[tilespmem:$0x14000] =	vst v63  }
0x353: {  	s5 =	sadd.s32 s3, s14;
	s6 =	sand.u32 $0x1FFFFFF0, s16;
	s17 =	spop (v2sf)  }
0x354: {  	[tilespmem:s7], [sflag:$0x4] =	stream.linear.gather [hbm4b:s5+s1], $0x80, $0x38;
	[tilespmem:$0x14000] =	vst v63  }
0x355: {  	s18 =	sand.u32 $0x1FFFFFF0, s17;
	s6 =	sadd.s32 s3, s6;
	s19 =	spop (v2sf)  }
0x356: {  	[tilespmem:s2], [sflag:$0x4] =	stream.linear.gather [hbm4b:s6+s1], $0x80, $0x38;
	[tilespmem:$0x14000] =	vst v63  }
0x357: {  	s20 =	sand.u32 $0x1FFFFFF0, s19;
	s21 =	spop (v2sf);
	s5 =	sadd.s32 s3, s18  }
0x358: {  	[tilespmem:s4], [sflag:$0x4] =	stream.linear.gather [hbm4b:s5+s1], $0x80, $0x38;
	[tilespmem:$0x14000] =	vst v63  }
0x359: {  	s23 =	sadd.s32 $0x10700, s0;
	s22 =	sand.u32 $0x1FFFFFF0, s21;
	s2 =	sadd.s32 s3, s20  }
0x35a: {  	[tilespmem:s23], [sflag:$0x4] =	stream.linear.gather [hbm4b:s2+s1], $0x80, $0x38;
	[tilespmem:$0x14000] =	vst v63  }
0x35b: {  	s25 =	sadd.s32 $0x10780, s0;
	s28 =	sadd.s32 s3, s22  }
0x35c: {  	[tilespmem:s25], [sflag:$0x4] =	stream.linear.gather [hbm4b:s28+s1], $0x80, $0x38;
	[tilespmem:$0x14000] =	vst v63  }
.Ltmp16:
0x35d: {  	(pc) =	sbr.rel .LBB2_11-.Ltmp16, $2  }
0x35e: {  	_ =	sdelay $0x2  }
0x35f: {  	s30 =	sadd.s32 $0x200, s30;
	s31 =	sadd.s32 $0x1, s31  }
.LBB2_29:
0x360: {  	_ =	sfence.sel $0x180000  }
0x361: {  	[bflag:$0x0] =	sbarrier.arrive $0xFFFF  }
0x362: {  	_ =	strace $0x90000047  }
0x363: {  	s0 =	stileid.u32;
	[bflag:$0x2] =	sbarrier.arrive $0xFFFF  }
0x364: {  	p0 =	sne.s32 s0, $0x0;
	s0 =	rddreg [dreg:$0x2]  }
0x365: {  	s0 =	sadd.s32 @!p0 $0x100000, s0  }
0x366: {  	[sflag:s0] =	ssyncadd.tile.s32 @!p0 $0x1;
	_ =	shalt  }
.Lfunc_end2:
_tile_overlayer_lowered:
.L_overlay_start_2:
0x367: {  	(tag) =	ssettag $0x2  }
0x368: {  	s0 =	rddreg [dreg:$0x0];
	s2 =	stileid.u32  }
0x369: {  	s1 =	rddreg [dreg:$0x1];
	p0 =	sne.s32 s2, $0x0  }
0x36a: {  	s3 =	rddreg [dreg:$0x2];
	[bflag:$0x3] =	sbarrier.arrive $0xFFFF;
	s2 =	simm.s32 @!p0 $0x1C09  }
0x36b: {  	[timem:s3], [sflag:s2] =	dma.local @!p0 [hbm:s0], s1  }
0x36c: {  	s0 =	simm.s32 @!p0 $0x9  }
0x36d: {  	_ =	swait.ge @!p0 [sflag:s0], s1  }
0x36e: {  	s1 =	ssub.s32 @!p0 $0x0, s1;
	[sflag:s0] =	ssyncset.done @!p0 $0x0  }
0x36f: {  	[sflag:s0] =	ssyncadd.s32 @!p0 s1  }
0x370: {  	[bflag:$0x3] =	sbarrier.arrive $0xFFFF  }
0x371: {  	_ =	shalt  }

// kernel: sparse-core-data-format-call.cloned.1.call-start
scs
called_computation_lowered:
.L_overlay_start_0:
0x0: {  	s2 =	sld [smem:$0x3FD9]  }
0x1: {  	s3 =	sld [smem:$0x3FFE];
	_ =	sdelay $0x1  }
0x2: {  	s1 =	srdreg.scid  }
0x3: {  	s0 =	sand.u32 $0x1, s1  }
0x4: {  	s18 =	sshll.u32 s0, $0xA;
	s2 =	sadd.s32 s3, s2  }
0x5: {  	s2 =	sadd.s32 s2, s18  }
0x6: {  	[smem:$0x3FC6] =	sst s2  }
0x7: {  	_ = 	snop  }
0x8: {  	s2 =	sld [smem:$0x3FD0];
	(tm) =	ssettm $0x1  }
0x9: {  	s19 =	sld [smem:$0x3FFB];
	_ =	sdelay $0x3  }
0xa: {  	_ =	strace s19  }
0xb: {  	s3 =	sld [smem:$0x3FFC];
	_ =	sdelay $0x3  }
0xc: {  	_ =	strace s3  }
0xd: {  	s3 =	sld [smem:$0x3FFD];
	_ =	sdelay $0x3  }
0xe: {  	_ =	strace s3  }
0xf: {  	_ =	strace $0x8FFFFFFF  }
0x10: {  	s20 =	sld [smem:$0x3FDB];
	_ =	sdelay $0x1  }
0x11: {  	s4 =	simm.s32 $_scs_section_size  }
0x12: {  	s5 =	simm.s32 $_size__tile_overlayer_lowered;
	s6 =	simm.s32 $_tile_overlayer_lowered  }
0x13: {  	s23 =	simm.s32 $0x1BFF;
	s22 =	sshll.u32 s6, $0x1;
	s3 =	sadd.s32 s4, s20  }
0x14: {  	s7 =	simm.s32 $0x0;
	s21 =	sshll.u32 s5, $0x1;
	s5 =	sadd.s32 s22, s3  }
0x15: {  	[timem:s7], [sflag:s23] =	dma.local [hbm:s5], s21  }
0x16: {  	_ =	swait.ge [sflag:s23], s21  }
0x17: {  	s4 =	ssub.s32 $0x0, s21;
	[sflag:s23] =	ssyncset.done $0x0  }
0x18: {  	[sflag:s23] =	ssyncadd.s32 s4;
	_ =	sdelay $0x1  }
0x19: {  	s24 =	simm.s32 $0x1B8B  }
0x1a: {  	_ =	swait.ge [sflag:s24], $0x1  }
0x1b: {  	[sflag:s24] =	ssyncset.done $0x0  }
0x1c: {  	s26 =	simm.s32 $0x1B8E;
	s25 =	sld [smem:$0x3FFE];
	[sflag:s24] =	ssyncadd.s32 $0xFFFFFFFF  }
0x1d: {  	s27 =	simm.s32 $execute0_lowered;
	[smem:$0x3FD2] =	sst s26  }
0x1e: {  	s5 =	sshll.u32 s27, $0x1;
	_ =	strace $0x80000049;
	[dreg:$0x1] =	wrdreg $0xFFFFFFFF  }
0x1f: {  	s28 =	simm.s32 $_size_execute0_lowered;
	s3 =	sadd.s32 s3, s5;
	[dreg:$0x0] =	wrdreg $0x0  }
0x20: {  	s5 =	sshll.u32 s28, $0x1;
	[dreg:$0x2] =	wrdreg s3  }
0x21: {  	[dreg:$0x3] =	wrdreg s5  }
0x22: {  	[dreg:$0x4] =	wrdreg $0xC0  }
0x23: {  	_ =	task [dreg:s7], $0x5FFFF  }
0x24: {  	[dreg:$0x1] =	wrdreg $0xFFFFFFFF  }
0x25: {  	[dreg:$0x0] =	wrdreg $0x60  }
0x26: {  	[dreg:$0x2] =	wrdreg s25  }
0x27: {  	[dreg:$0x3] =	wrdreg s2  }
0x28: {  	[dreg:$0x4] =	wrdreg $0x9  }
0x29: {  	_ =	task.clear_ibuf [dreg:s7], $0x5FFFF;
	_ =	strace $0x90000049  }
0x2a: {  	s29 =	simm.s32 $0x9;
	_ =	strace $0x8000004B  }
0x2b: {  	_ =	swait.ge [sflag:s29], $0x1  }
0x2c: {  	[sflag:s29] =	ssyncadd.s32 $0xFFFFFFFF  }
0x2d: {  	_ =	strace $0x9000004B  }
0x2e: {  	_ =	sfence  }
0x2f: {  	s30 =	sld [smem:$0x0];
	_ =	sdelay $0x2  }
0x30: {  	s31 =	sshll.u32 s1, $0xD;
	s1 =	sshrl.u32 s1, $0x2  }
0x31: {  	s3 =	sand.u32 $0x4000, s31;
	s1 =	sadd.s32 s1, s30  }
0x32: {  	s0 =	sor.u32 s3, s0;
	s1 =	sshll.u32 s1, $0x11  }
0x33: {  	s0 =	sor.u32 s1, s0  }
0x34: {  	s0 =	sadd.s32 $0x8F2B, s0  }
0x35: {  	[sflag:s0] =	ssyncadd.remote.s32 $0x1  }
0x36: {  	_ =	sfence.sel $0xFFFF  }
0x37: {  	[dreg:$0x0] =	wrdreg $0xFFFFFFFF;
	(pc) =	sbr.abs _section_cstart, $3  }
0x38: {  	[dreg:$0x1] =	wrdreg $0xFFFFFFFF  }
0x39: {  	_ =	task.clear_ibuf [dreg:s7], $0x2FFFF;
	_ =	strace $0x9FFFFFFF  }
0x3a: {  	(tm) =	ssettm $0x7FFFFFFF  }
0x3b: {  	_ =	shalt  }
tec
execute0_lowered:
.L_overlay_start_1:
0x0: {  	(tag) =	ssettag $0x1  }
0x1: {  	s0 =	srdreg.scid  }
0x2: {  	s1 =	sshll.u32 s0, $0x4  }
0x3: {  	s0 =	stileid.u32;
	s1 =	sand.u32 $0x10, s1  }
0x4: {  	s1 =	sor.u32 s0, s1  }
0x5: {  	s6 =	rddreg [dreg:$0x0];
	s4 =	simm.s32 $0x1;
	s2 =	sshll.u32 s1, $0x7  }
0x6: {  	s7 =	simm.s32 $0x2;
	s12 =	simm.s32 $0x0;
	s1 =	ssub.s32 $0x4000, s2  }
0x7: {  	s8 =	simm.s32 $0x20000;
	s13 =	simm.s32 $0x0;
	s3 =	sand.u32 $0xF80, s1  }
0x8: {  	s9 =	simm.s32 $0x0;
	s5 =	sshrl.u32 s1, $0xC;
	p0 =	sne.s32 s3, $0x0  }
.Ltmp0:
0x9: {  	s1 =	rddreg [dreg:$0x2];
	s4 =	simm.s32 @!p0 $0x0;
	(pc) =	sbr.rel .LBB1_1-.Ltmp0, $4  }
0xa: {  	s11 =	simm.s32 $0x0;
	s3 =	rddreg [dreg:$0x1];
	s5 =	sadd.s32 s4, s5  }
0xb: {  	_ =	strace $0x8000004A;
	s4 =	simm.s32 $0x1;
	s5 =	smul.u32 $0x1A, s5  }
0xc: {  	s6 =	sadd.s32 $0xF42C00, s6;
	s10 =	smov.u32 s2;
	[sflag:s4] =	ssyncpa.u1 $0x0  }
0xd: {  	p0 =	por $0x0, $0x0;
	[sflag:s7] =	ssyncpa.u1 $0x0;
	s7 =	sor.u32 $0x1, s5  }
.LBB1_4:
0xe: {  	s16 =	sshll.u32 s13, $0x3;
	s17 =	sand.u32 $0x78, s13  }
0xf: {  	s30 =	sand.u32 $0x1F800, s13;
	s12 =	sshll.u32 s12, $0x11;
	s16 =	sand.u32 $0x3C00, s16  }
0x10: {  	[tilespmem:s15+$0x810 ss:$0x81] =	vst.msk $0xffff, v2;
	s31 =	sand.u32 $0x7, s13;
	s16 =	sor.u32 s17, s16;
	s17 =	sadd.s32 s3, s30  }
0x11: {  	[tilespmem:s15+$0x1020 ss:$0x81] =	vst.msk $0xffff, v0;
	s13 =	sshll.u32 s31, $0x12;
	s12 =	sadd.s32 s12, s17;
	s16 =	sshrl.u32 s16, $0x3  }
0x12: {  	[tilespmem:s15+$0x0 ss:$0x81] =	vst.msk $0xffff, v1;
	s13 =	sor.u32 $0x400, s13;
	s12 =	sadd.s32 s16, s12  }
0x13: {  	[hbm4b:s12+s13] =	stream.strided.scatter [tilespmem:s14], [sflag:$0x2], $0x2000, s8, s13, $0x20;
	[tilespmem:$0x8080] =	vst v63  }
.LBB1_5:
0x14: {  	s14 =	sadd.s32 $0x1, s9  }
0x15: {  	s12 =	sadd.s32 $0x1000, s10;
	s16 =	smov.u32 s10;
	p2 =	sgt.s32 s14, $0x19  }
0x16: {  	s16 =	smov.u32 @p2 s12  }
0x17: {  	s14 =	simm.s32 @p2 $0x0;
	p2 =	sgt.s32 s16, $0x3FFF  }
0x18: {  	s16 =	smov.u32 @p2 s2;
	p2 =	sne.s32 s11, s7  }
.Ltmp1:
0x19: {  	p1 =	slt.u32 s11, $0x2;
	(pc) =	sbr.rel @!p2 .LBB1_6-.Ltmp1, $4  }
0x1a: {  	s15 =	simm.s32 @!p1 $0x2  }
0x1b: {  	s13 =	smov.u32 s10;
	p0 =	por !p0, !p0;
	_ =	swait.ge @!p1 [sflag:s15], $0x2000  }
0x1c: {  	s12 =	smov.u32 s9;
	[sflag:s15] =	ssyncset.done @!p1 $0x0;
	s9 =	smov.u32 s14  }
0x1d: {  	s11 =	sadd.s32 $0x1, s11;
	[sflag:s15] =	ssyncadd.s32 @!p1 $0xFFFFE000;
	s10 =	smov.u32 s16  }
.LBB1_1:
0x1e: {  	p1 =	sge.u32 s11, s5  }
0x1f: {  	s31 =	sadd.s32 $0xFFFFFFFF, s11;
	s14 =	sxor.u32 @!p1 $0xFFFFFFFF, s11  }
0x20: {  	s15 =	sshll.u32 @!p1 s10, $0x9;
	s16 =	sshll.u32 @!p1 s9, $0x4;
	s17 =	simm.s32 @!p1 $0x1000  }
0x21: {  	s14 =	sshll.u32 @!p1 s14, $0xD;
	s16 =	sand.u32 @!p1 $0x1F0, s16;
	s15 =	sadd.s32 @!p1 s6, s15  }
0x22: {  	s14 =	sand.u32 @!p1 $0x2000, s14;
	s15 =	sadd.s32 @!p1 s16, s15;
	s16 =	simm.s32 @!p1 $0x40  }
0x23: {  	[tilespmem:s14], [sflag:$0x1] =	stream.strided.gather @!p1 [hbm4b:s15+s16], $0x2000, s17, s16, $0x38;
	[tilespmem:$0x8080] =	vst v63  }
0x24: {  	p1 =	sge.u32 s31, s5  }
.Ltmp2:
0x25: {  	_ = 	snop;
	(pc) =	sbr.rel @p1 .LBB1_5-.Ltmp2, $1  }
0x26: {  	_ =	sdelay $0x3  }
0x27: {  	s14 =	simm.s32 $0x1  }
0x28: {  	_ =	swait.ge [sflag:s4], $0x2000;
	s14 =	simm.s32 @!p0 $0x0  }
0x29: {  	[sflag:s4] =	ssyncset.done $0x0;
	s15 =	sshll.u32 s14, $0xD  }
0x2a: {  	[sflag:s4] =	ssyncadd.s32 $0xFFFFE000;
	s18 =	sor.u32 $0x20, s15  }
0x2b: {  	s14 =	smul.u32 $0x8100, s14;
	v3 =	vld [tilespmem:s18+$0x10]  }
0x2c: {  	s30 =	sand.u32 $0x1, s11;
	v2 =	vld [tilespmem:s18+$0xFFFFFFF0]  }
0x2d: {  	s15 =	smul.u32 $0x8100, s30;
	s14 =	sshrl.u32 s14, $0x2;
	v0 =	vld [tilespmem:s18+$0x0]  }
0x2e: {  	v1 =	vld [tilespmem:s18+$0xFFFFFFE0];
	s16 =	sor.u32 $0x4000, s14  }
0x2f: {  	s31 =	sshrl.u32 s15, $0x2;
	s15 =	sadd.s32 $0x0, s16  }
0x30: {  	s17 =	simm.s32 $0x4;
	s18 =	sadd.s32 $0x40, s18;
	s14 =	sor.u32 $0x4000, s31;
	[tilespmem:s15+$0x1830 ss:$0x81] =	vst.msk $0xffff, v3  }
.LBB1_3:
0x31: {  	v3 =	vld [tilespmem:s18+$0x10];
	p1 =	sne.s32 s17, $0x1FC;
	[tilespmem:s15+$0x810 ss:$0x81] =	vst.msk $0xffff, v2;
	s19 =	smov.u32 s17;
	s17 =	sadd.s32 $0x4, s17  }
.Ltmp3:
0x32: {  	v2 =	vld [tilespmem:s18+$0xFFFFFFF0];
	[tilespmem:s15+$0x1020 ss:$0x81] =	vst.msk $0xffff, v0;
	(pc) =	sbr.rel @p1 .LBB1_3-.Ltmp3, $4  }
0x33: {  	v0 =	vld [tilespmem:s18+$0x0];
	[tilespmem:s15+$0x0 ss:$0x81] =	vst.msk $0xffff, v1  }
0x34: {  	s15 =	sshra.s32 s19, $0x2;
	v1 =	vld [tilespmem:s18+$0xFFFFFFE0]  }
0x35: {  	s15 =	sadd.s32 s15, s16  }
0x36: {  	s18 =	sadd.s32 $0x40, s18;
	[tilespmem:s15+$0x1830 ss:$0x81] =	vst.msk $0xffff, v3  }
.Ltmp4:
0x37: {  	_ = 	snop;
	(pc) =	sbr.rel .LBB1_4-.Ltmp4, $1  }
0x38: {  	_ =	sdelay $0x3  }
.LBB1_6:
0x39: {  	_ =	sfence.sel $0x180000  }
0x3a: {  	s2 =	simm.s32 $0x1;
	[bflag:$0x0] =	sbarrier.arrive $0xFFFF  }
0x3b: {  	s31 =	simm.s32 $0x2;
	[sflag:s2] =	ssyncpa.u1 $0x1  }
0x3c: {  	[sflag:s31] =	ssyncpa.u1 $0x1  }
0x3d: {  	p0 =	sne.s32 s0, $0x0;
	_ =	strace $0x9000004A  }
0x3e: {  	s0 =	sadd.s32 @!p0 $0x100000, s1;
	[bflag:$0x2] =	sbarrier.arrive $0xFFFF  }
0x3f: {  	[sflag:s0] =	ssyncadd.tile.s32 @!p0 $0x1;
	_ =	shalt  }
.Lfunc_end1:
_tile_overlayer_lowered:
.L_overlay_start_2:
0x40: {  	(tag) =	ssettag $0x2  }
0x41: {  	s0 =	rddreg [dreg:$0x0];
	s2 =	stileid.u32  }
0x42: {  	s1 =	rddreg [dreg:$0x1];
	p0 =	sne.s32 s2, $0x0  }
0x43: {  	s3 =	rddreg [dreg:$0x2];
	[bflag:$0x3] =	sbarrier.arrive $0xFFFF;
	s2 =	simm.s32 @!p0 $0x1C01  }
0x44: {  	[timem:s3], [sflag:s2] =	dma.local @!p0 [hbm:s0], s1  }
0x45: {  	s0 =	simm.s32 @!p0 $0x1  }
0x46: {  	_ =	swait.ge @!p0 [sflag:s0], s1  }
0x47: {  	s1 =	ssub.s32 @!p0 $0x0, s1;
	[sflag:s0] =	ssyncset.done @!p0 $0x0  }
0x48: {  	[sflag:s0] =	ssyncadd.s32 @!p0 s1  }
0x49: {  	[bflag:$0x3] =	sbarrier.arrive $0xFFFF  }
0x4a: {  	_ =	shalt  }

</sc_bundles>
